<compile_context>
chip_gen: v7x
topology: tpu7x:2x2x1
jax: 0.10.2.dev20260603
libtpu: 0.0.44.dev20260713+nightly
codegen_flags: <defaults>
</compile_context>

<pallas_src>
import functools
import jax
import jax.numpy as jnp
from jax import lax
from jax.experimental import pallas as pl
from jax.experimental.pallas import tpu as pltpu
from jax.experimental.pallas import tpu_sc as plsc

E = 320000
D = 128
G = 256

NC = 2
NS = 16
NW = NC * NS
NG = D // 16
CH = 128
NCH_ALL = E // CH
NCH_BASE = NCH_ALL // NW
NCH_REM = NCH_ALL % NW
NCH_MAX = NCH_BASE + 1
NBUF = 4
LOOKAHEAD = 3
NQUAD = (NCH_MAX + NBUF - 1) // NBUF
RUNROLL = 16


def _sc_body(feat_hbm, seg2_hbm, fidx_hbm, out_hbm,
             idx_v, fidx_v, acc_l,
             f0, f1, f2, f3, acc_sh,
             l0, l1, l2, l3, fsem):
    c = lax.axis_index("c")
    s = lax.axis_index("s")
    wid = s * NC + c
    chunk0 = wid * NCH_BASE + jnp.maximum(0, wid - (NW - NCH_REM))
    nchunk = NCH_BASE + jnp.where(wid >= NW - NCH_REM, 1, 0)
    base = chunk0 * CH
    bufs = (f0, f1, f2, f3)
    lsem = (l0, l1, l2, l3)

    zero = jnp.zeros((16,), jnp.float32)

    def zrow(r, carry):
        for g in range(NG):
            acc_l[r, pl.ds(g * 16, 16)] = zero
        return carry

    lax.fori_loop(0, G, zrow, 0)
    pltpu.sync_copy(acc_l.at[pl.ds(0, 16)], acc_sh.at[pl.ds(s * 16, 16)])

    pltpu.sync_copy(seg2_hbm.at[pl.ds(chunk0, NCH_MAX)], idx_v)
    pltpu.sync_copy(fidx_hbm, fidx_v)

    def feat_src(chunk):
        return feat_hbm.at[pl.ds(base + chunk * CH, CH)]

    for b in range(NBUF):
        pltpu.async_copy(feat_src(b), bufs[b], lsem[b])
    plsc.subcore_barrier()

    def quad_step(i, carry):
        for b in range(NBUF):
            chunk = NBUF * i + b
            buf = bufs[b]

            @pl.when(chunk < nchunk)
            def _():
                pltpu.make_async_copy(feat_src(chunk), buf, lsem[b]).wait()

                t = chunk + LOOKAHEAD
                bt = (b + LOOKAHEAD) % NBUF

                @pl.when((t >= NBUF) & (t < nchunk))
                def _():
                    pltpu.async_copy(feat_src(t), bufs[bt], lsem[bt])

                mn = jnp.min(idx_v[chunk, pl.ds(0, 16)])
                mx = jnp.max(idx_v[chunk, pl.ds(CH - 16, 16)])

                @pl.when(mx == mn)
                def _():
                    def srow(j, acc):
                        accs = list(acc)
                        for r in range(RUNROLL):
                            row = j * RUNROLL + r
                            for g in range(NG):
                                accs[g] = accs[g] + buf[row,
                                                        pl.ds(g * 16, 16)]
                        return tuple(accs)

                    sums = lax.fori_loop(0, CH // RUNROLL, srow,
                                         tuple(zero for _ in range(NG)))
                    for g in range(NG):
                        plsc.addupdate(acc_l.at[mx, pl.ds(g * 16, 16)],
                                       sums[g])

                @pl.when(mx != mn)
                def _():
                    pltpu.sync_copy(buf, acc_sh.at[idx_v.at[chunk]], add=True)

        return carry

    lax.fori_loop(0, NQUAD, quad_step, 0)

    pltpu.async_copy(acc_l.at[pl.ds(0, 128)], acc_sh.at[fidx_v.at[0]], fsem,
                     add=True)
    pltpu.async_copy(acc_l.at[pl.ds(128, 128)], acc_sh.at[fidx_v.at[1]], fsem,
                     add=True)
    pltpu.make_async_copy(acc_l.at[pl.ds(0, 128)], acc_sh.at[fidx_v.at[0]],
                          fsem).wait()
    pltpu.make_async_copy(acc_l.at[pl.ds(128, 128)], acc_sh.at[fidx_v.at[1]],
                          fsem).wait()
    plsc.subcore_barrier()

    pltpu.sync_copy(acc_sh.at[pl.ds(s * 16, 16)],
                    out_hbm.at[c, pl.ds(s * 16, 16)])


def _sc_partials(feat, seg2, fidx):
    mesh = plsc.VectorSubcoreMesh(core_axis_name="c", subcore_axis_name="s")
    f = pl.kernel(
        _sc_body,
        out_type=jax.ShapeDtypeStruct((NC, G, D), jnp.float32),
        mesh=mesh,
        scratch_types=(
            [pltpu.VMEM((NCH_MAX, CH), jnp.int32),
             pltpu.VMEM((2, 128), jnp.int32),
             pltpu.VMEM((G, D), jnp.float32)]
            + [pltpu.VMEM((CH, D), jnp.float32)] * NBUF
            + [pltpu.VMEM_SHARED((G, D), jnp.float32)]
            + [pltpu.SemaphoreType.DMA] * (NBUF + 1)
        ),
        compiler_params=pltpu.CompilerParams(use_tc_tiling_on_sc=False,
                                             needs_layout_passes=False),
        name="segment_sum_pool_sc",
    )
    return f(feat, seg2, fidx)


def _add_block(p_ref, o_ref):
    o_ref[...] = p_ref[0] + p_ref[1]


def _combine(p):
    return pl.pallas_call(
        _add_block,
        out_shape=jax.ShapeDtypeStruct((G, D), jnp.float32),
        name="segment_sum_combine",
    )(p)


@jax.jit
def _sum_pool(feat, segment_ids):
    fidx = jnp.arange(G, dtype=jnp.int32).reshape(2, 128)
    partials = _sc_partials(feat, segment_ids.reshape(E // CH, CH), fidx)
    return _combine(partials)


def kernel(feat, segment_ids, num_graphs):
    num_graphs = jnp.asarray(num_graphs, dtype=jnp.int32)
    segment_ids = segment_ids + (num_graphs - jnp.int32(G))
    return _sum_pool(feat, segment_ids)

# --- scband reference (transcript-rebuilt; emitter-appended) ---
"""Pipeline reference for scband-sum-pooling-edges-7069516169372 (READ-ONLY COPY).

The authoritative reference and input builder live on the scoring server;
editing this copy changes nothing except your own understanding.
"""

import jax, jax.numpy as jnp
import numpy as np

E = 320000
D = 128
G = 256

def setup_inputs(seed: int = 0) -> dict:
    key = jax.random.key(seed)
    k1, k2 = jax.random.split(key)
    feat = jax.random.normal(k1, (E, D), dtype=jnp.float32)
    segment_ids = jnp.sort(jax.random.randint(k2, (E,), 0, G, dtype=jnp.int32))
    return {"feat": feat, "segment_ids": segment_ids, "num_graphs": G}

def reference(feat, segment_ids, num_graphs):
    # DGL sum_edges: sum edge features per-graph in a batched graph.
    # segment_ids[i] = graph index that edge i belongs to (sorted, as in dgl batched graphs).
    num_graphs = jnp.asarray(num_graphs, dtype=jnp.int32)
    segment_ids = segment_ids + (num_graphs - jnp.int32(G))
    readout = jax.ops.segment_sum(feat, segment_ids, num_segments=G)
    return readout

if __name__ == "__main__":
    import jax
    _d = setup_inputs()
    print(jax.jit(kernel)(*tuple(_d.values())))

</pallas_src>

<mosaic_0001>
#map = affine_map<(d0, d1) -> (0, 0)>
#map1 = affine_map<(d0, d1) -> (0, 0, 0)>
module attributes {stable_mosaic.version = 14 : i64} {
  func.func @segment_sum_pool_sc(%arg0: i32, %arg1: i32, %arg2: memref<320000x128xf32, #tpu.memory_space<hbm>>, %arg3: memref<2500x128xi32, #tpu.memory_space<hbm>>, %arg4: memref<2x128xi32, #tpu.memory_space<hbm>>, %arg5: memref<2x256x128xf32, #tpu.memory_space<hbm>>, %arg6: memref<79x128xi32, #tpu.memory_space<vmem>>, %arg7: memref<2x128xi32, #tpu.memory_space<vmem>>, %arg8: memref<256x128xf32, #tpu.memory_space<vmem>>, %arg9: memref<128x128xf32, #tpu.memory_space<vmem>>, %arg10: memref<128x128xf32, #tpu.memory_space<vmem>>, %arg11: memref<128x128xf32, #tpu.memory_space<vmem>>, %arg12: memref<128x128xf32, #tpu.memory_space<vmem>>, %arg13: memref<256x128xf32, #tpu.memory_space<vmem_shared>>, %arg14: memref<!tpu.dma_semaphore, #tpu.memory_space<semaphore_mem>>, %arg15: memref<!tpu.dma_semaphore, #tpu.memory_space<semaphore_mem>>, %arg16: memref<!tpu.dma_semaphore, #tpu.memory_space<semaphore_mem>>, %arg17: memref<!tpu.dma_semaphore, #tpu.memory_space<semaphore_mem>>, %arg18: memref<!tpu.dma_semaphore, #tpu.memory_space<semaphore_mem>>) attributes {dimension_semantics = [#tpu.dimension_semantics<core_parallel>, #tpu.dimension_semantics<subcore_parallel>], iteration_bounds = array<i64: 2, 16>, scalar_prefetch = 0 : i64, scratch_operands = 13 : i64, tpu.core_type = #tpu.core_type<sc_vector_subcore>, window_params = [{transform_indices = #map}, {transform_indices = #map}, {transform_indices = #map}, {transform_indices = #map1}]} {
    %mul3A = arith.constant 2 : i32
    %mul3A_0 = arith.muli %arg1, %mul3A : i32
    %add3A = arith.addi %mul3A_0, %arg0 : i32
    %mul3A_1 = arith.constant 78 : i32
    %mul3A_2 = arith.muli %add3A, %mul3A_1 : i32
    %sub3A = arith.constant 28 : i32
    %sub3A_3 = arith.subi %add3A, %sub3A : i32
    %max3A = arith.constant 0 : i32
    %max3A_4 = arith.maxsi %max3A, %sub3A_3 : i32
    %add3A_5 = arith.addi %mul3A_2, %max3A_4 : i32
    %ge3A = arith.constant 28 : i32
    %ge3A_6 = arith.cmpi sge, %add3A, %ge3A : i32
    %jit3A = arith.constant 1 : i32
    %jit3A_7 = arith.constant 0 : i32
    %select_n3A = arith.select %ge3A_6, %jit3A, %jit3A_7 : i32
    %add3A_8 = arith.constant 78 : i32
    %add3A_9 = arith.addi %add3A_8, %select_n3A : i32
    %mul3A_10 = arith.constant 128 : i32
    %mul3A_11 = arith.muli %add3A_5, %mul3A_10 : i32
    %broadcast_in_dim3A = arith.constant 0.000000e+00 : f32
    %broadcast_in_dim3A_12 = vector.broadcast %broadcast_in_dim3A : f32 to vector<16xf32>
    %scan3A = arith.constant 0 : i32
    %scan3A_13 = arith.constant 0 : i32
    %scan3A_14 = arith.constant 256 : i32
    %scan3A_15 = arith.addi %scan3A_13, %scan3A_14 : i32
    %scan3A_16 = arith.constant 1 : i32
    scf.for %scan3A_93 = %scan3A_13 to %scan3A_15 step %scan3A_16  : i32 {
      %swap3A = arith.index_cast %scan3A_93 : i32 to index
      %swap3A_94 = arith.constant 0 : index
      %swap3A_95 = tpu.vector_load %arg8[%swap3A, %swap3A_94] {strides = array<i32>} : memref<256x128xf32, #tpu.memory_space<vmem>>, vector<16xf32>,
      tpu.vector_store %arg8[%swap3A, %swap3A_94], %broadcast_in_dim3A_12 {strides = array<i32>} : memref<256x128xf32, #tpu.memory_space<vmem>>, vector<16xf32>,
      %swap3A_96 = arith.index_cast %scan3A_93 : i32 to index
      %swap3A_97 = arith.constant 16 : index
      %swap3A_98 = tpu.vector_load %arg8[%swap3A_96, %swap3A_97] {strides = array<i32>} : memref<256x128xf32, #tpu.memory_space<vmem>>, vector<16xf32>,
      tpu.vector_store %arg8[%swap3A_96, %swap3A_97], %broadcast_in_dim3A_12 {strides = array<i32>} : memref<256x128xf32, #tpu.memory_space<vmem>>, vector<16xf32>,
      %swap3A_99 = arith.index_cast %scan3A_93 : i32 to index
      %swap3A_100 = arith.constant 32 : index
      %swap3A_101 = tpu.vector_load %arg8[%swap3A_99, %swap3A_100] {strides = array<i32>} : memref<256x128xf32, #tpu.memory_space<vmem>>, vector<16xf32>,
      tpu.vector_store %arg8[%swap3A_99, %swap3A_100], %broadcast_in_dim3A_12 {strides = array<i32>} : memref<256x128xf32, #tpu.memory_space<vmem>>, vector<16xf32>,
      %swap3A_102 = arith.index_cast %scan3A_93 : i32 to index
      %swap3A_103 = arith.constant 48 : index
      %swap3A_104 = tpu.vector_load %arg8[%swap3A_102, %swap3A_103] {strides = array<i32>} : memref<256x128xf32, #tpu.memory_space<vmem>>, vector<16xf32>,
      tpu.vector_store %arg8[%swap3A_102, %swap3A_103], %broadcast_in_dim3A_12 {strides = array<i32>} : memref<256x128xf32, #tpu.memory_space<vmem>>, vector<16xf32>,
      %swap3A_105 = arith.index_cast %scan3A_93 : i32 to index
      %swap3A_106 = arith.constant 64 : index
      %swap3A_107 = tpu.vector_load %arg8[%swap3A_105, %swap3A_106] {strides = array<i32>} : memref<256x128xf32, #tpu.memory_space<vmem>>, vector<16xf32>,
      tpu.vector_store %arg8[%swap3A_105, %swap3A_106], %broadcast_in_dim3A_12 {strides = array<i32>} : memref<256x128xf32, #tpu.memory_space<vmem>>, vector<16xf32>,
      %swap3A_108 = arith.index_cast %scan3A_93 : i32 to index
      %swap3A_109 = arith.constant 80 : index
      %swap3A_110 = tpu.vector_load %arg8[%swap3A_108, %swap3A_109] {strides = array<i32>} : memref<256x128xf32, #tpu.memory_space<vmem>>, vector<16xf32>,
      tpu.vector_store %arg8[%swap3A_108, %swap3A_109], %broadcast_in_dim3A_12 {strides = array<i32>} : memref<256x128xf32, #tpu.memory_space<vmem>>, vector<16xf32>,
      %swap3A_111 = arith.index_cast %scan3A_93 : i32 to index
      %swap3A_112 = arith.constant 96 : index
      %swap3A_113 = tpu.vector_load %arg8[%swap3A_111, %swap3A_112] {strides = array<i32>} : memref<256x128xf32, #tpu.memory_space<vmem>>, vector<16xf32>,
      tpu.vector_store %arg8[%swap3A_111, %swap3A_112], %broadcast_in_dim3A_12 {strides = array<i32>} : memref<256x128xf32, #tpu.memory_space<vmem>>, vector<16xf32>,
      %swap3A_114 = arith.index_cast %scan3A_93 : i32 to index
      %swap3A_115 = arith.constant 112 : index
      %swap3A_116 = tpu.vector_load %arg8[%swap3A_114, %swap3A_115] {strides = array<i32>} : memref<256x128xf32, #tpu.memory_space<vmem>>, vector<16xf32>,
      tpu.vector_store %arg8[%swap3A_114, %swap3A_115], %broadcast_in_dim3A_12 {strides = array<i32>} : memref<256x128xf32, #tpu.memory_space<vmem>>, vector<16xf32>,
    }
    %scan3A_17 = arith.constant 256 : i32
    %mul3A_18 = arith.constant 16 : i32
    %mul3A_19 = arith.muli %arg1, %mul3A_18 : i32
    "tpu.region"() ({
      %run_scoped3A = tpu.sem_alloc : memref<!tpu.dma_semaphore, #tpu.memory_space<semaphore_mem>>
      %dma_start3A_93 = arith.constant 0 : i32
      %dma_start3A_94 = arith.constant 0 : i32
      %dma_start3A_95 = tpu.memref_slice %arg8[%dma_start3A_93, %dma_start3A_94] : memref<256x128xf32, #tpu.memory_space<vmem>> -> memref<16x128xf32, #tpu.memory_space<vmem>>
      %dma_start3A_96 = arith.constant 0 : i32
      %dma_start3A_97 = tpu.memref_slice %arg13[%mul3A_19, %dma_start3A_96] : memref<256x128xf32, #tpu.memory_space<vmem_shared>> -> memref<16x128xf32, #tpu.memory_space<vmem_shared>>
      %dma_start3A_98 = arith.constant 0 : i32
      %dma_start3A_99 = tpu.memref_slice %arg13[%mul3A_19, %dma_start3A_98] : memref<256x128xf32, #tpu.memory_space<vmem_shared>> -> memref<16x128xf32, #tpu.memory_space<vmem_shared>>
      %dma_start3A_100 = arith.constant 0 : i32
      %dma_start3A_101 = arith.constant 0 : i32
      %dma_start3A_102 = tpu.memref_slice %arg8[%dma_start3A_100, %dma_start3A_101] : memref<256x128xf32, #tpu.memory_space<vmem>> -> memref<16x128xf32, #tpu.memory_space<vmem>>
      tpu.enqueue_dma source(%dma_start3A_102 : memref<16x128xf32, #tpu.memory_space<vmem>>) target(%dma_start3A_99 : memref<16x128xf32, #tpu.memory_space<vmem_shared>>) target_semaphore(%run_scoped3A : memref<!tpu.dma_semaphore, #tpu.memory_space<semaphore_mem>>)
      %dma_wait3A_103 = arith.constant 0 : i32
      %dma_wait3A_104 = arith.constant 0 : i32
      %dma_wait3A_105 = tpu.memref_slice %arg8[%dma_wait3A_103, %dma_wait3A_104] : memref<256x128xf32, #tpu.memory_space<vmem>> -> memref<16x128xf32, #tpu.memory_space<vmem>>
      %dma_wait3A_106 = arith.constant 0 : i32
      %dma_wait3A_107 = tpu.memref_slice %arg13[%mul3A_19, %dma_wait3A_106] : memref<256x128xf32, #tpu.memory_space<vmem_shared>> -> memref<16x128xf32, #tpu.memory_space<vmem_shared>>
      %dma_wait3A_108 = arith.constant 0 : i32
      %dma_wait3A_109 = tpu.memref_slice %arg13[%mul3A_19, %dma_wait3A_108] : memref<256x128xf32, #tpu.memory_space<vmem_shared>> -> memref<16x128xf32, #tpu.memory_space<vmem_shared>>
      %dma_wait3A_110 = arith.constant 0 : i32
      %dma_wait3A_111 = arith.constant 0 : i32
      %dma_wait3A_112 = tpu.memref_slice %arg8[%dma_wait3A_110, %dma_wait3A_111] : memref<256x128xf32, #tpu.memory_space<vmem>> -> memref<16x128xf32, #tpu.memory_space<vmem>>
      tpu.wait_dma2 semaphore(%run_scoped3A : memref<!tpu.dma_semaphore, #tpu.memory_space<semaphore_mem>>) src(%dma_wait3A_112 : memref<16x128xf32, #tpu.memory_space<vmem>>) dst(%dma_wait3A_109 : memref<16x128xf32, #tpu.memory_space<vmem_shared>>)
      tpu.yield
    }) : () -> ()
    "tpu.region"() ({
      %run_scoped3A = tpu.sem_alloc : memref<!tpu.dma_semaphore, #tpu.memory_space<semaphore_mem>>
      %dma_start3A_93 = arith.constant 0 : i32
      %dma_start3A_94 = tpu.memref_slice %arg3[%add3A_5, %dma_start3A_93] : memref<2500x128xi32, #tpu.memory_space<hbm>> -> memref<79x128xi32, #tpu.memory_space<hbm>>
      %dma_start3A_95 = arith.constant 0 : i32
      %dma_start3A_96 = tpu.memref_slice %arg3[%add3A_5, %dma_start3A_95] : memref<2500x128xi32, #tpu.memory_space<hbm>> -> memref<79x128xi32, #tpu.memory_space<hbm>>
      tpu.enqueue_dma source(%dma_start3A_96 : memref<79x128xi32, #tpu.memory_space<hbm>>) target(%arg6 : memref<79x128xi32, #tpu.memory_space<vmem>>) target_semaphore(%run_scoped3A : memref<!tpu.dma_semaphore, #tpu.memory_space<semaphore_mem>>)
      %dma_wait3A_97 = arith.constant 0 : i32
      %dma_wait3A_98 = tpu.memref_slice %arg3[%add3A_5, %dma_wait3A_97] : memref<2500x128xi32, #tpu.memory_space<hbm>> -> memref<79x128xi32, #tpu.memory_space<hbm>>
      %dma_wait3A_99 = arith.constant 0 : i32
      %dma_wait3A_100 = tpu.memref_slice %arg3[%add3A_5, %dma_wait3A_99] : memref<2500x128xi32, #tpu.memory_space<hbm>> -> memref<79x128xi32, #tpu.memory_space<hbm>>
      tpu.wait_dma2 semaphore(%run_scoped3A : memref<!tpu.dma_semaphore, #tpu.memory_space<semaphore_mem>>) src(%dma_wait3A_100 : memref<79x128xi32, #tpu.memory_space<hbm>>) dst(%arg6 : memref<79x128xi32, #tpu.memory_space<vmem>>)
      tpu.yield
    }) : () -> ()
    "tpu.region"() ({
      %run_scoped3A = tpu.sem_alloc : memref<!tpu.dma_semaphore, #tpu.memory_space<semaphore_mem>>
      tpu.enqueue_dma source(%arg4 : memref<2x128xi32, #tpu.memory_space<hbm>>) target(%arg7 : memref<2x128xi32, #tpu.memory_space<vmem>>) target_semaphore(%run_scoped3A : memref<!tpu.dma_semaphore, #tpu.memory_space<semaphore_mem>>)
      tpu.wait_dma2 semaphore(%run_scoped3A : memref<!tpu.dma_semaphore, #tpu.memory_space<semaphore_mem>>) src(%arg4 : memref<2x128xi32, #tpu.memory_space<hbm>>) dst(%arg7 : memref<2x128xi32, #tpu.memory_space<vmem>>)
      tpu.yield
    }) : () -> ()
    %add3A_20 = arith.constant 0 : i32
    %add3A_21 = arith.addi %mul3A_11, %add3A_20 : i32
    %dma_start3A = arith.constant 0 : i32
    %dma_start3A_22 = tpu.memref_slice %arg2[%add3A_21, %dma_start3A] : memref<320000x128xf32, #tpu.memory_space<hbm>> -> memref<128x128xf32, #tpu.memory_space<hbm>>
    %dma_start3A_23 = arith.constant 0 : i32
    %dma_start3A_24 = tpu.memref_slice %arg2[%add3A_21, %dma_start3A_23] : memref<320000x128xf32, #tpu.memory_space<hbm>> -> memref<128x128xf32, #tpu.memory_space<hbm>>
    tpu.enqueue_dma source(%dma_start3A_24 : memref<128x128xf32, #tpu.memory_space<hbm>>) target(%arg9 : memref<128x128xf32, #tpu.memory_space<vmem>>) target_semaphore(%arg14 : memref<!tpu.dma_semaphore, #tpu.memory_space<semaphore_mem>>)
    %add3A_25 = arith.constant 128 : i32
    %add3A_26 = arith.addi %mul3A_11, %add3A_25 : i32
    %dma_start3A_27 = arith.constant 0 : i32
    %dma_start3A_28 = tpu.memref_slice %arg2[%add3A_26, %dma_start3A_27] : memref<320000x128xf32, #tpu.memory_space<hbm>> -> memref<128x128xf32, #tpu.memory_space<hbm>>
    %dma_start3A_29 = arith.constant 0 : i32
    %dma_start3A_30 = tpu.memref_slice %arg2[%add3A_26, %dma_start3A_29] : memref<320000x128xf32, #tpu.memory_space<hbm>> -> memref<128x128xf32, #tpu.memory_space<hbm>>
    tpu.enqueue_dma source(%dma_start3A_30 : memref<128x128xf32, #tpu.memory_space<hbm>>) target(%arg10 : memref<128x128xf32, #tpu.memory_space<vmem>>) target_semaphore(%arg15 : memref<!tpu.dma_semaphore, #tpu.memory_space<semaphore_mem>>)
    %add3A_31 = arith.constant 256 : i32
    %add3A_32 = arith.addi %mul3A_11, %add3A_31 : i32
    %dma_start3A_33 = arith.constant 0 : i32
    %dma_start3A_34 = tpu.memref_slice %arg2[%add3A_32, %dma_start3A_33] : memref<320000x128xf32, #tpu.memory_space<hbm>> -> memref<128x128xf32, #tpu.memory_space<hbm>>
    %dma_start3A_35 = arith.constant 0 : i32
    %dma_start3A_36 = tpu.memref_slice %arg2[%add3A_32, %dma_start3A_35] : memref<320000x128xf32, #tpu.memory_space<hbm>> -> memref<128x128xf32, #tpu.memory_space<hbm>>
    tpu.enqueue_dma source(%dma_start3A_36 : memref<128x128xf32, #tpu.memory_space<hbm>>) target(%arg11 : memref<128x128xf32, #tpu.memory_space<vmem>>) target_semaphore(%arg16 : memref<!tpu.dma_semaphore, #tpu.memory_space<semaphore_mem>>)
    %add3A_37 = arith.constant 384 : i32
    %add3A_38 = arith.addi %mul3A_11, %add3A_37 : i32
    %dma_start3A_39 = arith.constant 0 : i32
    %dma_start3A_40 = tpu.memref_slice %arg2[%add3A_38, %dma_start3A_39] : memref<320000x128xf32, #tpu.memory_space<hbm>> -> memref<128x128xf32, #tpu.memory_space<hbm>>
    %dma_start3A_41 = arith.constant 0 : i32
    %dma_start3A_42 = tpu.memref_slice %arg2[%add3A_38, %dma_start3A_41] : memref<320000x128xf32, #tpu.memory_space<hbm>> -> memref<128x128xf32, #tpu.memory_space<hbm>>
    tpu.enqueue_dma source(%dma_start3A_42 : memref<128x128xf32, #tpu.memory_space<hbm>>) target(%arg12 : memref<128x128xf32, #tpu.memory_space<vmem>>) target_semaphore(%arg17 : memref<!tpu.dma_semaphore, #tpu.memory_space<semaphore_mem>>)
    %barrier3A = arith.constant 0 : index
    tpu.barrier barrier_id(%barrier3A)
    %scan3A_43 = arith.constant 0 : i32
    %scan3A_44 = arith.constant 0 : i32
    %scan3A_45 = arith.constant 20 : i32
    %scan3A_46 = arith.addi %scan3A_44, %scan3A_45 : i32
    %scan3A_47 = arith.constant 1 : i32
    scf.for %scan3A_93 = %scan3A_44 to %scan3A_46 step %scan3A_47  : i32 {
      %mul3A_94 = arith.constant 4 : i32
      %mul3A_95 = arith.muli %mul3A_94, %scan3A_93 : i32
      %add3A_96 = arith.constant 0 : i32
      %add3A_97 = arith.addi %mul3A_95, %add3A_96 : i32
      %lt3A = arith.cmpi slt, %add3A_97, %add3A_9 : i32
      %convert_element_type3A = arith.extui %lt3A : i1 to i32
      %cond3A = arith.constant 0 : i32
      %cond3A_98 = arith.cmpi ne, %convert_element_type3A, %cond3A : i32
      scf.if %cond3A_98 {
        %mul3A_123 = arith.constant 128 : i32
        %mul3A_124 = arith.muli %add3A_97, %mul3A_123 : i32
        %add3A_125 = arith.addi %mul3A_11, %mul3A_124 : i32
        %dma_wait3A_126 = arith.constant 0 : i32
        %dma_wait3A_127 = tpu.memref_slice %arg2[%add3A_125, %dma_wait3A_126] : memref<320000x128xf32, #tpu.memory_space<hbm>> -> memref<128x128xf32, #tpu.memory_space<hbm>>
        %dma_wait3A_128 = arith.constant 0 : i32
        %dma_wait3A_129 = tpu.memref_slice %arg2[%add3A_125, %dma_wait3A_128] : memref<320000x128xf32, #tpu.memory_space<hbm>> -> memref<128x128xf32, #tpu.memory_space<hbm>>
        tpu.wait_dma2 semaphore(%arg14 : memref<!tpu.dma_semaphore, #tpu.memory_space<semaphore_mem>>) src(%dma_wait3A_129 : memref<128x128xf32, #tpu.memory_space<hbm>>) dst(%arg9 : memref<128x128xf32, #tpu.memory_space<vmem>>)
        %add3A_130 = arith.constant 3 : i32
        %add3A_131 = arith.addi %add3A_97, %add3A_130 : i32
        %ge3A_132 = arith.constant 4 : i32
        %ge3A_133 = arith.cmpi sge, %add3A_131, %ge3A_132 : i32
        %lt3A_134 = arith.cmpi slt, %add3A_131, %add3A_9 : i32
        %and3A = arith.andi %ge3A_133, %lt3A_134 : i1
        %convert_element_type3A_135 = arith.extui %and3A : i1 to i32
        %cond3A_136 = arith.constant 0 : i32
        %cond3A_137 = arith.cmpi ne, %convert_element_type3A_135, %cond3A_136 : i32
        scf.if %cond3A_137 {
          %mul3A_163 = arith.constant 128 : i32
          %mul3A_164 = arith.muli %add3A_131, %mul3A_163 : i32
          %add3A_165 = arith.addi %mul3A_11, %mul3A_164 : i32
          %dma_start3A_166 = arith.constant 0 : i32
          %dma_start3A_167 = tpu.memref_slice %arg2[%add3A_165, %dma_start3A_166] : memref<320000x128xf32, #tpu.memory_space<hbm>> -> memref<128x128xf32, #tpu.memory_space<hbm>>
          %dma_start3A_168 = arith.constant 0 : i32
          %dma_start3A_169 = tpu.memref_slice %arg2[%add3A_165, %dma_start3A_168] : memref<320000x128xf32, #tpu.memory_space<hbm>> -> memref<128x128xf32, #tpu.memory_space<hbm>>
          tpu.enqueue_dma source(%dma_start3A_169 : memref<128x128xf32, #tpu.memory_space<hbm>>) target(%arg12 : memref<128x128xf32, #tpu.memory_space<vmem>>) target_semaphore(%arg17 : memref<!tpu.dma_semaphore, #tpu.memory_space<semaphore_mem>>)
        } else {
        }
        %get3A = arith.index_cast %add3A_97 : i32 to index
        %get3A_138 = arith.constant 0 : index
        %get3A_139 = tpu.vector_load %arg6[%get3A, %get3A_138] {strides = array<i32>} : memref<79x128xi32, #tpu.memory_space<vmem>>, vector<16xi32>,
        %reduce_min3A = arith.constant true
        %reduce_min3A_140 = vector.broadcast %reduce_min3A : i1 to vector<16xi1>
        %reduce_min3A_141 = arith.constant -2147483648 : i32
        %reduce_min3A_142 = vector.broadcast %reduce_min3A_141 : i32 to vector<16xi32>
        %reduce_min3A_143 = arith.xori %get3A_139, %reduce_min3A_142 : vector<16xi32>
        %reduce_min3A_144 = tpu.scan <min>, %reduce_min3A_143 masked %reduce_min3A_140 : vector<16xi32>, vector<16xi1> -> vector<16xi32>
        %reduce_min3A_145 = arith.xori %reduce_min3A_144, %reduce_min3A_142 : vector<16xi32>
        %reduce_min3A_146 = vector.extract %reduce_min3A_145[15] : i32 from vector<16xi32>
        %get3A_147 = arith.index_cast %add3A_97 : i32 to index
        %get3A_148 = arith.constant 112 : index
        %get3A_149 = tpu.vector_load %arg6[%get3A_147, %get3A_148] {strides = array<i32>} : memref<79x128xi32, #tpu.memory_space<vmem>>, vector<16xi32>,
        %reduce_max3A = arith.constant true
        %reduce_max3A_150 = vector.broadcast %reduce_max3A : i1 to vector<16xi1>
        %reduce_max3A_151 = arith.constant -2147483648 : i32
        %reduce_max3A_152 = vector.broadcast %reduce_max3A_151 : i32 to vector<16xi32>
        %reduce_max3A_153 = arith.xori %get3A_149, %reduce_max3A_152 : vector<16xi32>
        %reduce_max3A_154 = tpu.scan <max>, %reduce_max3A_153 masked %reduce_max3A_150 : vector<16xi32>, vector<16xi1> -> vector<16xi32>
        %reduce_max3A_155 = arith.xori %reduce_max3A_154, %reduce_max3A_152 : vector<16xi32>
        %reduce_max3A_156 = vector.extract %reduce_max3A_155[15] : i32 from vector<16xi32>
        %eq3A = arith.cmpi eq, %reduce_max3A_156, %reduce_min3A_146 : i32
        %convert_element_type3A_157 = arith.extui %eq3A : i1 to i32
        %cond3A_158 = arith.constant 0 : i32
        %cond3A_159 = arith.cmpi ne, %convert_element_type3A_157, %cond3A_158 : i32
        scf.if %cond3A_159 {
          %scan3A_163 = arith.constant 0 : i32
          %scan3A_164 = arith.constant 8 : i32
          %scan3A_165 = arith.addi %scan3A_163, %scan3A_164 : i32
          %scan3A_166 = arith.constant 1 : i32
          %scan3A_167:8 = scf.for %scan3A_192 = %scan3A_163 to %scan3A_165 step %scan3A_166 iter_args(%scan3A_193 = %broadcast_in_dim3A_12, %scan3A_194 = %broadcast_in_dim3A_12, %scan3A_195 = %broadcast_in_dim3A_12, %scan3A_196 = %broadcast_in_dim3A_12, %scan3A_197 = %broadcast_in_dim3A_12, %scan3A_198 = %broadcast_in_dim3A_12, %scan3A_199 = %broadcast_in_dim3A_12, %scan3A_200 = %broadcast_in_dim3A_12) -> (vector<16xf32>, vector<16xf32>, vector<16xf32>, vector<16xf32>, vector<16xf32>, vector<16xf32>, vector<16xf32>, vector<16xf32>)  : i32 {
            %mul3A_201 = arith.constant 16 : i32
            %mul3A_202 = arith.muli %scan3A_192, %mul3A_201 : i32
            %add3A_203 = arith.constant 0 : i32
            %add3A_204 = arith.addi %mul3A_202, %add3A_203 : i32
            %get3A_205 = arith.index_cast %add3A_204 : i32 to index
            %get3A_206 = arith.constant 0 : index
            %get3A_207 = tpu.vector_load %arg9[%get3A_205, %get3A_206] {strides = array<i32>} : memref<128x128xf32, #tpu.memory_space<vmem>>, vector<16xf32>,
            %add3A_208 = arith.addf %scan3A_193, %get3A_207 : vector<16xf32>
            %get3A_209 = arith.index_cast %add3A_204 : i32 to index
            %get3A_210 = arith.constant 16 : index
            %get3A_211 = tpu.vector_load %arg9[%get3A_209, %get3A_210] {strides = array<i32>} : memref<128x128xf32, #tpu.memory_space<vmem>>, vector<16xf32>,
            %add3A_212 = arith.addf %scan3A_194, %get3A_211 : vector<16xf32>
            %get3A_213 = arith.index_cast %add3A_204 : i32 to index
            %get3A_214 = arith.constant 32 : index
            %get3A_215 = tpu.vector_load %arg9[%get3A_213, %get3A_214] {strides = array<i32>} : memref<128x128xf32, #tpu.memory_space<vmem>>, vector<16xf32>,
            %add3A_216 = arith.addf %scan3A_195, %get3A_215 : vector<16xf32>
            %get3A_217 = arith.index_cast %add3A_204 : i32 to index
            %get3A_218 = arith.constant 48 : index
            %get3A_219 = tpu.vector_load %arg9[%get3A_217, %get3A_218] {strides = array<i32>} : memref<128x128xf32, #tpu.memory_space<vmem>>, vector<16xf32>,
            %add3A_220 = arith.addf %scan3A_196, %get3A_219 : vector<16xf32>
            %get3A_221 = arith.index_cast %add3A_204 : i32 to index
            %get3A_222 = arith.constant 64 : index
            %get3A_223 = tpu.vector_load %arg9[%get3A_221, %get3A_222] {strides = array<i32>} : memref<128x128xf32, #tpu.memory_space<vmem>>, vector<16xf32>,
            %add3A_224 = arith.addf %scan3A_197, %get3A_223 : vector<16xf32>
            %get3A_225 = arith.index_cast %add3A_204 : i32 to index
            %get3A_226 = arith.constant 80 : index
            %get3A_227 = tpu.vector_load %arg9[%get3A_225, %get3A_226] {strides = array<i32>} : memref<128x128xf32, #tpu.memory_space<vmem>>, vector<16xf32>,
            %add3A_228 = arith.addf %scan3A_198, %get3A_227 : vector<16xf32>
            %get3A_229 = arith.index_cast %add3A_204 : i32 to index
            %get3A_230 = arith.constant 96 : index
            %get3A_231 = tpu.vector_load %arg9[%get3A_229, %get3A_230] {strides = array<i32>} : memref<128x128xf32, #tpu.memory_space<vmem>>, vector<16xf32>,
            %add3A_232 = arith.addf %scan3A_199, %get3A_231 : vector<16xf32>
            %get3A_233 = arith.index_cast %add3A_204 : i32 to index
            %get3A_234 = arith.constant 112 : index
            %get3A_235 = tpu.vector_load %arg9[%get3A_233, %get3A_234] {strides = array<i32>} : memref<128x128xf32, #tpu.memory_space<vmem>>, vector<16xf32>,
            %add3A_236 = arith.addf %scan3A_200, %get3A_235 : vector<16xf32>
            %mul3A_237 = arith.constant 16 : i32
            %mul3A_238 = arith.muli %scan3A_192, %mul3A_237 : i32
            %add3A_239 = arith.constant 1 : i32
            %add3A_240 = arith.addi %mul3A_238, %add3A_239 : i32
            %get3A_241 = arith.index_cast %add3A_240 : i32 to index
            %get3A_242 = arith.constant 0 : index
            %get3A_243 = tpu.vector_load %arg9[%get3A_241, %get3A_242] {strides = array<i32>} : memref<128x128xf32, #tpu.memory_space<vmem>>, vector<16xf32>,
            %add3A_244 = arith.addf %add3A_208, %get3A_243 : vector<16xf32>
            %get3A_245 = arith.index_cast %add3A_240 : i32 to index
            %get3A_246 = arith.constant 16 : index
            %get3A_247 = tpu.vector_load %arg9[%get3A_245, %get3A_246] {strides = array<i32>} : memref<128x128xf32, #tpu.memory_space<vmem>>, vector<16xf32>,
            %add3A_248 = arith.addf %add3A_212, %get3A_247 : vector<16xf32>
            %get3A_249 = arith.index_cast %add3A_240 : i32 to index
            %get3A_250 = arith.constant 32 : index
            %get3A_251 = tpu.vector_load %arg9[%get3A_249, %get3A_250] {strides = array<i32>} : memref<128x128xf32, #tpu.memory_space<vmem>>, vector<16xf32>,
            %add3A_252 = arith.addf %add3A_216, %get3A_251 : vector<16xf32>
            %get3A_253 = arith.index_cast %add3A_240 : i32 to index
            %get3A_254 = arith.constant 48 : index
            %get3A_255 = tpu.vector_load %arg9[%get3A_253, %get3A_254] {strides = array<i32>} : memref<128x128xf32, #tpu.memory_space<vmem>>, vector<16xf32>,
            %add3A_256 = arith.addf %add3A_220, %get3A_255 : vector<16xf32>
            %get3A_257 = arith.index_cast %add3A_240 : i32 to index
            %get3A_258 = arith.constant 64 : index
            %get3A_259 = tpu.vector_load %arg9[%get3A_257, %get3A_258] {strides = array<i32>} : memref<128x128xf32, #tpu.memory_space<vmem>>, vector<16xf32>,
            %add3A_260 = arith.addf %add3A_224, %get3A_259 : vector<16xf32>
            %get3A_261 = arith.index_cast %add3A_240 : i32 to index
            %get3A_262 = arith.constant 80 : index
            %get3A_263 = tpu.vector_load %arg9[%get3A_261, %get3A_262] {strides = array<i32>} : memref<128x128xf32, #tpu.memory_space<vmem>>, vector<16xf32>,
            %add3A_264 = arith.addf %add3A_228, %get3A_263 : vector<16xf32>
            %get3A_265 = arith.index_cast %add3A_240 : i32 to index
            %get3A_266 = arith.constant 96 : index
            %get3A_267 = tpu.vector_load %arg9[%get3A_265, %get3A_266] {strides = array<i32>} : memref<128x128xf32, #tpu.memory_space<vmem>>, vector<16xf32>,
            %add3A_268 = arith.addf %add3A_232, %get3A_267 : vector<16xf32>
            %get3A_269 = arith.index_cast %add3A_240 : i32 to index
            %get3A_270 = arith.constant 112 : index
            %get3A_271 = tpu.vector_load %arg9[%get3A_269, %get3A_270] {strides = array<i32>} : memref<128x128xf32, #tpu.memory_space<vmem>>, vector<16xf32>,
            %add3A_272 = arith.addf %add3A_236, %get3A_271 : vector<16xf32>
            %mul3A_273 = arith.constant 16 : i32
            %mul3A_274 = arith.muli %scan3A_192, %mul3A_273 : i32
            %add3A_275 = arith.constant 2 : i32
            %add3A_276 = arith.addi %mul3A_274, %add3A_275 : i32
            %get3A_277 = arith.index_cast %add3A_276 : i32 to index
            %get3A_278 = arith.constant 0 : index
            %get3A_279 = tpu.vector_load %arg9[%get3A_277, %get3A_278] {strides = array<i32>} : memref<128x128xf32, #tpu.memory_space<vmem>>, vector<16xf32>,
            %add3A_280 = arith.addf %add3A_244, %get3A_279 : vector<16xf32>
            %get3A_281 = arith.index_cast %add3A_276 : i32 to index
            %get3A_282 = arith.constant 16 : index
            %get3A_283 = tpu.vector_load %arg9[%get3A_281, %get3A_282] {strides = array<i32>} : memref<128x128xf32, #tpu.memory_space<vmem>>, vector<16xf32>,
            %add3A_284 = arith.addf %add3A_248, %get3A_283 : vector<16xf32>
            %get3A_285 = arith.index_cast %add3A_276 : i32 to index
            %get3A_286 = arith.constant 32 : index
            %get3A_287 = tpu.vector_load %arg9[%get3A_285, %get3A_286] {strides = array<i32>} : memref<128x128xf32, #tpu.memory_space<vmem>>, vector<16xf32>,
            %add3A_288 = arith.addf %add3A_252, %get3A_287 : vector<16xf32>
            %get3A_289 = arith.index_cast %add3A_276 : i32 to index
            %get3A_290 = arith.constant 48 : index
            %get3A_291 = tpu.vector_load %arg9[%get3A_289, %get3A_290] {strides = array<i32>} : memref<128x128xf32, #tpu.memory_space<vmem>>, vector<16xf32>,
            %add3A_292 = arith.addf %add3A_256, %get3A_291 : vector<16xf32>
            %get3A_293 = arith.index_cast %add3A_276 : i32 to index
            %get3A_294 = arith.constant 64 : index
            %get3A_295 = tpu.vector_load %arg9[%get3A_293, %get3A_294] {strides = array<i32>} : memref<128x128xf32, #tpu.memory_space<vmem>>, vector<16xf32>,
            %add3A_296 = arith.addf %add3A_260, %get3A_295 : vector<16xf32>
            %get3A_297 = arith.index_cast %add3A_276 : i32 to index
            %get3A_298 = arith.constant 80 : index
            %get3A_299 = tpu.vector_load %arg9[%get3A_297, %get3A_298] {strides = array<i32>} : memref<128x128xf32, #tpu.memory_space<vmem>>, vector<16xf32>,
            %add3A_300 = arith.addf %add3A_264, %get3A_299 : vector<16xf32>
            %get3A_301 = arith.index_cast %add3A_276 : i32 to index
            %get3A_302 = arith.constant 96 : index
            %get3A_303 = tpu.vector_load %arg9[%get3A_301, %get3A_302] {strides = array<i32>} : memref<128x128xf32, #tpu.memory_space<vmem>>, vector<16xf32>,
            %add3A_304 = arith.addf %add3A_268, %get3A_303 : vector<16xf32>
            %get3A_305 = arith.index_cast %add3A_276 : i32 to index
            %get3A_306 = arith.constant 112 : index
            %get3A_307 = tpu.vector_load %arg9[%get3A_305, %get3A_306] {strides = array<i32>} : memref<128x128xf32, #tpu.memory_space<vmem>>, vector<16xf32>,
            %add3A_308 = arith.addf %add3A_272, %get3A_307 : vector<16xf32>
            %mul3A_309 = arith.constant 16 : i32
            %mul3A_310 = arith.muli %scan3A_192, %mul3A_309 : i32
            %add3A_311 = arith.constant 3 : i32
            %add3A_312 = arith.addi %mul3A_310, %add3A_311 : i32
            %get3A_313 = arith.index_cast %add3A_312 : i32 to index
            %get3A_314 = arith.constant 0 : index
            %get3A_315 = tpu.vector_load %arg9[%get3A_313, %get3A_314] {strides = array<i32>} : memref<128x128xf32, #tpu.memory_space<vmem>>, vector<16xf32>,
            %add3A_316 = arith.addf %add3A_280, %get3A_315 : vector<16xf32>
            %get3A_317 = arith.index_cast %add3A_312 : i32 to index
            %get3A_318 = arith.constant 16 : index
            %get3A_319 = tpu.vector_load %arg9[%get3A_317, %get3A_318] {strides = array<i32>} : memref<128x128xf32, #tpu.memory_space<vmem>>, vector<16xf32>,
            %add3A_320 = arith.addf %add3A_284, %get3A_319 : vector<16xf32>
            %get3A_321 = arith.index_cast %add3A_312 : i32 to index
            %get3A_322 = arith.constant 32 : index
            %get3A_323 = tpu.vector_load %arg9[%get3A_321, %get3A_322] {strides = array<i32>} : memref<128x128xf32, #tpu.memory_space<vmem>>, vector<16xf32>,
            %add3A_324 = arith.addf %add3A_288, %get3A_323 : vector<16xf32>
            %get3A_325 = arith.index_cast %add3A_312 : i32 to index
            %get3A_326 = arith.constant 48 : index
            %get3A_327 = tpu.vector_load %arg9[%get3A_325, %get3A_326] {strides = array<i32>} : memref<128x128xf32, #tpu.memory_space<vmem>>, vector<16xf32>,
            %add3A_328 = arith.addf %add3A_292, %get3A_327 : vector<16xf32>
            %get3A_329 = arith.index_cast %add3A_312 : i32 to index
            %get3A_330 = arith.constant 64 : index
            %get3A_331 = tpu.vector_load %arg9[%get3A_329, %get3A_330] {strides = array<i32>} : memref<128x128xf32, #tpu.memory_space<vmem>>, vector<16xf32>,
            %add3A_332 = arith.addf %add3A_296, %get3A_331 : vector<16xf32>
            %get3A_333 = arith.index_cast %add3A_312 : i32 to index
            %get3A_334 = arith.constant 80 : index
            %get3A_335 = tpu.vector_load %arg9[%get3A_333, %get3A_334] {strides = array<i32>} : memref<128x128xf32, #tpu.memory_space<vmem>>, vector<16xf32>,
            %add3A_336 = arith.addf %add3A_300, %get3A_335 : vector<16xf32>
            %get3A_337 = arith.index_cast %add3A_312 : i32 to index
            %get3A_338 = arith.constant 96 : index
            %get3A_339 = tpu.vector_load %arg9[%get3A_337, %get3A_338] {strides = array<i32>} : memref<128x128xf32, #tpu.memory_space<vmem>>, vector<16xf32>,
            %add3A_340 = arith.addf %add3A_304, %get3A_339 : vector<16xf32>
            %get3A_341 = arith.index_cast %add3A_312 : i32 to index
            %get3A_342 = arith.constant 112 : index
            %get3A_343 = tpu.vector_load %arg9[%get3A_341, %get3A_342] {strides = array<i32>} : memref<128x128xf32, #tpu.memory_space<vmem>>, vector<16xf32>,
            %add3A_344 = arith.addf %add3A_308, %get3A_343 : vector<16xf32>
            %mul3A_345 = arith.constant 16 : i32
            %mul3A_346 = arith.muli %scan3A_192, %mul3A_345 : i32
            %add3A_347 = arith.constant 4 : i32
            %add3A_348 = arith.addi %mul3A_346, %add3A_347 : i32
            %get3A_349 = arith.index_cast %add3A_348 : i32 to index
            %get3A_350 = arith.constant 0 : index
            %get3A_351 = tpu.vector_load %arg9[%get3A_349, %get3A_350] {strides = array<i32>} : memref<128x128xf32, #tpu.memory_space<vmem>>, vector<16xf32>,
            %add3A_352 = arith.addf %add3A_316, %get3A_351 : vector<16xf32>
            %get3A_353 = arith.index_cast %add3A_348 : i32 to index
            %get3A_354 = arith.constant 16 : index
            %get3A_355 = tpu.vector_load %arg9[%get3A_353, %get3A_354] {strides = array<i32>} : memref<128x128xf32, #tpu.memory_space<vmem>>, vector<16xf32>,
            %add3A_356 = arith.addf %add3A_320, %get3A_355 : vector<16xf32>
            %get3A_357 = arith.index_cast %add3A_348 : i32 to index
            %get3A_358 = arith.constant 32 : index
            %get3A_359 = tpu.vector_load %arg9[%get3A_357, %get3A_358] {strides = array<i32>} : memref<128x128xf32, #tpu.memory_space<vmem>>, vector<16xf32>,
            %add3A_360 = arith.addf %add3A_324, %get3A_359 : vector<16xf32>
            %get3A_361 = arith.index_cast %add3A_348 : i32 to index
            %get3A_362 = arith.constant 48 : index
            %get3A_363 = tpu.vector_load %arg9[%get3A_361, %get3A_362] {strides = array<i32>} : memref<128x128xf32, #tpu.memory_space<vmem>>, vector<16xf32>,
            %add3A_364 = arith.addf %add3A_328, %get3A_363 : vector<16xf32>
            %get3A_365 = arith.index_cast %add3A_348 : i32 to index
            %get3A_366 = arith.constant 64 : index
            %get3A_367 = tpu.vector_load %arg9[%get3A_365, %get3A_366] {strides = array<i32>} : memref<128x128xf32, #tpu.memory_space<vmem>>, vector<16xf32>,
            %add3A_368 = arith.addf %add3A_332, %get3A_367 : vector<16xf32>
            %get3A_369 = arith.index_cast %add3A_348 : i32 to index
            %get3A_370 = arith.constant 80 : index
            %get3A_371 = tpu.vector_load %arg9[%get3A_369, %get3A_370] {strides = array<i32>} : memref<128x128xf32, #tpu.memory_space<vmem>>, vector<16xf32>,
            %add3A_372 = arith.addf %add3A_336, %get3A_371 : vector<16xf32>
            %get3A_373 = arith.index_cast %add3A_348 : i32 to index
            %get3A_374 = arith.constant 96 : index
            %get3A_375 = tpu.vector_load %arg9[%get3A_373, %get3A_374] {strides = array<i32>} : memref<128x128xf32, #tpu.memory_space<vmem>>, vector<16xf32>,
            %add3A_376 = arith.addf %add3A_340, %get3A_375 : vector<16xf32>
            %get3A_377 = arith.index_cast %add3A_348 : i32 to index
            %get3A_378 = arith.constant 112 : index
            %get3A_379 = tpu.vector_load %arg9[%get3A_377, %get3A_378] {strides = array<i32>} : memref<128x128xf32, #tpu.memory_space<vmem>>, vector<16xf32>,
            %add3A_380 = arith.addf %add3A_344, %get3A_379 : vector<16xf32>
            %mul3A_381 = arith.constant 16 : i32
            %mul3A_382 = arith.muli %scan3A_192, %mul3A_381 : i32
            %add3A_383 = arith.constant 5 : i32
            %add3A_384 = arith.addi %mul3A_382, %add3A_383 : i32
            %get3A_385 = arith.index_cast %add3A_384 : i32 to index
            %get3A_386 = arith.constant 0 : index
            %get3A_387 = tpu.vector_load %arg9[%get3A_385, %get3A_386] {strides = array<i32>} : memref<128x128xf32, #tpu.memory_space<vmem>>, vector<16xf32>,
            %add3A_388 = arith.addf %add3A_352, %get3A_387 : vector<16xf32>
            %get3A_389 = arith.index_cast %add3A_384 : i32 to index
            %get3A_390 = arith.constant 16 : index
            %get3A_391 = tpu.vector_load %arg9[%get3A_389, %get3A_390] {strides = array<i32>} : memref<128x128xf32, #tpu.memory_space<vmem>>, vector<16xf32>,
            %add3A_392 = arith.addf %add3A_356, %get3A_391 : vector<16xf32>
            %get3A_393 = arith.index_cast %add3A_384 : i32 to index
            %get3A_394 = arith.constant 32 : index
            %get3A_395 = tpu.vector_load %arg9[%get3A_393, %get3A_394] {strides = array<i32>} : memref<128x128xf32, #tpu.memory_space<vmem>>, vector<16xf32>,
            %add3A_396 = arith.addf %add3A_360, %get3A_395 : vector<16xf32>
            %get3A_397 = arith.index_cast %add3A_384 : i32 to index
            %get3A_398 = arith.constant 48 : index
            %get3A_399 = tpu.vector_load %arg9[%get3A_397, %get3A_398] {strides = array<i32>} : memref<128x128xf32, #tpu.memory_space<vmem>>, vector<16xf32>,
            %add3A_400 = arith.addf %add3A_364, %get3A_399 : vector<16xf32>
            %get3A_401 = arith.index_cast %add3A_384 : i32 to index
            %get3A_402 = arith.constant 64 : index
            %get3A_403 = tpu.vector_load %arg9[%get3A_401, %get3A_402] {strides = array<i32>} : memref<128x128xf32, #tpu.memory_space<vmem>>, vector<16xf32>,
            %add3A_404 = arith.addf %add3A_368, %get3A_403 : vector<16xf32>
            %get3A_405 = arith.index_cast %add3A_384 : i32 to index
            %get3A_406 = arith.constant 80 : index
            %get3A_407 = tpu.vector_load %arg9[%get3A_405, %get3A_406] {strides = array<i32>} : memref<128x128xf32, #tpu.memory_space<vmem>>, vector<16xf32>,
            %add3A_408 = arith.addf %add3A_372, %get3A_407 : vector<16xf32>
            %get3A_409 = arith.index_cast %add3A_384 : i32 to index
            %get3A_410 = arith.constant 96 : index
            %get3A_411 = tpu.vector_load %arg9[%get3A_409, %get3A_410] {strides = array<i32>} : memref<128x128xf32, #tpu.memory_space<vmem>>, vector<16xf32>,
            %add3A_412 = arith.addf %add3A_376, %get3A_411 : vector<16xf32>
            %get3A_413 = arith.index_cast %add3A_384 : i32 to index
            %get3A_414 = arith.constant 112 : index
            %get3A_415 = tpu.vector_load %arg9[%get3A_413, %get3A_414] {strides = array<i32>} : memref<128x128xf32, #tpu.memory_space<vmem>>, vector<16xf32>,
            %add3A_416 = arith.addf %add3A_380, %get3A_415 : vector<16xf32>
            %mul3A_417 = arith.constant 16 : i32
            %mul3A_418 = arith.muli %scan3A_192, %mul3A_417 : i32
            %add3A_419 = arith.constant 6 : i32
            %add3A_420 = arith.addi %mul3A_418, %add3A_419 : i32
            %get3A_421 = arith.index_cast %add3A_420 : i32 to index
            %get3A_422 = arith.constant 0 : index
            %get3A_423 = tpu.vector_load %arg9[%get3A_421, %get3A_422] {strides = array<i32>} : memref<128x128xf32, #tpu.memory_space<vmem>>, vector<16xf32>,
            %add3A_424 = arith.addf %add3A_388, %get3A_423 : vector<16xf32>
            %get3A_425 = arith.index_cast %add3A_420 : i32 to index
            %get3A_426 = arith.constant 16 : index
            %get3A_427 = tpu.vector_load %arg9[%get3A_425, %get3A_426] {strides = array<i32>} : memref<128x128xf32, #tpu.memory_space<vmem>>, vector<16xf32>,
            %add3A_428 = arith.addf %add3A_392, %get3A_427 : vector<16xf32>
            %get3A_429 = arith.index_cast %add3A_420 : i32 to index
            %get3A_430 = arith.constant 32 : index
            %get3A_431 = tpu.vector_load %arg9[%get3A_429, %get3A_430] {strides = array<i32>} : memref<128x128xf32, #tpu.memory_space<vmem>>, vector<16xf32>,
            %add3A_432 = arith.addf %add3A_396, %get3A_431 : vector<16xf32>
            %get3A_433 = arith.index_cast %add3A_420 : i32 to index
            %get3A_434 = arith.constant 48 : index
            %get3A_435 = tpu.vector_load %arg9[%get3A_433, %get3A_434] {strides = array<i32>} : memref<128x128xf32, #tpu.memory_space<vmem>>, vector<16xf32>,
            %add3A_436 = arith.addf %add3A_400, %get3A_435 : vector<16xf32>
            %get3A_437 = arith.index_cast %add3A_420 : i32 to index
            %get3A_438 = arith.constant 64 : index
            %get3A_439 = tpu.vector_load %arg9[%get3A_437, %get3A_438] {strides = array<i32>} : memref<128x128xf32, #tpu.memory_space<vmem>>, vector<16xf32>,
            %add3A_440 = arith.addf %add3A_404, %get3A_439 : vector<16xf32>
            %get3A_441 = arith.index_cast %add3A_420 : i32 to index
            %get3A_442 = arith.constant 80 : index
            %get3A_443 = tpu.vector_load %arg9[%get3A_441, %get3A_442] {strides = array<i32>} : memref<128x128xf32, #tpu.memory_space<vmem>>, vector<16xf32>,
            %add3A_444 = arith.addf %add3A_408, %get3A_443 : vector<16xf32>
            %get3A_445 = arith.index_cast %add3A_420 : i32 to index
            %get3A_446 = arith.constant 96 : index
            %get3A_447 = tpu.vector_load %arg9[%get3A_445, %get3A_446] {strides = array<i32>} : memref<128x128xf32, #tpu.memory_space<vmem>>, vector<16xf32>,
            %add3A_448 = arith.addf %add3A_412, %get3A_447 : vector<16xf32>
            %get3A_449 = arith.index_cast %add3A_420 : i32 to index
            %get3A_450 = arith.constant 112 : index
            %get3A_451 = tpu.vector_load %arg9[%get3A_449, %get3A_450] {strides = array<i32>} : memref<128x128xf32, #tpu.memory_space<vmem>>, vector<16xf32>,
            %add3A_452 = arith.addf %add3A_416, %get3A_451 : vector<16xf32>
            %mul3A_453 = arith.constant 16 : i32
            %mul3A_454 = arith.muli %scan3A_192, %mul3A_453 : i32
            %add3A_455 = arith.constant 7 : i32
            %add3A_456 = arith.addi %mul3A_454, %add3A_455 : i32
            %get3A_457 = arith.index_cast %add3A_456 : i32 to index
            %get3A_458 = arith.constant 0 : index
            %get3A_459 = tpu.vector_load %arg9[%get3A_457, %get3A_458] {strides = array<i32>} : memref<128x128xf32, #tpu.memory_space<vmem>>, vector<16xf32>,
            %add3A_460 = arith.addf %add3A_424, %get3A_459 : vector<16xf32>
            %get3A_461 = arith.index_cast %add3A_456 : i32 to index
            %get3A_462 = arith.constant 16 : index
            %get3A_463 = tpu.vector_load %arg9[%get3A_461, %get3A_462] {strides = array<i32>} : memref<128x128xf32, #tpu.memory_space<vmem>>, vector<16xf32>,
            %add3A_464 = arith.addf %add3A_428, %get3A_463 : vector<16xf32>
            %get3A_465 = arith.index_cast %add3A_456 : i32 to index
            %get3A_466 = arith.constant 32 : index
            %get3A_467 = tpu.vector_load %arg9[%get3A_465, %get3A_466] {strides = array<i32>} : memref<128x128xf32, #tpu.memory_space<vmem>>, vector<16xf32>,
            %add3A_468 = arith.addf %add3A_432, %get3A_467 : vector<16xf32>
            %get3A_469 = arith.index_cast %add3A_456 : i32 to index
            %get3A_470 = arith.constant 48 : index
            %get3A_471 = tpu.vector_load %arg9[%get3A_469, %get3A_470] {strides = array<i32>} : memref<128x128xf32, #tpu.memory_space<vmem>>, vector<16xf32>,
            %add3A_472 = arith.addf %add3A_436, %get3A_471 : vector<16xf32>
            %get3A_473 = arith.index_cast %add3A_456 : i32 to index
            %get3A_474 = arith.constant 64 : index
            %get3A_475 = tpu.vector_load %arg9[%get3A_473, %get3A_474] {strides = array<i32>} : memref<128x128xf32, #tpu.memory_space<vmem>>, vector<16xf32>,
            %add3A_476 = arith.addf %add3A_440, %get3A_475 : vector<16xf32>
            %get3A_477 = arith.index_cast %add3A_456 : i32 to index
            %get3A_478 = arith.constant 80 : index
            %get3A_479 = tpu.vector_load %arg9[%get3A_477, %get3A_478] {strides = array<i32>} : memref<128x128xf32, #tpu.memory_space<vmem>>, vector<16xf32>,
            %add3A_480 = arith.addf %add3A_444, %get3A_479 : vector<16xf32>
            %get3A_481 = arith.index_cast %add3A_456 : i32 to index
            %get3A_482 = arith.constant 96 : index
            %get3A_483 = tpu.vector_load %arg9[%get3A_481, %get3A_482] {strides = array<i32>} : memref<128x128xf32, #tpu.memory_space<vmem>>, vector<16xf32>,
            %add3A_484 = arith.addf %add3A_448, %get3A_483 : vector<16xf32>
            %get3A_485 = arith.index_cast %add3A_456 : i32 to index
            %get3A_486 = arith.constant 112 : index
            %get3A_487 = tpu.vector_load %arg9[%get3A_485, %get3A_486] {strides = array<i32>} : memref<128x128xf32, #tpu.memory_space<vmem>>, vector<16xf32>,
            %add3A_488 = arith.addf %add3A_452, %get3A_487 : vector<16xf32>
            %mul3A_489 = arith.constant 16 : i32
            %mul3A_490 = arith.muli %scan3A_192, %mul3A_489 : i32
            %add3A_491 = arith.constant 8 : i32
            %add3A_492 = arith.addi %mul3A_490, %add3A_491 : i32
            %get3A_493 = arith.index_cast %add3A_492 : i32 to index
            %get3A_494 = arith.constant 0 : index
            %get3A_495 = tpu.vector_load %arg9[%get3A_493, %get3A_494] {strides = array<i32>} : memref<128x128xf32, #tpu.memory_space<vmem>>, vector<16xf32>,
            %add3A_496 = arith.addf %add3A_460, %get3A_495 : vector<16xf32>
            %get3A_497 = arith.index_cast %add3A_492 : i32 to index
            %get3A_498 = arith.constant 16 : index
            %get3A_499 = tpu.vector_load %arg9[%get3A_497, %get3A_498] {strides = array<i32>} : memref<128x128xf32, #tpu.memory_space<vmem>>, vector<16xf32>,
            %add3A_500 = arith.addf %add3A_464, %get3A_499 : vector<16xf32>
            %get3A_501 = arith.index_cast %add3A_492 : i32 to index
            %get3A_502 = arith.constant 32 : index
            %get3A_503 = tpu.vector_load %arg9[%get3A_501, %get3A_502] {strides = array<i32>} : memref<128x128xf32, #tpu.memory_space<vmem>>, vector<16xf32>,
            %add3A_504 = arith.addf %add3A_468, %get3A_503 : vector<16xf32>
            %get3A_505 = arith.index_cast %add3A_492 : i32 to index
            %get3A_506 = arith.constant 48 : index
            %get3A_507 = tpu.vector_load %arg9[%get3A_505, %get3A_506] {strides = array<i32>} : memref<128x128xf32, #tpu.memory_space<vmem>>, vector<16xf32>,
            %add3A_508 = arith.addf %add3A_472, %get3A_507 : vector<16xf32>
            %get3A_509 = arith.index_cast %add3A_492 : i32 to index
            %get3A_510 = arith.constant 64 : index
            %get3A_511 = tpu.vector_load %arg9[%get3A_509, %get3A_510] {strides = array<i32>} : memref<128x128xf32, #tpu.memory_space<vmem>>, vector<16xf32>,
            %add3A_512 = arith.addf %add3A_476, %get3A_511 : vector<16xf32>
            %get3A_513 = arith.index_cast %add3A_492 : i32 to index
            %get3A_514 = arith.constant 80 : index
            %get3A_515 = tpu.vector_load %arg9[%get3A_513, %get3A_514] {strides = array<i32>} : memref<128x128xf32, #tpu.memory_space<vmem>>, vector<16xf32>,
            %add3A_516 = arith.addf %add3A_480, %get3A_515 : vector<16xf32>
            %get3A_517 = arith.index_cast %add3A_492 : i32 to index
            %get3A_518 = arith.constant 96 : index
            %get3A_519 = tpu.vector_load %arg9[%get3A_517, %get3A_518] {strides = array<i32>} : memref<128x128xf32, #tpu.memory_space<vmem>>, vector<16xf32>,
            %add3A_520 = arith.addf %add3A_484, %get3A_519 : vector<16xf32>
            %get3A_521 = arith.index_cast %add3A_492 : i32 to index
            %get3A_522 = arith.constant 112 : index
            %get3A_523 = tpu.vector_load %arg9[%get3A_521, %get3A_522] {strides = array<i32>} : memref<128x128xf32, #tpu.memory_space<vmem>>, vector<16xf32>,
            %add3A_524 = arith.addf %add3A_488, %get3A_523 : vector<16xf32>
            %mul3A_525 = arith.constant 16 : i32
            %mul3A_526 = arith.muli %scan3A_192, %mul3A_525 : i32
            %add3A_527 = arith.constant 9 : i32
            %add3A_528 = arith.addi %mul3A_526, %add3A_527 : i32
            %get3A_529 = arith.index_cast %add3A_528 : i32 to index
            %get3A_530 = arith.constant 0 : index
            %get3A_531 = tpu.vector_load %arg9[%get3A_529, %get3A_530] {strides = array<i32>} : memref<128x128xf32, #tpu.memory_space<vmem>>, vector<16xf32>,
            %add3A_532 = arith.addf %add3A_496, %get3A_531 : vector<16xf32>
            %get3A_533 = arith.index_cast %add3A_528 : i32 to index
            %get3A_534 = arith.constant 16 : index
            %get3A_535 = tpu.vector_load %arg9[%get3A_533, %get3A_534] {strides = array<i32>} : memref<128x128xf32, #tpu.memory_space<vmem>>, vector<16xf32>,
            %add3A_536 = arith.addf %add3A_500, %get3A_535 : vector<16xf32>
            %get3A_537 = arith.index_cast %add3A_528 : i32 to index
            %get3A_538 = arith.constant 32 : index
            %get3A_539 = tpu.vector_load %arg9[%get3A_537, %get3A_538] {strides = array<i32>} : memref<128x128xf32, #tpu.memory_space<vmem>>, vector<16xf32>,
            %add3A_540 = arith.addf %add3A_504, %get3A_539 : vector<16xf32>
            %get3A_541 = arith.index_cast %add3A_528 : i32 to index
            %get3A_542 = arith.constant 48 : index
            %get3A_543 = tpu.vector_load %arg9[%get3A_541, %get3A_542] {strides = array<i32>} : memref<128x128xf32, #tpu.memory_space<vmem>>, vector<16xf32>,
            %add3A_544 = arith.addf %add3A_508, %get3A_543 : vector<16xf32>
            %get3A_545 = arith.index_cast %add3A_528 : i32 to index
            %get3A_546 = arith.constant 64 : index
            %get3A_547 = tpu.vector_load %arg9[%get3A_545, %get3A_546] {strides = array<i32>} : memref<128x128xf32, #tpu.memory_space<vmem>>, vector<16xf32>,
            %add3A_548 = arith.addf %add3A_512, %get3A_547 : vector<16xf32>
            %get3A_549 = arith.index_cast %add3A_528 : i32 to index
            %get3A_550 = arith.constant 80 : index
            %get3A_551 = tpu.vector_load %arg9[%get3A_549, %get3A_550] {strides = array<i32>} : memref<128x128xf32, #tpu.memory_space<vmem>>, vector<16xf32>,
            %add3A_552 = arith.addf %add3A_516, %get3A_551 : vector<16xf32>
            %get3A_553 = arith.index_cast %add3A_528 : i32 to index
            %get3A_554 = arith.constant 96 : index
            %get3A_555 = tpu.vector_load %arg9[%get3A_553, %get3A_554] {strides = array<i32>} : memref<128x128xf32, #tpu.memory_space<vmem>>, vector<16xf32>,
            %add3A_556 = arith.addf %add3A_520, %get3A_555 : vector<16xf32>
            %get3A_557 = arith.index_cast %add3A_528 : i32 to index
            %get3A_558 = arith.constant 112 : index
            %get3A_559 = tpu.vector_load %arg9[%get3A_557, %get3A_558] {strides = array<i32>} : memref<128x128xf32, #tpu.memory_space<vmem>>, vector<16xf32>,
            %add3A_560 = arith.addf %add3A_524, %get3A_559 : vector<16xf32>
            %mul3A_561 = arith.constant 16 : i32
            %mul3A_562 = arith.muli %scan3A_192, %mul3A_561 : i32
            %add3A_563 = arith.constant 10 : i32
            %add3A_564 = arith.addi %mul3A_562, %add3A_563 : i32
            %get3A_565 = arith.index_cast %add3A_564 : i32 to index
            %get3A_566 = arith.constant 0 : index
            %get3A_567 = tpu.vector_load %arg9[%get3A_565, %get3A_566] {strides = array<i32>} : memref<128x128xf32, #tpu.memory_space<vmem>>, vector<16xf32>,
            %add3A_568 = arith.addf %add3A_532, %get3A_567 : vector<16xf32>
            %get3A_569 = arith.index_cast %add3A_564 : i32 to index
            %get3A_570 = arith.constant 16 : index
            %get3A_571 = tpu.vector_load %arg9[%get3A_569, %get3A_570] {strides = array<i32>} : memref<128x128xf32, #tpu.memory_space<vmem>>, vector<16xf32>,
            %add3A_572 = arith.addf %add3A_536, %get3A_571 : vector<16xf32>
            %get3A_573 = arith.index_cast %add3A_564 : i32 to index
            %get3A_574 = arith.constant 32 : index
            %get3A_575 = tpu.vector_load %arg9[%get3A_573, %get3A_574] {strides = array<i32>} : memref<128x128xf32, #tpu.memory_space<vmem>>, vector<16xf32>,
            %add3A_576 = arith.addf %add3A_540, %get3A_575 : vector<16xf32>
            %get3A_577 = arith.index_cast %add3A_564 : i32 to index
            %get3A_578 = arith.constant 48 : index
            %get3A_579 = tpu.vector_load %arg9[%get3A_577, %get3A_578] {strides = array<i32>} : memref<128x128xf32, #tpu.memory_space<vmem>>, vector<16xf32>,
            %add3A_580 = arith.addf %add3A_544, %get3A_579 : vector<16xf32>
            %get3A_581 = arith.index_cast %add3A_564 : i32 to index
            %get3A_582 = arith.constant 64 : index
            %get3A_583 = tpu.vector_load %arg9[%get3A_581, %get3A_582] {strides = array<i32>} : memref<128x128xf32, #tpu.memory_space<vmem>>, vector<16xf32>,
            %add3A_584 = arith.addf %add3A_548, %get3A_583 : vector<16xf32>
            %get3A_585 = arith.index_cast %add3A_564 : i32 to index
            %get3A_586 = arith.constant 80 : index
            %get3A_587 = tpu.vector_load %arg9[%get3A_585, %get3A_586] {strides = array<i32>} : memref<128x128xf32, #tpu.memory_space<vmem>>, vector<16xf32>,
            %add3A_588 = arith.addf %add3A_552, %get3A_587 : vector<16xf32>
            %get3A_589 = arith.index_cast %add3A_564 : i32 to index
            %get3A_590 = arith.constant 96 : index
            %get3A_591 = tpu.vector_load %arg9[%get3A_589, %get3A_590] {strides = array<i32>} : memref<128x128xf32, #tpu.memory_space<vmem>>, vector<16xf32>,
            %add3A_592 = arith.addf %add3A_556, %get3A_591 : vector<16xf32>
            %get3A_593 = arith.index_cast %add3A_564 : i32 to index
            %get3A_594 = arith.constant 112 : index
            %get3A_595 = tpu.vector_load %arg9[%get3A_593, %get3A_594] {strides = array<i32>} : memref<128x128xf32, #tpu.memory_space<vmem>>, vector<16xf32>,
            %add3A_596 = arith.addf %add3A_560, %get3A_595 : vector<16xf32>
            %mul3A_597 = arith.constant 16 : i32
            %mul3A_598 = arith.muli %scan3A_192, %mul3A_597 : i32
            %add3A_599 = arith.constant 11 : i32
            %add3A_600 = arith.addi %mul3A_598, %add3A_599 : i32
            %get3A_601 = arith.index_cast %add3A_600 : i32 to index
            %get3A_602 = arith.constant 0 : index
            %get3A_603 = tpu.vector_load %arg9[%get3A_601, %get3A_602] {strides = array<i32>} : memref<128x128xf32, #tpu.memory_space<vmem>>, vector<16xf32>,
            %add3A_604 = arith.addf %add3A_568, %get3A_603 : vector<16xf32>
            %get3A_605 = arith.index_cast %add3A_600 : i32 to index
            %get3A_606 = arith.constant 16 : index
            %get3A_607 = tpu.vector_load %arg9[%get3A_605, %get3A_606] {strides = array<i32>} : memref<128x128xf32, #tpu.memory_space<vmem>>, vector<16xf32>,
            %add3A_608 = arith.addf %add3A_572, %get3A_607 : vector<16xf32>
            %get3A_609 = arith.index_cast %add3A_600 : i32 to index
            %get3A_610 = arith.constant 32 : index
            %get3A_611 = tpu.vector_load %arg9[%get3A_609, %get3A_610] {strides = array<i32>} : memref<128x128xf32, #tpu.memory_space<vmem>>, vector<16xf32>,
            %add3A_612 = arith.addf %add3A_576, %get3A_611 : vector<16xf32>
            %get3A_613 = arith.index_cast %add3A_600 : i32 to index
            %get3A_614 = arith.constant 48 : index
            %get3A_615 = tpu.vector_load %arg9[%get3A_613, %get3A_614] {strides = array<i32>} : memref<128x128xf32, #tpu.memory_space<vmem>>, vector<16xf32>,
            %add3A_616 = arith.addf %add3A_580, %get3A_615 : vector<16xf32>
            %get3A_617 = arith.index_cast %add3A_600 : i32 to index
            %get3A_618 = arith.constant 64 : index
            %get3A_619 = tpu.vector_load %arg9[%get3A_617, %get3A_618] {strides = array<i32>} : memref<128x128xf32, #tpu.memory_space<vmem>>, vector<16xf32>,
            %add3A_620 = arith.addf %add3A_584, %get3A_619 : vector<16xf32>
            %get3A_621 = arith.index_cast %add3A_600 : i32 to index
            %get3A_622 = arith.constant 80 : index
            %get3A_623 = tpu.vector_load %arg9[%get3A_621, %get3A_622] {strides = array<i32>} : memref<128x128xf32, #tpu.memory_space<vmem>>, vector<16xf32>,
            %add3A_624 = arith.addf %add3A_588, %get3A_623 : vector<16xf32>
            %get3A_625 = arith.index_cast %add3A_600 : i32 to index
            %get3A_626 = arith.constant 96 : index
            %get3A_627 = tpu.vector_load %arg9[%get3A_625, %get3A_626] {strides = array<i32>} : memref<128x128xf32, #tpu.memory_space<vmem>>, vector<16xf32>,
            %add3A_628 = arith.addf %add3A_592, %get3A_627 : vector<16xf32>
            %get3A_629 = arith.index_cast %add3A_600 : i32 to index
            %get3A_630 = arith.constant 112 : index
            %get3A_631 = tpu.vector_load %arg9[%get3A_629, %get3A_630] {strides = array<i32>} : memref<128x128xf32, #tpu.memory_space<vmem>>, vector<16xf32>,
            %add3A_632 = arith.addf %add3A_596, %get3A_631 : vector<16xf32>
            %mul3A_633 = arith.constant 16 : i32
            %mul3A_634 = arith.muli %scan3A_192, %mul3A_633 : i32
            %add3A_635 = arith.constant 12 : i32
            %add3A_636 = arith.addi %mul3A_634, %add3A_635 : i32
            %get3A_637 = arith.index_cast %add3A_636 : i32 to index
            %get3A_638 = arith.constant 0 : index
            %get3A_639 = tpu.vector_load %arg9[%get3A_637, %get3A_638] {strides = array<i32>} : memref<128x128xf32, #tpu.memory_space<vmem>>, vector<16xf32>,
            %add3A_640 = arith.addf %add3A_604, %get3A_639 : vector<16xf32>
            %get3A_641 = arith.index_cast %add3A_636 : i32 to index
            %get3A_642 = arith.constant 16 : index
            %get3A_643 = tpu.vector_load %arg9[%get3A_641, %get3A_642] {strides = array<i32>} : memref<128x128xf32, #tpu.memory_space<vmem>>, vector<16xf32>,
            %add3A_644 = arith.addf %add3A_608, %get3A_643 : vector<16xf32>
            %get3A_645 = arith.index_cast %add3A_636 : i32 to index
            %get3A_646 = arith.constant 32 : index
            %get3A_647 = tpu.vector_load %arg9[%get3A_645, %get3A_646] {strides = array<i32>} : memref<128x128xf32, #tpu.memory_space<vmem>>, vector<16xf32>,
            %add3A_648 = arith.addf %add3A_612, %get3A_647 : vector<16xf32>
            %get3A_649 = arith.index_cast %add3A_636 : i32 to index
            %get3A_650 = arith.constant 48 : index
            %get3A_651 = tpu.vector_load %arg9[%get3A_649, %get3A_650] {strides = array<i32>} : memref<128x128xf32, #tpu.memory_space<vmem>>, vector<16xf32>,
            %add3A_652 = arith.addf %add3A_616, %get3A_651 : vector<16xf32>
            %get3A_653 = arith.index_cast %add3A_636 : i32 to index
            %get3A_654 = arith.constant 64 : index
            %get3A_655 = tpu.vector_load %arg9[%get3A_653, %get3A_654] {strides = array<i32>} : memref<128x128xf32, #tpu.memory_space<vmem>>, vector<16xf32>,
            %add3A_656 = arith.addf %add3A_620, %get3A_655 : vector<16xf32>
            %get3A_657 = arith.index_cast %add3A_636 : i32 to index
            %get3A_658 = arith.constant 80 : index
            %get3A_659 = tpu.vector_load %arg9[%get3A_657, %get3A_658] {strides = array<i32>} : memref<128x128xf32, #tpu.memory_space<vmem>>, vector<16xf32>,
            %add3A_660 = arith.addf %add3A_624, %get3A_659 : vector<16xf32>
            %get3A_661 = arith.index_cast %add3A_636 : i32 to index
            %get3A_662 = arith.constant 96 : index
            %get3A_663 = tpu.vector_load %arg9[%get3A_661, %get3A_662] {strides = array<i32>} : memref<128x128xf32, #tpu.memory_space<vmem>>, vector<16xf32>,
            %add3A_664 = arith.addf %add3A_628, %get3A_663 : vector<16xf32>
            %get3A_665 = arith.index_cast %add3A_636 : i32 to index
            %get3A_666 = arith.constant 112 : index
            %get3A_667 = tpu.vector_load %arg9[%get3A_665, %get3A_666] {strides = array<i32>} : memref<128x128xf32, #tpu.memory_space<vmem>>, vector<16xf32>,
            %add3A_668 = arith.addf %add3A_632, %get3A_667 : vector<16xf32>
            %mul3A_669 = arith.constant 16 : i32
            %mul3A_670 = arith.muli %scan3A_192, %mul3A_669 : i32
            %add3A_671 = arith.constant 13 : i32
            %add3A_672 = arith.addi %mul3A_670, %add3A_671 : i32
            %get3A_673 = arith.index_cast %add3A_672 : i32 to index
            %get3A_674 = arith.constant 0 : index
            %get3A_675 = tpu.vector_load %arg9[%get3A_673, %get3A_674] {strides = array<i32>} : memref<128x128xf32, #tpu.memory_space<vmem>>, vector<16xf32>,
            %add3A_676 = arith.addf %add3A_640, %get3A_675 : vector<16xf32>
            %get3A_677 = arith.index_cast %add3A_672 : i32 to index
            %get3A_678 = arith.constant 16 : index
            %get3A_679 = tpu.vector_load %arg9[%get3A_677, %get3A_678] {strides = array<i32>} : memref<128x128xf32, #tpu.memory_space<vmem>>, vector<16xf32>,
            %add3A_680 = arith.addf %add3A_644, %get3A_679 : vector<16xf32>
            %get3A_681 = arith.index_cast %add3A_672 : i32 to index
            %get3A_682 = arith.constant 32 : index
            %get3A_683 = tpu.vector_load %arg9[%get3A_681, %get3A_682] {strides = array<i32>} : memref<128x128xf32, #tpu.memory_space<vmem>>, vector<16xf32>,
            %add3A_684 = arith.addf %add3A_648, %get3A_683 : vector<16xf32>
            %get3A_685 = arith.index_cast %add3A_672 : i32 to index
            %get3A_686 = arith.constant 48 : index
            %get3A_687 = tpu.vector_load %arg9[%get3A_685, %get3A_686] {strides = array<i32>} : memref<128x128xf32, #tpu.memory_space<vmem>>, vector<16xf32>,
            %add3A_688 = arith.addf %add3A_652, %get3A_687 : vector<16xf32>
            %get3A_689 = arith.index_cast %add3A_672 : i32 to index
            %get3A_690 = arith.constant 64 : index
            %get3A_691 = tpu.vector_load %arg9[%get3A_689, %get3A_690] {strides = array<i32>} : memref<128x128xf32, #tpu.memory_space<vmem>>, vector<16xf32>,
            %add3A_692 = arith.addf %add3A_656, %get3A_691 : vector<16xf32>
            %get3A_693 = arith.index_cast %add3A_672 : i32 to index
            %get3A_694 = arith.constant 80 : index
            %get3A_695 = tpu.vector_load %arg9[%get3A_693, %get3A_694] {strides = array<i32>} : memref<128x128xf32, #tpu.memory_space<vmem>>, vector<16xf32>,
            %add3A_696 = arith.addf %add3A_660, %get3A_695 : vector<16xf32>
            %get3A_697 = arith.index_cast %add3A_672 : i32 to index
            %get3A_698 = arith.constant 96 : index
            %get3A_699 = tpu.vector_load %arg9[%get3A_697, %get3A_698] {strides = array<i32>} : memref<128x128xf32, #tpu.memory_space<vmem>>, vector<16xf32>,
            %add3A_700 = arith.addf %add3A_664, %get3A_699 : vector<16xf32>
            %get3A_701 = arith.index_cast %add3A_672 : i32 to index
            %get3A_702 = arith.constant 112 : index
            %get3A_703 = tpu.vector_load %arg9[%get3A_701, %get3A_702] {strides = array<i32>} : memref<128x128xf32, #tpu.memory_space<vmem>>, vector<16xf32>,
            %add3A_704 = arith.addf %add3A_668, %get3A_703 : vector<16xf32>
            %mul3A_705 = arith.constant 16 : i32
            %mul3A_706 = arith.muli %scan3A_192, %mul3A_705 : i32
            %add3A_707 = arith.constant 14 : i32
            %add3A_708 = arith.addi %mul3A_706, %add3A_707 : i32
            %get3A_709 = arith.index_cast %add3A_708 : i32 to index
            %get3A_710 = arith.constant 0 : index
            %get3A_711 = tpu.vector_load %arg9[%get3A_709, %get3A_710] {strides = array<i32>} : memref<128x128xf32, #tpu.memory_space<vmem>>, vector<16xf32>,
            %add3A_712 = arith.addf %add3A_676, %get3A_711 : vector<16xf32>
            %get3A_713 = arith.index_cast %add3A_708 : i32 to index
            %get3A_714 = arith.constant 16 : index
            %get3A_715 = tpu.vector_load %arg9[%get3A_713, %get3A_714] {strides = array<i32>} : memref<128x128xf32, #tpu.memory_space<vmem>>, vector<16xf32>,
            %add3A_716 = arith.addf %add3A_680, %get3A_715 : vector<16xf32>
            %get3A_717 = arith.index_cast %add3A_708 : i32 to index
            %get3A_718 = arith.constant 32 : index
            %get3A_719 = tpu.vector_load %arg9[%get3A_717, %get3A_718] {strides = array<i32>} : memref<128x128xf32, #tpu.memory_space<vmem>>, vector<16xf32>,
            %add3A_720 = arith.addf %add3A_684, %get3A_719 : vector<16xf32>
            %get3A_721 = arith.index_cast %add3A_708 : i32 to index
            %get3A_722 = arith.constant 48 : index
            %get3A_723 = tpu.vector_load %arg9[%get3A_721, %get3A_722] {strides = array<i32>} : memref<128x128xf32, #tpu.memory_space<vmem>>, vector<16xf32>,
            %add3A_724 = arith.addf %add3A_688, %get3A_723 : vector<16xf32>
            %get3A_725 = arith.index_cast %add3A_708 : i32 to index
            %get3A_726 = arith.constant 64 : index
            %get3A_727 = tpu.vector_load %arg9[%get3A_725, %get3A_726] {strides = array<i32>} : memref<128x128xf32, #tpu.memory_space<vmem>>, vector<16xf32>,
            %add3A_728 = arith.addf %add3A_692, %get3A_727 : vector<16xf32>
            %get3A_729 = arith.index_cast %add3A_708 : i32 to index
            %get3A_730 = arith.constant 80 : index
            %get3A_731 = tpu.vector_load %arg9[%get3A_729, %get3A_730] {strides = array<i32>} : memref<128x128xf32, #tpu.memory_space<vmem>>, vector<16xf32>,
            %add3A_732 = arith.addf %add3A_696, %get3A_731 : vector<16xf32>
            %get3A_733 = arith.index_cast %add3A_708 : i32 to index
            %get3A_734 = arith.constant 96 : index
            %get3A_735 = tpu.vector_load %arg9[%get3A_733, %get3A_734] {strides = array<i32>} : memref<128x128xf32, #tpu.memory_space<vmem>>, vector<16xf32>,
            %add3A_736 = arith.addf %add3A_700, %get3A_735 : vector<16xf32>
            %get3A_737 = arith.index_cast %add3A_708 : i32 to index
            %get3A_738 = arith.constant 112 : index
            %get3A_739 = tpu.vector_load %arg9[%get3A_737, %get3A_738] {strides = array<i32>} : memref<128x128xf32, #tpu.memory_space<vmem>>, vector<16xf32>,
            %add3A_740 = arith.addf %add3A_704, %get3A_739 : vector<16xf32>
            %mul3A_741 = arith.constant 16 : i32
            %mul3A_742 = arith.muli %scan3A_192, %mul3A_741 : i32
            %add3A_743 = arith.constant 15 : i32
            %add3A_744 = arith.addi %mul3A_742, %add3A_743 : i32
            %get3A_745 = arith.index_cast %add3A_744 : i32 to index
            %get3A_746 = arith.constant 0 : index
            %get3A_747 = tpu.vector_load %arg9[%get3A_745, %get3A_746] {strides = array<i32>} : memref<128x128xf32, #tpu.memory_space<vmem>>, vector<16xf32>,
            %add3A_748 = arith.addf %add3A_712, %get3A_747 : vector<16xf32>
            %get3A_749 = arith.index_cast %add3A_744 : i32 to index
            %get3A_750 = arith.constant 16 : index
            %get3A_751 = tpu.vector_load %arg9[%get3A_749, %get3A_750] {strides = array<i32>} : memref<128x128xf32, #tpu.memory_space<vmem>>, vector<16xf32>,
            %add3A_752 = arith.addf %add3A_716, %get3A_751 : vector<16xf32>
            %get3A_753 = arith.index_cast %add3A_744 : i32 to index
            %get3A_754 = arith.constant 32 : index
            %get3A_755 = tpu.vector_load %arg9[%get3A_753, %get3A_754] {strides = array<i32>} : memref<128x128xf32, #tpu.memory_space<vmem>>, vector<16xf32>,
            %add3A_756 = arith.addf %add3A_720, %get3A_755 : vector<16xf32>
            %get3A_757 = arith.index_cast %add3A_744 : i32 to index
            %get3A_758 = arith.constant 48 : index
            %get3A_759 = tpu.vector_load %arg9[%get3A_757, %get3A_758] {strides = array<i32>} : memref<128x128xf32, #tpu.memory_space<vmem>>, vector<16xf32>,
            %add3A_760 = arith.addf %add3A_724, %get3A_759 : vector<16xf32>
            %get3A_761 = arith.index_cast %add3A_744 : i32 to index
            %get3A_762 = arith.constant 64 : index
            %get3A_763 = tpu.vector_load %arg9[%get3A_761, %get3A_762] {strides = array<i32>} : memref<128x128xf32, #tpu.memory_space<vmem>>, vector<16xf32>,
            %add3A_764 = arith.addf %add3A_728, %get3A_763 : vector<16xf32>
            %get3A_765 = arith.index_cast %add3A_744 : i32 to index
            %get3A_766 = arith.constant 80 : index
            %get3A_767 = tpu.vector_load %arg9[%get3A_765, %get3A_766] {strides = array<i32>} : memref<128x128xf32, #tpu.memory_space<vmem>>, vector<16xf32>,
            %add3A_768 = arith.addf %add3A_732, %get3A_767 : vector<16xf32>
            %get3A_769 = arith.index_cast %add3A_744 : i32 to index
            %get3A_770 = arith.constant 96 : index
            %get3A_771 = tpu.vector_load %arg9[%get3A_769, %get3A_770] {strides = array<i32>} : memref<128x128xf32, #tpu.memory_space<vmem>>, vector<16xf32>,
            %add3A_772 = arith.addf %add3A_736, %get3A_771 : vector<16xf32>
            %get3A_773 = arith.index_cast %add3A_744 : i32 to index
            %get3A_774 = arith.constant 112 : index
            %get3A_775 = tpu.vector_load %arg9[%get3A_773, %get3A_774] {strides = array<i32>} : memref<128x128xf32, #tpu.memory_space<vmem>>, vector<16xf32>,
            %add3A_776 = arith.addf %add3A_740, %get3A_775 : vector<16xf32>
            scf.yield %add3A_748, %add3A_752, %add3A_756, %add3A_760, %add3A_764, %add3A_768, %add3A_772, %add3A_776 : vector<16xf32>, vector<16xf32>, vector<16xf32>, vector<16xf32>, vector<16xf32>, vector<16xf32>, vector<16xf32>, vector<16xf32>
          }
          %scan3A_168 = arith.constant 8 : i32
          %swap3A = arith.index_cast %reduce_max3A_156 : i32 to index
          %swap3A_169 = arith.constant 0 : index
          %swap3A_170 = tpu.vector_load %arg8[%swap3A, %swap3A_169] {strides = array<i32>} : memref<256x128xf32, #tpu.memory_space<vmem>>, vector<16xf32>,
          tpu.vector_store %arg8[%swap3A, %swap3A_169], %scan3A_167#0 {add = true, strides = array<i32>} : memref<256x128xf32, #tpu.memory_space<vmem>>, vector<16xf32>,
          %swap3A_171 = arith.index_cast %reduce_max3A_156 : i32 to index
          %swap3A_172 = arith.constant 16 : index
          %swap3A_173 = tpu.vector_load %arg8[%swap3A_171, %swap3A_172] {strides = array<i32>} : memref<256x128xf32, #tpu.memory_space<vmem>>, vector<16xf32>,
          tpu.vector_store %arg8[%swap3A_171, %swap3A_172], %scan3A_167#1 {add = true, strides = array<i32>} : memref<256x128xf32, #tpu.memory_space<vmem>>, vector<16xf32>,
          %swap3A_174 = arith.index_cast %reduce_max3A_156 : i32 to index
          %swap3A_175 = arith.constant 32 : index
          %swap3A_176 = tpu.vector_load %arg8[%swap3A_174, %swap3A_175] {strides = array<i32>} : memref<256x128xf32, #tpu.memory_space<vmem>>, vector<16xf32>,
          tpu.vector_store %arg8[%swap3A_174, %swap3A_175], %scan3A_167#2 {add = true, strides = array<i32>} : memref<256x128xf32, #tpu.memory_space<vmem>>, vector<16xf32>,
          %swap3A_177 = arith.index_cast %reduce_max3A_156 : i32 to index
          %swap3A_178 = arith.constant 48 : index
          %swap3A_179 = tpu.vector_load %arg8[%swap3A_177, %swap3A_178] {strides = array<i32>} : memref<256x128xf32, #tpu.memory_space<vmem>>, vector<16xf32>,
          tpu.vector_store %arg8[%swap3A_177, %swap3A_178], %scan3A_167#3 {add = true, strides = array<i32>} : memref<256x128xf32, #tpu.memory_space<vmem>>, vector<16xf32>,
          %swap3A_180 = arith.index_cast %reduce_max3A_156 : i32 to index
          %swap3A_181 = arith.constant 64 : index
          %swap3A_182 = tpu.vector_load %arg8[%swap3A_180, %swap3A_181] {strides = array<i32>} : memref<256x128xf32, #tpu.memory_space<vmem>>, vector<16xf32>,
          tpu.vector_store %arg8[%swap3A_180, %swap3A_181], %scan3A_167#4 {add = true, strides = array<i32>} : memref<256x128xf32, #tpu.memory_space<vmem>>, vector<16xf32>,
          %swap3A_183 = arith.index_cast %reduce_max3A_156 : i32 to index
          %swap3A_184 = arith.constant 80 : index
          %swap3A_185 = tpu.vector_load %arg8[%swap3A_183, %swap3A_184] {strides = array<i32>} : memref<256x128xf32, #tpu.memory_space<vmem>>, vector<16xf32>,
          tpu.vector_store %arg8[%swap3A_183, %swap3A_184], %scan3A_167#5 {add = true, strides = array<i32>} : memref<256x128xf32, #tpu.memory_space<vmem>>, vector<16xf32>,
          %swap3A_186 = arith.index_cast %reduce_max3A_156 : i32 to index
          %swap3A_187 = arith.constant 96 : index
          %swap3A_188 = tpu.vector_load %arg8[%swap3A_186, %swap3A_187] {strides = array<i32>} : memref<256x128xf32, #tpu.memory_space<vmem>>, vector<16xf32>,
          tpu.vector_store %arg8[%swap3A_186, %swap3A_187], %scan3A_167#6 {add = true, strides = array<i32>} : memref<256x128xf32, #tpu.memory_space<vmem>>, vector<16xf32>,
          %swap3A_189 = arith.index_cast %reduce_max3A_156 : i32 to index
          %swap3A_190 = arith.constant 112 : index
          %swap3A_191 = tpu.vector_load %arg8[%swap3A_189, %swap3A_190] {strides = array<i32>} : memref<256x128xf32, #tpu.memory_space<vmem>>, vector<16xf32>,
          tpu.vector_store %arg8[%swap3A_189, %swap3A_190], %scan3A_167#7 {add = true, strides = array<i32>} : memref<256x128xf32, #tpu.memory_space<vmem>>, vector<16xf32>,
        } else {
        }
        %ne3A = arith.cmpi ne, %reduce_max3A_156, %reduce_min3A_146 : i32
        %convert_element_type3A_160 = arith.extui %ne3A : i1 to i32
        %cond3A_161 = arith.constant 0 : i32
        %cond3A_162 = arith.cmpi ne, %convert_element_type3A_160, %cond3A_161 : i32
        scf.if %cond3A_162 {
          "tpu.region"() ({
            %run_scoped3A = tpu.sem_alloc : memref<!tpu.dma_semaphore, #tpu.memory_space<semaphore_mem>>
            %dma_start3A_163 = arith.constant 0 : i32
            %dma_start3A_164 = tpu.memref_slice %arg6[%add3A_97, %dma_start3A_163] : memref<79x128xi32, #tpu.memory_space<vmem>> -> memref<1x128xi32, #tpu.memory_space<vmem>>
            %dma_start3A_165 = tpu.memref_squeeze %dma_start3A_164 : memref<1x128xi32, #tpu.memory_space<vmem>> -> memref<128xi32, #tpu.memory_space<vmem>>
            %dma_start3A_166 = arith.constant 0 : i32
            %dma_start3A_167 = arith.constant 0 : i32
            %dma_start3A_168 = tpu.memref_slice %arg13[%dma_start3A_166, %dma_start3A_167] : memref<256x128xf32, #tpu.memory_space<vmem_shared>> -> memref<256x128xf32, #tpu.memory_space<vmem_shared>>
            tpu.enqueue_indirect_dma source(%arg9 : memref<128x128xf32, #tpu.memory_space<vmem>>) target(%dma_start3A_168 : memref<256x128xf32, #tpu.memory_space<vmem_shared>>) offsets(%dma_start3A_165 : memref<128xi32, #tpu.memory_space<vmem>>) semaphore(%run_scoped3A : memref<!tpu.dma_semaphore, #tpu.memory_space<semaphore_mem>>) {add = true}
            %dma_wait3A_169 = arith.constant 0 : i32
            %dma_wait3A_170 = tpu.memref_slice %arg6[%add3A_97, %dma_wait3A_169] : memref<79x128xi32, #tpu.memory_space<vmem>> -> memref<1x128xi32, #tpu.memory_space<vmem>>
            %dma_wait3A_171 = tpu.memref_squeeze %dma_wait3A_170 : memref<1x128xi32, #tpu.memory_space<vmem>> -> memref<128xi32, #tpu.memory_space<vmem>>
            %dma_wait3A_172 = arith.constant 0 : i32
            %dma_wait3A_173 = arith.constant 0 : i32
            %dma_wait3A_174 = tpu.memref_slice %arg13[%dma_wait3A_172, %dma_wait3A_173] : memref<256x128xf32, #tpu.memory_space<vmem_shared>> -> memref<256x128xf32, #tpu.memory_space<vmem_shared>>
            tpu.wait_indirect_dma semaphore(%run_scoped3A : memref<!tpu.dma_semaphore, #tpu.memory_space<semaphore_mem>>) src(%arg9 : memref<128x128xf32, #tpu.memory_space<vmem>>) dst(%dma_wait3A_174 : memref<256x128xf32, #tpu.memory_space<vmem_shared>>)
            tpu.yield
          }) : () -> ()
        } else {
        }
      } else {
      }
      %mul3A_99 = arith.constant 4 : i32
      %mul3A_100 = arith.muli %mul3A_99, %scan3A_93 : i32
      %add3A_101 = arith.constant 1 : i32
      %add3A_102 = arith.addi %mul3A_100, %add3A_101 : i32
      %lt3A_103 = arith.cmpi slt, %add3A_102, %add3A_9 : i32
      %convert_element_type3A_104 = arith.extui %lt3A_103 : i1 to i32
      %cond3A_105 = arith.constant 0 : i32
      %cond3A_106 = arith.cmpi ne, %convert_element_type3A_104, %cond3A_105 : i32
      scf.if %cond3A_106 {
        %mul3A_123 = arith.constant 128 : i32
        %mul3A_124 = arith.muli %add3A_102, %mul3A_123 : i32
        %add3A_125 = arith.addi %mul3A_11, %mul3A_124 : i32
        %dma_wait3A_126 = arith.constant 0 : i32
        %dma_wait3A_127 = tpu.memref_slice %arg2[%add3A_125, %dma_wait3A_126] : memref<320000x128xf32, #tpu.memory_space<hbm>> -> memref<128x128xf32, #tpu.memory_space<hbm>>
        %dma_wait3A_128 = arith.constant 0 : i32
        %dma_wait3A_129 = tpu.memref_slice %arg2[%add3A_125, %dma_wait3A_128] : memref<320000x128xf32, #tpu.memory_space<hbm>> -> memref<128x128xf32, #tpu.memory_space<hbm>>
        tpu.wait_dma2 semaphore(%arg15 : memref<!tpu.dma_semaphore, #tpu.memory_space<semaphore_mem>>) src(%dma_wait3A_129 : memref<128x128xf32, #tpu.memory_space<hbm>>) dst(%arg10 : memref<128x128xf32, #tpu.memory_space<vmem>>)
        %add3A_130 = arith.constant 3 : i32
        %add3A_131 = arith.addi %add3A_102, %add3A_130 : i32
        %ge3A_132 = arith.constant 4 : i32
        %ge3A_133 = arith.cmpi sge, %add3A_131, %ge3A_132 : i32
        %lt3A_134 = arith.cmpi slt, %add3A_131, %add3A_9 : i32
        %and3A = arith.andi %ge3A_133, %lt3A_134 : i1
        %convert_element_type3A_135 = arith.extui %and3A : i1 to i32
        %cond3A_136 = arith.constant 0 : i32
        %cond3A_137 = arith.cmpi ne, %convert_element_type3A_135, %cond3A_136 : i32
        scf.if %cond3A_137 {
          %mul3A_163 = arith.constant 128 : i32
          %mul3A_164 = arith.muli %add3A_131, %mul3A_163 : i32
          %add3A_165 = arith.addi %mul3A_11, %mul3A_164 : i32
          %dma_start3A_166 = arith.constant 0 : i32
          %dma_start3A_167 = tpu.memref_slice %arg2[%add3A_165, %dma_start3A_166] : memref<320000x128xf32, #tpu.memory_space<hbm>> -> memref<128x128xf32, #tpu.memory_space<hbm>>
          %dma_start3A_168 = arith.constant 0 : i32
          %dma_start3A_169 = tpu.memref_slice %arg2[%add3A_165, %dma_start3A_168] : memref<320000x128xf32, #tpu.memory_space<hbm>> -> memref<128x128xf32, #tpu.memory_space<hbm>>
          tpu.enqueue_dma source(%dma_start3A_169 : memref<128x128xf32, #tpu.memory_space<hbm>>) target(%arg9 : memref<128x128xf32, #tpu.memory_space<vmem>>) target_semaphore(%arg14 : memref<!tpu.dma_semaphore, #tpu.memory_space<semaphore_mem>>)
        } else {
        }
        %get3A = arith.index_cast %add3A_102 : i32 to index
        %get3A_138 = arith.constant 0 : index
        %get3A_139 = tpu.vector_load %arg6[%get3A, %get3A_138] {strides = array<i32>} : memref<79x128xi32, #tpu.memory_space<vmem>>, vector<16xi32>,
        %reduce_min3A = arith.constant true
        %reduce_min3A_140 = vector.broadcast %reduce_min3A : i1 to vector<16xi1>
        %reduce_min3A_141 = arith.constant -2147483648 : i32
        %reduce_min3A_142 = vector.broadcast %reduce_min3A_141 : i32 to vector<16xi32>
        %reduce_min3A_143 = arith.xori %get3A_139, %reduce_min3A_142 : vector<16xi32>
        %reduce_min3A_144 = tpu.scan <min>, %reduce_min3A_143 masked %reduce_min3A_140 : vector<16xi32>, vector<16xi1> -> vector<16xi32>
        %reduce_min3A_145 = arith.xori %reduce_min3A_144, %reduce_min3A_142 : vector<16xi32>
        %reduce_min3A_146 = vector.extract %reduce_min3A_145[15] : i32 from vector<16xi32>
        %get3A_147 = arith.index_cast %add3A_102 : i32 to index
        %get3A_148 = arith.constant 112 : index
        %get3A_149 = tpu.vector_load %arg6[%get3A_147, %get3A_148] {strides = array<i32>} : memref<79x128xi32, #tpu.memory_space<vmem>>, vector<16xi32>,
        %reduce_max3A = arith.constant true
        %reduce_max3A_150 = vector.broadcast %reduce_max3A : i1 to vector<16xi1>
        %reduce_max3A_151 = arith.constant -2147483648 : i32
        %reduce_max3A_152 = vector.broadcast %reduce_max3A_151 : i32 to vector<16xi32>
        %reduce_max3A_153 = arith.xori %get3A_149, %reduce_max3A_152 : vector<16xi32>
        %reduce_max3A_154 = tpu.scan <max>, %reduce_max3A_153 masked %reduce_max3A_150 : vector<16xi32>, vector<16xi1> -> vector<16xi32>
        %reduce_max3A_155 = arith.xori %reduce_max3A_154, %reduce_max3A_152 : vector<16xi32>
        %reduce_max3A_156 = vector.extract %reduce_max3A_155[15] : i32 from vector<16xi32>
        %eq3A = arith.cmpi eq, %reduce_max3A_156, %reduce_min3A_146 : i32
        %convert_element_type3A_157 = arith.extui %eq3A : i1 to i32
        %cond3A_158 = arith.constant 0 : i32
        %cond3A_159 = arith.cmpi ne, %convert_element_type3A_157, %cond3A_158 : i32
        scf.if %cond3A_159 {
          %scan3A_163 = arith.constant 0 : i32
          %scan3A_164 = arith.constant 8 : i32
          %scan3A_165 = arith.addi %scan3A_163, %scan3A_164 : i32
          %scan3A_166 = arith.constant 1 : i32
          %scan3A_167:8 = scf.for %scan3A_192 = %scan3A_163 to %scan3A_165 step %scan3A_166 iter_args(%scan3A_193 = %broadcast_in_dim3A_12, %scan3A_194 = %broadcast_in_dim3A_12, %scan3A_195 = %broadcast_in_dim3A_12, %scan3A_196 = %broadcast_in_dim3A_12, %scan3A_197 = %broadcast_in_dim3A_12, %scan3A_198 = %broadcast_in_dim3A_12, %scan3A_199 = %broadcast_in_dim3A_12, %scan3A_200 = %broadcast_in_dim3A_12) -> (vector<16xf32>, vector<16xf32>, vector<16xf32>, vector<16xf32>, vector<16xf32>, vector<16xf32>, vector<16xf32>, vector<16xf32>)  : i32 {
            %mul3A_201 = arith.constant 16 : i32
            %mul3A_202 = arith.muli %scan3A_192, %mul3A_201 : i32
            %add3A_203 = arith.constant 0 : i32
            %add3A_204 = arith.addi %mul3A_202, %add3A_203 : i32
            %get3A_205 = arith.index_cast %add3A_204 : i32 to index
            %get3A_206 = arith.constant 0 : index
            %get3A_207 = tpu.vector_load %arg10[%get3A_205, %get3A_206] {strides = array<i32>} : memref<128x128xf32, #tpu.memory_space<vmem>>, vector<16xf32>,
            %add3A_208 = arith.addf %scan3A_193, %get3A_207 : vector<16xf32>
            %get3A_209 = arith.index_cast %add3A_204 : i32 to index
            %get3A_210 = arith.constant 16 : index
            %get3A_211 = tpu.vector_load %arg10[%get3A_209, %get3A_210] {strides = array<i32>} : memref<128x128xf32, #tpu.memory_space<vmem>>, vector<16xf32>,
            %add3A_212 = arith.addf %scan3A_194, %get3A_211 : vector<16xf32>
            %get3A_213 = arith.index_cast %add3A_204 : i32 to index
            %get3A_214 = arith.constant 32 : index
            %get3A_215 = tpu.vector_load %arg10[%get3A_213, %get3A_214] {strides = array<i32>} : memref<128x128xf32, #tpu.memory_space<vmem>>, vector<16xf32>,
            %add3A_216 = arith.addf %scan3A_195, %get3A_215 : vector<16xf32>
            %get3A_217 = arith.index_cast %add3A_204 : i32 to index
            %get3A_218 = arith.constant 48 : index
            %get3A_219 = tpu.vector_load %arg10[%get3A_217, %get3A_218] {strides = array<i32>} : memref<128x128xf32, #tpu.memory_space<vmem>>, vector<16xf32>,
            %add3A_220 = arith.addf %scan3A_196, %get3A_219 : vector<16xf32>
            %get3A_221 = arith.index_cast %add3A_204 : i32 to index
            %get3A_222 = arith.constant 64 : index
            %get3A_223 = tpu.vector_load %arg10[%get3A_221, %get3A_222] {strides = array<i32>} : memref<128x128xf32, #tpu.memory_space<vmem>>, vector<16xf32>,
            %add3A_224 = arith.addf %scan3A_197, %get3A_223 : vector<16xf32>
            %get3A_225 = arith.index_cast %add3A_204 : i32 to index
            %get3A_226 = arith.constant 80 : index
            %get3A_227 = tpu.vector_load %arg10[%get3A_225, %get3A_226] {strides = array<i32>} : memref<128x128xf32, #tpu.memory_space<vmem>>, vector<16xf32>,
            %add3A_228 = arith.addf %scan3A_198, %get3A_227 : vector<16xf32>
            %get3A_229 = arith.index_cast %add3A_204 : i32 to index
            %get3A_230 = arith.constant 96 : index
            %get3A_231 = tpu.vector_load %arg10[%get3A_229, %get3A_230] {strides = array<i32>} : memref<128x128xf32, #tpu.memory_space<vmem>>, vector<16xf32>,
            %add3A_232 = arith.addf %scan3A_199, %get3A_231 : vector<16xf32>
            %get3A_233 = arith.index_cast %add3A_204 : i32 to index
            %get3A_234 = arith.constant 112 : index
            %get3A_235 = tpu.vector_load %arg10[%get3A_233, %get3A_234] {strides = array<i32>} : memref<128x128xf32, #tpu.memory_space<vmem>>, vector<16xf32>,
            %add3A_236 = arith.addf %scan3A_200, %get3A_235 : vector<16xf32>
            %mul3A_237 = arith.constant 16 : i32
            %mul3A_238 = arith.muli %scan3A_192, %mul3A_237 : i32
            %add3A_239 = arith.constant 1 : i32
            %add3A_240 = arith.addi %mul3A_238, %add3A_239 : i32
            %get3A_241 = arith.index_cast %add3A_240 : i32 to index
            %get3A_242 = arith.constant 0 : index
            %get3A_243 = tpu.vector_load %arg10[%get3A_241, %get3A_242] {strides = array<i32>} : memref<128x128xf32, #tpu.memory_space<vmem>>, vector<16xf32>,
            %add3A_244 = arith.addf %add3A_208, %get3A_243 : vector<16xf32>
            %get3A_245 = arith.index_cast %add3A_240 : i32 to index
            %get3A_246 = arith.constant 16 : index
            %get3A_247 = tpu.vector_load %arg10[%get3A_245, %get3A_246] {strides = array<i32>} : memref<128x128xf32, #tpu.memory_space<vmem>>, vector<16xf32>,
            %add3A_248 = arith.addf %add3A_212, %get3A_247 : vector<16xf32>
            %get3A_249 = arith.index_cast %add3A_240 : i32 to index
            %get3A_250 = arith.constant 32 : index
            %get3A_251 = tpu.vector_load %arg10[%get3A_249, %get3A_250] {strides = array<i32>} : memref<128x128xf32, #tpu.memory_space<vmem>>, vector<16xf32>,
            %add3A_252 = arith.addf %add3A_216, %get3A_251 : vector<16xf32>
            %get3A_253 = arith.index_cast %add3A_240 : i32 to index
            %get3A_254 = arith.constant 48 : index
            %get3A_255 = tpu.vector_load %arg10[%get3A_253, %get3A_254] {strides = array<i32>} : memref<128x128xf32, #tpu.memory_space<vmem>>, vector<16xf32>,
            %add3A_256 = arith.addf %add3A_220, %get3A_255 : vector<16xf32>
            %get3A_257 = arith.index_cast %add3A_240 : i32 to index
            %get3A_258 = arith.constant 64 : index
            %get3A_259 = tpu.vector_load %arg10[%get3A_257, %get3A_258] {strides = array<i32>} : memref<128x128xf32, #tpu.memory_space<vmem>>, vector<16xf32>,
            %add3A_260 = arith.addf %add3A_224, %get3A_259 : vector<16xf32>
            %get3A_261 = arith.index_cast %add3A_240 : i32 to index
            %get3A_262 = arith.constant 80 : index
            %get3A_263 = tpu.vector_load %arg10[%get3A_261, %get3A_262] {strides = array<i32>} : memref<128x128xf32, #tpu.memory_space<vmem>>, vector<16xf32>,
            %add3A_264 = arith.addf %add3A_228, %get3A_263 : vector<16xf32>
            %get3A_265 = arith.index_cast %add3A_240 : i32 to index
            %get3A_266 = arith.constant 96 : index
            %get3A_267 = tpu.vector_load %arg10[%get3A_265, %get3A_266] {strides = array<i32>} : memref<128x128xf32, #tpu.memory_space<vmem>>, vector<16xf32>,
            %add3A_268 = arith.addf %add3A_232, %get3A_267 : vector<16xf32>
            %get3A_269 = arith.index_cast %add3A_240 : i32 to index
            %get3A_270 = arith.constant 112 : index
            %get3A_271 = tpu.vector_load %arg10[%get3A_269, %get3A_270] {strides = array<i32>} : memref<128x128xf32, #tpu.memory_space<vmem>>, vector<16xf32>,
            %add3A_272 = arith.addf %add3A_236, %get3A_271 : vector<16xf32>
            %mul3A_273 = arith.constant 16 : i32
            %mul3A_274 = arith.muli %scan3A_192, %mul3A_273 : i32
            %add3A_275 = arith.constant 2 : i32
            %add3A_276 = arith.addi %mul3A_274, %add3A_275 : i32
            %get3A_277 = arith.index_cast %add3A_276 : i32 to index
            %get3A_278 = arith.constant 0 : index
            %get3A_279 = tpu.vector_load %arg10[%get3A_277, %get3A_278] {strides = array<i32>} : memref<128x128xf32, #tpu.memory_space<vmem>>, vector<16xf32>,
            %add3A_280 = arith.addf %add3A_244, %get3A_279 : vector<16xf32>
            %get3A_281 = arith.index_cast %add3A_276 : i32 to index
            %get3A_282 = arith.constant 16 : index
            %get3A_283 = tpu.vector_load %arg10[%get3A_281, %get3A_282] {strides = array<i32>} : memref<128x128xf32, #tpu.memory_space<vmem>>, vector<16xf32>,
            %add3A_284 = arith.addf %add3A_248, %get3A_283 : vector<16xf32>
            %get3A_285 = arith.index_cast %add3A_276 : i32 to index
            %get3A_286 = arith.constant 32 : index
            %get3A_287 = tpu.vector_load %arg10[%get3A_285, %get3A_286] {strides = array<i32>} : memref<128x128xf32, #tpu.memory_space<vmem>>, vector<16xf32>,
            %add3A_288 = arith.addf %add3A_252, %get3A_287 : vector<16xf32>
            %get3A_289 = arith.index_cast %add3A_276 : i32 to index
            %get3A_290 = arith.constant 48 : index
            %get3A_291 = tpu.vector_load %arg10[%get3A_289, %get3A_290] {strides = array<i32>} : memref<128x128xf32, #tpu.memory_space<vmem>>, vector<16xf32>,
            %add3A_292 = arith.addf %add3A_256, %get3A_291 : vector<16xf32>
            %get3A_293 = arith.index_cast %add3A_276 : i32 to index
            %get3A_294 = arith.constant 64 : index
            %get3A_295 = tpu.vector_load %arg10[%get3A_293, %get3A_294] {strides = array<i32>} : memref<128x128xf32, #tpu.memory_space<vmem>>, vector<16xf32>,
            %add3A_296 = arith.addf %add3A_260, %get3A_295 : vector<16xf32>
            %get3A_297 = arith.index_cast %add3A_276 : i32 to index
            %get3A_298 = arith.constant 80 : index
            %get3A_299 = tpu.vector_load %arg10[%get3A_297, %get3A_298] {strides = array<i32>} : memref<128x128xf32, #tpu.memory_space<vmem>>, vector<16xf32>,
            %add3A_300 = arith.addf %add3A_264, %get3A_299 : vector<16xf32>
            %get3A_301 = arith.index_cast %add3A_276 : i32 to index
            %get3A_302 = arith.constant 96 : index
            %get3A_303 = tpu.vector_load %arg10[%get3A_301, %get3A_302] {strides = array<i32>} : memref<128x128xf32, #tpu.memory_space<vmem>>, vector<16xf32>,
            %add3A_304 = arith.addf %add3A_268, %get3A_303 : vector<16xf32>
            %get3A_305 = arith.index_cast %add3A_276 : i32 to index
            %get3A_306 = arith.constant 112 : index
            %get3A_307 = tpu.vector_load %arg10[%get3A_305, %get3A_306] {strides = array<i32>} : memref<128x128xf32, #tpu.memory_space<vmem>>, vector<16xf32>,
            %add3A_308 = arith.addf %add3A_272, %get3A_307 : vector<16xf32>
            %mul3A_309 = arith.constant 16 : i32
            %mul3A_310 = arith.muli %scan3A_192, %mul3A_309 : i32
            %add3A_311 = arith.constant 3 : i32
            %add3A_312 = arith.addi %mul3A_310, %add3A_311 : i32
            %get3A_313 = arith.index_cast %add3A_312 : i32 to index
            %get3A_314 = arith.constant 0 : index
            %get3A_315 = tpu.vector_load %arg10[%get3A_313, %get3A_314] {strides = array<i32>} : memref<128x128xf32, #tpu.memory_space<vmem>>, vector<16xf32>,
            %add3A_316 = arith.addf %add3A_280, %get3A_315 : vector<16xf32>
            %get3A_317 = arith.index_cast %add3A_312 : i32 to index
            %get3A_318 = arith.constant 16 : index
            %get3A_319 = tpu.vector_load %arg10[%get3A_317, %get3A_318] {strides = array<i32>} : memref<128x128xf32, #tpu.memory_space<vmem>>, vector<16xf32>,
            %add3A_320 = arith.addf %add3A_284, %get3A_319 : vector<16xf32>
            %get3A_321 = arith.index_cast %add3A_312 : i32 to index
            %get3A_322 = arith.constant 32 : index
            %get3A_323 = tpu.vector_load %arg10[%get3A_321, %get3A_322] {strides = array<i32>} : memref<128x128xf32, #tpu.memory_space<vmem>>, vector<16xf32>,
            %add3A_324 = arith.addf %add3A_288, %get3A_323 : vector<16xf32>
            %get3A_325 = arith.index_cast %add3A_312 : i32 to index
            %get3A_326 = arith.constant 48 : index
            %get3A_327 = tpu.vector_load %arg10[%get3A_325, %get3A_326] {strides = array<i32>} : memref<128x128xf32, #tpu.memory_space<vmem>>, vector<16xf32>,
            %add3A_328 = arith.addf %add3A_292, %get3A_327 : vector<16xf32>
            %get3A_329 = arith.index_cast %add3A_312 : i32 to index
            %get3A_330 = arith.constant 64 : index
            %get3A_331 = tpu.vector_load %arg10[%get3A_329, %get3A_330] {strides = array<i32>} : memref<128x128xf32, #tpu.memory_space<vmem>>, vector<16xf32>,
            %add3A_332 = arith.addf %add3A_296, %get3A_331 : vector<16xf32>
            %get3A_333 = arith.index_cast %add3A_312 : i32 to index
            %get3A_334 = arith.constant 80 : index
            %get3A_335 = tpu.vector_load %arg10[%get3A_333, %get3A_334] {strides = array<i32>} : memref<128x128xf32, #tpu.memory_space<vmem>>, vector<16xf32>,
            %add3A_336 = arith.addf %add3A_300, %get3A_335 : vector<16xf32>
            %get3A_337 = arith.index_cast %add3A_312 : i32 to index
            %get3A_338 = arith.constant 96 : index
            %get3A_339 = tpu.vector_load %arg10[%get3A_337, %get3A_338] {strides = array<i32>} : memref<128x128xf32, #tpu.memory_space<vmem>>, vector<16xf32>,
            %add3A_340 = arith.addf %add3A_304, %get3A_339 : vector<16xf32>
            %get3A_341 = arith.index_cast %add3A_312 : i32 to index
            %get3A_342 = arith.constant 112 : index
            %get3A_343 = tpu.vector_load %arg10[%get3A_341, %get3A_342] {strides = array<i32>} : memref<128x128xf32, #tpu.memory_space<vmem>>, vector<16xf32>,
            %add3A_344 = arith.addf %add3A_308, %get3A_343 : vector<16xf32>
            %mul3A_345 = arith.constant 16 : i32
            %mul3A_346 = arith.muli %scan3A_192, %mul3A_345 : i32
            %add3A_347 = arith.constant 4 : i32
            %add3A_348 = arith.addi %mul3A_346, %add3A_347 : i32
            %get3A_349 = arith.index_cast %add3A_348 : i32 to index
            %get3A_350 = arith.constant 0 : index
            %get3A_351 = tpu.vector_load %arg10[%get3A_349, %get3A_350] {strides = array<i32>} : memref<128x128xf32, #tpu.memory_space<vmem>>, vector<16xf32>,
            %add3A_352 = arith.addf %add3A_316, %get3A_351 : vector<16xf32>
            %get3A_353 = arith.index_cast %add3A_348 : i32 to index
            %get3A_354 = arith.constant 16 : index
            %get3A_355 = tpu.vector_load %arg10[%get3A_353, %get3A_354] {strides = array<i32>} : memref<128x128xf32, #tpu.memory_space<vmem>>, vector<16xf32>,
            %add3A_356 = arith.addf %add3A_320, %get3A_355 : vector<16xf32>
            %get3A_357 = arith.index_cast %add3A_348 : i32 to index
            %get3A_358 = arith.constant 32 : index
            %get3A_359 = tpu.vector_load %arg10[%get3A_357, %get3A_358] {strides = array<i32>} : memref<128x128xf32, #tpu.memory_space<vmem>>, vector<16xf32>,
            %add3A_360 = arith.addf %add3A_324, %get3A_359 : vector<16xf32>
            %get3A_361 = arith.index_cast %add3A_348 : i32 to index
            %get3A_362 = arith.constant 48 : index
            %get3A_363 = tpu.vector_load %arg10[%get3A_361, %get3A_362] {strides = array<i32>} : memref<128x128xf32, #tpu.memory_space<vmem>>, vector<16xf32>,
            %add3A_364 = arith.addf %add3A_328, %get3A_363 : vector<16xf32>
            %get3A_365 = arith.index_cast %add3A_348 : i32 to index
            %get3A_366 = arith.constant 64 : index
            %get3A_367 = tpu.vector_load %arg10[%get3A_365, %get3A_366] {strides = array<i32>} : memref<128x128xf32, #tpu.memory_space<vmem>>, vector<16xf32>,
            %add3A_368 = arith.addf %add3A_332, %get3A_367 : vector<16xf32>
            %get3A_369 = arith.index_cast %add3A_348 : i32 to index
            %get3A_370 = arith.constant 80 : index
            %get3A_371 = tpu.vector_load %arg10[%get3A_369, %get3A_370] {strides = array<i32>} : memref<128x128xf32, #tpu.memory_space<vmem>>, vector<16xf32>,
            %add3A_372 = arith.addf %add3A_336, %get3A_371 : vector<16xf32>
            %get3A_373 = arith.index_cast %add3A_348 : i32 to index
            %get3A_374 = arith.constant 96 : index
            %get3A_375 = tpu.vector_load %arg10[%get3A_373, %get3A_374] {strides = array<i32>} : memref<128x128xf32, #tpu.memory_space<vmem>>, vector<16xf32>,
            %add3A_376 = arith.addf %add3A_340, %get3A_375 : vector<16xf32>
            %get3A_377 = arith.index_cast %add3A_348 : i32 to index
            %get3A_378 = arith.constant 112 : index
            %get3A_379 = tpu.vector_load %arg10[%get3A_377, %get3A_378] {strides = array<i32>} : memref<128x128xf32, #tpu.memory_space<vmem>>, vector<16xf32>,
            %add3A_380 = arith.addf %add3A_344, %get3A_379 : vector<16xf32>
            %mul3A_381 = arith.constant 16 : i32
            %mul3A_382 = arith.muli %scan3A_192, %mul3A_381 : i32
            %add3A_383 = arith.constant 5 : i32
            %add3A_384 = arith.addi %mul3A_382, %add3A_383 : i32
            %get3A_385 = arith.index_cast %add3A_384 : i32 to index
            %get3A_386 = arith.constant 0 : index
            %get3A_387 = tpu.vector_load %arg10[%get3A_385, %get3A_386] {strides = array<i32>} : memref<128x128xf32, #tpu.memory_space<vmem>>, vector<16xf32>,
            %add3A_388 = arith.addf %add3A_352, %get3A_387 : vector<16xf32>
            %get3A_389 = arith.index_cast %add3A_384 : i32 to index
            %get3A_390 = arith.constant 16 : index
            %get3A_391 = tpu.vector_load %arg10[%get3A_389, %get3A_390] {strides = array<i32>} : memref<128x128xf32, #tpu.memory_space<vmem>>, vector<16xf32>,
            %add3A_392 = arith.addf %add3A_356, %get3A_391 : vector<16xf32>
            %get3A_393 = arith.index_cast %add3A_384 : i32 to index
            %get3A_394 = arith.constant 32 : index
            %get3A_395 = tpu.vector_load %arg10[%get3A_393, %get3A_394] {strides = array<i32>} : memref<128x128xf32, #tpu.memory_space<vmem>>, vector<16xf32>,
            %add3A_396 = arith.addf %add3A_360, %get3A_395 : vector<16xf32>
            %get3A_397 = arith.index_cast %add3A_384 : i32 to index
            %get3A_398 = arith.constant 48 : index
            %get3A_399 = tpu.vector_load %arg10[%get3A_397, %get3A_398] {strides = array<i32>} : memref<128x128xf32, #tpu.memory_space<vmem>>, vector<16xf32>,
            %add3A_400 = arith.addf %add3A_364, %get3A_399 : vector<16xf32>
            %get3A_401 = arith.index_cast %add3A_384 : i32 to index
            %get3A_402 = arith.constant 64 : index
            %get3A_403 = tpu.vector_load %arg10[%get3A_401, %get3A_402] {strides = array<i32>} : memref<128x128xf32, #tpu.memory_space<vmem>>, vector<16xf32>,
            %add3A_404 = arith.addf %add3A_368, %get3A_403 : vector<16xf32>
            %get3A_405 = arith.index_cast %add3A_384 : i32 to index
            %get3A_406 = arith.constant 80 : index
            %get3A_407 = tpu.vector_load %arg10[%get3A_405, %get3A_406] {strides = array<i32>} : memref<128x128xf32, #tpu.memory_space<vmem>>, vector<16xf32>,
            %add3A_408 = arith.addf %add3A_372, %get3A_407 : vector<16xf32>
            %get3A_409 = arith.index_cast %add3A_384 : i32 to index
            %get3A_410 = arith.constant 96 : index
            %get3A_411 = tpu.vector_load %arg10[%get3A_409, %get3A_410] {strides = array<i32>} : memref<128x128xf32, #tpu.memory_space<vmem>>, vector<16xf32>,
            %add3A_412 = arith.addf %add3A_376, %get3A_411 : vector<16xf32>
            %get3A_413 = arith.index_cast %add3A_384 : i32 to index
            %get3A_414 = arith.constant 112 : index
            %get3A_415 = tpu.vector_load %arg10[%get3A_413, %get3A_414] {strides = array<i32>} : memref<128x128xf32, #tpu.memory_space<vmem>>, vector<16xf32>,
            %add3A_416 = arith.addf %add3A_380, %get3A_415 : vector<16xf32>
            %mul3A_417 = arith.constant 16 : i32
            %mul3A_418 = arith.muli %scan3A_192, %mul3A_417 : i32
            %add3A_419 = arith.constant 6 : i32
            %add3A_420 = arith.addi %mul3A_418, %add3A_419 : i32
            %get3A_421 = arith.index_cast %add3A_420 : i32 to index
            %get3A_422 = arith.constant 0 : index
            %get3A_423 = tpu.vector_load %arg10[%get3A_421, %get3A_422] {strides = array<i32>} : memref<128x128xf32, #tpu.memory_space<vmem>>, vector<16xf32>,
            %add3A_424 = arith.addf %add3A_388, %get3A_423 : vector<16xf32>
            %get3A_425 = arith.index_cast %add3A_420 : i32 to index
            %get3A_426 = arith.constant 16 : index
            %get3A_427 = tpu.vector_load %arg10[%get3A_425, %get3A_426] {strides = array<i32>} : memref<128x128xf32, #tpu.memory_space<vmem>>, vector<16xf32>,
            %add3A_428 = arith.addf %add3A_392, %get3A_427 : vector<16xf32>
            %get3A_429 = arith.index_cast %add3A_420 : i32 to index
            %get3A_430 = arith.constant 32 : index
            %get3A_431 = tpu.vector_load %arg10[%get3A_429, %get3A_430] {strides = array<i32>} : memref<128x128xf32, #tpu.memory_space<vmem>>, vector<16xf32>,
            %add3A_432 = arith.addf %add3A_396, %get3A_431 : vector<16xf32>
            %get3A_433 = arith.index_cast %add3A_420 : i32 to index
            %get3A_434 = arith.constant 48 : index
            %get3A_435 = tpu.vector_load %arg10[%get3A_433, %get3A_434] {strides = array<i32>} : memref<128x128xf32, #tpu.memory_space<vmem>>, vector<16xf32>,
            %add3A_436 = arith.addf %add3A_400, %get3A_435 : vector<16xf32>
            %get3A_437 = arith.index_cast %add3A_420 : i32 to index
            %get3A_438 = arith.constant 64 : index
            %get3A_439 = tpu.vector_load %arg10[%get3A_437, %get3A_438] {strides = array<i32>} : memref<128x128xf32, #tpu.memory_space<vmem>>, vector<16xf32>,
            %add3A_440 = arith.addf %add3A_404, %get3A_439 : vector<16xf32>
            %get3A_441 = arith.index_cast %add3A_420 : i32 to index
            %get3A_442 = arith.constant 80 : index
            %get3A_443 = tpu.vector_load %arg10[%get3A_441, %get3A_442] {strides = array<i32>} : memref<128x128xf32, #tpu.memory_space<vmem>>, vector<16xf32>,
            %add3A_444 = arith.addf %add3A_408, %get3A_443 : vector<16xf32>
            %get3A_445 = arith.index_cast %add3A_420 : i32 to index
            %get3A_446 = arith.constant 96 : index
            %get3A_447 = tpu.vector_load %arg10[%get3A_445, %get3A_446] {strides = array<i32>} : memref<128x128xf32, #tpu.memory_space<vmem>>, vector<16xf32>,
            %add3A_448 = arith.addf %add3A_412, %get3A_447 : vector<16xf32>
            %get3A_449 = arith.index_cast %add3A_420 : i32 to index
            %get3A_450 = arith.constant 112 : index
            %get3A_451 = tpu.vector_load %arg10[%get3A_449, %get3A_450] {strides = array<i32>} : memref<128x128xf32, #tpu.memory_space<vmem>>, vector<16xf32>,
            %add3A_452 = arith.addf %add3A_416, %get3A_451 : vector<16xf32>
            %mul3A_453 = arith.constant 16 : i32
            %mul3A_454 = arith.muli %scan3A_192, %mul3A_453 : i32
            %add3A_455 = arith.constant 7 : i32
            %add3A_456 = arith.addi %mul3A_454, %add3A_455 : i32
            %get3A_457 = arith.index_cast %add3A_456 : i32 to index
            %get3A_458 = arith.constant 0 : index
            %get3A_459 = tpu.vector_load %arg10[%get3A_457, %get3A_458] {strides = array<i32>} : memref<128x128xf32, #tpu.memory_space<vmem>>, vector<16xf32>,
            %add3A_460 = arith.addf %add3A_424, %get3A_459 : vector<16xf32>
            %get3A_461 = arith.index_cast %add3A_456 : i32 to index
            %get3A_462 = arith.constant 16 : index
            %get3A_463 = tpu.vector_load %arg10[%get3A_461, %get3A_462] {strides = array<i32>} : memref<128x128xf32, #tpu.memory_space<vmem>>, vector<16xf32>,
            %add3A_464 = arith.addf %add3A_428, %get3A_463 : vector<16xf32>
            %get3A_465 = arith.index_cast %add3A_456 : i32 to index
            %get3A_466 = arith.constant 32 : index
            %get3A_467 = tpu.vector_load %arg10[%get3A_465, %get3A_466] {strides = array<i32>} : memref<128x128xf32, #tpu.memory_space<vmem>>, vector<16xf32>,
            %add3A_468 = arith.addf %add3A_432, %get3A_467 : vector<16xf32>
            %get3A_469 = arith.index_cast %add3A_456 : i32 to index
            %get3A_470 = arith.constant 48 : index
            %get3A_471 = tpu.vector_load %arg10[%get3A_469, %get3A_470] {strides = array<i32>} : memref<128x128xf32, #tpu.memory_space<vmem>>, vector<16xf32>,
            %add3A_472 = arith.addf %add3A_436, %get3A_471 : vector<16xf32>
            %get3A_473 = arith.index_cast %add3A_456 : i32 to index
            %get3A_474 = arith.constant 64 : index
            %get3A_475 = tpu.vector_load %arg10[%get3A_473, %get3A_474] {strides = array<i32>} : memref<128x128xf32, #tpu.memory_space<vmem>>, vector<16xf32>,
            %add3A_476 = arith.addf %add3A_440, %get3A_475 : vector<16xf32>
            %get3A_477 = arith.index_cast %add3A_456 : i32 to index
            %get3A_478 = arith.constant 80 : index
            %get3A_479 = tpu.vector_load %arg10[%get3A_477, %get3A_478] {strides = array<i32>} : memref<128x128xf32, #tpu.memory_space<vmem>>, vector<16xf32>,
            %add3A_480 = arith.addf %add3A_444, %get3A_479 : vector<16xf32>
            %get3A_481 = arith.index_cast %add3A_456 : i32 to index
            %get3A_482 = arith.constant 96 : index
            %get3A_483 = tpu.vector_load %arg10[%get3A_481, %get3A_482] {strides = array<i32>} : memref<128x128xf32, #tpu.memory_space<vmem>>, vector<16xf32>,
            %add3A_484 = arith.addf %add3A_448, %get3A_483 : vector<16xf32>
            %get3A_485 = arith.index_cast %add3A_456 : i32 to index
            %get3A_486 = arith.constant 112 : index
            %get3A_487 = tpu.vector_load %arg10[%get3A_485, %get3A_486] {strides = array<i32>} : memref<128x128xf32, #tpu.memory_space<vmem>>, vector<16xf32>,
            %add3A_488 = arith.addf %add3A_452, %get3A_487 : vector<16xf32>
            %mul3A_489 = arith.constant 16 : i32
            %mul3A_490 = arith.muli %scan3A_192, %mul3A_489 : i32
            %add3A_491 = arith.constant 8 : i32
            %add3A_492 = arith.addi %mul3A_490, %add3A_491 : i32
            %get3A_493 = arith.index_cast %add3A_492 : i32 to index
            %get3A_494 = arith.constant 0 : index
            %get3A_495 = tpu.vector_load %arg10[%get3A_493, %get3A_494] {strides = array<i32>} : memref<128x128xf32, #tpu.memory_space<vmem>>, vector<16xf32>,
            %add3A_496 = arith.addf %add3A_460, %get3A_495 : vector<16xf32>
            %get3A_497 = arith.index_cast %add3A_492 : i32 to index
            %get3A_498 = arith.constant 16 : index
            %get3A_499 = tpu.vector_load %arg10[%get3A_497, %get3A_498] {strides = array<i32>} : memref<128x128xf32, #tpu.memory_space<vmem>>, vector<16xf32>,
            %add3A_500 = arith.addf %add3A_464, %get3A_499 : vector<16xf32>
            %get3A_501 = arith.index_cast %add3A_492 : i32 to index
            %get3A_502 = arith.constant 32 : index
            %get3A_503 = tpu.vector_load %arg10[%get3A_501, %get3A_502] {strides = array<i32>} : memref<128x128xf32, #tpu.memory_space<vmem>>, vector<16xf32>,
            %add3A_504 = arith.addf %add3A_468, %get3A_503 : vector<16xf32>
            %get3A_505 = arith.index_cast %add3A_492 : i32 to index
            %get3A_506 = arith.constant 48 : index
            %get3A_507 = tpu.vector_load %arg10[%get3A_505, %get3A_506] {strides = array<i32>} : memref<128x128xf32, #tpu.memory_space<vmem>>, vector<16xf32>,
            %add3A_508 = arith.addf %add3A_472, %get3A_507 : vector<16xf32>
            %get3A_509 = arith.index_cast %add3A_492 : i32 to index
            %get3A_510 = arith.constant 64 : index
            %get3A_511 = tpu.vector_load %arg10[%get3A_509, %get3A_510] {strides = array<i32>} : memref<128x128xf32, #tpu.memory_space<vmem>>, vector<16xf32>,
            %add3A_512 = arith.addf %add3A_476, %get3A_511 : vector<16xf32>
            %get3A_513 = arith.index_cast %add3A_492 : i32 to index
            %get3A_514 = arith.constant 80 : index
            %get3A_515 = tpu.vector_load %arg10[%get3A_513, %get3A_514] {strides = array<i32>} : memref<128x128xf32, #tpu.memory_space<vmem>>, vector<16xf32>,
            %add3A_516 = arith.addf %add3A_480, %get3A_515 : vector<16xf32>
            %get3A_517 = arith.index_cast %add3A_492 : i32 to index
            %get3A_518 = arith.constant 96 : index
            %get3A_519 = tpu.vector_load %arg10[%get3A_517, %get3A_518] {strides = array<i32>} : memref<128x128xf32, #tpu.memory_space<vmem>>, vector<16xf32>,
            %add3A_520 = arith.addf %add3A_484, %get3A_519 : vector<16xf32>
            %get3A_521 = arith.index_cast %add3A_492 : i32 to index
            %get3A_522 = arith.constant 112 : index
            %get3A_523 = tpu.vector_load %arg10[%get3A_521, %get3A_522] {strides = array<i32>} : memref<128x128xf32, #tpu.memory_space<vmem>>, vector<16xf32>,
            %add3A_524 = arith.addf %add3A_488, %get3A_523 : vector<16xf32>
            %mul3A_525 = arith.constant 16 : i32
            %mul3A_526 = arith.muli %scan3A_192, %mul3A_525 : i32
            %add3A_527 = arith.constant 9 : i32
            %add3A_528 = arith.addi %mul3A_526, %add3A_527 : i32
            %get3A_529 = arith.index_cast %add3A_528 : i32 to index
            %get3A_530 = arith.constant 0 : index
            %get3A_531 = tpu.vector_load %arg10[%get3A_529, %get3A_530] {strides = array<i32>} : memref<128x128xf32, #tpu.memory_space<vmem>>, vector<16xf32>,
            %add3A_532 = arith.addf %add3A_496, %get3A_531 : vector<16xf32>
            %get3A_533 = arith.index_cast %add3A_528 : i32 to index
            %get3A_534 = arith.constant 16 : index
            %get3A_535 = tpu.vector_load %arg10[%get3A_533, %get3A_534] {strides = array<i32>} : memref<128x128xf32, #tpu.memory_space<vmem>>, vector<16xf32>,
            %add3A_536 = arith.addf %add3A_500, %get3A_535 : vector<16xf32>
            %get3A_537 = arith.index_cast %add3A_528 : i32 to index
            %get3A_538 = arith.constant 32 : index
            %get3A_539 = tpu.vector_load %arg10[%get3A_537, %get3A_538] {strides = array<i32>} : memref<128x128xf32, #tpu.memory_space<vmem>>, vector<16xf32>,
            %add3A_540 = arith.addf %add3A_504, %get3A_539 : vector<16xf32>
            %get3A_541 = arith.index_cast %add3A_528 : i32 to index
            %get3A_542 = arith.constant 48 : index
            %get3A_543 = tpu.vector_load %arg10[%get3A_541, %get3A_542] {strides = array<i32>} : memref<128x128xf32, #tpu.memory_space<vmem>>, vector<16xf32>,
            %add3A_544 = arith.addf %add3A_508, %get3A_543 : vector<16xf32>
            %get3A_545 = arith.index_cast %add3A_528 : i32 to index
            %get3A_546 = arith.constant 64 : index
            %get3A_547 = tpu.vector_load %arg10[%get3A_545, %get3A_546] {strides = array<i32>} : memref<128x128xf32, #tpu.memory_space<vmem>>, vector<16xf32>,
            %add3A_548 = arith.addf %add3A_512, %get3A_547 : vector<16xf32>
            %get3A_549 = arith.index_cast %add3A_528 : i32 to index
            %get3A_550 = arith.constant 80 : index
            %get3A_551 = tpu.vector_load %arg10[%get3A_549, %get3A_550] {strides = array<i32>} : memref<128x128xf32, #tpu.memory_space<vmem>>, vector<16xf32>,
            %add3A_552 = arith.addf %add3A_516, %get3A_551 : vector<16xf32>
            %get3A_553 = arith.index_cast %add3A_528 : i32 to index
            %get3A_554 = arith.constant 96 : index
            %get3A_555 = tpu.vector_load %arg10[%get3A_553, %get3A_554] {strides = array<i32>} : memref<128x128xf32, #tpu.memory_space<vmem>>, vector<16xf32>,
            %add3A_556 = arith.addf %add3A_520, %get3A_555 : vector<16xf32>
            %get3A_557 = arith.index_cast %add3A_528 : i32 to index
            %get3A_558 = arith.constant 112 : index
            %get3A_559 = tpu.vector_load %arg10[%get3A_557, %get3A_558] {strides = array<i32>} : memref<128x128xf32, #tpu.memory_space<vmem>>, vector<16xf32>,
            %add3A_560 = arith.addf %add3A_524, %get3A_559 : vector<16xf32>
            %mul3A_561 = arith.constant 16 : i32
            %mul3A_562 = arith.muli %scan3A_192, %mul3A_561 : i32
            %add3A_563 = arith.constant 10 : i32
            %add3A_564 = arith.addi %mul3A_562, %add3A_563 : i32
            %get3A_565 = arith.index_cast %add3A_564 : i32 to index
            %get3A_566 = arith.constant 0 : index
            %get3A_567 = tpu.vector_load %arg10[%get3A_565, %get3A_566] {strides = array<i32>} : memref<128x128xf32, #tpu.memory_space<vmem>>, vector<16xf32>,
            %add3A_568 = arith.addf %add3A_532, %get3A_567 : vector<16xf32>
            %get3A_569 = arith.index_cast %add3A_564 : i32 to index
            %get3A_570 = arith.constant 16 : index
            %get3A_571 = tpu.vector_load %arg10[%get3A_569, %get3A_570] {strides = array<i32>} : memref<128x128xf32, #tpu.memory_space<vmem>>, vector<16xf32>,
            %add3A_572 = arith.addf %add3A_536, %get3A_571 : vector<16xf32>
            %get3A_573 = arith.index_cast %add3A_564 : i32 to index
            %get3A_574 = arith.constant 32 : index
            %get3A_575 = tpu.vector_load %arg10[%get3A_573, %get3A_574] {strides = array<i32>} : memref<128x128xf32, #tpu.memory_space<vmem>>, vector<16xf32>,
            %add3A_576 = arith.addf %add3A_540, %get3A_575 : vector<16xf32>
            %get3A_577 = arith.index_cast %add3A_564 : i32 to index
            %get3A_578 = arith.constant 48 : index
            %get3A_579 = tpu.vector_load %arg10[%get3A_577, %get3A_578] {strides = array<i32>} : memref<128x128xf32, #tpu.memory_space<vmem>>, vector<16xf32>,
            %add3A_580 = arith.addf %add3A_544, %get3A_579 : vector<16xf32>
            %get3A_581 = arith.index_cast %add3A_564 : i32 to index
            %get3A_582 = arith.constant 64 : index
            %get3A_583 = tpu.vector_load %arg10[%get3A_581, %get3A_582] {strides = array<i32>} : memref<128x128xf32, #tpu.memory_space<vmem>>, vector<16xf32>,
            %add3A_584 = arith.addf %add3A_548, %get3A_583 : vector<16xf32>
            %get3A_585 = arith.index_cast %add3A_564 : i32 to index
            %get3A_586 = arith.constant 80 : index
            %get3A_587 = tpu.vector_load %arg10[%get3A_585, %get3A_586] {strides = array<i32>} : memref<128x128xf32, #tpu.memory_space<vmem>>, vector<16xf32>,
            %add3A_588 = arith.addf %add3A_552, %get3A_587 : vector<16xf32>
            %get3A_589 = arith.index_cast %add3A_564 : i32 to index
            %get3A_590 = arith.constant 96 : index
            %get3A_591 = tpu.vector_load %arg10[%get3A_589, %get3A_590] {strides = array<i32>} : memref<128x128xf32, #tpu.memory_space<vmem>>, vector<16xf32>,
            %add3A_592 = arith.addf %add3A_556, %get3A_591 : vector<16xf32>
            %get3A_593 = arith.index_cast %add3A_564 : i32 to index
            %get3A_594 = arith.constant 112 : index
            %get3A_595 = tpu.vector_load %arg10[%get3A_593, %get3A_594] {strides = array<i32>} : memref<128x128xf32, #tpu.memory_space<vmem>>, vector<16xf32>,
            %add3A_596 = arith.addf %add3A_560, %get3A_595 : vector<16xf32>
            %mul3A_597 = arith.constant 16 : i32
            %mul3A_598 = arith.muli %scan3A_192, %mul3A_597 : i32
            %add3A_599 = arith.constant 11 : i32
            %add3A_600 = arith.addi %mul3A_598, %add3A_599 : i32
            %get3A_601 = arith.index_cast %add3A_600 : i32 to index
            %get3A_602 = arith.constant 0 : index
            %get3A_603 = tpu.vector_load %arg10[%get3A_601, %get3A_602] {strides = array<i32>} : memref<128x128xf32, #tpu.memory_space<vmem>>, vector<16xf32>,
            %add3A_604 = arith.addf %add3A_568, %get3A_603 : vector<16xf32>
            %get3A_605 = arith.index_cast %add3A_600 : i32 to index
            %get3A_606 = arith.constant 16 : index
            %get3A_607 = tpu.vector_load %arg10[%get3A_605, %get3A_606] {strides = array<i32>} : memref<128x128xf32, #tpu.memory_space<vmem>>, vector<16xf32>,
            %add3A_608 = arith.addf %add3A_572, %get3A_607 : vector<16xf32>
            %get3A_609 = arith.index_cast %add3A_600 : i32 to index
            %get3A_610 = arith.constant 32 : index
            %get3A_611 = tpu.vector_load %arg10[%get3A_609, %get3A_610] {strides = array<i32>} : memref<128x128xf32, #tpu.memory_space<vmem>>, vector<16xf32>,
            %add3A_612 = arith.addf %add3A_576, %get3A_611 : vector<16xf32>
            %get3A_613 = arith.index_cast %add3A_600 : i32 to index
            %get3A_614 = arith.constant 48 : index
            %get3A_615 = tpu.vector_load %arg10[%get3A_613, %get3A_614] {strides = array<i32>} : memref<128x128xf32, #tpu.memory_space<vmem>>, vector<16xf32>,
            %add3A_616 = arith.addf %add3A_580, %get3A_615 : vector<16xf32>
            %get3A_617 = arith.index_cast %add3A_600 : i32 to index
            %get3A_618 = arith.constant 64 : index
            %get3A_619 = tpu.vector_load %arg10[%get3A_617, %get3A_618] {strides = array<i32>} : memref<128x128xf32, #tpu.memory_space<vmem>>, vector<16xf32>,
            %add3A_620 = arith.addf %add3A_584, %get3A_619 : vector<16xf32>
            %get3A_621 = arith.index_cast %add3A_600 : i32 to index
            %get3A_622 = arith.constant 80 : index
            %get3A_623 = tpu.vector_load %arg10[%get3A_621, %get3A_622] {strides = array<i32>} : memref<128x128xf32, #tpu.memory_space<vmem>>, vector<16xf32>,
            %add3A_624 = arith.addf %add3A_588, %get3A_623 : vector<16xf32>
            %get3A_625 = arith.index_cast %add3A_600 : i32 to index
            %get3A_626 = arith.constant 96 : index
            %get3A_627 = tpu.vector_load %arg10[%get3A_625, %get3A_626] {strides = array<i32>} : memref<128x128xf32, #tpu.memory_space<vmem>>, vector<16xf32>,
            %add3A_628 = arith.addf %add3A_592, %get3A_627 : vector<16xf32>
            %get3A_629 = arith.index_cast %add3A_600 : i32 to index
            %get3A_630 = arith.constant 112 : index
            %get3A_631 = tpu.vector_load %arg10[%get3A_629, %get3A_630] {strides = array<i32>} : memref<128x128xf32, #tpu.memory_space<vmem>>, vector<16xf32>,
            %add3A_632 = arith.addf %add3A_596, %get3A_631 : vector<16xf32>
            %mul3A_633 = arith.constant 16 : i32
            %mul3A_634 = arith.muli %scan3A_192, %mul3A_633 : i32
            %add3A_635 = arith.constant 12 : i32
            %add3A_636 = arith.addi %mul3A_634, %add3A_635 : i32
            %get3A_637 = arith.index_cast %add3A_636 : i32 to index
            %get3A_638 = arith.constant 0 : index
            %get3A_639 = tpu.vector_load %arg10[%get3A_637, %get3A_638] {strides = array<i32>} : memref<128x128xf32, #tpu.memory_space<vmem>>, vector<16xf32>,
            %add3A_640 = arith.addf %add3A_604, %get3A_639 : vector<16xf32>
            %get3A_641 = arith.index_cast %add3A_636 : i32 to index
            %get3A_642 = arith.constant 16 : index
            %get3A_643 = tpu.vector_load %arg10[%get3A_641, %get3A_642] {strides = array<i32>} : memref<128x128xf32, #tpu.memory_space<vmem>>, vector<16xf32>,
            %add3A_644 = arith.addf %add3A_608, %get3A_643 : vector<16xf32>
            %get3A_645 = arith.index_cast %add3A_636 : i32 to index
            %get3A_646 = arith.constant 32 : index
            %get3A_647 = tpu.vector_load %arg10[%get3A_645, %get3A_646] {strides = array<i32>} : memref<128x128xf32, #tpu.memory_space<vmem>>, vector<16xf32>,
            %add3A_648 = arith.addf %add3A_612, %get3A_647 : vector<16xf32>
            %get3A_649 = arith.index_cast %add3A_636 : i32 to index
            %get3A_650 = arith.constant 48 : index
            %get3A_651 = tpu.vector_load %arg10[%get3A_649, %get3A_650] {strides = array<i32>} : memref<128x128xf32, #tpu.memory_space<vmem>>, vector<16xf32>,
            %add3A_652 = arith.addf %add3A_616, %get3A_651 : vector<16xf32>
            %get3A_653 = arith.index_cast %add3A_636 : i32 to index
            %get3A_654 = arith.constant 64 : index
            %get3A_655 = tpu.vector_load %arg10[%get3A_653, %get3A_654] {strides = array<i32>} : memref<128x128xf32, #tpu.memory_space<vmem>>, vector<16xf32>,
            %add3A_656 = arith.addf %add3A_620, %get3A_655 : vector<16xf32>
            %get3A_657 = arith.index_cast %add3A_636 : i32 to index
            %get3A_658 = arith.constant 80 : index
            %get3A_659 = tpu.vector_load %arg10[%get3A_657, %get3A_658] {strides = array<i32>} : memref<128x128xf32, #tpu.memory_space<vmem>>, vector<16xf32>,
            %add3A_660 = arith.addf %add3A_624, %get3A_659 : vector<16xf32>
            %get3A_661 = arith.index_cast %add3A_636 : i32 to index
            %get3A_662 = arith.constant 96 : index
            %get3A_663 = tpu.vector_load %arg10[%get3A_661, %get3A_662] {strides = array<i32>} : memref<128x128xf32, #tpu.memory_space<vmem>>, vector<16xf32>,
            %add3A_664 = arith.addf %add3A_628, %get3A_663 : vector<16xf32>
            %get3A_665 = arith.index_cast %add3A_636 : i32 to index
            %get3A_666 = arith.constant 112 : index
            %get3A_667 = tpu.vector_load %arg10[%get3A_665, %get3A_666] {strides = array<i32>} : memref<128x128xf32, #tpu.memory_space<vmem>>, vector<16xf32>,
            %add3A_668 = arith.addf %add3A_632, %get3A_667 : vector<16xf32>
            %mul3A_669 = arith.constant 16 : i32
            %mul3A_670 = arith.muli %scan3A_192, %mul3A_669 : i32
            %add3A_671 = arith.constant 13 : i32
            %add3A_672 = arith.addi %mul3A_670, %add3A_671 : i32
            %get3A_673 = arith.index_cast %add3A_672 : i32 to index
            %get3A_674 = arith.constant 0 : index
            %get3A_675 = tpu.vector_load %arg10[%get3A_673, %get3A_674] {strides = array<i32>} : memref<128x128xf32, #tpu.memory_space<vmem>>, vector<16xf32>,
            %add3A_676 = arith.addf %add3A_640, %get3A_675 : vector<16xf32>
            %get3A_677 = arith.index_cast %add3A_672 : i32 to index
            %get3A_678 = arith.constant 16 : index
            %get3A_679 = tpu.vector_load %arg10[%get3A_677, %get3A_678] {strides = array<i32>} : memref<128x128xf32, #tpu.memory_space<vmem>>, vector<16xf32>,
            %add3A_680 = arith.addf %add3A_644, %get3A_679 : vector<16xf32>
            %get3A_681 = arith.index_cast %add3A_672 : i32 to index
            %get3A_682 = arith.constant 32 : index
            %get3A_683 = tpu.vector_load %arg10[%get3A_681, %get3A_682] {strides = array<i32>} : memref<128x128xf32, #tpu.memory_space<vmem>>, vector<16xf32>,
            %add3A_684 = arith.addf %add3A_648, %get3A_683 : vector<16xf32>
            %get3A_685 = arith.index_cast %add3A_672 : i32 to index
            %get3A_686 = arith.constant 48 : index
            %get3A_687 = tpu.vector_load %arg10[%get3A_685, %get3A_686] {strides = array<i32>} : memref<128x128xf32, #tpu.memory_space<vmem>>, vector<16xf32>,
            %add3A_688 = arith.addf %add3A_652, %get3A_687 : vector<16xf32>
            %get3A_689 = arith.index_cast %add3A_672 : i32 to index
            %get3A_690 = arith.constant 64 : index
            %get3A_691 = tpu.vector_load %arg10[%get3A_689, %get3A_690] {strides = array<i32>} : memref<128x128xf32, #tpu.memory_space<vmem>>, vector<16xf32>,
            %add3A_692 = arith.addf %add3A_656, %get3A_691 : vector<16xf32>
            %get3A_693 = arith.index_cast %add3A_672 : i32 to index
            %get3A_694 = arith.constant 80 : index
            %get3A_695 = tpu.vector_load %arg10[%get3A_693, %get3A_694] {strides = array<i32>} : memref<128x128xf32, #tpu.memory_space<vmem>>, vector<16xf32>,
            %add3A_696 = arith.addf %add3A_660, %get3A_695 : vector<16xf32>
            %get3A_697 = arith.index_cast %add3A_672 : i32 to index
            %get3A_698 = arith.constant 96 : index
            %get3A_699 = tpu.vector_load %arg10[%get3A_697, %get3A_698] {strides = array<i32>} : memref<128x128xf32, #tpu.memory_space<vmem>>, vector<16xf32>,
            %add3A_700 = arith.addf %add3A_664, %get3A_699 : vector<16xf32>
            %get3A_701 = arith.index_cast %add3A_672 : i32 to index
            %get3A_702 = arith.constant 112 : index
            %get3A_703 = tpu.vector_load %arg10[%get3A_701, %get3A_702] {strides = array<i32>} : memref<128x128xf32, #tpu.memory_space<vmem>>, vector<16xf32>,
            %add3A_704 = arith.addf %add3A_668, %get3A_703 : vector<16xf32>
            %mul3A_705 = arith.constant 16 : i32
            %mul3A_706 = arith.muli %scan3A_192, %mul3A_705 : i32
            %add3A_707 = arith.constant 14 : i32
            %add3A_708 = arith.addi %mul3A_706, %add3A_707 : i32
            %get3A_709 = arith.index_cast %add3A_708 : i32 to index
            %get3A_710 = arith.constant 0 : index
            %get3A_711 = tpu.vector_load %arg10[%get3A_709, %get3A_710] {strides = array<i32>} : memref<128x128xf32, #tpu.memory_space<vmem>>, vector<16xf32>,
            %add3A_712 = arith.addf %add3A_676, %get3A_711 : vector<16xf32>
            %get3A_713 = arith.index_cast %add3A_708 : i32 to index
            %get3A_714 = arith.constant 16 : index
            %get3A_715 = tpu.vector_load %arg10[%get3A_713, %get3A_714] {strides = array<i32>} : memref<128x128xf32, #tpu.memory_space<vmem>>, vector<16xf32>,
            %add3A_716 = arith.addf %add3A_680, %get3A_715 : vector<16xf32>
            %get3A_717 = arith.index_cast %add3A_708 : i32 to index
            %get3A_718 = arith.constant 32 : index
            %get3A_719 = tpu.vector_load %arg10[%get3A_717, %get3A_718] {strides = array<i32>} : memref<128x128xf32, #tpu.memory_space<vmem>>, vector<16xf32>,
            %add3A_720 = arith.addf %add3A_684, %get3A_719 : vector<16xf32>
            %get3A_721 = arith.index_cast %add3A_708 : i32 to index
            %get3A_722 = arith.constant 48 : index
            %get3A_723 = tpu.vector_load %arg10[%get3A_721, %get3A_722] {strides = array<i32>} : memref<128x128xf32, #tpu.memory_space<vmem>>, vector<16xf32>,
            %add3A_724 = arith.addf %add3A_688, %get3A_723 : vector<16xf32>
            %get3A_725 = arith.index_cast %add3A_708 : i32 to index
            %get3A_726 = arith.constant 64 : index
            %get3A_727 = tpu.vector_load %arg10[%get3A_725, %get3A_726] {strides = array<i32>} : memref<128x128xf32, #tpu.memory_space<vmem>>, vector<16xf32>,
            %add3A_728 = arith.addf %add3A_692, %get3A_727 : vector<16xf32>
            %get3A_729 = arith.index_cast %add3A_708 : i32 to index
            %get3A_730 = arith.constant 80 : index
            %get3A_731 = tpu.vector_load %arg10[%get3A_729, %get3A_730] {strides = array<i32>} : memref<128x128xf32, #tpu.memory_space<vmem>>, vector<16xf32>,
            %add3A_732 = arith.addf %add3A_696, %get3A_731 : vector<16xf32>
            %get3A_733 = arith.index_cast %add3A_708 : i32 to index
            %get3A_734 = arith.constant 96 : index
            %get3A_735 = tpu.vector_load %arg10[%get3A_733, %get3A_734] {strides = array<i32>} : memref<128x128xf32, #tpu.memory_space<vmem>>, vector<16xf32>,
            %add3A_736 = arith.addf %add3A_700, %get3A_735 : vector<16xf32>
            %get3A_737 = arith.index_cast %add3A_708 : i32 to index
            %get3A_738 = arith.constant 112 : index
            %get3A_739 = tpu.vector_load %arg10[%get3A_737, %get3A_738] {strides = array<i32>} : memref<128x128xf32, #tpu.memory_space<vmem>>, vector<16xf32>,
            %add3A_740 = arith.addf %add3A_704, %get3A_739 : vector<16xf32>
            %mul3A_741 = arith.constant 16 : i32
            %mul3A_742 = arith.muli %scan3A_192, %mul3A_741 : i32
            %add3A_743 = arith.constant 15 : i32
            %add3A_744 = arith.addi %mul3A_742, %add3A_743 : i32
            %get3A_745 = arith.index_cast %add3A_744 : i32 to index
            %get3A_746 = arith.constant 0 : index
            %get3A_747 = tpu.vector_load %arg10[%get3A_745, %get3A_746] {strides = array<i32>} : memref<128x128xf32, #tpu.memory_space<vmem>>, vector<16xf32>,
            %add3A_748 = arith.addf %add3A_712, %get3A_747 : vector<16xf32>
            %get3A_749 = arith.index_cast %add3A_744 : i32 to index
            %get3A_750 = arith.constant 16 : index
            %get3A_751 = tpu.vector_load %arg10[%get3A_749, %get3A_750] {strides = array<i32>} : memref<128x128xf32, #tpu.memory_space<vmem>>, vector<16xf32>,
            %add3A_752 = arith.addf %add3A_716, %get3A_751 : vector<16xf32>
            %get3A_753 = arith.index_cast %add3A_744 : i32 to index
            %get3A_754 = arith.constant 32 : index
            %get3A_755 = tpu.vector_load %arg10[%get3A_753, %get3A_754] {strides = array<i32>} : memref<128x128xf32, #tpu.memory_space<vmem>>, vector<16xf32>,
            %add3A_756 = arith.addf %add3A_720, %get3A_755 : vector<16xf32>
            %get3A_757 = arith.index_cast %add3A_744 : i32 to index
            %get3A_758 = arith.constant 48 : index
            %get3A_759 = tpu.vector_load %arg10[%get3A_757, %get3A_758] {strides = array<i32>} : memref<128x128xf32, #tpu.memory_space<vmem>>, vector<16xf32>,
            %add3A_760 = arith.addf %add3A_724, %get3A_759 : vector<16xf32>
            %get3A_761 = arith.index_cast %add3A_744 : i32 to index
            %get3A_762 = arith.constant 64 : index
            %get3A_763 = tpu.vector_load %arg10[%get3A_761, %get3A_762] {strides = array<i32>} : memref<128x128xf32, #tpu.memory_space<vmem>>, vector<16xf32>,
            %add3A_764 = arith.addf %add3A_728, %get3A_763 : vector<16xf32>
            %get3A_765 = arith.index_cast %add3A_744 : i32 to index
            %get3A_766 = arith.constant 80 : index
            %get3A_767 = tpu.vector_load %arg10[%get3A_765, %get3A_766] {strides = array<i32>} : memref<128x128xf32, #tpu.memory_space<vmem>>, vector<16xf32>,
            %add3A_768 = arith.addf %add3A_732, %get3A_767 : vector<16xf32>
            %get3A_769 = arith.index_cast %add3A_744 : i32 to index
            %get3A_770 = arith.constant 96 : index
            %get3A_771 = tpu.vector_load %arg10[%get3A_769, %get3A_770] {strides = array<i32>} : memref<128x128xf32, #tpu.memory_space<vmem>>, vector<16xf32>,
            %add3A_772 = arith.addf %add3A_736, %get3A_771 : vector<16xf32>
            %get3A_773 = arith.index_cast %add3A_744 : i32 to index
            %get3A_774 = arith.constant 112 : index
            %get3A_775 = tpu.vector_load %arg10[%get3A_773, %get3A_774] {strides = array<i32>} : memref<128x128xf32, #tpu.memory_space<vmem>>, vector<16xf32>,
            %add3A_776 = arith.addf %add3A_740, %get3A_775 : vector<16xf32>
            scf.yield %add3A_748, %add3A_752, %add3A_756, %add3A_760, %add3A_764, %add3A_768, %add3A_772, %add3A_776 : vector<16xf32>, vector<16xf32>, vector<16xf32>, vector<16xf32>, vector<16xf32>, vector<16xf32>, vector<16xf32>, vector<16xf32>
          }
          %scan3A_168 = arith.constant 8 : i32
          %swap3A = arith.index_cast %reduce_max3A_156 : i32 to index
          %swap3A_169 = arith.constant 0 : index
          %swap3A_170 = tpu.vector_load %arg8[%swap3A, %swap3A_169] {strides = array<i32>} : memref<256x128xf32, #tpu.memory_space<vmem>>, vector<16xf32>,
          tpu.vector_store %arg8[%swap3A, %swap3A_169], %scan3A_167#0 {add = true, strides = array<i32>} : memref<256x128xf32, #tpu.memory_space<vmem>>, vector<16xf32>,
          %swap3A_171 = arith.index_cast %reduce_max3A_156 : i32 to index
          %swap3A_172 = arith.constant 16 : index
          %swap3A_173 = tpu.vector_load %arg8[%swap3A_171, %swap3A_172] {strides = array<i32>} : memref<256x128xf32, #tpu.memory_space<vmem>>, vector<16xf32>,
          tpu.vector_store %arg8[%swap3A_171, %swap3A_172], %scan3A_167#1 {add = true, strides = array<i32>} : memref<256x128xf32, #tpu.memory_space<vmem>>, vector<16xf32>,
          %swap3A_174 = arith.index_cast %reduce_max3A_156 : i32 to index
          %swap3A_175 = arith.constant 32 : index
          %swap3A_176 = tpu.vector_load %arg8[%swap3A_174, %swap3A_175] {strides = array<i32>} : memref<256x128xf32, #tpu.memory_space<vmem>>, vector<16xf32>,
          tpu.vector_store %arg8[%swap3A_174, %swap3A_175], %scan3A_167#2 {add = true, strides = array<i32>} : memref<256x128xf32, #tpu.memory_space<vmem>>, vector<16xf32>,
          %swap3A_177 = arith.index_cast %reduce_max3A_156 : i32 to index
          %swap3A_178 = arith.constant 48 : index
          %swap3A_179 = tpu.vector_load %arg8[%swap3A_177, %swap3A_178] {strides = array<i32>} : memref<256x128xf32, #tpu.memory_space<vmem>>, vector<16xf32>,
          tpu.vector_store %arg8[%swap3A_177, %swap3A_178], %scan3A_167#3 {add = true, strides = array<i32>} : memref<256x128xf32, #tpu.memory_space<vmem>>, vector<16xf32>,
          %swap3A_180 = arith.index_cast %reduce_max3A_156 : i32 to index
          %swap3A_181 = arith.constant 64 : index
          %swap3A_182 = tpu.vector_load %arg8[%swap3A_180, %swap3A_181] {strides = array<i32>} : memref<256x128xf32, #tpu.memory_space<vmem>>, vector<16xf32>,
          tpu.vector_store %arg8[%swap3A_180, %swap3A_181], %scan3A_167#4 {add = true, strides = array<i32>} : memref<256x128xf32, #tpu.memory_space<vmem>>, vector<16xf32>,
          %swap3A_183 = arith.index_cast %reduce_max3A_156 : i32 to index
          %swap3A_184 = arith.constant 80 : index
          %swap3A_185 = tpu.vector_load %arg8[%swap3A_183, %swap3A_184] {strides = array<i32>} : memref<256x128xf32, #tpu.memory_space<vmem>>, vector<16xf32>,
          tpu.vector_store %arg8[%swap3A_183, %swap3A_184], %scan3A_167#5 {add = true, strides = array<i32>} : memref<256x128xf32, #tpu.memory_space<vmem>>, vector<16xf32>,
          %swap3A_186 = arith.index_cast %reduce_max3A_156 : i32 to index
          %swap3A_187 = arith.constant 96 : index
          %swap3A_188 = tpu.vector_load %arg8[%swap3A_186, %swap3A_187] {strides = array<i32>} : memref<256x128xf32, #tpu.memory_space<vmem>>, vector<16xf32>,
          tpu.vector_store %arg8[%swap3A_186, %swap3A_187], %scan3A_167#6 {add = true, strides = array<i32>} : memref<256x128xf32, #tpu.memory_space<vmem>>, vector<16xf32>,
          %swap3A_189 = arith.index_cast %reduce_max3A_156 : i32 to index
          %swap3A_190 = arith.constant 112 : index
          %swap3A_191 = tpu.vector_load %arg8[%swap3A_189, %swap3A_190] {strides = array<i32>} : memref<256x128xf32, #tpu.memory_space<vmem>>, vector<16xf32>,
          tpu.vector_store %arg8[%swap3A_189, %swap3A_190], %scan3A_167#7 {add = true, strides = array<i32>} : memref<256x128xf32, #tpu.memory_space<vmem>>, vector<16xf32>,
        } else {
        }
        %ne3A = arith.cmpi ne, %reduce_max3A_156, %reduce_min3A_146 : i32
        %convert_element_type3A_160 = arith.extui %ne3A : i1 to i32
        %cond3A_161 = arith.constant 0 : i32
        %cond3A_162 = arith.cmpi ne, %convert_element_type3A_160, %cond3A_161 : i32
        scf.if %cond3A_162 {
          "tpu.region"() ({
            %run_scoped3A = tpu.sem_alloc : memref<!tpu.dma_semaphore, #tpu.memory_space<semaphore_mem>>
            %dma_start3A_163 = arith.constant 0 : i32
            %dma_start3A_164 = tpu.memref_slice %arg6[%add3A_102, %dma_start3A_163] : memref<79x128xi32, #tpu.memory_space<vmem>> -> memref<1x128xi32, #tpu.memory_space<vmem>>
            %dma_start3A_165 = tpu.memref_squeeze %dma_start3A_164 : memref<1x128xi32, #tpu.memory_space<vmem>> -> memref<128xi32, #tpu.memory_space<vmem>>
            %dma_start3A_166 = arith.constant 0 : i32
            %dma_start3A_167 = arith.constant 0 : i32
            %dma_start3A_168 = tpu.memref_slice %arg13[%dma_start3A_166, %dma_start3A_167] : memref<256x128xf32, #tpu.memory_space<vmem_shared>> -> memref<256x128xf32, #tpu.memory_space<vmem_shared>>
            tpu.enqueue_indirect_dma source(%arg10 : memref<128x128xf32, #tpu.memory_space<vmem>>) target(%dma_start3A_168 : memref<256x128xf32, #tpu.memory_space<vmem_shared>>) offsets(%dma_start3A_165 : memref<128xi32, #tpu.memory_space<vmem>>) semaphore(%run_scoped3A : memref<!tpu.dma_semaphore, #tpu.memory_space<semaphore_mem>>) {add = true}
            %dma_wait3A_169 = arith.constant 0 : i32
            %dma_wait3A_170 = tpu.memref_slice %arg6[%add3A_102, %dma_wait3A_169] : memref<79x128xi32, #tpu.memory_space<vmem>> -> memref<1x128xi32, #tpu.memory_space<vmem>>
            %dma_wait3A_171 = tpu.memref_squeeze %dma_wait3A_170 : memref<1x128xi32, #tpu.memory_space<vmem>> -> memref<128xi32, #tpu.memory_space<vmem>>
            %dma_wait3A_172 = arith.constant 0 : i32
            %dma_wait3A_173 = arith.constant 0 : i32
            %dma_wait3A_174 = tpu.memref_slice %arg13[%dma_wait3A_172, %dma_wait3A_173] : memref<256x128xf32, #tpu.memory_space<vmem_shared>> -> memref<256x128xf32, #tpu.memory_space<vmem_shared>>
            tpu.wait_indirect_dma semaphore(%run_scoped3A : memref<!tpu.dma_semaphore, #tpu.memory_space<semaphore_mem>>) src(%arg10 : memref<128x128xf32, #tpu.memory_space<vmem>>) dst(%dma_wait3A_174 : memref<256x128xf32, #tpu.memory_space<vmem_shared>>)
            tpu.yield
          }) : () -> ()
        } else {
        }
      } else {
      }
      %mul3A_107 = arith.constant 4 : i32
      %mul3A_108 = arith.muli %mul3A_107, %scan3A_93 : i32
      %add3A_109 = arith.constant 2 : i32
      %add3A_110 = arith.addi %mul3A_108, %add3A_109 : i32
      %lt3A_111 = arith.cmpi slt, %add3A_110, %add3A_9 : i32
      %convert_element_type3A_112 = arith.extui %lt3A_111 : i1 to i32
      %cond3A_113 = arith.constant 0 : i32
      %cond3A_114 = arith.cmpi ne, %convert_element_type3A_112, %cond3A_113 : i32
      scf.if %cond3A_114 {
        %mul3A_123 = arith.constant 128 : i32
        %mul3A_124 = arith.muli %add3A_110, %mul3A_123 : i32
        %add3A_125 = arith.addi %mul3A_11, %mul3A_124 : i32
        %dma_wait3A_126 = arith.constant 0 : i32
        %dma_wait3A_127 = tpu.memref_slice %arg2[%add3A_125, %dma_wait3A_126] : memref<320000x128xf32, #tpu.memory_space<hbm>> -> memref<128x128xf32, #tpu.memory_space<hbm>>
        %dma_wait3A_128 = arith.constant 0 : i32
        %dma_wait3A_129 = tpu.memref_slice %arg2[%add3A_125, %dma_wait3A_128] : memref<320000x128xf32, #tpu.memory_space<hbm>> -> memref<128x128xf32, #tpu.memory_space<hbm>>
        tpu.wait_dma2 semaphore(%arg16 : memref<!tpu.dma_semaphore, #tpu.memory_space<semaphore_mem>>) src(%dma_wait3A_129 : memref<128x128xf32, #tpu.memory_space<hbm>>) dst(%arg11 : memref<128x128xf32, #tpu.memory_space<vmem>>)
        %add3A_130 = arith.constant 3 : i32
        %add3A_131 = arith.addi %add3A_110, %add3A_130 : i32
        %ge3A_132 = arith.constant 4 : i32
        %ge3A_133 = arith.cmpi sge, %add3A_131, %ge3A_132 : i32
        %lt3A_134 = arith.cmpi slt, %add3A_131, %add3A_9 : i32
        %and3A = arith.andi %ge3A_133, %lt3A_134 : i1
        %convert_element_type3A_135 = arith.extui %and3A : i1 to i32
        %cond3A_136 = arith.constant 0 : i32
        %cond3A_137 = arith.cmpi ne, %convert_element_type3A_135, %cond3A_136 : i32
        scf.if %cond3A_137 {
          %mul3A_163 = arith.constant 128 : i32
          %mul3A_164 = arith.muli %add3A_131, %mul3A_163 : i32
          %add3A_165 = arith.addi %mul3A_11, %mul3A_164 : i32
          %dma_start3A_166 = arith.constant 0 : i32
          %dma_start3A_167 = tpu.memref_slice %arg2[%add3A_165, %dma_start3A_166] : memref<320000x128xf32, #tpu.memory_space<hbm>> -> memref<128x128xf32, #tpu.memory_space<hbm>>
          %dma_start3A_168 = arith.constant 0 : i32
          %dma_start3A_169 = tpu.memref_slice %arg2[%add3A_165, %dma_start3A_168] : memref<320000x128xf32, #tpu.memory_space<hbm>> -> memref<128x128xf32, #tpu.memory_space<hbm>>
          tpu.enqueue_dma source(%dma_start3A_169 : memref<128x128xf32, #tpu.memory_space<hbm>>) target(%arg10 : memref<128x128xf32, #tpu.memory_space<vmem>>) target_semaphore(%arg15 : memref<!tpu.dma_semaphore, #tpu.memory_space<semaphore_mem>>)
        } else {
        }
        %get3A = arith.index_cast %add3A_110 : i32 to index
        %get3A_138 = arith.constant 0 : index
        %get3A_139 = tpu.vector_load %arg6[%get3A, %get3A_138] {strides = array<i32>} : memref<79x128xi32, #tpu.memory_space<vmem>>, vector<16xi32>,
        %reduce_min3A = arith.constant true
        %reduce_min3A_140 = vector.broadcast %reduce_min3A : i1 to vector<16xi1>
        %reduce_min3A_141 = arith.constant -2147483648 : i32
        %reduce_min3A_142 = vector.broadcast %reduce_min3A_141 : i32 to vector<16xi32>
        %reduce_min3A_143 = arith.xori %get3A_139, %reduce_min3A_142 : vector<16xi32>
        %reduce_min3A_144 = tpu.scan <min>, %reduce_min3A_143 masked %reduce_min3A_140 : vector<16xi32>, vector<16xi1> -> vector<16xi32>
        %reduce_min3A_145 = arith.xori %reduce_min3A_144, %reduce_min3A_142 : vector<16xi32>
        %reduce_min3A_146 = vector.extract %reduce_min3A_145[15] : i32 from vector<16xi32>
        %get3A_147 = arith.index_cast %add3A_110 : i32 to index
        %get3A_148 = arith.constant 112 : index
        %get3A_149 = tpu.vector_load %arg6[%get3A_147, %get3A_148] {strides = array<i32>} : memref<79x128xi32, #tpu.memory_space<vmem>>, vector<16xi32>,
        %reduce_max3A = arith.constant true
        %reduce_max3A_150 = vector.broadcast %reduce_max3A : i1 to vector<16xi1>
        %reduce_max3A_151 = arith.constant -2147483648 : i32
        %reduce_max3A_152 = vector.broadcast %reduce_max3A_151 : i32 to vector<16xi32>
        %reduce_max3A_153 = arith.xori %get3A_149, %reduce_max3A_152 : vector<16xi32>
        %reduce_max3A_154 = tpu.scan <max>, %reduce_max3A_153 masked %reduce_max3A_150 : vector<16xi32>, vector<16xi1> -> vector<16xi32>
        %reduce_max3A_155 = arith.xori %reduce_max3A_154, %reduce_max3A_152 : vector<16xi32>
        %reduce_max3A_156 = vector.extract %reduce_max3A_155[15] : i32 from vector<16xi32>
        %eq3A = arith.cmpi eq, %reduce_max3A_156, %reduce_min3A_146 : i32
        %convert_element_type3A_157 = arith.extui %eq3A : i1 to i32
        %cond3A_158 = arith.constant 0 : i32
        %cond3A_159 = arith.cmpi ne, %convert_element_type3A_157, %cond3A_158 : i32
        scf.if %cond3A_159 {
          %scan3A_163 = arith.constant 0 : i32
          %scan3A_164 = arith.constant 8 : i32
          %scan3A_165 = arith.addi %scan3A_163, %scan3A_164 : i32
          %scan3A_166 = arith.constant 1 : i32
          %scan3A_167:8 = scf.for %scan3A_192 = %scan3A_163 to %scan3A_165 step %scan3A_166 iter_args(%scan3A_193 = %broadcast_in_dim3A_12, %scan3A_194 = %broadcast_in_dim3A_12, %scan3A_195 = %broadcast_in_dim3A_12, %scan3A_196 = %broadcast_in_dim3A_12, %scan3A_197 = %broadcast_in_dim3A_12, %scan3A_198 = %broadcast_in_dim3A_12, %scan3A_199 = %broadcast_in_dim3A_12, %scan3A_200 = %broadcast_in_dim3A_12) -> (vector<16xf32>, vector<16xf32>, vector<16xf32>, vector<16xf32>, vector<16xf32>, vector<16xf32>, vector<16xf32>, vector<16xf32>)  : i32 {
            %mul3A_201 = arith.constant 16 : i32
            %mul3A_202 = arith.muli %scan3A_192, %mul3A_201 : i32
            %add3A_203 = arith.constant 0 : i32
            %add3A_204 = arith.addi %mul3A_202, %add3A_203 : i32
            %get3A_205 = arith.index_cast %add3A_204 : i32 to index
            %get3A_206 = arith.constant 0 : index
            %get3A_207 = tpu.vector_load %arg11[%get3A_205, %get3A_206] {strides = array<i32>} : memref<128x128xf32, #tpu.memory_space<vmem>>, vector<16xf32>,
            %add3A_208 = arith.addf %scan3A_193, %get3A_207 : vector<16xf32>
            %get3A_209 = arith.index_cast %add3A_204 : i32 to index
            %get3A_210 = arith.constant 16 : index
            %get3A_211 = tpu.vector_load %arg11[%get3A_209, %get3A_210] {strides = array<i32>} : memref<128x128xf32, #tpu.memory_space<vmem>>, vector<16xf32>,
            %add3A_212 = arith.addf %scan3A_194, %get3A_211 : vector<16xf32>
            %get3A_213 = arith.index_cast %add3A_204 : i32 to index
            %get3A_214 = arith.constant 32 : index
            %get3A_215 = tpu.vector_load %arg11[%get3A_213, %get3A_214] {strides = array<i32>} : memref<128x128xf32, #tpu.memory_space<vmem>>, vector<16xf32>,
            %add3A_216 = arith.addf %scan3A_195, %get3A_215 : vector<16xf32>
            %get3A_217 = arith.index_cast %add3A_204 : i32 to index
            %get3A_218 = arith.constant 48 : index
            %get3A_219 = tpu.vector_load %arg11[%get3A_217, %get3A_218] {strides = array<i32>} : memref<128x128xf32, #tpu.memory_space<vmem>>, vector<16xf32>,
            %add3A_220 = arith.addf %scan3A_196, %get3A_219 : vector<16xf32>
            %get3A_221 = arith.index_cast %add3A_204 : i32 to index
            %get3A_222 = arith.constant 64 : index
            %get3A_223 = tpu.vector_load %arg11[%get3A_221, %get3A_222] {strides = array<i32>} : memref<128x128xf32, #tpu.memory_space<vmem>>, vector<16xf32>,
            %add3A_224 = arith.addf %scan3A_197, %get3A_223 : vector<16xf32>
            %get3A_225 = arith.index_cast %add3A_204 : i32 to index
            %get3A_226 = arith.constant 80 : index
            %get3A_227 = tpu.vector_load %arg11[%get3A_225, %get3A_226] {strides = array<i32>} : memref<128x128xf32, #tpu.memory_space<vmem>>, vector<16xf32>,
            %add3A_228 = arith.addf %scan3A_198, %get3A_227 : vector<16xf32>
            %get3A_229 = arith.index_cast %add3A_204 : i32 to index
            %get3A_230 = arith.constant 96 : index
            %get3A_231 = tpu.vector_load %arg11[%get3A_229, %get3A_230] {strides = array<i32>} : memref<128x128xf32, #tpu.memory_space<vmem>>, vector<16xf32>,
            %add3A_232 = arith.addf %scan3A_199, %get3A_231 : vector<16xf32>
            %get3A_233 = arith.index_cast %add3A_204 : i32 to index
            %get3A_234 = arith.constant 112 : index
            %get3A_235 = tpu.vector_load %arg11[%get3A_233, %get3A_234] {strides = array<i32>} : memref<128x128xf32, #tpu.memory_space<vmem>>, vector<16xf32>,
            %add3A_236 = arith.addf %scan3A_200, %get3A_235 : vector<16xf32>
            %mul3A_237 = arith.constant 16 : i32
            %mul3A_238 = arith.muli %scan3A_192, %mul3A_237 : i32
            %add3A_239 = arith.constant 1 : i32
            %add3A_240 = arith.addi %mul3A_238, %add3A_239 : i32
            %get3A_241 = arith.index_cast %add3A_240 : i32 to index
            %get3A_242 = arith.constant 0 : index
            %get3A_243 = tpu.vector_load %arg11[%get3A_241, %get3A_242] {strides = array<i32>} : memref<128x128xf32, #tpu.memory_space<vmem>>, vector<16xf32>,
            %add3A_244 = arith.addf %add3A_208, %get3A_243 : vector<16xf32>
            %get3A_245 = arith.index_cast %add3A_240 : i32 to index
            %get3A_246 = arith.constant 16 : index
            %get3A_247 = tpu.vector_load %arg11[%get3A_245, %get3A_246] {strides = array<i32>} : memref<128x128xf32, #tpu.memory_space<vmem>>, vector<16xf32>,
            %add3A_248 = arith.addf %add3A_212, %get3A_247 : vector<16xf32>
            %get3A_249 = arith.index_cast %add3A_240 : i32 to index
            %get3A_250 = arith.constant 32 : index
            %get3A_251 = tpu.vector_load %arg11[%get3A_249, %get3A_250] {strides = array<i32>} : memref<128x128xf32, #tpu.memory_space<vmem>>, vector<16xf32>,
            %add3A_252 = arith.addf %add3A_216, %get3A_251 : vector<16xf32>
            %get3A_253 = arith.index_cast %add3A_240 : i32 to index
            %get3A_254 = arith.constant 48 : index
            %get3A_255 = tpu.vector_load %arg11[%get3A_253, %get3A_254] {strides = array<i32>} : memref<128x128xf32, #tpu.memory_space<vmem>>, vector<16xf32>,
            %add3A_256 = arith.addf %add3A_220, %get3A_255 : vector<16xf32>
            %get3A_257 = arith.index_cast %add3A_240 : i32 to index
            %get3A_258 = arith.constant 64 : index
            %get3A_259 = tpu.vector_load %arg11[%get3A_257, %get3A_258] {strides = array<i32>} : memref<128x128xf32, #tpu.memory_space<vmem>>, vector<16xf32>,
            %add3A_260 = arith.addf %add3A_224, %get3A_259 : vector<16xf32>
            %get3A_261 = arith.index_cast %add3A_240 : i32 to index
            %get3A_262 = arith.constant 80 : index
            %get3A_263 = tpu.vector_load %arg11[%get3A_261, %get3A_262] {strides = array<i32>} : memref<128x128xf32, #tpu.memory_space<vmem>>, vector<16xf32>,
            %add3A_264 = arith.addf %add3A_228, %get3A_263 : vector<16xf32>
            %get3A_265 = arith.index_cast %add3A_240 : i32 to index
            %get3A_266 = arith.constant 96 : index
            %get3A_267 = tpu.vector_load %arg11[%get3A_265, %get3A_266] {strides = array<i32>} : memref<128x128xf32, #tpu.memory_space<vmem>>, vector<16xf32>,
            %add3A_268 = arith.addf %add3A_232, %get3A_267 : vector<16xf32>
            %get3A_269 = arith.index_cast %add3A_240 : i32 to index
            %get3A_270 = arith.constant 112 : index
            %get3A_271 = tpu.vector_load %arg11[%get3A_269, %get3A_270] {strides = array<i32>} : memref<128x128xf32, #tpu.memory_space<vmem>>, vector<16xf32>,
            %add3A_272 = arith.addf %add3A_236, %get3A_271 : vector<16xf32>
            %mul3A_273 = arith.constant 16 : i32
            %mul3A_274 = arith.muli %scan3A_192, %mul3A_273 : i32
            %add3A_275 = arith.constant 2 : i32
            %add3A_276 = arith.addi %mul3A_274, %add3A_275 : i32
            %get3A_277 = arith.index_cast %add3A_276 : i32 to index
            %get3A_278 = arith.constant 0 : index
            %get3A_279 = tpu.vector_load %arg11[%get3A_277, %get3A_278] {strides = array<i32>} : memref<128x128xf32, #tpu.memory_space<vmem>>, vector<16xf32>,
            %add3A_280 = arith.addf %add3A_244, %get3A_279 : vector<16xf32>
            %get3A_281 = arith.index_cast %add3A_276 : i32 to index
            %get3A_282 = arith.constant 16 : index
            %get3A_283 = tpu.vector_load %arg11[%get3A_281, %get3A_282] {strides = array<i32>} : memref<128x128xf32, #tpu.memory_space<vmem>>, vector<16xf32>,
            %add3A_284 = arith.addf %add3A_248, %get3A_283 : vector<16xf32>
            %get3A_285 = arith.index_cast %add3A_276 : i32 to index
            %get3A_286 = arith.constant 32 : index
            %get3A_287 = tpu.vector_load %arg11[%get3A_285, %get3A_286] {strides = array<i32>} : memref<128x128xf32, #tpu.memory_space<vmem>>, vector<16xf32>,
            %add3A_288 = arith.addf %add3A_252, %get3A_287 : vector<16xf32>
            %get3A_289 = arith.index_cast %add3A_276 : i32 to index
            %get3A_290 = arith.constant 48 : index
            %get3A_291 = tpu.vector_load %arg11[%get3A_289, %get3A_290] {strides = array<i32>} : memref<128x128xf32, #tpu.memory_space<vmem>>, vector<16xf32>,
            %add3A_292 = arith.addf %add3A_256, %get3A_291 : vector<16xf32>
            %get3A_293 = arith.index_cast %add3A_276 : i32 to index
            %get3A_294 = arith.constant 64 : index
            %get3A_295 = tpu.vector_load %arg11[%get3A_293, %get3A_294] {strides = array<i32>} : memref<128x128xf32, #tpu.memory_space<vmem>>, vector<16xf32>,
            %add3A_296 = arith.addf %add3A_260, %get3A_295 : vector<16xf32>
            %get3A_297 = arith.index_cast %add3A_276 : i32 to index
            %get3A_298 = arith.constant 80 : index
            %get3A_299 = tpu.vector_load %arg11[%get3A_297, %get3A_298] {strides = array<i32>} : memref<128x128xf32, #tpu.memory_space<vmem>>, vector<16xf32>,
            %add3A_300 = arith.addf %add3A_264, %get3A_299 : vector<16xf32>
            %get3A_301 = arith.index_cast %add3A_276 : i32 to index
            %get3A_302 = arith.constant 96 : index
            %get3A_303 = tpu.vector_load %arg11[%get3A_301, %get3A_302] {strides = array<i32>} : memref<128x128xf32, #tpu.memory_space<vmem>>, vector<16xf32>,
            %add3A_304 = arith.addf %add3A_268, %get3A_303 : vector<16xf32>
            %get3A_305 = arith.index_cast %add3A_276 : i32 to index
            %get3A_306 = arith.constant 112 : index
            %get3A_307 = tpu.vector_load %arg11[%get3A_305, %get3A_306] {strides = array<i32>} : memref<128x128xf32, #tpu.memory_space<vmem>>, vector<16xf32>,
            %add3A_308 = arith.addf %add3A_272, %get3A_307 : vector<16xf32>
            %mul3A_309 = arith.constant 16 : i32
            %mul3A_310 = arith.muli %scan3A_192, %mul3A_309 : i32
            %add3A_311 = arith.constant 3 : i32
            %add3A_312 = arith.addi %mul3A_310, %add3A_311 : i32
            %get3A_313 = arith.index_cast %add3A_312 : i32 to index
            %get3A_314 = arith.constant 0 : index
            %get3A_315 = tpu.vector_load %arg11[%get3A_313, %get3A_314] {strides = array<i32>} : memref<128x128xf32, #tpu.memory_space<vmem>>, vector<16xf32>,
            %add3A_316 = arith.addf %add3A_280, %get3A_315 : vector<16xf32>
            %get3A_317 = arith.index_cast %add3A_312 : i32 to index
            %get3A_318 = arith.constant 16 : index
            %get3A_319 = tpu.vector_load %arg11[%get3A_317, %get3A_318] {strides = array<i32>} : memref<128x128xf32, #tpu.memory_space<vmem>>, vector<16xf32>,
            %add3A_320 = arith.addf %add3A_284, %get3A_319 : vector<16xf32>
            %get3A_321 = arith.index_cast %add3A_312 : i32 to index
            %get3A_322 = arith.constant 32 : index
            %get3A_323 = tpu.vector_load %arg11[%get3A_321, %get3A_322] {strides = array<i32>} : memref<128x128xf32, #tpu.memory_space<vmem>>, vector<16xf32>,
            %add3A_324 = arith.addf %add3A_288, %get3A_323 : vector<16xf32>
            %get3A_325 = arith.index_cast %add3A_312 : i32 to index
            %get3A_326 = arith.constant 48 : index
            %get3A_327 = tpu.vector_load %arg11[%get3A_325, %get3A_326] {strides = array<i32>} : memref<128x128xf32, #tpu.memory_space<vmem>>, vector<16xf32>,
            %add3A_328 = arith.addf %add3A_292, %get3A_327 : vector<16xf32>
            %get3A_329 = arith.index_cast %add3A_312 : i32 to index
            %get3A_330 = arith.constant 64 : index
            %get3A_331 = tpu.vector_load %arg11[%get3A_329, %get3A_330] {strides = array<i32>} : memref<128x128xf32, #tpu.memory_space<vmem>>, vector<16xf32>,
            %add3A_332 = arith.addf %add3A_296, %get3A_331 : vector<16xf32>
            %get3A_333 = arith.index_cast %add3A_312 : i32 to index
            %get3A_334 = arith.constant 80 : index
            %get3A_335 = tpu.vector_load %arg11[%get3A_333, %get3A_334] {strides = array<i32>} : memref<128x128xf32, #tpu.memory_space<vmem>>, vector<16xf32>,
            %add3A_336 = arith.addf %add3A_300, %get3A_335 : vector<16xf32>
            %get3A_337 = arith.index_cast %add3A_312 : i32 to index
            %get3A_338 = arith.constant 96 : index
            %get3A_339 = tpu.vector_load %arg11[%get3A_337, %get3A_338] {strides = array<i32>} : memref<128x128xf32, #tpu.memory_space<vmem>>, vector<16xf32>,
            %add3A_340 = arith.addf %add3A_304, %get3A_339 : vector<16xf32>
            %get3A_341 = arith.index_cast %add3A_312 : i32 to index
            %get3A_342 = arith.constant 112 : index
            %get3A_343 = tpu.vector_load %arg11[%get3A_341, %get3A_342] {strides = array<i32>} : memref<128x128xf32, #tpu.memory_space<vmem>>, vector<16xf32>,
            %add3A_344 = arith.addf %add3A_308, %get3A_343 : vector<16xf32>
            %mul3A_345 = arith.constant 16 : i32
            %mul3A_346 = arith.muli %scan3A_192, %mul3A_345 : i32
            %add3A_347 = arith.constant 4 : i32
            %add3A_348 = arith.addi %mul3A_346, %add3A_347 : i32
            %get3A_349 = arith.index_cast %add3A_348 : i32 to index
            %get3A_350 = arith.constant 0 : index
            %get3A_351 = tpu.vector_load %arg11[%get3A_349, %get3A_350] {strides = array<i32>} : memref<128x128xf32, #tpu.memory_space<vmem>>, vector<16xf32>,
            %add3A_352 = arith.addf %add3A_316, %get3A_351 : vector<16xf32>
            %get3A_353 = arith.index_cast %add3A_348 : i32 to index
            %get3A_354 = arith.constant 16 : index
            %get3A_355 = tpu.vector_load %arg11[%get3A_353, %get3A_354] {strides = array<i32>} : memref<128x128xf32, #tpu.memory_space<vmem>>, vector<16xf32>,
            %add3A_356 = arith.addf %add3A_320, %get3A_355 : vector<16xf32>
            %get3A_357 = arith.index_cast %add3A_348 : i32 to index
            %get3A_358 = arith.constant 32 : index
            %get3A_359 = tpu.vector_load %arg11[%get3A_357, %get3A_358] {strides = array<i32>} : memref<128x128xf32, #tpu.memory_space<vmem>>, vector<16xf32>,
            %add3A_360 = arith.addf %add3A_324, %get3A_359 : vector<16xf32>
            %get3A_361 = arith.index_cast %add3A_348 : i32 to index
            %get3A_362 = arith.constant 48 : index
            %get3A_363 = tpu.vector_load %arg11[%get3A_361, %get3A_362] {strides = array<i32>} : memref<128x128xf32, #tpu.memory_space<vmem>>, vector<16xf32>,
            %add3A_364 = arith.addf %add3A_328, %get3A_363 : vector<16xf32>
            %get3A_365 = arith.index_cast %add3A_348 : i32 to index
            %get3A_366 = arith.constant 64 : index
            %get3A_367 = tpu.vector_load %arg11[%get3A_365, %get3A_366] {strides = array<i32>} : memref<128x128xf32, #tpu.memory_space<vmem>>, vector<16xf32>,
            %add3A_368 = arith.addf %add3A_332, %get3A_367 : vector<16xf32>
            %get3A_369 = arith.index_cast %add3A_348 : i32 to index
            %get3A_370 = arith.constant 80 : index
            %get3A_371 = tpu.vector_load %arg11[%get3A_369, %get3A_370] {strides = array<i32>} : memref<128x128xf32, #tpu.memory_space<vmem>>, vector<16xf32>,
            %add3A_372 = arith.addf %add3A_336, %get3A_371 : vector<16xf32>
            %get3A_373 = arith.index_cast %add3A_348 : i32 to index
            %get3A_374 = arith.constant 96 : index
            %get3A_375 = tpu.vector_load %arg11[%get3A_373, %get3A_374] {strides = array<i32>} : memref<128x128xf32, #tpu.memory_space<vmem>>, vector<16xf32>,
            %add3A_376 = arith.addf %add3A_340, %get3A_375 : vector<16xf32>
            %get3A_377 = arith.index_cast %add3A_348 : i32 to index
            %get3A_378 = arith.constant 112 : index
            %get3A_379 = tpu.vector_load %arg11[%get3A_377, %get3A_378] {strides = array<i32>} : memref<128x128xf32, #tpu.memory_space<vmem>>, vector<16xf32>,
            %add3A_380 = arith.addf %add3A_344, %get3A_379 : vector<16xf32>
            %mul3A_381 = arith.constant 16 : i32
            %mul3A_382 = arith.muli %scan3A_192, %mul3A_381 : i32
            %add3A_383 = arith.constant 5 : i32
            %add3A_384 = arith.addi %mul3A_382, %add3A_383 : i32
            %get3A_385 = arith.index_cast %add3A_384 : i32 to index
            %get3A_386 = arith.constant 0 : index
            %get3A_387 = tpu.vector_load %arg11[%get3A_385, %get3A_386] {strides = array<i32>} : memref<128x128xf32, #tpu.memory_space<vmem>>, vector<16xf32>,
            %add3A_388 = arith.addf %add3A_352, %get3A_387 : vector<16xf32>
            %get3A_389 = arith.index_cast %add3A_384 : i32 to index
            %get3A_390 = arith.constant 16 : index
            %get3A_391 = tpu.vector_load %arg11[%get3A_389, %get3A_390] {strides = array<i32>} : memref<128x128xf32, #tpu.memory_space<vmem>>, vector<16xf32>,
            %add3A_392 = arith.addf %add3A_356, %get3A_391 : vector<16xf32>
            %get3A_393 = arith.index_cast %add3A_384 : i32 to index
            %get3A_394 = arith.constant 32 : index
            %get3A_395 = tpu.vector_load %arg11[%get3A_393, %get3A_394] {strides = array<i32>} : memref<128x128xf32, #tpu.memory_space<vmem>>, vector<16xf32>,
            %add3A_396 = arith.addf %add3A_360, %get3A_395 : vector<16xf32>
            %get3A_397 = arith.index_cast %add3A_384 : i32 to index
            %get3A_398 = arith.constant 48 : index
            %get3A_399 = tpu.vector_load %arg11[%get3A_397, %get3A_398] {strides = array<i32>} : memref<128x128xf32, #tpu.memory_space<vmem>>, vector<16xf32>,
            %add3A_400 = arith.addf %add3A_364, %get3A_399 : vector<16xf32>
            %get3A_401 = arith.index_cast %add3A_384 : i32 to index
            %get3A_402 = arith.constant 64 : index
            %get3A_403 = tpu.vector_load %arg11[%get3A_401, %get3A_402] {strides = array<i32>} : memref<128x128xf32, #tpu.memory_space<vmem>>, vector<16xf32>,
            %add3A_404 = arith.addf %add3A_368, %get3A_403 : vector<16xf32>
            %get3A_405 = arith.index_cast %add3A_384 : i32 to index
            %get3A_406 = arith.constant 80 : index
            %get3A_407 = tpu.vector_load %arg11[%get3A_405, %get3A_406] {strides = array<i32>} : memref<128x128xf32, #tpu.memory_space<vmem>>, vector<16xf32>,
            %add3A_408 = arith.addf %add3A_372, %get3A_407 : vector<16xf32>
            %get3A_409 = arith.index_cast %add3A_384 : i32 to index
            %get3A_410 = arith.constant 96 : index
            %get3A_411 = tpu.vector_load %arg11[%get3A_409, %get3A_410] {strides = array<i32>} : memref<128x128xf32, #tpu.memory_space<vmem>>, vector<16xf32>,
            %add3A_412 = arith.addf %add3A_376, %get3A_411 : vector<16xf32>
            %get3A_413 = arith.index_cast %add3A_384 : i32 to index
            %get3A_414 = arith.constant 112 : index
            %get3A_415 = tpu.vector_load %arg11[%get3A_413, %get3A_414] {strides = array<i32>} : memref<128x128xf32, #tpu.memory_space<vmem>>, vector<16xf32>,
            %add3A_416 = arith.addf %add3A_380, %get3A_415 : vector<16xf32>
            %mul3A_417 = arith.constant 16 : i32
            %mul3A_418 = arith.muli %scan3A_192, %mul3A_417 : i32
            %add3A_419 = arith.constant 6 : i32
            %add3A_420 = arith.addi %mul3A_418, %add3A_419 : i32
            %get3A_421 = arith.index_cast %add3A_420 : i32 to index
            %get3A_422 = arith.constant 0 : index
            %get3A_423 = tpu.vector_load %arg11[%get3A_421, %get3A_422] {strides = array<i32>} : memref<128x128xf32, #tpu.memory_space<vmem>>, vector<16xf32>,
            %add3A_424 = arith.addf %add3A_388, %get3A_423 : vector<16xf32>
            %get3A_425 = arith.index_cast %add3A_420 : i32 to index
            %get3A_426 = arith.constant 16 : index
            %get3A_427 = tpu.vector_load %arg11[%get3A_425, %get3A_426] {strides = array<i32>} : memref<128x128xf32, #tpu.memory_space<vmem>>, vector<16xf32>,
            %add3A_428 = arith.addf %add3A_392, %get3A_427 : vector<16xf32>
            %get3A_429 = arith.index_cast %add3A_420 : i32 to index
            %get3A_430 = arith.constant 32 : index
            %get3A_431 = tpu.vector_load %arg11[%get3A_429, %get3A_430] {strides = array<i32>} : memref<128x128xf32, #tpu.memory_space<vmem>>, vector<16xf32>,
            %add3A_432 = arith.addf %add3A_396, %get3A_431 : vector<16xf32>
            %get3A_433 = arith.index_cast %add3A_420 : i32 to index
            %get3A_434 = arith.constant 48 : index
            %get3A_435 = tpu.vector_load %arg11[%get3A_433, %get3A_434] {strides = array<i32>} : memref<128x128xf32, #tpu.memory_space<vmem>>, vector<16xf32>,
            %add3A_436 = arith.addf %add3A_400, %get3A_435 : vector<16xf32>
            %get3A_437 = arith.index_cast %add3A_420 : i32 to index
            %get3A_438 = arith.constant 64 : index
            %get3A_439 = tpu.vector_load %arg11[%get3A_437, %get3A_438] {strides = array<i32>} : memref<128x128xf32, #tpu.memory_space<vmem>>, vector<16xf32>,
            %add3A_440 = arith.addf %add3A_404, %get3A_439 : vector<16xf32>
            %get3A_441 = arith.index_cast %add3A_420 : i32 to index
            %get3A_442 = arith.constant 80 : index
            %get3A_443 = tpu.vector_load %arg11[%get3A_441, %get3A_442] {strides = array<i32>} : memref<128x128xf32, #tpu.memory_space<vmem>>, vector<16xf32>,
            %add3A_444 = arith.addf %add3A_408, %get3A_443 : vector<16xf32>
            %get3A_445 = arith.index_cast %add3A_420 : i32 to index
            %get3A_446 = arith.constant 96 : index
            %get3A_447 = tpu.vector_load %arg11[%get3A_445, %get3A_446] {strides = array<i32>} : memref<128x128xf32, #tpu.memory_space<vmem>>, vector<16xf32>,
            %add3A_448 = arith.addf %add3A_412, %get3A_447 : vector<16xf32>
            %get3A_449 = arith.index_cast %add3A_420 : i32 to index
            %get3A_450 = arith.constant 112 : index
            %get3A_451 = tpu.vector_load %arg11[%get3A_449, %get3A_450] {strides = array<i32>} : memref<128x128xf32, #tpu.memory_space<vmem>>, vector<16xf32>,
            %add3A_452 = arith.addf %add3A_416, %get3A_451 : vector<16xf32>
            %mul3A_453 = arith.constant 16 : i32
            %mul3A_454 = arith.muli %scan3A_192, %mul3A_453 : i32
            %add3A_455 = arith.constant 7 : i32
            %add3A_456 = arith.addi %mul3A_454, %add3A_455 : i32
            %get3A_457 = arith.index_cast %add3A_456 : i32 to index
            %get3A_458 = arith.constant 0 : index
            %get3A_459 = tpu.vector_load %arg11[%get3A_457, %get3A_458] {strides = array<i32>} : memref<128x128xf32, #tpu.memory_space<vmem>>, vector<16xf32>,
            %add3A_460 = arith.addf %add3A_424, %get3A_459 : vector<16xf32>
            %get3A_461 = arith.index_cast %add3A_456 : i32 to index
            %get3A_462 = arith.constant 16 : index
            %get3A_463 = tpu.vector_load %arg11[%get3A_461, %get3A_462] {strides = array<i32>} : memref<128x128xf32, #tpu.memory_space<vmem>>, vector<16xf32>,
            %add3A_464 = arith.addf %add3A_428, %get3A_463 : vector<16xf32>
            %get3A_465 = arith.index_cast %add3A_456 : i32 to index
            %get3A_466 = arith.constant 32 : index
            %get3A_467 = tpu.vector_load %arg11[%get3A_465, %get3A_466] {strides = array<i32>} : memref<128x128xf32, #tpu.memory_space<vmem>>, vector<16xf32>,
            %add3A_468 = arith.addf %add3A_432, %get3A_467 : vector<16xf32>
            %get3A_469 = arith.index_cast %add3A_456 : i32 to index
            %get3A_470 = arith.constant 48 : index
            %get3A_471 = tpu.vector_load %arg11[%get3A_469, %get3A_470] {strides = array<i32>} : memref<128x128xf32, #tpu.memory_space<vmem>>, vector<16xf32>,
            %add3A_472 = arith.addf %add3A_436, %get3A_471 : vector<16xf32>
            %get3A_473 = arith.index_cast %add3A_456 : i32 to index
            %get3A_474 = arith.constant 64 : index
            %get3A_475 = tpu.vector_load %arg11[%get3A_473, %get3A_474] {strides = array<i32>} : memref<128x128xf32, #tpu.memory_space<vmem>>, vector<16xf32>,
            %add3A_476 = arith.addf %add3A_440, %get3A_475 : vector<16xf32>
            %get3A_477 = arith.index_cast %add3A_456 : i32 to index
            %get3A_478 = arith.constant 80 : index
            %get3A_479 = tpu.vector_load %arg11[%get3A_477, %get3A_478] {strides = array<i32>} : memref<128x128xf32, #tpu.memory_space<vmem>>, vector<16xf32>,
            %add3A_480 = arith.addf %add3A_444, %get3A_479 : vector<16xf32>
            %get3A_481 = arith.index_cast %add3A_456 : i32 to index
            %get3A_482 = arith.constant 96 : index
            %get3A_483 = tpu.vector_load %arg11[%get3A_481, %get3A_482] {strides = array<i32>} : memref<128x128xf32, #tpu.memory_space<vmem>>, vector<16xf32>,
            %add3A_484 = arith.addf %add3A_448, %get3A_483 : vector<16xf32>
            %get3A_485 = arith.index_cast %add3A_456 : i32 to index
            %get3A_486 = arith.constant 112 : index
            %get3A_487 = tpu.vector_load %arg11[%get3A_485, %get3A_486] {strides = array<i32>} : memref<128x128xf32, #tpu.memory_space<vmem>>, vector<16xf32>,
            %add3A_488 = arith.addf %add3A_452, %get3A_487 : vector<16xf32>
            %mul3A_489 = arith.constant 16 : i32
            %mul3A_490 = arith.muli %scan3A_192, %mul3A_489 : i32
            %add3A_491 = arith.constant 8 : i32
            %add3A_492 = arith.addi %mul3A_490, %add3A_491 : i32
            %get3A_493 = arith.index_cast %add3A_492 : i32 to index
            %get3A_494 = arith.constant 0 : index
            %get3A_495 = tpu.vector_load %arg11[%get3A_493, %get3A_494] {strides = array<i32>} : memref<128x128xf32, #tpu.memory_space<vmem>>, vector<16xf32>,
            %add3A_496 = arith.addf %add3A_460, %get3A_495 : vector<16xf32>
            %get3A_497 = arith.index_cast %add3A_492 : i32 to index
            %get3A_498 = arith.constant 16 : index
            %get3A_499 = tpu.vector_load %arg11[%get3A_497, %get3A_498] {strides = array<i32>} : memref<128x128xf32, #tpu.memory_space<vmem>>, vector<16xf32>,
            %add3A_500 = arith.addf %add3A_464, %get3A_499 : vector<16xf32>
            %get3A_501 = arith.index_cast %add3A_492 : i32 to index
            %get3A_502 = arith.constant 32 : index
            %get3A_503 = tpu.vector_load %arg11[%get3A_501, %get3A_502] {strides = array<i32>} : memref<128x128xf32, #tpu.memory_space<vmem>>, vector<16xf32>,
            %add3A_504 = arith.addf %add3A_468, %get3A_503 : vector<16xf32>
            %get3A_505 = arith.index_cast %add3A_492 : i32 to index
            %get3A_506 = arith.constant 48 : index
            %get3A_507 = tpu.vector_load %arg11[%get3A_505, %get3A_506] {strides = array<i32>} : memref<128x128xf32, #tpu.memory_space<vmem>>, vector<16xf32>,
            %add3A_508 = arith.addf %add3A_472, %get3A_507 : vector<16xf32>
            %get3A_509 = arith.index_cast %add3A_492 : i32 to index
            %get3A_510 = arith.constant 64 : index
            %get3A_511 = tpu.vector_load %arg11[%get3A_509, %get3A_510] {strides = array<i32>} : memref<128x128xf32, #tpu.memory_space<vmem>>, vector<16xf32>,
            %add3A_512 = arith.addf %add3A_476, %get3A_511 : vector<16xf32>
            %get3A_513 = arith.index_cast %add3A_492 : i32 to index
            %get3A_514 = arith.constant 80 : index
            %get3A_515 = tpu.vector_load %arg11[%get3A_513, %get3A_514] {strides = array<i32>} : memref<128x128xf32, #tpu.memory_space<vmem>>, vector<16xf32>,
            %add3A_516 = arith.addf %add3A_480, %get3A_515 : vector<16xf32>
            %get3A_517 = arith.index_cast %add3A_492 : i32 to index
            %get3A_518 = arith.constant 96 : index
            %get3A_519 = tpu.vector_load %arg11[%get3A_517, %get3A_518] {strides = array<i32>} : memref<128x128xf32, #tpu.memory_space<vmem>>, vector<16xf32>,
            %add3A_520 = arith.addf %add3A_484, %get3A_519 : vector<16xf32>
            %get3A_521 = arith.index_cast %add3A_492 : i32 to index
            %get3A_522 = arith.constant 112 : index
            %get3A_523 = tpu.vector_load %arg11[%get3A_521, %get3A_522] {strides = array<i32>} : memref<128x128xf32, #tpu.memory_space<vmem>>, vector<16xf32>,
            %add3A_524 = arith.addf %add3A_488, %get3A_523 : vector<16xf32>
            %mul3A_525 = arith.constant 16 : i32
            %mul3A_526 = arith.muli %scan3A_192, %mul3A_525 : i32
            %add3A_527 = arith.constant 9 : i32
            %add3A_528 = arith.addi %mul3A_526, %add3A_527 : i32
            %get3A_529 = arith.index_cast %add3A_528 : i32 to index
            %get3A_530 = arith.constant 0 : index
            %get3A_531 = tpu.vector_load %arg11[%get3A_529, %get3A_530] {strides = array<i32>} : memref<128x128xf32, #tpu.memory_space<vmem>>, vector<16xf32>,
            %add3A_532 = arith.addf %add3A_496, %get3A_531 : vector<16xf32>
            %get3A_533 = arith.index_cast %add3A_528 : i32 to index
            %get3A_534 = arith.constant 16 : index
            %get3A_535 = tpu.vector_load %arg11[%get3A_533, %get3A_534] {strides = array<i32>} : memref<128x128xf32, #tpu.memory_space<vmem>>, vector<16xf32>,
            %add3A_536 = arith.addf %add3A_500, %get3A_535 : vector<16xf32>
            %get3A_537 = arith.index_cast %add3A_528 : i32 to index
            %get3A_538 = arith.constant 32 : index
            %get3A_539 = tpu.vector_load %arg11[%get3A_537, %get3A_538] {strides = array<i32>} : memref<128x128xf32, #tpu.memory_space<vmem>>, vector<16xf32>,
            %add3A_540 = arith.addf %add3A_504, %get3A_539 : vector<16xf32>
            %get3A_541 = arith.index_cast %add3A_528 : i32 to index
            %get3A_542 = arith.constant 48 : index
            %get3A_543 = tpu.vector_load %arg11[%get3A_541, %get3A_542] {strides = array<i32>} : memref<128x128xf32, #tpu.memory_space<vmem>>, vector<16xf32>,
            %add3A_544 = arith.addf %add3A_508, %get3A_543 : vector<16xf32>
            %get3A_545 = arith.index_cast %add3A_528 : i32 to index
            %get3A_546 = arith.constant 64 : index
            %get3A_547 = tpu.vector_load %arg11[%get3A_545, %get3A_546] {strides = array<i32>} : memref<128x128xf32, #tpu.memory_space<vmem>>, vector<16xf32>,
            %add3A_548 = arith.addf %add3A_512, %get3A_547 : vector<16xf32>
            %get3A_549 = arith.index_cast %add3A_528 : i32 to index
            %get3A_550 = arith.constant 80 : index
            %get3A_551 = tpu.vector_load %arg11[%get3A_549, %get3A_550] {strides = array<i32>} : memref<128x128xf32, #tpu.memory_space<vmem>>, vector<16xf32>,
            %add3A_552 = arith.addf %add3A_516, %get3A_551 : vector<16xf32>
            %get3A_553 = arith.index_cast %add3A_528 : i32 to index
            %get3A_554 = arith.constant 96 : index
            %get3A_555 = tpu.vector_load %arg11[%get3A_553, %get3A_554] {strides = array<i32>} : memref<128x128xf32, #tpu.memory_space<vmem>>, vector<16xf32>,
            %add3A_556 = arith.addf %add3A_520, %get3A_555 : vector<16xf32>
            %get3A_557 = arith.index_cast %add3A_528 : i32 to index
            %get3A_558 = arith.constant 112 : index
            %get3A_559 = tpu.vector_load %arg11[%get3A_557, %get3A_558] {strides = array<i32>} : memref<128x128xf32, #tpu.memory_space<vmem>>, vector<16xf32>,
            %add3A_560 = arith.addf %add3A_524, %get3A_559 : vector<16xf32>
            %mul3A_561 = arith.constant 16 : i32
            %mul3A_562 = arith.muli %scan3A_192, %mul3A_561 : i32
            %add3A_563 = arith.constant 10 : i32
            %add3A_564 = arith.addi %mul3A_562, %add3A_563 : i32
            %get3A_565 = arith.index_cast %add3A_564 : i32 to index
            %get3A_566 = arith.constant 0 : index
            %get3A_567 = tpu.vector_load %arg11[%get3A_565, %get3A_566] {strides = array<i32>} : memref<128x128xf32, #tpu.memory_space<vmem>>, vector<16xf32>,
            %add3A_568 = arith.addf %add3A_532, %get3A_567 : vector<16xf32>
            %get3A_569 = arith.index_cast %add3A_564 : i32 to index
            %get3A_570 = arith.constant 16 : index
            %get3A_571 = tpu.vector_load %arg11[%get3A_569, %get3A_570] {strides = array<i32>} : memref<128x128xf32, #tpu.memory_space<vmem>>, vector<16xf32>,
            %add3A_572 = arith.addf %add3A_536, %get3A_571 : vector<16xf32>
            %get3A_573 = arith.index_cast %add3A_564 : i32 to index
            %get3A_574 = arith.constant 32 : index
            %get3A_575 = tpu.vector_load %arg11[%get3A_573, %get3A_574] {strides = array<i32>} : memref<128x128xf32, #tpu.memory_space<vmem>>, vector<16xf32>,
            %add3A_576 = arith.addf %add3A_540, %get3A_575 : vector<16xf32>
            %get3A_577 = arith.index_cast %add3A_564 : i32 to index
            %get3A_578 = arith.constant 48 : index
            %get3A_579 = tpu.vector_load %arg11[%get3A_577, %get3A_578] {strides = array<i32>} : memref<128x128xf32, #tpu.memory_space<vmem>>, vector<16xf32>,
            %add3A_580 = arith.addf %add3A_544, %get3A_579 : vector<16xf32>
            %get3A_581 = arith.index_cast %add3A_564 : i32 to index
            %get3A_582 = arith.constant 64 : index
            %get3A_583 = tpu.vector_load %arg11[%get3A_581, %get3A_582] {strides = array<i32>} : memref<128x128xf32, #tpu.memory_space<vmem>>, vector<16xf32>,
            %add3A_584 = arith.addf %add3A_548, %get3A_583 : vector<16xf32>
            %get3A_585 = arith.index_cast %add3A_564 : i32 to index
            %get3A_586 = arith.constant 80 : index
            %get3A_587 = tpu.vector_load %arg11[%get3A_585, %get3A_586] {strides = array<i32>} : memref<128x128xf32, #tpu.memory_space<vmem>>, vector<16xf32>,
            %add3A_588 = arith.addf %add3A_552, %get3A_587 : vector<16xf32>
            %get3A_589 = arith.index_cast %add3A_564 : i32 to index
            %get3A_590 = arith.constant 96 : index
            %get3A_591 = tpu.vector_load %arg11[%get3A_589, %get3A_590] {strides = array<i32>} : memref<128x128xf32, #tpu.memory_space<vmem>>, vector<16xf32>,
            %add3A_592 = arith.addf %add3A_556, %get3A_591 : vector<16xf32>
            %get3A_593 = arith.index_cast %add3A_564 : i32 to index
            %get3A_594 = arith.constant 112 : index
            %get3A_595 = tpu.vector_load %arg11[%get3A_593, %get3A_594] {strides = array<i32>} : memref<128x128xf32, #tpu.memory_space<vmem>>, vector<16xf32>,
            %add3A_596 = arith.addf %add3A_560, %get3A_595 : vector<16xf32>
            %mul3A_597 = arith.constant 16 : i32
            %mul3A_598 = arith.muli %scan3A_192, %mul3A_597 : i32
            %add3A_599 = arith.constant 11 : i32
            %add3A_600 = arith.addi %mul3A_598, %add3A_599 : i32
            %get3A_601 = arith.index_cast %add3A_600 : i32 to index
            %get3A_602 = arith.constant 0 : index
            %get3A_603 = tpu.vector_load %arg11[%get3A_601, %get3A_602] {strides = array<i32>} : memref<128x128xf32, #tpu.memory_space<vmem>>, vector<16xf32>,
            %add3A_604 = arith.addf %add3A_568, %get3A_603 : vector<16xf32>
            %get3A_605 = arith.index_cast %add3A_600 : i32 to index
            %get3A_606 = arith.constant 16 : index
            %get3A_607 = tpu.vector_load %arg11[%get3A_605, %get3A_606] {strides = array<i32>} : memref<128x128xf32, #tpu.memory_space<vmem>>, vector<16xf32>,
            %add3A_608 = arith.addf %add3A_572, %get3A_607 : vector<16xf32>
            %get3A_609 = arith.index_cast %add3A_600 : i32 to index
            %get3A_610 = arith.constant 32 : index
            %get3A_611 = tpu.vector_load %arg11[%get3A_609, %get3A_610] {strides = array<i32>} : memref<128x128xf32, #tpu.memory_space<vmem>>, vector<16xf32>,
            %add3A_612 = arith.addf %add3A_576, %get3A_611 : vector<16xf32>
            %get3A_613 = arith.index_cast %add3A_600 : i32 to index
            %get3A_614 = arith.constant 48 : index
            %get3A_615 = tpu.vector_load %arg11[%get3A_613, %get3A_614] {strides = array<i32>} : memref<128x128xf32, #tpu.memory_space<vmem>>, vector<16xf32>,
            %add3A_616 = arith.addf %add3A_580, %get3A_615 : vector<16xf32>
            %get3A_617 = arith.index_cast %add3A_600 : i32 to index
            %get3A_618 = arith.constant 64 : index
            %get3A_619 = tpu.vector_load %arg11[%get3A_617, %get3A_618] {strides = array<i32>} : memref<128x128xf32, #tpu.memory_space<vmem>>, vector<16xf32>,
            %add3A_620 = arith.addf %add3A_584, %get3A_619 : vector<16xf32>
            %get3A_621 = arith.index_cast %add3A_600 : i32 to index
            %get3A_622 = arith.constant 80 : index
            %get3A_623 = tpu.vector_load %arg11[%get3A_621, %get3A_622] {strides = array<i32>} : memref<128x128xf32, #tpu.memory_space<vmem>>, vector<16xf32>,
            %add3A_624 = arith.addf %add3A_588, %get3A_623 : vector<16xf32>
            %get3A_625 = arith.index_cast %add3A_600 : i32 to index
            %get3A_626 = arith.constant 96 : index
            %get3A_627 = tpu.vector_load %arg11[%get3A_625, %get3A_626] {strides = array<i32>} : memref<128x128xf32, #tpu.memory_space<vmem>>, vector<16xf32>,
            %add3A_628 = arith.addf %add3A_592, %get3A_627 : vector<16xf32>
            %get3A_629 = arith.index_cast %add3A_600 : i32 to index
            %get3A_630 = arith.constant 112 : index
            %get3A_631 = tpu.vector_load %arg11[%get3A_629, %get3A_630] {strides = array<i32>} : memref<128x128xf32, #tpu.memory_space<vmem>>, vector<16xf32>,
            %add3A_632 = arith.addf %add3A_596, %get3A_631 : vector<16xf32>
            %mul3A_633 = arith.constant 16 : i32
            %mul3A_634 = arith.muli %scan3A_192, %mul3A_633 : i32
            %add3A_635 = arith.constant 12 : i32
            %add3A_636 = arith.addi %mul3A_634, %add3A_635 : i32
            %get3A_637 = arith.index_cast %add3A_636 : i32 to index
            %get3A_638 = arith.constant 0 : index
            %get3A_639 = tpu.vector_load %arg11[%get3A_637, %get3A_638] {strides = array<i32>} : memref<128x128xf32, #tpu.memory_space<vmem>>, vector<16xf32>,
            %add3A_640 = arith.addf %add3A_604, %get3A_639 : vector<16xf32>
            %get3A_641 = arith.index_cast %add3A_636 : i32 to index
            %get3A_642 = arith.constant 16 : index
            %get3A_643 = tpu.vector_load %arg11[%get3A_641, %get3A_642] {strides = array<i32>} : memref<128x128xf32, #tpu.memory_space<vmem>>, vector<16xf32>,
            %add3A_644 = arith.addf %add3A_608, %get3A_643 : vector<16xf32>
            %get3A_645 = arith.index_cast %add3A_636 : i32 to index
            %get3A_646 = arith.constant 32 : index
            %get3A_647 = tpu.vector_load %arg11[%get3A_645, %get3A_646] {strides = array<i32>} : memref<128x128xf32, #tpu.memory_space<vmem>>, vector<16xf32>,
            %add3A_648 = arith.addf %add3A_612, %get3A_647 : vector<16xf32>
            %get3A_649 = arith.index_cast %add3A_636 : i32 to index
            %get3A_650 = arith.constant 48 : index
            %get3A_651 = tpu.vector_load %arg11[%get3A_649, %get3A_650] {strides = array<i32>} : memref<128x128xf32, #tpu.memory_space<vmem>>, vector<16xf32>,
            %add3A_652 = arith.addf %add3A_616, %get3A_651 : vector<16xf32>
            %get3A_653 = arith.index_cast %add3A_636 : i32 to index
            %get3A_654 = arith.constant 64 : index
            %get3A_655 = tpu.vector_load %arg11[%get3A_653, %get3A_654] {strides = array<i32>} : memref<128x128xf32, #tpu.memory_space<vmem>>, vector<16xf32>,
            %add3A_656 = arith.addf %add3A_620, %get3A_655 : vector<16xf32>
            %get3A_657 = arith.index_cast %add3A_636 : i32 to index
            %get3A_658 = arith.constant 80 : index
            %get3A_659 = tpu.vector_load %arg11[%get3A_657, %get3A_658] {strides = array<i32>} : memref<128x128xf32, #tpu.memory_space<vmem>>, vector<16xf32>,
            %add3A_660 = arith.addf %add3A_624, %get3A_659 : vector<16xf32>
            %get3A_661 = arith.index_cast %add3A_636 : i32 to index
            %get3A_662 = arith.constant 96 : index
            %get3A_663 = tpu.vector_load %arg11[%get3A_661, %get3A_662] {strides = array<i32>} : memref<128x128xf32, #tpu.memory_space<vmem>>, vector<16xf32>,
            %add3A_664 = arith.addf %add3A_628, %get3A_663 : vector<16xf32>
            %get3A_665 = arith.index_cast %add3A_636 : i32 to index
            %get3A_666 = arith.constant 112 : index
            %get3A_667 = tpu.vector_load %arg11[%get3A_665, %get3A_666] {strides = array<i32>} : memref<128x128xf32, #tpu.memory_space<vmem>>, vector<16xf32>,
            %add3A_668 = arith.addf %add3A_632, %get3A_667 : vector<16xf32>
            %mul3A_669 = arith.constant 16 : i32
            %mul3A_670 = arith.muli %scan3A_192, %mul3A_669 : i32
            %add3A_671 = arith.constant 13 : i32
            %add3A_672 = arith.addi %mul3A_670, %add3A_671 : i32
            %get3A_673 = arith.index_cast %add3A_672 : i32 to index
            %get3A_674 = arith.constant 0 : index
            %get3A_675 = tpu.vector_load %arg11[%get3A_673, %get3A_674] {strides = array<i32>} : memref<128x128xf32, #tpu.memory_space<vmem>>, vector<16xf32>,
            %add3A_676 = arith.addf %add3A_640, %get3A_675 : vector<16xf32>
            %get3A_677 = arith.index_cast %add3A_672 : i32 to index
            %get3A_678 = arith.constant 16 : index
            %get3A_679 = tpu.vector_load %arg11[%get3A_677, %get3A_678] {strides = array<i32>} : memref<128x128xf32, #tpu.memory_space<vmem>>, vector<16xf32>,
            %add3A_680 = arith.addf %add3A_644, %get3A_679 : vector<16xf32>
            %get3A_681 = arith.index_cast %add3A_672 : i32 to index
            %get3A_682 = arith.constant 32 : index
            %get3A_683 = tpu.vector_load %arg11[%get3A_681, %get3A_682] {strides = array<i32>} : memref<128x128xf32, #tpu.memory_space<vmem>>, vector<16xf32>,
            %add3A_684 = arith.addf %add3A_648, %get3A_683 : vector<16xf32>
            %get3A_685 = arith.index_cast %add3A_672 : i32 to index
            %get3A_686 = arith.constant 48 : index
            %get3A_687 = tpu.vector_load %arg11[%get3A_685, %get3A_686] {strides = array<i32>} : memref<128x128xf32, #tpu.memory_space<vmem>>, vector<16xf32>,
            %add3A_688 = arith.addf %add3A_652, %get3A_687 : vector<16xf32>
            %get3A_689 = arith.index_cast %add3A_672 : i32 to index
            %get3A_690 = arith.constant 64 : index
            %get3A_691 = tpu.vector_load %arg11[%get3A_689, %get3A_690] {strides = array<i32>} : memref<128x128xf32, #tpu.memory_space<vmem>>, vector<16xf32>,
            %add3A_692 = arith.addf %add3A_656, %get3A_691 : vector<16xf32>
            %get3A_693 = arith.index_cast %add3A_672 : i32 to index
            %get3A_694 = arith.constant 80 : index
            %get3A_695 = tpu.vector_load %arg11[%get3A_693, %get3A_694] {strides = array<i32>} : memref<128x128xf32, #tpu.memory_space<vmem>>, vector<16xf32>,
            %add3A_696 = arith.addf %add3A_660, %get3A_695 : vector<16xf32>
            %get3A_697 = arith.index_cast %add3A_672 : i32 to index
            %get3A_698 = arith.constant 96 : index
            %get3A_699 = tpu.vector_load %arg11[%get3A_697, %get3A_698] {strides = array<i32>} : memref<128x128xf32, #tpu.memory_space<vmem>>, vector<16xf32>,
            %add3A_700 = arith.addf %add3A_664, %get3A_699 : vector<16xf32>
            %get3A_701 = arith.index_cast %add3A_672 : i32 to index
            %get3A_702 = arith.constant 112 : index
            %get3A_703 = tpu.vector_load %arg11[%get3A_701, %get3A_702] {strides = array<i32>} : memref<128x128xf32, #tpu.memory_space<vmem>>, vector<16xf32>,
            %add3A_704 = arith.addf %add3A_668, %get3A_703 : vector<16xf32>
            %mul3A_705 = arith.constant 16 : i32
            %mul3A_706 = arith.muli %scan3A_192, %mul3A_705 : i32
            %add3A_707 = arith.constant 14 : i32
            %add3A_708 = arith.addi %mul3A_706, %add3A_707 : i32
            %get3A_709 = arith.index_cast %add3A_708 : i32 to index
            %get3A_710 = arith.constant 0 : index
            %get3A_711 = tpu.vector_load %arg11[%get3A_709, %get3A_710] {strides = array<i32>} : memref<128x128xf32, #tpu.memory_space<vmem>>, vector<16xf32>,
            %add3A_712 = arith.addf %add3A_676, %get3A_711 : vector<16xf32>
            %get3A_713 = arith.index_cast %add3A_708 : i32 to index
            %get3A_714 = arith.constant 16 : index
            %get3A_715 = tpu.vector_load %arg11[%get3A_713, %get3A_714] {strides = array<i32>} : memref<128x128xf32, #tpu.memory_space<vmem>>, vector<16xf32>,
            %add3A_716 = arith.addf %add3A_680, %get3A_715 : vector<16xf32>
            %get3A_717 = arith.index_cast %add3A_708 : i32 to index
            %get3A_718 = arith.constant 32 : index
            %get3A_719 = tpu.vector_load %arg11[%get3A_717, %get3A_718] {strides = array<i32>} : memref<128x128xf32, #tpu.memory_space<vmem>>, vector<16xf32>,
            %add3A_720 = arith.addf %add3A_684, %get3A_719 : vector<16xf32>
            %get3A_721 = arith.index_cast %add3A_708 : i32 to index
            %get3A_722 = arith.constant 48 : index
            %get3A_723 = tpu.vector_load %arg11[%get3A_721, %get3A_722] {strides = array<i32>} : memref<128x128xf32, #tpu.memory_space<vmem>>, vector<16xf32>,
            %add3A_724 = arith.addf %add3A_688, %get3A_723 : vector<16xf32>
            %get3A_725 = arith.index_cast %add3A_708 : i32 to index
            %get3A_726 = arith.constant 64 : index
            %get3A_727 = tpu.vector_load %arg11[%get3A_725, %get3A_726] {strides = array<i32>} : memref<128x128xf32, #tpu.memory_space<vmem>>, vector<16xf32>,
            %add3A_728 = arith.addf %add3A_692, %get3A_727 : vector<16xf32>
            %get3A_729 = arith.index_cast %add3A_708 : i32 to index
            %get3A_730 = arith.constant 80 : index
            %get3A_731 = tpu.vector_load %arg11[%get3A_729, %get3A_730] {strides = array<i32>} : memref<128x128xf32, #tpu.memory_space<vmem>>, vector<16xf32>,
            %add3A_732 = arith.addf %add3A_696, %get3A_731 : vector<16xf32>
            %get3A_733 = arith.index_cast %add3A_708 : i32 to index
            %get3A_734 = arith.constant 96 : index
            %get3A_735 = tpu.vector_load %arg11[%get3A_733, %get3A_734] {strides = array<i32>} : memref<128x128xf32, #tpu.memory_space<vmem>>, vector<16xf32>,
            %add3A_736 = arith.addf %add3A_700, %get3A_735 : vector<16xf32>
            %get3A_737 = arith.index_cast %add3A_708 : i32 to index
            %get3A_738 = arith.constant 112 : index
            %get3A_739 = tpu.vector_load %arg11[%get3A_737, %get3A_738] {strides = array<i32>} : memref<128x128xf32, #tpu.memory_space<vmem>>, vector<16xf32>,
            %add3A_740 = arith.addf %add3A_704, %get3A_739 : vector<16xf32>
            %mul3A_741 = arith.constant 16 : i32
            %mul3A_742 = arith.muli %scan3A_192, %mul3A_741 : i32
            %add3A_743 = arith.constant 15 : i32
            %add3A_744 = arith.addi %mul3A_742, %add3A_743 : i32
            %get3A_745 = arith.index_cast %add3A_744 : i32 to index
            %get3A_746 = arith.constant 0 : index
            %get3A_747 = tpu.vector_load %arg11[%get3A_745, %get3A_746] {strides = array<i32>} : memref<128x128xf32, #tpu.memory_space<vmem>>, vector<16xf32>,
            %add3A_748 = arith.addf %add3A_712, %get3A_747 : vector<16xf32>
            %get3A_749 = arith.index_cast %add3A_744 : i32 to index
            %get3A_750 = arith.constant 16 : index
            %get3A_751 = tpu.vector_load %arg11[%get3A_749, %get3A_750] {strides = array<i32>} : memref<128x128xf32, #tpu.memory_space<vmem>>, vector<16xf32>,
            %add3A_752 = arith.addf %add3A_716, %get3A_751 : vector<16xf32>
            %get3A_753 = arith.index_cast %add3A_744 : i32 to index
            %get3A_754 = arith.constant 32 : index
            %get3A_755 = tpu.vector_load %arg11[%get3A_753, %get3A_754] {strides = array<i32>} : memref<128x128xf32, #tpu.memory_space<vmem>>, vector<16xf32>,
            %add3A_756 = arith.addf %add3A_720, %get3A_755 : vector<16xf32>
            %get3A_757 = arith.index_cast %add3A_744 : i32 to index
            %get3A_758 = arith.constant 48 : index
            %get3A_759 = tpu.vector_load %arg11[%get3A_757, %get3A_758] {strides = array<i32>} : memref<128x128xf32, #tpu.memory_space<vmem>>, vector<16xf32>,
            %add3A_760 = arith.addf %add3A_724, %get3A_759 : vector<16xf32>
            %get3A_761 = arith.index_cast %add3A_744 : i32 to index
            %get3A_762 = arith.constant 64 : index
            %get3A_763 = tpu.vector_load %arg11[%get3A_761, %get3A_762] {strides = array<i32>} : memref<128x128xf32, #tpu.memory_space<vmem>>, vector<16xf32>,
            %add3A_764 = arith.addf %add3A_728, %get3A_763 : vector<16xf32>
            %get3A_765 = arith.index_cast %add3A_744 : i32 to index
            %get3A_766 = arith.constant 80 : index
            %get3A_767 = tpu.vector_load %arg11[%get3A_765, %get3A_766] {strides = array<i32>} : memref<128x128xf32, #tpu.memory_space<vmem>>, vector<16xf32>,
            %add3A_768 = arith.addf %add3A_732, %get3A_767 : vector<16xf32>
            %get3A_769 = arith.index_cast %add3A_744 : i32 to index
            %get3A_770 = arith.constant 96 : index
            %get3A_771 = tpu.vector_load %arg11[%get3A_769, %get3A_770] {strides = array<i32>} : memref<128x128xf32, #tpu.memory_space<vmem>>, vector<16xf32>,
            %add3A_772 = arith.addf %add3A_736, %get3A_771 : vector<16xf32>
            %get3A_773 = arith.index_cast %add3A_744 : i32 to index
            %get3A_774 = arith.constant 112 : index
            %get3A_775 = tpu.vector_load %arg11[%get3A_773, %get3A_774] {strides = array<i32>} : memref<128x128xf32, #tpu.memory_space<vmem>>, vector<16xf32>,
            %add3A_776 = arith.addf %add3A_740, %get3A_775 : vector<16xf32>
            scf.yield %add3A_748, %add3A_752, %add3A_756, %add3A_760, %add3A_764, %add3A_768, %add3A_772, %add3A_776 : vector<16xf32>, vector<16xf32>, vector<16xf32>, vector<16xf32>, vector<16xf32>, vector<16xf32>, vector<16xf32>, vector<16xf32>
          }
          %scan3A_168 = arith.constant 8 : i32
          %swap3A = arith.index_cast %reduce_max3A_156 : i32 to index
          %swap3A_169 = arith.constant 0 : index
          %swap3A_170 = tpu.vector_load %arg8[%swap3A, %swap3A_169] {strides = array<i32>} : memref<256x128xf32, #tpu.memory_space<vmem>>, vector<16xf32>,
          tpu.vector_store %arg8[%swap3A, %swap3A_169], %scan3A_167#0 {add = true, strides = array<i32>} : memref<256x128xf32, #tpu.memory_space<vmem>>, vector<16xf32>,
          %swap3A_171 = arith.index_cast %reduce_max3A_156 : i32 to index
          %swap3A_172 = arith.constant 16 : index
          %swap3A_173 = tpu.vector_load %arg8[%swap3A_171, %swap3A_172] {strides = array<i32>} : memref<256x128xf32, #tpu.memory_space<vmem>>, vector<16xf32>,
          tpu.vector_store %arg8[%swap3A_171, %swap3A_172], %scan3A_167#1 {add = true, strides = array<i32>} : memref<256x128xf32, #tpu.memory_space<vmem>>, vector<16xf32>,
          %swap3A_174 = arith.index_cast %reduce_max3A_156 : i32 to index
          %swap3A_175 = arith.constant 32 : index
          %swap3A_176 = tpu.vector_load %arg8[%swap3A_174, %swap3A_175] {strides = array<i32>} : memref<256x128xf32, #tpu.memory_space<vmem>>, vector<16xf32>,
          tpu.vector_store %arg8[%swap3A_174, %swap3A_175], %scan3A_167#2 {add = true, strides = array<i32>} : memref<256x128xf32, #tpu.memory_space<vmem>>, vector<16xf32>,
          %swap3A_177 = arith.index_cast %reduce_max3A_156 : i32 to index
          %swap3A_178 = arith.constant 48 : index
          %swap3A_179 = tpu.vector_load %arg8[%swap3A_177, %swap3A_178] {strides = array<i32>} : memref<256x128xf32, #tpu.memory_space<vmem>>, vector<16xf32>,
          tpu.vector_store %arg8[%swap3A_177, %swap3A_178], %scan3A_167#3 {add = true, strides = array<i32>} : memref<256x128xf32, #tpu.memory_space<vmem>>, vector<16xf32>,
          %swap3A_180 = arith.index_cast %reduce_max3A_156 : i32 to index
          %swap3A_181 = arith.constant 64 : index
          %swap3A_182 = tpu.vector_load %arg8[%swap3A_180, %swap3A_181] {strides = array<i32>} : memref<256x128xf32, #tpu.memory_space<vmem>>, vector<16xf32>,
          tpu.vector_store %arg8[%swap3A_180, %swap3A_181], %scan3A_167#4 {add = true, strides = array<i32>} : memref<256x128xf32, #tpu.memory_space<vmem>>, vector<16xf32>,
          %swap3A_183 = arith.index_cast %reduce_max3A_156 : i32 to index
          %swap3A_184 = arith.constant 80 : index
          %swap3A_185 = tpu.vector_load %arg8[%swap3A_183, %swap3A_184] {strides = array<i32>} : memref<256x128xf32, #tpu.memory_space<vmem>>, vector<16xf32>,
          tpu.vector_store %arg8[%swap3A_183, %swap3A_184], %scan3A_167#5 {add = true, strides = array<i32>} : memref<256x128xf32, #tpu.memory_space<vmem>>, vector<16xf32>,
          %swap3A_186 = arith.index_cast %reduce_max3A_156 : i32 to index
          %swap3A_187 = arith.constant 96 : index
          %swap3A_188 = tpu.vector_load %arg8[%swap3A_186, %swap3A_187] {strides = array<i32>} : memref<256x128xf32, #tpu.memory_space<vmem>>, vector<16xf32>,
          tpu.vector_store %arg8[%swap3A_186, %swap3A_187], %scan3A_167#6 {add = true, strides = array<i32>} : memref<256x128xf32, #tpu.memory_space<vmem>>, vector<16xf32>,
          %swap3A_189 = arith.index_cast %reduce_max3A_156 : i32 to index
          %swap3A_190 = arith.constant 112 : index
          %swap3A_191 = tpu.vector_load %arg8[%swap3A_189, %swap3A_190] {strides = array<i32>} : memref<256x128xf32, #tpu.memory_space<vmem>>, vector<16xf32>,
          tpu.vector_store %arg8[%swap3A_189, %swap3A_190], %scan3A_167#7 {add = true, strides = array<i32>} : memref<256x128xf32, #tpu.memory_space<vmem>>, vector<16xf32>,
        } else {
        }
        %ne3A = arith.cmpi ne, %reduce_max3A_156, %reduce_min3A_146 : i32
        %convert_element_type3A_160 = arith.extui %ne3A : i1 to i32
        %cond3A_161 = arith.constant 0 : i32
        %cond3A_162 = arith.cmpi ne, %convert_element_type3A_160, %cond3A_161 : i32
        scf.if %cond3A_162 {
          "tpu.region"() ({
            %run_scoped3A = tpu.sem_alloc : memref<!tpu.dma_semaphore, #tpu.memory_space<semaphore_mem>>
            %dma_start3A_163 = arith.constant 0 : i32
            %dma_start3A_164 = tpu.memref_slice %arg6[%add3A_110, %dma_start3A_163] : memref<79x128xi32, #tpu.memory_space<vmem>> -> memref<1x128xi32, #tpu.memory_space<vmem>>
            %dma_start3A_165 = tpu.memref_squeeze %dma_start3A_164 : memref<1x128xi32, #tpu.memory_space<vmem>> -> memref<128xi32, #tpu.memory_space<vmem>>
            %dma_start3A_166 = arith.constant 0 : i32
            %dma_start3A_167 = arith.constant 0 : i32
            %dma_start3A_168 = tpu.memref_slice %arg13[%dma_start3A_166, %dma_start3A_167] : memref<256x128xf32, #tpu.memory_space<vmem_shared>> -> memref<256x128xf32, #tpu.memory_space<vmem_shared>>
            tpu.enqueue_indirect_dma source(%arg11 : memref<128x128xf32, #tpu.memory_space<vmem>>) target(%dma_start3A_168 : memref<256x128xf32, #tpu.memory_space<vmem_shared>>) offsets(%dma_start3A_165 : memref<128xi32, #tpu.memory_space<vmem>>) semaphore(%run_scoped3A : memref<!tpu.dma_semaphore, #tpu.memory_space<semaphore_mem>>) {add = true}
            %dma_wait3A_169 = arith.constant 0 : i32
            %dma_wait3A_170 = tpu.memref_slice %arg6[%add3A_110, %dma_wait3A_169] : memref<79x128xi32, #tpu.memory_space<vmem>> -> memref<1x128xi32, #tpu.memory_space<vmem>>
            %dma_wait3A_171 = tpu.memref_squeeze %dma_wait3A_170 : memref<1x128xi32, #tpu.memory_space<vmem>> -> memref<128xi32, #tpu.memory_space<vmem>>
            %dma_wait3A_172 = arith.constant 0 : i32
            %dma_wait3A_173 = arith.constant 0 : i32
            %dma_wait3A_174 = tpu.memref_slice %arg13[%dma_wait3A_172, %dma_wait3A_173] : memref<256x128xf32, #tpu.memory_space<vmem_shared>> -> memref<256x128xf32, #tpu.memory_space<vmem_shared>>
            tpu.wait_indirect_dma semaphore(%run_scoped3A : memref<!tpu.dma_semaphore, #tpu.memory_space<semaphore_mem>>) src(%arg11 : memref<128x128xf32, #tpu.memory_space<vmem>>) dst(%dma_wait3A_174 : memref<256x128xf32, #tpu.memory_space<vmem_shared>>)
            tpu.yield
          }) : () -> ()
        } else {
        }
      } else {
      }
      %mul3A_115 = arith.constant 4 : i32
      %mul3A_116 = arith.muli %mul3A_115, %scan3A_93 : i32
      %add3A_117 = arith.constant 3 : i32
      %add3A_118 = arith.addi %mul3A_116, %add3A_117 : i32
      %lt3A_119 = arith.cmpi slt, %add3A_118, %add3A_9 : i32
      %convert_element_type3A_120 = arith.extui %lt3A_119 : i1 to i32
      %cond3A_121 = arith.constant 0 : i32
      %cond3A_122 = arith.cmpi ne, %convert_element_type3A_120, %cond3A_121 : i32
      scf.if %cond3A_122 {
        %mul3A_123 = arith.constant 128 : i32
        %mul3A_124 = arith.muli %add3A_118, %mul3A_123 : i32
        %add3A_125 = arith.addi %mul3A_11, %mul3A_124 : i32
        %dma_wait3A_126 = arith.constant 0 : i32
        %dma_wait3A_127 = tpu.memref_slice %arg2[%add3A_125, %dma_wait3A_126] : memref<320000x128xf32, #tpu.memory_space<hbm>> -> memref<128x128xf32, #tpu.memory_space<hbm>>
        %dma_wait3A_128 = arith.constant 0 : i32
        %dma_wait3A_129 = tpu.memref_slice %arg2[%add3A_125, %dma_wait3A_128] : memref<320000x128xf32, #tpu.memory_space<hbm>> -> memref<128x128xf32, #tpu.memory_space<hbm>>
        tpu.wait_dma2 semaphore(%arg17 : memref<!tpu.dma_semaphore, #tpu.memory_space<semaphore_mem>>) src(%dma_wait3A_129 : memref<128x128xf32, #tpu.memory_space<hbm>>) dst(%arg12 : memref<128x128xf32, #tpu.memory_space<vmem>>)
        %add3A_130 = arith.constant 3 : i32
        %add3A_131 = arith.addi %add3A_118, %add3A_130 : i32
        %ge3A_132 = arith.constant 4 : i32
        %ge3A_133 = arith.cmpi sge, %add3A_131, %ge3A_132 : i32
        %lt3A_134 = arith.cmpi slt, %add3A_131, %add3A_9 : i32
        %and3A = arith.andi %ge3A_133, %lt3A_134 : i1
        %convert_element_type3A_135 = arith.extui %and3A : i1 to i32
        %cond3A_136 = arith.constant 0 : i32
        %cond3A_137 = arith.cmpi ne, %convert_element_type3A_135, %cond3A_136 : i32
        scf.if %cond3A_137 {
          %mul3A_163 = arith.constant 128 : i32
          %mul3A_164 = arith.muli %add3A_131, %mul3A_163 : i32
          %add3A_165 = arith.addi %mul3A_11, %mul3A_164 : i32
          %dma_start3A_166 = arith.constant 0 : i32
          %dma_start3A_167 = tpu.memref_slice %arg2[%add3A_165, %dma_start3A_166] : memref<320000x128xf32, #tpu.memory_space<hbm>> -> memref<128x128xf32, #tpu.memory_space<hbm>>
          %dma_start3A_168 = arith.constant 0 : i32
          %dma_start3A_169 = tpu.memref_slice %arg2[%add3A_165, %dma_start3A_168] : memref<320000x128xf32, #tpu.memory_space<hbm>> -> memref<128x128xf32, #tpu.memory_space<hbm>>
          tpu.enqueue_dma source(%dma_start3A_169 : memref<128x128xf32, #tpu.memory_space<hbm>>) target(%arg11 : memref<128x128xf32, #tpu.memory_space<vmem>>) target_semaphore(%arg16 : memref<!tpu.dma_semaphore, #tpu.memory_space<semaphore_mem>>)
        } else {
        }
        %get3A = arith.index_cast %add3A_118 : i32 to index
        %get3A_138 = arith.constant 0 : index
        %get3A_139 = tpu.vector_load %arg6[%get3A, %get3A_138] {strides = array<i32>} : memref<79x128xi32, #tpu.memory_space<vmem>>, vector<16xi32>,
        %reduce_min3A = arith.constant true
        %reduce_min3A_140 = vector.broadcast %reduce_min3A : i1 to vector<16xi1>
        %reduce_min3A_141 = arith.constant -2147483648 : i32
        %reduce_min3A_142 = vector.broadcast %reduce_min3A_141 : i32 to vector<16xi32>
        %reduce_min3A_143 = arith.xori %get3A_139, %reduce_min3A_142 : vector<16xi32>
        %reduce_min3A_144 = tpu.scan <min>, %reduce_min3A_143 masked %reduce_min3A_140 : vector<16xi32>, vector<16xi1> -> vector<16xi32>
        %reduce_min3A_145 = arith.xori %reduce_min3A_144, %reduce_min3A_142 : vector<16xi32>
        %reduce_min3A_146 = vector.extract %reduce_min3A_145[15] : i32 from vector<16xi32>
        %get3A_147 = arith.index_cast %add3A_118 : i32 to index
        %get3A_148 = arith.constant 112 : index
        %get3A_149 = tpu.vector_load %arg6[%get3A_147, %get3A_148] {strides = array<i32>} : memref<79x128xi32, #tpu.memory_space<vmem>>, vector<16xi32>,
        %reduce_max3A = arith.constant true
        %reduce_max3A_150 = vector.broadcast %reduce_max3A : i1 to vector<16xi1>
        %reduce_max3A_151 = arith.constant -2147483648 : i32
        %reduce_max3A_152 = vector.broadcast %reduce_max3A_151 : i32 to vector<16xi32>
        %reduce_max3A_153 = arith.xori %get3A_149, %reduce_max3A_152 : vector<16xi32>
        %reduce_max3A_154 = tpu.scan <max>, %reduce_max3A_153 masked %reduce_max3A_150 : vector<16xi32>, vector<16xi1> -> vector<16xi32>
        %reduce_max3A_155 = arith.xori %reduce_max3A_154, %reduce_max3A_152 : vector<16xi32>
        %reduce_max3A_156 = vector.extract %reduce_max3A_155[15] : i32 from vector<16xi32>
        %eq3A = arith.cmpi eq, %reduce_max3A_156, %reduce_min3A_146 : i32
        %convert_element_type3A_157 = arith.extui %eq3A : i1 to i32
        %cond3A_158 = arith.constant 0 : i32
        %cond3A_159 = arith.cmpi ne, %convert_element_type3A_157, %cond3A_158 : i32
        scf.if %cond3A_159 {
          %scan3A_163 = arith.constant 0 : i32
          %scan3A_164 = arith.constant 8 : i32
          %scan3A_165 = arith.addi %scan3A_163, %scan3A_164 : i32
          %scan3A_166 = arith.constant 1 : i32
          %scan3A_167:8 = scf.for %scan3A_192 = %scan3A_163 to %scan3A_165 step %scan3A_166 iter_args(%scan3A_193 = %broadcast_in_dim3A_12, %scan3A_194 = %broadcast_in_dim3A_12, %scan3A_195 = %broadcast_in_dim3A_12, %scan3A_196 = %broadcast_in_dim3A_12, %scan3A_197 = %broadcast_in_dim3A_12, %scan3A_198 = %broadcast_in_dim3A_12, %scan3A_199 = %broadcast_in_dim3A_12, %scan3A_200 = %broadcast_in_dim3A_12) -> (vector<16xf32>, vector<16xf32>, vector<16xf32>, vector<16xf32>, vector<16xf32>, vector<16xf32>, vector<16xf32>, vector<16xf32>)  : i32 {
            %mul3A_201 = arith.constant 16 : i32
            %mul3A_202 = arith.muli %scan3A_192, %mul3A_201 : i32
            %add3A_203 = arith.constant 0 : i32
            %add3A_204 = arith.addi %mul3A_202, %add3A_203 : i32
            %get3A_205 = arith.index_cast %add3A_204 : i32 to index
            %get3A_206 = arith.constant 0 : index
            %get3A_207 = tpu.vector_load %arg12[%get3A_205, %get3A_206] {strides = array<i32>} : memref<128x128xf32, #tpu.memory_space<vmem>>, vector<16xf32>,
            %add3A_208 = arith.addf %scan3A_193, %get3A_207 : vector<16xf32>
            %get3A_209 = arith.index_cast %add3A_204 : i32 to index
            %get3A_210 = arith.constant 16 : index
            %get3A_211 = tpu.vector_load %arg12[%get3A_209, %get3A_210] {strides = array<i32>} : memref<128x128xf32, #tpu.memory_space<vmem>>, vector<16xf32>,
            %add3A_212 = arith.addf %scan3A_194, %get3A_211 : vector<16xf32>
            %get3A_213 = arith.index_cast %add3A_204 : i32 to index
            %get3A_214 = arith.constant 32 : index
            %get3A_215 = tpu.vector_load %arg12[%get3A_213, %get3A_214] {strides = array<i32>} : memref<128x128xf32, #tpu.memory_space<vmem>>, vector<16xf32>,
            %add3A_216 = arith.addf %scan3A_195, %get3A_215 : vector<16xf32>
            %get3A_217 = arith.index_cast %add3A_204 : i32 to index
            %get3A_218 = arith.constant 48 : index
            %get3A_219 = tpu.vector_load %arg12[%get3A_217, %get3A_218] {strides = array<i32>} : memref<128x128xf32, #tpu.memory_space<vmem>>, vector<16xf32>,
            %add3A_220 = arith.addf %scan3A_196, %get3A_219 : vector<16xf32>
            %get3A_221 = arith.index_cast %add3A_204 : i32 to index
            %get3A_222 = arith.constant 64 : index
            %get3A_223 = tpu.vector_load %arg12[%get3A_221, %get3A_222] {strides = array<i32>} : memref<128x128xf32, #tpu.memory_space<vmem>>, vector<16xf32>,
            %add3A_224 = arith.addf %scan3A_197, %get3A_223 : vector<16xf32>
            %get3A_225 = arith.index_cast %add3A_204 : i32 to index
            %get3A_226 = arith.constant 80 : index
            %get3A_227 = tpu.vector_load %arg12[%get3A_225, %get3A_226] {strides = array<i32>} : memref<128x128xf32, #tpu.memory_space<vmem>>, vector<16xf32>,
            %add3A_228 = arith.addf %scan3A_198, %get3A_227 : vector<16xf32>
            %get3A_229 = arith.index_cast %add3A_204 : i32 to index
            %get3A_230 = arith.constant 96 : index
            %get3A_231 = tpu.vector_load %arg12[%get3A_229, %get3A_230] {strides = array<i32>} : memref<128x128xf32, #tpu.memory_space<vmem>>, vector<16xf32>,
            %add3A_232 = arith.addf %scan3A_199, %get3A_231 : vector<16xf32>
            %get3A_233 = arith.index_cast %add3A_204 : i32 to index
            %get3A_234 = arith.constant 112 : index
            %get3A_235 = tpu.vector_load %arg12[%get3A_233, %get3A_234] {strides = array<i32>} : memref<128x128xf32, #tpu.memory_space<vmem>>, vector<16xf32>,
            %add3A_236 = arith.addf %scan3A_200, %get3A_235 : vector<16xf32>
            %mul3A_237 = arith.constant 16 : i32
            %mul3A_238 = arith.muli %scan3A_192, %mul3A_237 : i32
            %add3A_239 = arith.constant 1 : i32
            %add3A_240 = arith.addi %mul3A_238, %add3A_239 : i32
            %get3A_241 = arith.index_cast %add3A_240 : i32 to index
            %get3A_242 = arith.constant 0 : index
            %get3A_243 = tpu.vector_load %arg12[%get3A_241, %get3A_242] {strides = array<i32>} : memref<128x128xf32, #tpu.memory_space<vmem>>, vector<16xf32>,
            %add3A_244 = arith.addf %add3A_208, %get3A_243 : vector<16xf32>
            %get3A_245 = arith.index_cast %add3A_240 : i32 to index
            %get3A_246 = arith.constant 16 : index
            %get3A_247 = tpu.vector_load %arg12[%get3A_245, %get3A_246] {strides = array<i32>} : memref<128x128xf32, #tpu.memory_space<vmem>>, vector<16xf32>,
            %add3A_248 = arith.addf %add3A_212, %get3A_247 : vector<16xf32>
            %get3A_249 = arith.index_cast %add3A_240 : i32 to index
            %get3A_250 = arith.constant 32 : index
            %get3A_251 = tpu.vector_load %arg12[%get3A_249, %get3A_250] {strides = array<i32>} : memref<128x128xf32, #tpu.memory_space<vmem>>, vector<16xf32>,
            %add3A_252 = arith.addf %add3A_216, %get3A_251 : vector<16xf32>
            %get3A_253 = arith.index_cast %add3A_240 : i32 to index
            %get3A_254 = arith.constant 48 : index
            %get3A_255 = tpu.vector_load %arg12[%get3A_253, %get3A_254] {strides = array<i32>} : memref<128x128xf32, #tpu.memory_space<vmem>>, vector<16xf32>,
            %add3A_256 = arith.addf %add3A_220, %get3A_255 : vector<16xf32>
            %get3A_257 = arith.index_cast %add3A_240 : i32 to index
            %get3A_258 = arith.constant 64 : index
            %get3A_259 = tpu.vector_load %arg12[%get3A_257, %get3A_258] {strides = array<i32>} : memref<128x128xf32, #tpu.memory_space<vmem>>, vector<16xf32>,
            %add3A_260 = arith.addf %add3A_224, %get3A_259 : vector<16xf32>
            %get3A_261 = arith.index_cast %add3A_240 : i32 to index
            %get3A_262 = arith.constant 80 : index
            %get3A_263 = tpu.vector_load %arg12[%get3A_261, %get3A_262] {strides = array<i32>} : memref<128x128xf32, #tpu.memory_space<vmem>>, vector<16xf32>,
            %add3A_264 = arith.addf %add3A_228, %get3A_263 : vector<16xf32>
            %get3A_265 = arith.index_cast %add3A_240 : i32 to index
            %get3A_266 = arith.constant 96 : index
            %get3A_267 = tpu.vector_load %arg12[%get3A_265, %get3A_266] {strides = array<i32>} : memref<128x128xf32, #tpu.memory_space<vmem>>, vector<16xf32>,
            %add3A_268 = arith.addf %add3A_232, %get3A_267 : vector<16xf32>
            %get3A_269 = arith.index_cast %add3A_240 : i32 to index
            %get3A_270 = arith.constant 112 : index
            %get3A_271 = tpu.vector_load %arg12[%get3A_269, %get3A_270] {strides = array<i32>} : memref<128x128xf32, #tpu.memory_space<vmem>>, vector<16xf32>,
            %add3A_272 = arith.addf %add3A_236, %get3A_271 : vector<16xf32>
            %mul3A_273 = arith.constant 16 : i32
            %mul3A_274 = arith.muli %scan3A_192, %mul3A_273 : i32
            %add3A_275 = arith.constant 2 : i32
            %add3A_276 = arith.addi %mul3A_274, %add3A_275 : i32
            %get3A_277 = arith.index_cast %add3A_276 : i32 to index
            %get3A_278 = arith.constant 0 : index
            %get3A_279 = tpu.vector_load %arg12[%get3A_277, %get3A_278] {strides = array<i32>} : memref<128x128xf32, #tpu.memory_space<vmem>>, vector<16xf32>,
            %add3A_280 = arith.addf %add3A_244, %get3A_279 : vector<16xf32>
            %get3A_281 = arith.index_cast %add3A_276 : i32 to index
            %get3A_282 = arith.constant 16 : index
            %get3A_283 = tpu.vector_load %arg12[%get3A_281, %get3A_282] {strides = array<i32>} : memref<128x128xf32, #tpu.memory_space<vmem>>, vector<16xf32>,
            %add3A_284 = arith.addf %add3A_248, %get3A_283 : vector<16xf32>
            %get3A_285 = arith.index_cast %add3A_276 : i32 to index
            %get3A_286 = arith.constant 32 : index
            %get3A_287 = tpu.vector_load %arg12[%get3A_285, %get3A_286] {strides = array<i32>} : memref<128x128xf32, #tpu.memory_space<vmem>>, vector<16xf32>,
            %add3A_288 = arith.addf %add3A_252, %get3A_287 : vector<16xf32>
            %get3A_289 = arith.index_cast %add3A_276 : i32 to index
            %get3A_290 = arith.constant 48 : index
            %get3A_291 = tpu.vector_load %arg12[%get3A_289, %get3A_290] {strides = array<i32>} : memref<128x128xf32, #tpu.memory_space<vmem>>, vector<16xf32>,
            %add3A_292 = arith.addf %add3A_256, %get3A_291 : vector<16xf32>
            %get3A_293 = arith.index_cast %add3A_276 : i32 to index
            %get3A_294 = arith.constant 64 : index
            %get3A_295 = tpu.vector_load %arg12[%get3A_293, %get3A_294] {strides = array<i32>} : memref<128x128xf32, #tpu.memory_space<vmem>>, vector<16xf32>,
            %add3A_296 = arith.addf %add3A_260, %get3A_295 : vector<16xf32>
            %get3A_297 = arith.index_cast %add3A_276 : i32 to index
            %get3A_298 = arith.constant 80 : index
            %get3A_299 = tpu.vector_load %arg12[%get3A_297, %get3A_298] {strides = array<i32>} : memref<128x128xf32, #tpu.memory_space<vmem>>, vector<16xf32>,
            %add3A_300 = arith.addf %add3A_264, %get3A_299 : vector<16xf32>
            %get3A_301 = arith.index_cast %add3A_276 : i32 to index
            %get3A_302 = arith.constant 96 : index
            %get3A_303 = tpu.vector_load %arg12[%get3A_301, %get3A_302] {strides = array<i32>} : memref<128x128xf32, #tpu.memory_space<vmem>>, vector<16xf32>,
            %add3A_304 = arith.addf %add3A_268, %get3A_303 : vector<16xf32>
            %get3A_305 = arith.index_cast %add3A_276 : i32 to index
            %get3A_306 = arith.constant 112 : index
            %get3A_307 = tpu.vector_load %arg12[%get3A_305, %get3A_306] {strides = array<i32>} : memref<128x128xf32, #tpu.memory_space<vmem>>, vector<16xf32>,
            %add3A_308 = arith.addf %add3A_272, %get3A_307 : vector<16xf32>
            %mul3A_309 = arith.constant 16 : i32
            %mul3A_310 = arith.muli %scan3A_192, %mul3A_309 : i32
            %add3A_311 = arith.constant 3 : i32
            %add3A_312 = arith.addi %mul3A_310, %add3A_311 : i32
            %get3A_313 = arith.index_cast %add3A_312 : i32 to index
            %get3A_314 = arith.constant 0 : index
            %get3A_315 = tpu.vector_load %arg12[%get3A_313, %get3A_314] {strides = array<i32>} : memref<128x128xf32, #tpu.memory_space<vmem>>, vector<16xf32>,
            %add3A_316 = arith.addf %add3A_280, %get3A_315 : vector<16xf32>
            %get3A_317 = arith.index_cast %add3A_312 : i32 to index
            %get3A_318 = arith.constant 16 : index
            %get3A_319 = tpu.vector_load %arg12[%get3A_317, %get3A_318] {strides = array<i32>} : memref<128x128xf32, #tpu.memory_space<vmem>>, vector<16xf32>,
            %add3A_320 = arith.addf %add3A_284, %get3A_319 : vector<16xf32>
            %get3A_321 = arith.index_cast %add3A_312 : i32 to index
            %get3A_322 = arith.constant 32 : index
            %get3A_323 = tpu.vector_load %arg12[%get3A_321, %get3A_322] {strides = array<i32>} : memref<128x128xf32, #tpu.memory_space<vmem>>, vector<16xf32>,
            %add3A_324 = arith.addf %add3A_288, %get3A_323 : vector<16xf32>
            %get3A_325 = arith.index_cast %add3A_312 : i32 to index
            %get3A_326 = arith.constant 48 : index
            %get3A_327 = tpu.vector_load %arg12[%get3A_325, %get3A_326] {strides = array<i32>} : memref<128x128xf32, #tpu.memory_space<vmem>>, vector<16xf32>,
            %add3A_328 = arith.addf %add3A_292, %get3A_327 : vector<16xf32>
            %get3A_329 = arith.index_cast %add3A_312 : i32 to index
            %get3A_330 = arith.constant 64 : index
            %get3A_331 = tpu.vector_load %arg12[%get3A_329, %get3A_330] {strides = array<i32>} : memref<128x128xf32, #tpu.memory_space<vmem>>, vector<16xf32>,
            %add3A_332 = arith.addf %add3A_296, %get3A_331 : vector<16xf32>
            %get3A_333 = arith.index_cast %add3A_312 : i32 to index
            %get3A_334 = arith.constant 80 : index
            %get3A_335 = tpu.vector_load %arg12[%get3A_333, %get3A_334] {strides = array<i32>} : memref<128x128xf32, #tpu.memory_space<vmem>>, vector<16xf32>,
            %add3A_336 = arith.addf %add3A_300, %get3A_335 : vector<16xf32>
            %get3A_337 = arith.index_cast %add3A_312 : i32 to index
            %get3A_338 = arith.constant 96 : index
            %get3A_339 = tpu.vector_load %arg12[%get3A_337, %get3A_338] {strides = array<i32>} : memref<128x128xf32, #tpu.memory_space<vmem>>, vector<16xf32>,
            %add3A_340 = arith.addf %add3A_304, %get3A_339 : vector<16xf32>
            %get3A_341 = arith.index_cast %add3A_312 : i32 to index
            %get3A_342 = arith.constant 112 : index
            %get3A_343 = tpu.vector_load %arg12[%get3A_341, %get3A_342] {strides = array<i32>} : memref<128x128xf32, #tpu.memory_space<vmem>>, vector<16xf32>,
            %add3A_344 = arith.addf %add3A_308, %get3A_343 : vector<16xf32>
            %mul3A_345 = arith.constant 16 : i32
            %mul3A_346 = arith.muli %scan3A_192, %mul3A_345 : i32
            %add3A_347 = arith.constant 4 : i32
            %add3A_348 = arith.addi %mul3A_346, %add3A_347 : i32
            %get3A_349 = arith.index_cast %add3A_348 : i32 to index
            %get3A_350 = arith.constant 0 : index
            %get3A_351 = tpu.vector_load %arg12[%get3A_349, %get3A_350] {strides = array<i32>} : memref<128x128xf32, #tpu.memory_space<vmem>>, vector<16xf32>,
            %add3A_352 = arith.addf %add3A_316, %get3A_351 : vector<16xf32>
            %get3A_353 = arith.index_cast %add3A_348 : i32 to index
            %get3A_354 = arith.constant 16 : index
            %get3A_355 = tpu.vector_load %arg12[%get3A_353, %get3A_354] {strides = array<i32>} : memref<128x128xf32, #tpu.memory_space<vmem>>, vector<16xf32>,
            %add3A_356 = arith.addf %add3A_320, %get3A_355 : vector<16xf32>
            %get3A_357 = arith.index_cast %add3A_348 : i32 to index
            %get3A_358 = arith.constant 32 : index
            %get3A_359 = tpu.vector_load %arg12[%get3A_357, %get3A_358] {strides = array<i32>} : memref<128x128xf32, #tpu.memory_space<vmem>>, vector<16xf32>,
            %add3A_360 = arith.addf %add3A_324, %get3A_359 : vector<16xf32>
            %get3A_361 = arith.index_cast %add3A_348 : i32 to index
            %get3A_362 = arith.constant 48 : index
            %get3A_363 = tpu.vector_load %arg12[%get3A_361, %get3A_362] {strides = array<i32>} : memref<128x128xf32, #tpu.memory_space<vmem>>, vector<16xf32>,
            %add3A_364 = arith.addf %add3A_328, %get3A_363 : vector<16xf32>
            %get3A_365 = arith.index_cast %add3A_348 : i32 to index
            %get3A_366 = arith.constant 64 : index
            %get3A_367 = tpu.vector_load %arg12[%get3A_365, %get3A_366] {strides = array<i32>} : memref<128x128xf32, #tpu.memory_space<vmem>>, vector<16xf32>,
            %add3A_368 = arith.addf %add3A_332, %get3A_367 : vector<16xf32>
            %get3A_369 = arith.index_cast %add3A_348 : i32 to index
            %get3A_370 = arith.constant 80 : index
            %get3A_371 = tpu.vector_load %arg12[%get3A_369, %get3A_370] {strides = array<i32>} : memref<128x128xf32, #tpu.memory_space<vmem>>, vector<16xf32>,
            %add3A_372 = arith.addf %add3A_336, %get3A_371 : vector<16xf32>
            %get3A_373 = arith.index_cast %add3A_348 : i32 to index
            %get3A_374 = arith.constant 96 : index
            %get3A_375 = tpu.vector_load %arg12[%get3A_373, %get3A_374] {strides = array<i32>} : memref<128x128xf32, #tpu.memory_space<vmem>>, vector<16xf32>,
            %add3A_376 = arith.addf %add3A_340, %get3A_375 : vector<16xf32>
            %get3A_377 = arith.index_cast %add3A_348 : i32 to index
            %get3A_378 = arith.constant 112 : index
            %get3A_379 = tpu.vector_load %arg12[%get3A_377, %get3A_378] {strides = array<i32>} : memref<128x128xf32, #tpu.memory_space<vmem>>, vector<16xf32>,
            %add3A_380 = arith.addf %add3A_344, %get3A_379 : vector<16xf32>
            %mul3A_381 = arith.constant 16 : i32
            %mul3A_382 = arith.muli %scan3A_192, %mul3A_381 : i32
            %add3A_383 = arith.constant 5 : i32
            %add3A_384 = arith.addi %mul3A_382, %add3A_383 : i32
            %get3A_385 = arith.index_cast %add3A_384 : i32 to index
            %get3A_386 = arith.constant 0 : index
            %get3A_387 = tpu.vector_load %arg12[%get3A_385, %get3A_386] {strides = array<i32>} : memref<128x128xf32, #tpu.memory_space<vmem>>, vector<16xf32>,
            %add3A_388 = arith.addf %add3A_352, %get3A_387 : vector<16xf32>
            %get3A_389 = arith.index_cast %add3A_384 : i32 to index
            %get3A_390 = arith.constant 16 : index
            %get3A_391 = tpu.vector_load %arg12[%get3A_389, %get3A_390] {strides = array<i32>} : memref<128x128xf32, #tpu.memory_space<vmem>>, vector<16xf32>,
            %add3A_392 = arith.addf %add3A_356, %get3A_391 : vector<16xf32>
            %get3A_393 = arith.index_cast %add3A_384 : i32 to index
            %get3A_394 = arith.constant 32 : index
            %get3A_395 = tpu.vector_load %arg12[%get3A_393, %get3A_394] {strides = array<i32>} : memref<128x128xf32, #tpu.memory_space<vmem>>, vector<16xf32>,
            %add3A_396 = arith.addf %add3A_360, %get3A_395 : vector<16xf32>
            %get3A_397 = arith.index_cast %add3A_384 : i32 to index
            %get3A_398 = arith.constant 48 : index
            %get3A_399 = tpu.vector_load %arg12[%get3A_397, %get3A_398] {strides = array<i32>} : memref<128x128xf32, #tpu.memory_space<vmem>>, vector<16xf32>,
            %add3A_400 = arith.addf %add3A_364, %get3A_399 : vector<16xf32>
            %get3A_401 = arith.index_cast %add3A_384 : i32 to index
            %get3A_402 = arith.constant 64 : index
            %get3A_403 = tpu.vector_load %arg12[%get3A_401, %get3A_402] {strides = array<i32>} : memref<128x128xf32, #tpu.memory_space<vmem>>, vector<16xf32>,
            %add3A_404 = arith.addf %add3A_368, %get3A_403 : vector<16xf32>
            %get3A_405 = arith.index_cast %add3A_384 : i32 to index
            %get3A_406 = arith.constant 80 : index
            %get3A_407 = tpu.vector_load %arg12[%get3A_405, %get3A_406] {strides = array<i32>} : memref<128x128xf32, #tpu.memory_space<vmem>>, vector<16xf32>,
            %add3A_408 = arith.addf %add3A_372, %get3A_407 : vector<16xf32>
            %get3A_409 = arith.index_cast %add3A_384 : i32 to index
            %get3A_410 = arith.constant 96 : index
            %get3A_411 = tpu.vector_load %arg12[%get3A_409, %get3A_410] {strides = array<i32>} : memref<128x128xf32, #tpu.memory_space<vmem>>, vector<16xf32>,
            %add3A_412 = arith.addf %add3A_376, %get3A_411 : vector<16xf32>
            %get3A_413 = arith.index_cast %add3A_384 : i32 to index
            %get3A_414 = arith.constant 112 : index
            %get3A_415 = tpu.vector_load %arg12[%get3A_413, %get3A_414] {strides = array<i32>} : memref<128x128xf32, #tpu.memory_space<vmem>>, vector<16xf32>,
            %add3A_416 = arith.addf %add3A_380, %get3A_415 : vector<16xf32>
            %mul3A_417 = arith.constant 16 : i32
            %mul3A_418 = arith.muli %scan3A_192, %mul3A_417 : i32
            %add3A_419 = arith.constant 6 : i32
            %add3A_420 = arith.addi %mul3A_418, %add3A_419 : i32
            %get3A_421 = arith.index_cast %add3A_420 : i32 to index
            %get3A_422 = arith.constant 0 : index
            %get3A_423 = tpu.vector_load %arg12[%get3A_421, %get3A_422] {strides = array<i32>} : memref<128x128xf32, #tpu.memory_space<vmem>>, vector<16xf32>,
            %add3A_424 = arith.addf %add3A_388, %get3A_423 : vector<16xf32>
            %get3A_425 = arith.index_cast %add3A_420 : i32 to index
            %get3A_426 = arith.constant 16 : index
            %get3A_427 = tpu.vector_load %arg12[%get3A_425, %get3A_426] {strides = array<i32>} : memref<128x128xf32, #tpu.memory_space<vmem>>, vector<16xf32>,
            %add3A_428 = arith.addf %add3A_392, %get3A_427 : vector<16xf32>
            %get3A_429 = arith.index_cast %add3A_420 : i32 to index
            %get3A_430 = arith.constant 32 : index
            %get3A_431 = tpu.vector_load %arg12[%get3A_429, %get3A_430] {strides = array<i32>} : memref<128x128xf32, #tpu.memory_space<vmem>>, vector<16xf32>,
            %add3A_432 = arith.addf %add3A_396, %get3A_431 : vector<16xf32>
            %get3A_433 = arith.index_cast %add3A_420 : i32 to index
            %get3A_434 = arith.constant 48 : index
            %get3A_435 = tpu.vector_load %arg12[%get3A_433, %get3A_434] {strides = array<i32>} : memref<128x128xf32, #tpu.memory_space<vmem>>, vector<16xf32>,
            %add3A_436 = arith.addf %add3A_400, %get3A_435 : vector<16xf32>
            %get3A_437 = arith.index_cast %add3A_420 : i32 to index
            %get3A_438 = arith.constant 64 : index
            %get3A_439 = tpu.vector_load %arg12[%get3A_437, %get3A_438] {strides = array<i32>} : memref<128x128xf32, #tpu.memory_space<vmem>>, vector<16xf32>,
            %add3A_440 = arith.addf %add3A_404, %get3A_439 : vector<16xf32>
            %get3A_441 = arith.index_cast %add3A_420 : i32 to index
            %get3A_442 = arith.constant 80 : index
            %get3A_443 = tpu.vector_load %arg12[%get3A_441, %get3A_442] {strides = array<i32>} : memref<128x128xf32, #tpu.memory_space<vmem>>, vector<16xf32>,
            %add3A_444 = arith.addf %add3A_408, %get3A_443 : vector<16xf32>
            %get3A_445 = arith.index_cast %add3A_420 : i32 to index
            %get3A_446 = arith.constant 96 : index
            %get3A_447 = tpu.vector_load %arg12[%get3A_445, %get3A_446] {strides = array<i32>} : memref<128x128xf32, #tpu.memory_space<vmem>>, vector<16xf32>,
            %add3A_448 = arith.addf %add3A_412, %get3A_447 : vector<16xf32>
            %get3A_449 = arith.index_cast %add3A_420 : i32 to index
            %get3A_450 = arith.constant 112 : index
            %get3A_451 = tpu.vector_load %arg12[%get3A_449, %get3A_450] {strides = array<i32>} : memref<128x128xf32, #tpu.memory_space<vmem>>, vector<16xf32>,
            %add3A_452 = arith.addf %add3A_416, %get3A_451 : vector<16xf32>
            %mul3A_453 = arith.constant 16 : i32
            %mul3A_454 = arith.muli %scan3A_192, %mul3A_453 : i32
            %add3A_455 = arith.constant 7 : i32
            %add3A_456 = arith.addi %mul3A_454, %add3A_455 : i32
            %get3A_457 = arith.index_cast %add3A_456 : i32 to index
            %get3A_458 = arith.constant 0 : index
            %get3A_459 = tpu.vector_load %arg12[%get3A_457, %get3A_458] {strides = array<i32>} : memref<128x128xf32, #tpu.memory_space<vmem>>, vector<16xf32>,
            %add3A_460 = arith.addf %add3A_424, %get3A_459 : vector<16xf32>
            %get3A_461 = arith.index_cast %add3A_456 : i32 to index
            %get3A_462 = arith.constant 16 : index
            %get3A_463 = tpu.vector_load %arg12[%get3A_461, %get3A_462] {strides = array<i32>} : memref<128x128xf32, #tpu.memory_space<vmem>>, vector<16xf32>,
            %add3A_464 = arith.addf %add3A_428, %get3A_463 : vector<16xf32>
            %get3A_465 = arith.index_cast %add3A_456 : i32 to index
            %get3A_466 = arith.constant 32 : index
            %get3A_467 = tpu.vector_load %arg12[%get3A_465, %get3A_466] {strides = array<i32>} : memref<128x128xf32, #tpu.memory_space<vmem>>, vector<16xf32>,
            %add3A_468 = arith.addf %add3A_432, %get3A_467 : vector<16xf32>
            %get3A_469 = arith.index_cast %add3A_456 : i32 to index
            %get3A_470 = arith.constant 48 : index
            %get3A_471 = tpu.vector_load %arg12[%get3A_469, %get3A_470] {strides = array<i32>} : memref<128x128xf32, #tpu.memory_space<vmem>>, vector<16xf32>,
            %add3A_472 = arith.addf %add3A_436, %get3A_471 : vector<16xf32>
            %get3A_473 = arith.index_cast %add3A_456 : i32 to index
            %get3A_474 = arith.constant 64 : index
            %get3A_475 = tpu.vector_load %arg12[%get3A_473, %get3A_474] {strides = array<i32>} : memref<128x128xf32, #tpu.memory_space<vmem>>, vector<16xf32>,
            %add3A_476 = arith.addf %add3A_440, %get3A_475 : vector<16xf32>
            %get3A_477 = arith.index_cast %add3A_456 : i32 to index
            %get3A_478 = arith.constant 80 : index
            %get3A_479 = tpu.vector_load %arg12[%get3A_477, %get3A_478] {strides = array<i32>} : memref<128x128xf32, #tpu.memory_space<vmem>>, vector<16xf32>,
            %add3A_480 = arith.addf %add3A_444, %get3A_479 : vector<16xf32>
            %get3A_481 = arith.index_cast %add3A_456 : i32 to index
            %get3A_482 = arith.constant 96 : index
            %get3A_483 = tpu.vector_load %arg12[%get3A_481, %get3A_482] {strides = array<i32>} : memref<128x128xf32, #tpu.memory_space<vmem>>, vector<16xf32>,
            %add3A_484 = arith.addf %add3A_448, %get3A_483 : vector<16xf32>
            %get3A_485 = arith.index_cast %add3A_456 : i32 to index
            %get3A_486 = arith.constant 112 : index
            %get3A_487 = tpu.vector_load %arg12[%get3A_485, %get3A_486] {strides = array<i32>} : memref<128x128xf32, #tpu.memory_space<vmem>>, vector<16xf32>,
            %add3A_488 = arith.addf %add3A_452, %get3A_487 : vector<16xf32>
            %mul3A_489 = arith.constant 16 : i32
            %mul3A_490 = arith.muli %scan3A_192, %mul3A_489 : i32
            %add3A_491 = arith.constant 8 : i32
            %add3A_492 = arith.addi %mul3A_490, %add3A_491 : i32
            %get3A_493 = arith.index_cast %add3A_492 : i32 to index
            %get3A_494 = arith.constant 0 : index
            %get3A_495 = tpu.vector_load %arg12[%get3A_493, %get3A_494] {strides = array<i32>} : memref<128x128xf32, #tpu.memory_space<vmem>>, vector<16xf32>,
            %add3A_496 = arith.addf %add3A_460, %get3A_495 : vector<16xf32>
            %get3A_497 = arith.index_cast %add3A_492 : i32 to index
            %get3A_498 = arith.constant 16 : index
            %get3A_499 = tpu.vector_load %arg12[%get3A_497, %get3A_498] {strides = array<i32>} : memref<128x128xf32, #tpu.memory_space<vmem>>, vector<16xf32>,
            %add3A_500 = arith.addf %add3A_464, %get3A_499 : vector<16xf32>
            %get3A_501 = arith.index_cast %add3A_492 : i32 to index
            %get3A_502 = arith.constant 32 : index
            %get3A_503 = tpu.vector_load %arg12[%get3A_501, %get3A_502] {strides = array<i32>} : memref<128x128xf32, #tpu.memory_space<vmem>>, vector<16xf32>,
            %add3A_504 = arith.addf %add3A_468, %get3A_503 : vector<16xf32>
            %get3A_505 = arith.index_cast %add3A_492 : i32 to index
            %get3A_506 = arith.constant 48 : index
            %get3A_507 = tpu.vector_load %arg12[%get3A_505, %get3A_506] {strides = array<i32>} : memref<128x128xf32, #tpu.memory_space<vmem>>, vector<16xf32>,
            %add3A_508 = arith.addf %add3A_472, %get3A_507 : vector<16xf32>
            %get3A_509 = arith.index_cast %add3A_492 : i32 to index
            %get3A_510 = arith.constant 64 : index
            %get3A_511 = tpu.vector_load %arg12[%get3A_509, %get3A_510] {strides = array<i32>} : memref<128x128xf32, #tpu.memory_space<vmem>>, vector<16xf32>,
            %add3A_512 = arith.addf %add3A_476, %get3A_511 : vector<16xf32>
            %get3A_513 = arith.index_cast %add3A_492 : i32 to index
            %get3A_514 = arith.constant 80 : index
            %get3A_515 = tpu.vector_load %arg12[%get3A_513, %get3A_514] {strides = array<i32>} : memref<128x128xf32, #tpu.memory_space<vmem>>, vector<16xf32>,
            %add3A_516 = arith.addf %add3A_480, %get3A_515 : vector<16xf32>
            %get3A_517 = arith.index_cast %add3A_492 : i32 to index
            %get3A_518 = arith.constant 96 : index
            %get3A_519 = tpu.vector_load %arg12[%get3A_517, %get3A_518] {strides = array<i32>} : memref<128x128xf32, #tpu.memory_space<vmem>>, vector<16xf32>,
            %add3A_520 = arith.addf %add3A_484, %get3A_519 : vector<16xf32>
            %get3A_521 = arith.index_cast %add3A_492 : i32 to index
            %get3A_522 = arith.constant 112 : index
            %get3A_523 = tpu.vector_load %arg12[%get3A_521, %get3A_522] {strides = array<i32>} : memref<128x128xf32, #tpu.memory_space<vmem>>, vector<16xf32>,
            %add3A_524 = arith.addf %add3A_488, %get3A_523 : vector<16xf32>
            %mul3A_525 = arith.constant 16 : i32
            %mul3A_526 = arith.muli %scan3A_192, %mul3A_525 : i32
            %add3A_527 = arith.constant 9 : i32
            %add3A_528 = arith.addi %mul3A_526, %add3A_527 : i32
            %get3A_529 = arith.index_cast %add3A_528 : i32 to index
            %get3A_530 = arith.constant 0 : index
            %get3A_531 = tpu.vector_load %arg12[%get3A_529, %get3A_530] {strides = array<i32>} : memref<128x128xf32, #tpu.memory_space<vmem>>, vector<16xf32>,
            %add3A_532 = arith.addf %add3A_496, %get3A_531 : vector<16xf32>
            %get3A_533 = arith.index_cast %add3A_528 : i32 to index
            %get3A_534 = arith.constant 16 : index
            %get3A_535 = tpu.vector_load %arg12[%get3A_533, %get3A_534] {strides = array<i32>} : memref<128x128xf32, #tpu.memory_space<vmem>>, vector<16xf32>,
            %add3A_536 = arith.addf %add3A_500, %get3A_535 : vector<16xf32>
            %get3A_537 = arith.index_cast %add3A_528 : i32 to index
            %get3A_538 = arith.constant 32 : index
            %get3A_539 = tpu.vector_load %arg12[%get3A_537, %get3A_538] {strides = array<i32>} : memref<128x128xf32, #tpu.memory_space<vmem>>, vector<16xf32>,
            %add3A_540 = arith.addf %add3A_504, %get3A_539 : vector<16xf32>
            %get3A_541 = arith.index_cast %add3A_528 : i32 to index
            %get3A_542 = arith.constant 48 : index
            %get3A_543 = tpu.vector_load %arg12[%get3A_541, %get3A_542] {strides = array<i32>} : memref<128x128xf32, #tpu.memory_space<vmem>>, vector<16xf32>,
            %add3A_544 = arith.addf %add3A_508, %get3A_543 : vector<16xf32>
            %get3A_545 = arith.index_cast %add3A_528 : i32 to index
            %get3A_546 = arith.constant 64 : index
            %get3A_547 = tpu.vector_load %arg12[%get3A_545, %get3A_546] {strides = array<i32>} : memref<128x128xf32, #tpu.memory_space<vmem>>, vector<16xf32>,
            %add3A_548 = arith.addf %add3A_512, %get3A_547 : vector<16xf32>
            %get3A_549 = arith.index_cast %add3A_528 : i32 to index
            %get3A_550 = arith.constant 80 : index
            %get3A_551 = tpu.vector_load %arg12[%get3A_549, %get3A_550] {strides = array<i32>} : memref<128x128xf32, #tpu.memory_space<vmem>>, vector<16xf32>,
            %add3A_552 = arith.addf %add3A_516, %get3A_551 : vector<16xf32>
            %get3A_553 = arith.index_cast %add3A_528 : i32 to index
            %get3A_554 = arith.constant 96 : index
            %get3A_555 = tpu.vector_load %arg12[%get3A_553, %get3A_554] {strides = array<i32>} : memref<128x128xf32, #tpu.memory_space<vmem>>, vector<16xf32>,
            %add3A_556 = arith.addf %add3A_520, %get3A_555 : vector<16xf32>
            %get3A_557 = arith.index_cast %add3A_528 : i32 to index
            %get3A_558 = arith.constant 112 : index
            %get3A_559 = tpu.vector_load %arg12[%get3A_557, %get3A_558] {strides = array<i32>} : memref<128x128xf32, #tpu.memory_space<vmem>>, vector<16xf32>,
            %add3A_560 = arith.addf %add3A_524, %get3A_559 : vector<16xf32>
            %mul3A_561 = arith.constant 16 : i32
            %mul3A_562 = arith.muli %scan3A_192, %mul3A_561 : i32
            %add3A_563 = arith.constant 10 : i32
            %add3A_564 = arith.addi %mul3A_562, %add3A_563 : i32
            %get3A_565 = arith.index_cast %add3A_564 : i32 to index
            %get3A_566 = arith.constant 0 : index
            %get3A_567 = tpu.vector_load %arg12[%get3A_565, %get3A_566] {strides = array<i32>} : memref<128x128xf32, #tpu.memory_space<vmem>>, vector<16xf32>,
            %add3A_568 = arith.addf %add3A_532, %get3A_567 : vector<16xf32>
            %get3A_569 = arith.index_cast %add3A_564 : i32 to index
            %get3A_570 = arith.constant 16 : index
            %get3A_571 = tpu.vector_load %arg12[%get3A_569, %get3A_570] {strides = array<i32>} : memref<128x128xf32, #tpu.memory_space<vmem>>, vector<16xf32>,
            %add3A_572 = arith.addf %add3A_536, %get3A_571 : vector<16xf32>
            %get3A_573 = arith.index_cast %add3A_564 : i32 to index
            %get3A_574 = arith.constant 32 : index
            %get3A_575 = tpu.vector_load %arg12[%get3A_573, %get3A_574] {strides = array<i32>} : memref<128x128xf32, #tpu.memory_space<vmem>>, vector<16xf32>,
            %add3A_576 = arith.addf %add3A_540, %get3A_575 : vector<16xf32>
            %get3A_577 = arith.index_cast %add3A_564 : i32 to index
            %get3A_578 = arith.constant 48 : index
            %get3A_579 = tpu.vector_load %arg12[%get3A_577, %get3A_578] {strides = array<i32>} : memref<128x128xf32, #tpu.memory_space<vmem>>, vector<16xf32>,
            %add3A_580 = arith.addf %add3A_544, %get3A_579 : vector<16xf32>
            %get3A_581 = arith.index_cast %add3A_564 : i32 to index
            %get3A_582 = arith.constant 64 : index
            %get3A_583 = tpu.vector_load %arg12[%get3A_581, %get3A_582] {strides = array<i32>} : memref<128x128xf32, #tpu.memory_space<vmem>>, vector<16xf32>,
            %add3A_584 = arith.addf %add3A_548, %get3A_583 : vector<16xf32>
            %get3A_585 = arith.index_cast %add3A_564 : i32 to index
            %get3A_586 = arith.constant 80 : index
            %get3A_587 = tpu.vector_load %arg12[%get3A_585, %get3A_586] {strides = array<i32>} : memref<128x128xf32, #tpu.memory_space<vmem>>, vector<16xf32>,
            %add3A_588 = arith.addf %add3A_552, %get3A_587 : vector<16xf32>
            %get3A_589 = arith.index_cast %add3A_564 : i32 to index
            %get3A_590 = arith.constant 96 : index
            %get3A_591 = tpu.vector_load %arg12[%get3A_589, %get3A_590] {strides = array<i32>} : memref<128x128xf32, #tpu.memory_space<vmem>>, vector<16xf32>,
            %add3A_592 = arith.addf %add3A_556, %get3A_591 : vector<16xf32>
            %get3A_593 = arith.index_cast %add3A_564 : i32 to index
            %get3A_594 = arith.constant 112 : index
            %get3A_595 = tpu.vector_load %arg12[%get3A_593, %get3A_594] {strides = array<i32>} : memref<128x128xf32, #tpu.memory_space<vmem>>, vector<16xf32>,
            %add3A_596 = arith.addf %add3A_560, %get3A_595 : vector<16xf32>
            %mul3A_597 = arith.constant 16 : i32
            %mul3A_598 = arith.muli %scan3A_192, %mul3A_597 : i32
            %add3A_599 = arith.constant 11 : i32
            %add3A_600 = arith.addi %mul3A_598, %add3A_599 : i32
            %get3A_601 = arith.index_cast %add3A_600 : i32 to index
            %get3A_602 = arith.constant 0 : index
            %get3A_603 = tpu.vector_load %arg12[%get3A_601, %get3A_602] {strides = array<i32>} : memref<128x128xf32, #tpu.memory_space<vmem>>, vector<16xf32>,
            %add3A_604 = arith.addf %add3A_568, %get3A_603 : vector<16xf32>
            %get3A_605 = arith.index_cast %add3A_600 : i32 to index
            %get3A_606 = arith.constant 16 : index
            %get3A_607 = tpu.vector_load %arg12[%get3A_605, %get3A_606] {strides = array<i32>} : memref<128x128xf32, #tpu.memory_space<vmem>>, vector<16xf32>,
            %add3A_608 = arith.addf %add3A_572, %get3A_607 : vector<16xf32>
            %get3A_609 = arith.index_cast %add3A_600 : i32 to index
            %get3A_610 = arith.constant 32 : index
            %get3A_611 = tpu.vector_load %arg12[%get3A_609, %get3A_610] {strides = array<i32>} : memref<128x128xf32, #tpu.memory_space<vmem>>, vector<16xf32>,
            %add3A_612 = arith.addf %add3A_576, %get3A_611 : vector<16xf32>
            %get3A_613 = arith.index_cast %add3A_600 : i32 to index
            %get3A_614 = arith.constant 48 : index
            %get3A_615 = tpu.vector_load %arg12[%get3A_613, %get3A_614] {strides = array<i32>} : memref<128x128xf32, #tpu.memory_space<vmem>>, vector<16xf32>,
            %add3A_616 = arith.addf %add3A_580, %get3A_615 : vector<16xf32>
            %get3A_617 = arith.index_cast %add3A_600 : i32 to index
            %get3A_618 = arith.constant 64 : index
            %get3A_619 = tpu.vector_load %arg12[%get3A_617, %get3A_618] {strides = array<i32>} : memref<128x128xf32, #tpu.memory_space<vmem>>, vector<16xf32>,
            %add3A_620 = arith.addf %add3A_584, %get3A_619 : vector<16xf32>
            %get3A_621 = arith.index_cast %add3A_600 : i32 to index
            %get3A_622 = arith.constant 80 : index
            %get3A_623 = tpu.vector_load %arg12[%get3A_621, %get3A_622] {strides = array<i32>} : memref<128x128xf32, #tpu.memory_space<vmem>>, vector<16xf32>,
            %add3A_624 = arith.addf %add3A_588, %get3A_623 : vector<16xf32>
            %get3A_625 = arith.index_cast %add3A_600 : i32 to index
            %get3A_626 = arith.constant 96 : index
            %get3A_627 = tpu.vector_load %arg12[%get3A_625, %get3A_626] {strides = array<i32>} : memref<128x128xf32, #tpu.memory_space<vmem>>, vector<16xf32>,
            %add3A_628 = arith.addf %add3A_592, %get3A_627 : vector<16xf32>
            %get3A_629 = arith.index_cast %add3A_600 : i32 to index
            %get3A_630 = arith.constant 112 : index
            %get3A_631 = tpu.vector_load %arg12[%get3A_629, %get3A_630] {strides = array<i32>} : memref<128x128xf32, #tpu.memory_space<vmem>>, vector<16xf32>,
            %add3A_632 = arith.addf %add3A_596, %get3A_631 : vector<16xf32>
            %mul3A_633 = arith.constant 16 : i32
            %mul3A_634 = arith.muli %scan3A_192, %mul3A_633 : i32
            %add3A_635 = arith.constant 12 : i32
            %add3A_636 = arith.addi %mul3A_634, %add3A_635 : i32
            %get3A_637 = arith.index_cast %add3A_636 : i32 to index
            %get3A_638 = arith.constant 0 : index
            %get3A_639 = tpu.vector_load %arg12[%get3A_637, %get3A_638] {strides = array<i32>} : memref<128x128xf32, #tpu.memory_space<vmem>>, vector<16xf32>,
            %add3A_640 = arith.addf %add3A_604, %get3A_639 : vector<16xf32>
            %get3A_641 = arith.index_cast %add3A_636 : i32 to index
            %get3A_642 = arith.constant 16 : index
            %get3A_643 = tpu.vector_load %arg12[%get3A_641, %get3A_642] {strides = array<i32>} : memref<128x128xf32, #tpu.memory_space<vmem>>, vector<16xf32>,
            %add3A_644 = arith.addf %add3A_608, %get3A_643 : vector<16xf32>
            %get3A_645 = arith.index_cast %add3A_636 : i32 to index
            %get3A_646 = arith.constant 32 : index
            %get3A_647 = tpu.vector_load %arg12[%get3A_645, %get3A_646] {strides = array<i32>} : memref<128x128xf32, #tpu.memory_space<vmem>>, vector<16xf32>,
            %add3A_648 = arith.addf %add3A_612, %get3A_647 : vector<16xf32>
            %get3A_649 = arith.index_cast %add3A_636 : i32 to index
            %get3A_650 = arith.constant 48 : index
            %get3A_651 = tpu.vector_load %arg12[%get3A_649, %get3A_650] {strides = array<i32>} : memref<128x128xf32, #tpu.memory_space<vmem>>, vector<16xf32>,
            %add3A_652 = arith.addf %add3A_616, %get3A_651 : vector<16xf32>
            %get3A_653 = arith.index_cast %add3A_636 : i32 to index
            %get3A_654 = arith.constant 64 : index
            %get3A_655 = tpu.vector_load %arg12[%get3A_653, %get3A_654] {strides = array<i32>} : memref<128x128xf32, #tpu.memory_space<vmem>>, vector<16xf32>,
            %add3A_656 = arith.addf %add3A_620, %get3A_655 : vector<16xf32>
            %get3A_657 = arith.index_cast %add3A_636 : i32 to index
            %get3A_658 = arith.constant 80 : index
            %get3A_659 = tpu.vector_load %arg12[%get3A_657, %get3A_658] {strides = array<i32>} : memref<128x128xf32, #tpu.memory_space<vmem>>, vector<16xf32>,
            %add3A_660 = arith.addf %add3A_624, %get3A_659 : vector<16xf32>
            %get3A_661 = arith.index_cast %add3A_636 : i32 to index
            %get3A_662 = arith.constant 96 : index
            %get3A_663 = tpu.vector_load %arg12[%get3A_661, %get3A_662] {strides = array<i32>} : memref<128x128xf32, #tpu.memory_space<vmem>>, vector<16xf32>,
            %add3A_664 = arith.addf %add3A_628, %get3A_663 : vector<16xf32>
            %get3A_665 = arith.index_cast %add3A_636 : i32 to index
            %get3A_666 = arith.constant 112 : index
            %get3A_667 = tpu.vector_load %arg12[%get3A_665, %get3A_666] {strides = array<i32>} : memref<128x128xf32, #tpu.memory_space<vmem>>, vector<16xf32>,
            %add3A_668 = arith.addf %add3A_632, %get3A_667 : vector<16xf32>
            %mul3A_669 = arith.constant 16 : i32
            %mul3A_670 = arith.muli %scan3A_192, %mul3A_669 : i32
            %add3A_671 = arith.constant 13 : i32
            %add3A_672 = arith.addi %mul3A_670, %add3A_671 : i32
            %get3A_673 = arith.index_cast %add3A_672 : i32 to index
            %get3A_674 = arith.constant 0 : index
            %get3A_675 = tpu.vector_load %arg12[%get3A_673, %get3A_674] {strides = array<i32>} : memref<128x128xf32, #tpu.memory_space<vmem>>, vector<16xf32>,
            %add3A_676 = arith.addf %add3A_640, %get3A_675 : vector<16xf32>
            %get3A_677 = arith.index_cast %add3A_672 : i32 to index
            %get3A_678 = arith.constant 16 : index
            %get3A_679 = tpu.vector_load %arg12[%get3A_677, %get3A_678] {strides = array<i32>} : memref<128x128xf32, #tpu.memory_space<vmem>>, vector<16xf32>,
            %add3A_680 = arith.addf %add3A_644, %get3A_679 : vector<16xf32>
            %get3A_681 = arith.index_cast %add3A_672 : i32 to index
            %get3A_682 = arith.constant 32 : index
            %get3A_683 = tpu.vector_load %arg12[%get3A_681, %get3A_682] {strides = array<i32>} : memref<128x128xf32, #tpu.memory_space<vmem>>, vector<16xf32>,
            %add3A_684 = arith.addf %add3A_648, %get3A_683 : vector<16xf32>
            %get3A_685 = arith.index_cast %add3A_672 : i32 to index
            %get3A_686 = arith.constant 48 : index
            %get3A_687 = tpu.vector_load %arg12[%get3A_685, %get3A_686] {strides = array<i32>} : memref<128x128xf32, #tpu.memory_space<vmem>>, vector<16xf32>,
            %add3A_688 = arith.addf %add3A_652, %get3A_687 : vector<16xf32>
            %get3A_689 = arith.index_cast %add3A_672 : i32 to index
            %get3A_690 = arith.constant 64 : index
            %get3A_691 = tpu.vector_load %arg12[%get3A_689, %get3A_690] {strides = array<i32>} : memref<128x128xf32, #tpu.memory_space<vmem>>, vector<16xf32>,
            %add3A_692 = arith.addf %add3A_656, %get3A_691 : vector<16xf32>
            %get3A_693 = arith.index_cast %add3A_672 : i32 to index
            %get3A_694 = arith.constant 80 : index
            %get3A_695 = tpu.vector_load %arg12[%get3A_693, %get3A_694] {strides = array<i32>} : memref<128x128xf32, #tpu.memory_space<vmem>>, vector<16xf32>,
            %add3A_696 = arith.addf %add3A_660, %get3A_695 : vector<16xf32>
            %get3A_697 = arith.index_cast %add3A_672 : i32 to index
            %get3A_698 = arith.constant 96 : index
            %get3A_699 = tpu.vector_load %arg12[%get3A_697, %get3A_698] {strides = array<i32>} : memref<128x128xf32, #tpu.memory_space<vmem>>, vector<16xf32>,
            %add3A_700 = arith.addf %add3A_664, %get3A_699 : vector<16xf32>
            %get3A_701 = arith.index_cast %add3A_672 : i32 to index
            %get3A_702 = arith.constant 112 : index
            %get3A_703 = tpu.vector_load %arg12[%get3A_701, %get3A_702] {strides = array<i32>} : memref<128x128xf32, #tpu.memory_space<vmem>>, vector<16xf32>,
            %add3A_704 = arith.addf %add3A_668, %get3A_703 : vector<16xf32>
            %mul3A_705 = arith.constant 16 : i32
            %mul3A_706 = arith.muli %scan3A_192, %mul3A_705 : i32
            %add3A_707 = arith.constant 14 : i32
            %add3A_708 = arith.addi %mul3A_706, %add3A_707 : i32
            %get3A_709 = arith.index_cast %add3A_708 : i32 to index
            %get3A_710 = arith.constant 0 : index
            %get3A_711 = tpu.vector_load %arg12[%get3A_709, %get3A_710] {strides = array<i32>} : memref<128x128xf32, #tpu.memory_space<vmem>>, vector<16xf32>,
            %add3A_712 = arith.addf %add3A_676, %get3A_711 : vector<16xf32>
            %get3A_713 = arith.index_cast %add3A_708 : i32 to index
            %get3A_714 = arith.constant 16 : index
            %get3A_715 = tpu.vector_load %arg12[%get3A_713, %get3A_714] {strides = array<i32>} : memref<128x128xf32, #tpu.memory_space<vmem>>, vector<16xf32>,
            %add3A_716 = arith.addf %add3A_680, %get3A_715 : vector<16xf32>
            %get3A_717 = arith.index_cast %add3A_708 : i32 to index
            %get3A_718 = arith.constant 32 : index
            %get3A_719 = tpu.vector_load %arg12[%get3A_717, %get3A_718] {strides = array<i32>} : memref<128x128xf32, #tpu.memory_space<vmem>>, vector<16xf32>,
            %add3A_720 = arith.addf %add3A_684, %get3A_719 : vector<16xf32>
            %get3A_721 = arith.index_cast %add3A_708 : i32 to index
            %get3A_722 = arith.constant 48 : index
            %get3A_723 = tpu.vector_load %arg12[%get3A_721, %get3A_722] {strides = array<i32>} : memref<128x128xf32, #tpu.memory_space<vmem>>, vector<16xf32>,
            %add3A_724 = arith.addf %add3A_688, %get3A_723 : vector<16xf32>
            %get3A_725 = arith.index_cast %add3A_708 : i32 to index
            %get3A_726 = arith.constant 64 : index
            %get3A_727 = tpu.vector_load %arg12[%get3A_725, %get3A_726] {strides = array<i32>} : memref<128x128xf32, #tpu.memory_space<vmem>>, vector<16xf32>,
            %add3A_728 = arith.addf %add3A_692, %get3A_727 : vector<16xf32>
            %get3A_729 = arith.index_cast %add3A_708 : i32 to index
            %get3A_730 = arith.constant 80 : index
            %get3A_731 = tpu.vector_load %arg12[%get3A_729, %get3A_730] {strides = array<i32>} : memref<128x128xf32, #tpu.memory_space<vmem>>, vector<16xf32>,
            %add3A_732 = arith.addf %add3A_696, %get3A_731 : vector<16xf32>
            %get3A_733 = arith.index_cast %add3A_708 : i32 to index
            %get3A_734 = arith.constant 96 : index
            %get3A_735 = tpu.vector_load %arg12[%get3A_733, %get3A_734] {strides = array<i32>} : memref<128x128xf32, #tpu.memory_space<vmem>>, vector<16xf32>,
            %add3A_736 = arith.addf %add3A_700, %get3A_735 : vector<16xf32>
            %get3A_737 = arith.index_cast %add3A_708 : i32 to index
            %get3A_738 = arith.constant 112 : index
            %get3A_739 = tpu.vector_load %arg12[%get3A_737, %get3A_738] {strides = array<i32>} : memref<128x128xf32, #tpu.memory_space<vmem>>, vector<16xf32>,
            %add3A_740 = arith.addf %add3A_704, %get3A_739 : vector<16xf32>
            %mul3A_741 = arith.constant 16 : i32
            %mul3A_742 = arith.muli %scan3A_192, %mul3A_741 : i32
            %add3A_743 = arith.constant 15 : i32
            %add3A_744 = arith.addi %mul3A_742, %add3A_743 : i32
            %get3A_745 = arith.index_cast %add3A_744 : i32 to index
            %get3A_746 = arith.constant 0 : index
            %get3A_747 = tpu.vector_load %arg12[%get3A_745, %get3A_746] {strides = array<i32>} : memref<128x128xf32, #tpu.memory_space<vmem>>, vector<16xf32>,
            %add3A_748 = arith.addf %add3A_712, %get3A_747 : vector<16xf32>
            %get3A_749 = arith.index_cast %add3A_744 : i32 to index
            %get3A_750 = arith.constant 16 : index
            %get3A_751 = tpu.vector_load %arg12[%get3A_749, %get3A_750] {strides = array<i32>} : memref<128x128xf32, #tpu.memory_space<vmem>>, vector<16xf32>,
            %add3A_752 = arith.addf %add3A_716, %get3A_751 : vector<16xf32>
            %get3A_753 = arith.index_cast %add3A_744 : i32 to index
            %get3A_754 = arith.constant 32 : index
            %get3A_755 = tpu.vector_load %arg12[%get3A_753, %get3A_754] {strides = array<i32>} : memref<128x128xf32, #tpu.memory_space<vmem>>, vector<16xf32>,
            %add3A_756 = arith.addf %add3A_720, %get3A_755 : vector<16xf32>
            %get3A_757 = arith.index_cast %add3A_744 : i32 to index
            %get3A_758 = arith.constant 48 : index
            %get3A_759 = tpu.vector_load %arg12[%get3A_757, %get3A_758] {strides = array<i32>} : memref<128x128xf32, #tpu.memory_space<vmem>>, vector<16xf32>,
            %add3A_760 = arith.addf %add3A_724, %get3A_759 : vector<16xf32>
            %get3A_761 = arith.index_cast %add3A_744 : i32 to index
            %get3A_762 = arith.constant 64 : index
            %get3A_763 = tpu.vector_load %arg12[%get3A_761, %get3A_762] {strides = array<i32>} : memref<128x128xf32, #tpu.memory_space<vmem>>, vector<16xf32>,
            %add3A_764 = arith.addf %add3A_728, %get3A_763 : vector<16xf32>
            %get3A_765 = arith.index_cast %add3A_744 : i32 to index
            %get3A_766 = arith.constant 80 : index
            %get3A_767 = tpu.vector_load %arg12[%get3A_765, %get3A_766] {strides = array<i32>} : memref<128x128xf32, #tpu.memory_space<vmem>>, vector<16xf32>,
            %add3A_768 = arith.addf %add3A_732, %get3A_767 : vector<16xf32>
            %get3A_769 = arith.index_cast %add3A_744 : i32 to index
            %get3A_770 = arith.constant 96 : index
            %get3A_771 = tpu.vector_load %arg12[%get3A_769, %get3A_770] {strides = array<i32>} : memref<128x128xf32, #tpu.memory_space<vmem>>, vector<16xf32>,
            %add3A_772 = arith.addf %add3A_736, %get3A_771 : vector<16xf32>
            %get3A_773 = arith.index_cast %add3A_744 : i32 to index
            %get3A_774 = arith.constant 112 : index
            %get3A_775 = tpu.vector_load %arg12[%get3A_773, %get3A_774] {strides = array<i32>} : memref<128x128xf32, #tpu.memory_space<vmem>>, vector<16xf32>,
            %add3A_776 = arith.addf %add3A_740, %get3A_775 : vector<16xf32>
            scf.yield %add3A_748, %add3A_752, %add3A_756, %add3A_760, %add3A_764, %add3A_768, %add3A_772, %add3A_776 : vector<16xf32>, vector<16xf32>, vector<16xf32>, vector<16xf32>, vector<16xf32>, vector<16xf32>, vector<16xf32>, vector<16xf32>
          }
          %scan3A_168 = arith.constant 8 : i32
          %swap3A = arith.index_cast %reduce_max3A_156 : i32 to index
          %swap3A_169 = arith.constant 0 : index
          %swap3A_170 = tpu.vector_load %arg8[%swap3A, %swap3A_169] {strides = array<i32>} : memref<256x128xf32, #tpu.memory_space<vmem>>, vector<16xf32>,
          tpu.vector_store %arg8[%swap3A, %swap3A_169], %scan3A_167#0 {add = true, strides = array<i32>} : memref<256x128xf32, #tpu.memory_space<vmem>>, vector<16xf32>,
          %swap3A_171 = arith.index_cast %reduce_max3A_156 : i32 to index
          %swap3A_172 = arith.constant 16 : index
          %swap3A_173 = tpu.vector_load %arg8[%swap3A_171, %swap3A_172] {strides = array<i32>} : memref<256x128xf32, #tpu.memory_space<vmem>>, vector<16xf32>,
          tpu.vector_store %arg8[%swap3A_171, %swap3A_172], %scan3A_167#1 {add = true, strides = array<i32>} : memref<256x128xf32, #tpu.memory_space<vmem>>, vector<16xf32>,
          %swap3A_174 = arith.index_cast %reduce_max3A_156 : i32 to index
          %swap3A_175 = arith.constant 32 : index
          %swap3A_176 = tpu.vector_load %arg8[%swap3A_174, %swap3A_175] {strides = array<i32>} : memref<256x128xf32, #tpu.memory_space<vmem>>, vector<16xf32>,
          tpu.vector_store %arg8[%swap3A_174, %swap3A_175], %scan3A_167#2 {add = true, strides = array<i32>} : memref<256x128xf32, #tpu.memory_space<vmem>>, vector<16xf32>,
          %swap3A_177 = arith.index_cast %reduce_max3A_156 : i32 to index
          %swap3A_178 = arith.constant 48 : index
          %swap3A_179 = tpu.vector_load %arg8[%swap3A_177, %swap3A_178] {strides = array<i32>} : memref<256x128xf32, #tpu.memory_space<vmem>>, vector<16xf32>,
          tpu.vector_store %arg8[%swap3A_177, %swap3A_178], %scan3A_167#3 {add = true, strides = array<i32>} : memref<256x128xf32, #tpu.memory_space<vmem>>, vector<16xf32>,
          %swap3A_180 = arith.index_cast %reduce_max3A_156 : i32 to index
          %swap3A_181 = arith.constant 64 : index
          %swap3A_182 = tpu.vector_load %arg8[%swap3A_180, %swap3A_181] {strides = array<i32>} : memref<256x128xf32, #tpu.memory_space<vmem>>, vector<16xf32>,
          tpu.vector_store %arg8[%swap3A_180, %swap3A_181], %scan3A_167#4 {add = true, strides = array<i32>} : memref<256x128xf32, #tpu.memory_space<vmem>>, vector<16xf32>,
          %swap3A_183 = arith.index_cast %reduce_max3A_156 : i32 to index
          %swap3A_184 = arith.constant 80 : index
          %swap3A_185 = tpu.vector_load %arg8[%swap3A_183, %swap3A_184] {strides = array<i32>} : memref<256x128xf32, #tpu.memory_space<vmem>>, vector<16xf32>,
          tpu.vector_store %arg8[%swap3A_183, %swap3A_184], %scan3A_167#5 {add = true, strides = array<i32>} : memref<256x128xf32, #tpu.memory_space<vmem>>, vector<16xf32>,
          %swap3A_186 = arith.index_cast %reduce_max3A_156 : i32 to index
          %swap3A_187 = arith.constant 96 : index
          %swap3A_188 = tpu.vector_load %arg8[%swap3A_186, %swap3A_187] {strides = array<i32>} : memref<256x128xf32, #tpu.memory_space<vmem>>, vector<16xf32>,
          tpu.vector_store %arg8[%swap3A_186, %swap3A_187], %scan3A_167#6 {add = true, strides = array<i32>} : memref<256x128xf32, #tpu.memory_space<vmem>>, vector<16xf32>,
          %swap3A_189 = arith.index_cast %reduce_max3A_156 : i32 to index
          %swap3A_190 = arith.constant 112 : index
          %swap3A_191 = tpu.vector_load %arg8[%swap3A_189, %swap3A_190] {strides = array<i32>} : memref<256x128xf32, #tpu.memory_space<vmem>>, vector<16xf32>,
          tpu.vector_store %arg8[%swap3A_189, %swap3A_190], %scan3A_167#7 {add = true, strides = array<i32>} : memref<256x128xf32, #tpu.memory_space<vmem>>, vector<16xf32>,
        } else {
        }
        %ne3A = arith.cmpi ne, %reduce_max3A_156, %reduce_min3A_146 : i32
        %convert_element_type3A_160 = arith.extui %ne3A : i1 to i32
        %cond3A_161 = arith.constant 0 : i32
        %cond3A_162 = arith.cmpi ne, %convert_element_type3A_160, %cond3A_161 : i32
        scf.if %cond3A_162 {
          "tpu.region"() ({
            %run_scoped3A = tpu.sem_alloc : memref<!tpu.dma_semaphore, #tpu.memory_space<semaphore_mem>>
            %dma_start3A_163 = arith.constant 0 : i32
            %dma_start3A_164 = tpu.memref_slice %arg6[%add3A_118, %dma_start3A_163] : memref<79x128xi32, #tpu.memory_space<vmem>> -> memref<1x128xi32, #tpu.memory_space<vmem>>
            %dma_start3A_165 = tpu.memref_squeeze %dma_start3A_164 : memref<1x128xi32, #tpu.memory_space<vmem>> -> memref<128xi32, #tpu.memory_space<vmem>>
            %dma_start3A_166 = arith.constant 0 : i32
            %dma_start3A_167 = arith.constant 0 : i32
            %dma_start3A_168 = tpu.memref_slice %arg13[%dma_start3A_166, %dma_start3A_167] : memref<256x128xf32, #tpu.memory_space<vmem_shared>> -> memref<256x128xf32, #tpu.memory_space<vmem_shared>>
            tpu.enqueue_indirect_dma source(%arg12 : memref<128x128xf32, #tpu.memory_space<vmem>>) target(%dma_start3A_168 : memref<256x128xf32, #tpu.memory_space<vmem_shared>>) offsets(%dma_start3A_165 : memref<128xi32, #tpu.memory_space<vmem>>) semaphore(%run_scoped3A : memref<!tpu.dma_semaphore, #tpu.memory_space<semaphore_mem>>) {add = true}
            %dma_wait3A_169 = arith.constant 0 : i32
            %dma_wait3A_170 = tpu.memref_slice %arg6[%add3A_118, %dma_wait3A_169] : memref<79x128xi32, #tpu.memory_space<vmem>> -> memref<1x128xi32, #tpu.memory_space<vmem>>
            %dma_wait3A_171 = tpu.memref_squeeze %dma_wait3A_170 : memref<1x128xi32, #tpu.memory_space<vmem>> -> memref<128xi32, #tpu.memory_space<vmem>>
            %dma_wait3A_172 = arith.constant 0 : i32
            %dma_wait3A_173 = arith.constant 0 : i32
            %dma_wait3A_174 = tpu.memref_slice %arg13[%dma_wait3A_172, %dma_wait3A_173] : memref<256x128xf32, #tpu.memory_space<vmem_shared>> -> memref<256x128xf32, #tpu.memory_space<vmem_shared>>
            tpu.wait_indirect_dma semaphore(%run_scoped3A : memref<!tpu.dma_semaphore, #tpu.memory_space<semaphore_mem>>) src(%arg12 : memref<128x128xf32, #tpu.memory_space<vmem>>) dst(%dma_wait3A_174 : memref<256x128xf32, #tpu.memory_space<vmem_shared>>)
            tpu.yield
          }) : () -> ()
        } else {
        }
      } else {
      }
    }
    %scan3A_48 = arith.constant 20 : i32
    %dma_start3A_49 = arith.constant 0 : i32
    %dma_start3A_50 = arith.constant 0 : i32
    %dma_start3A_51 = arith.constant 0 : i32
    %dma_start3A_52 = tpu.memref_slice %arg8[%dma_start3A_50, %dma_start3A_51] : memref<256x128xf32, #tpu.memory_space<vmem>> -> memref<128x128xf32, #tpu.memory_space<vmem>>
    %dma_start3A_53 = arith.constant 0 : i32
    %dma_start3A_54 = tpu.memref_slice %arg7[%dma_start3A_49, %dma_start3A_53] : memref<2x128xi32, #tpu.memory_space<vmem>> -> memref<1x128xi32, #tpu.memory_space<vmem>>
    %dma_start3A_55 = tpu.memref_squeeze %dma_start3A_54 : memref<1x128xi32, #tpu.memory_space<vmem>> -> memref<128xi32, #tpu.memory_space<vmem>>
    %dma_start3A_56 = arith.constant 0 : i32
    %dma_start3A_57 = arith.constant 0 : i32
    %dma_start3A_58 = tpu.memref_slice %arg13[%dma_start3A_56, %dma_start3A_57] : memref<256x128xf32, #tpu.memory_space<vmem_shared>> -> memref<256x128xf32, #tpu.memory_space<vmem_shared>>
    tpu.enqueue_indirect_dma source(%dma_start3A_52 : memref<128x128xf32, #tpu.memory_space<vmem>>) target(%dma_start3A_58 : memref<256x128xf32, #tpu.memory_space<vmem_shared>>) offsets(%dma_start3A_55 : memref<128xi32, #tpu.memory_space<vmem>>) semaphore(%arg18 : memref<!tpu.dma_semaphore, #tpu.memory_space<semaphore_mem>>) {add = true}
    %dma_start3A_59 = arith.constant 1 : i32
    %dma_start3A_60 = arith.constant 128 : i32
    %dma_start3A_61 = arith.constant 0 : i32
    %dma_start3A_62 = tpu.memref_slice %arg8[%dma_start3A_60, %dma_start3A_61] : memref<256x128xf32, #tpu.memory_space<vmem>> -> memref<128x128xf32, #tpu.memory_space<vmem>>
    %dma_start3A_63 = arith.constant 0 : i32
    %dma_start3A_64 = tpu.memref_slice %arg7[%dma_start3A_59, %dma_start3A_63] : memref<2x128xi32, #tpu.memory_space<vmem>> -> memref<1x128xi32, #tpu.memory_space<vmem>>
    %dma_start3A_65 = tpu.memref_squeeze %dma_start3A_64 : memref<1x128xi32, #tpu.memory_space<vmem>> -> memref<128xi32, #tpu.memory_space<vmem>>
    %dma_start3A_66 = arith.constant 0 : i32
    %dma_start3A_67 = arith.constant 0 : i32
    %dma_start3A_68 = tpu.memref_slice %arg13[%dma_start3A_66, %dma_start3A_67] : memref<256x128xf32, #tpu.memory_space<vmem_shared>> -> memref<256x128xf32, #tpu.memory_space<vmem_shared>>
    tpu.enqueue_indirect_dma source(%dma_start3A_62 : memref<128x128xf32, #tpu.memory_space<vmem>>) target(%dma_start3A_68 : memref<256x128xf32, #tpu.memory_space<vmem_shared>>) offsets(%dma_start3A_65 : memref<128xi32, #tpu.memory_space<vmem>>) semaphore(%arg18 : memref<!tpu.dma_semaphore, #tpu.memory_space<semaphore_mem>>) {add = true}
    %dma_wait3A = arith.constant 0 : i32
    %dma_wait3A_69 = arith.constant 0 : i32
    %dma_wait3A_70 = arith.constant 0 : i32
    %dma_wait3A_71 = tpu.memref_slice %arg8[%dma_wait3A_69, %dma_wait3A_70] : memref<256x128xf32, #tpu.memory_space<vmem>> -> memref<128x128xf32, #tpu.memory_space<vmem>>
    %dma_wait3A_72 = arith.constant 0 : i32
    %dma_wait3A_73 = tpu.memref_slice %arg7[%dma_wait3A, %dma_wait3A_72] : memref<2x128xi32, #tpu.memory_space<vmem>> -> memref<1x128xi32, #tpu.memory_space<vmem>>
    %dma_wait3A_74 = tpu.memref_squeeze %dma_wait3A_73 : memref<1x128xi32, #tpu.memory_space<vmem>> -> memref<128xi32, #tpu.memory_space<vmem>>
    %dma_wait3A_75 = arith.constant 0 : i32
    %dma_wait3A_76 = arith.constant 0 : i32
    %dma_wait3A_77 = tpu.memref_slice %arg13[%dma_wait3A_75, %dma_wait3A_76] : memref<256x128xf32, #tpu.memory_space<vmem_shared>> -> memref<256x128xf32, #tpu.memory_space<vmem_shared>>
    tpu.wait_indirect_dma semaphore(%arg18 : memref<!tpu.dma_semaphore, #tpu.memory_space<semaphore_mem>>) src(%dma_wait3A_71 : memref<128x128xf32, #tpu.memory_space<vmem>>) dst(%dma_wait3A_77 : memref<256x128xf32, #tpu.memory_space<vmem_shared>>)
    %dma_wait3A_78 = arith.constant 1 : i32
    %dma_wait3A_79 = arith.constant 128 : i32
    %dma_wait3A_80 = arith.constant 0 : i32
    %dma_wait3A_81 = tpu.memref_slice %arg8[%dma_wait3A_79, %dma_wait3A_80] : memref<256x128xf32, #tpu.memory_space<vmem>> -> memref<128x128xf32, #tpu.memory_space<vmem>>
    %dma_wait3A_82 = arith.constant 0 : i32
    %dma_wait3A_83 = tpu.memref_slice %arg7[%dma_wait3A_78, %dma_wait3A_82] : memref<2x128xi32, #tpu.memory_space<vmem>> -> memref<1x128xi32, #tpu.memory_space<vmem>>
    %dma_wait3A_84 = tpu.memref_squeeze %dma_wait3A_83 : memref<1x128xi32, #tpu.memory_space<vmem>> -> memref<128xi32, #tpu.memory_space<vmem>>
    %dma_wait3A_85 = arith.constant 0 : i32
    %dma_wait3A_86 = arith.constant 0 : i32
    %dma_wait3A_87 = tpu.memref_slice %arg13[%dma_wait3A_85, %dma_wait3A_86] : memref<256x128xf32, #tpu.memory_space<vmem_shared>> -> memref<256x128xf32, #tpu.memory_space<vmem_shared>>
    tpu.wait_indirect_dma semaphore(%arg18 : memref<!tpu.dma_semaphore, #tpu.memory_space<semaphore_mem>>) src(%dma_wait3A_81 : memref<128x128xf32, #tpu.memory_space<vmem>>) dst(%dma_wait3A_87 : memref<256x128xf32, #tpu.memory_space<vmem_shared>>)
    %barrier3A_88 = arith.constant 0 : index
    tpu.barrier barrier_id(%barrier3A_88)
    %mul3A_89 = arith.constant 16 : i32
    %mul3A_90 = arith.muli %arg1, %mul3A_89 : i32
    %mul3A_91 = arith.constant 16 : i32
    %mul3A_92 = arith.muli %arg1, %mul3A_91 : i32
    "tpu.region"() ({
      %run_scoped3A = tpu.sem_alloc : memref<!tpu.dma_semaphore, #tpu.memory_space<semaphore_mem>>
      %dma_start3A_93 = arith.constant 0 : i32
      %dma_start3A_94 = tpu.memref_slice %arg5[%arg0, %mul3A_92, %dma_start3A_93] : memref<2x256x128xf32, #tpu.memory_space<hbm>> -> memref<1x16x128xf32, #tpu.memory_space<hbm>>
      %dma_start3A_95 = tpu.memref_squeeze %dma_start3A_94 : memref<1x16x128xf32, #tpu.memory_space<hbm>> -> memref<16x128xf32, #tpu.memory_space<hbm>>
      %dma_start3A_96 = arith.constant 0 : i32
      %dma_start3A_97 = tpu.memref_slice %arg13[%mul3A_90, %dma_start3A_96] : memref<256x128xf32, #tpu.memory_space<vmem_shared>> -> memref<16x128xf32, #tpu.memory_space<vmem_shared>>
      tpu.enqueue_dma source(%dma_start3A_97 : memref<16x128xf32, #tpu.memory_space<vmem_shared>>) target(%dma_start3A_95 : memref<16x128xf32, #tpu.memory_space<hbm>>) target_semaphore(%run_scoped3A : memref<!tpu.dma_semaphore, #tpu.memory_space<semaphore_mem>>)
      %dma_wait3A_98 = arith.constant 0 : i32
      %dma_wait3A_99 = tpu.memref_slice %arg5[%arg0, %mul3A_92, %dma_wait3A_98] : memref<2x256x128xf32, #tpu.memory_space<hbm>> -> memref<1x16x128xf32, #tpu.memory_space<hbm>>
      %dma_wait3A_100 = tpu.memref_squeeze %dma_wait3A_99 : memref<1x16x128xf32, #tpu.memory_space<hbm>> -> memref<16x128xf32, #tpu.memory_space<hbm>>
      %dma_wait3A_101 = arith.constant 0 : i32
      %dma_wait3A_102 = tpu.memref_slice %arg13[%mul3A_90, %dma_wait3A_101] : memref<256x128xf32, #tpu.memory_space<vmem_shared>> -> memref<16x128xf32, #tpu.memory_space<vmem_shared>>
      tpu.wait_dma2 semaphore(%run_scoped3A : memref<!tpu.dma_semaphore, #tpu.memory_space<semaphore_mem>>) src(%dma_wait3A_102 : memref<16x128xf32, #tpu.memory_space<vmem_shared>>) dst(%dma_wait3A_100 : memref<16x128xf32, #tpu.memory_space<hbm>>)
      tpu.yield
    }) : () -> ()
    return
  }
}

module attributes {stable_mosaic.version = 14 : i64} {
  func.func @segment_sum_combine(%arg0: memref<2x256x128xf32, #tpu.memory_space<vmem>>, %arg1: memref<256x128xf32, #tpu.memory_space<vmem>>) attributes {dimension_semantics = [], scalar_prefetch = 0 : i64, scratch_operands = 0 : i64, tpu.core_type = #tpu.core_type<tc>} {
    %get3A = arith.constant 0 : index
    %get3A_0 = arith.constant 0 : index
    %get3A_1 = arith.constant 0 : index
    %get3A_2 = vector.load %arg0[%get3A, %get3A_0, %get3A_1] : memref<2x256x128xf32, #tpu.memory_space<vmem>>, vector<1x256x128xf32>
    %get3A_3 = vector.shape_cast %get3A_2 : vector<1x256x128xf32> to vector<256x128xf32>
    %get3A_4 = arith.constant 1 : index
    %get3A_5 = arith.constant 0 : index
    %get3A_6 = arith.constant 0 : index
    %get3A_7 = vector.load %arg0[%get3A_4, %get3A_5, %get3A_6] : memref<2x256x128xf32, #tpu.memory_space<vmem>>, vector<1x256x128xf32>
    %get3A_8 = vector.shape_cast %get3A_7 : vector<1x256x128xf32> to vector<256x128xf32>
    %add3A = arith.addf %get3A_3, %get3A_8 : vector<256x128xf32>
    %swap3A = arith.constant 0 : index
    %swap3A_9 = arith.constant 0 : index
    %swap3A_10 = vector.load %arg1[%swap3A, %swap3A_9] : memref<256x128xf32, #tpu.memory_space<vmem>>, vector<256x128xf32>
    tpu.vector_store %arg1[%swap3A, %swap3A_9], %add3A {strides = array<i32>} : memref<256x128xf32, #tpu.memory_space<vmem>>, vector<256x128xf32>,
    return
  }
}

</mosaic_0001>

<sc_bundles>
// kernel: segment_sum_pool_sc.3.cloned.1.call-start
scs
__scs_entry_jumppad:
0x0: {  	(pc) =	sbr.rel $0x88, $3  }
0x1: {  	(tag) =	ssettag $0x0;
	lr =	simm.s32 $0x1  }
0x2: {  	[smem:$0x3F9F] =	sst lr;
	_ =	strace $0xD0000000  }
0x3: {  	_ = 	snop  }
0x4: {  	_ = 	snop  }
0x5: {  	_ = 	snop  }
0x6: {  	_ = 	snop  }
0x7: {  	_ = 	snop  }
__scs_overlays_trampoline_lowered:
0x8: {  	[smem:$0x3FAE] =	sst s0  }
0x9: {  	[smem:$0x3FAF] =	sst s1  }
0xa: {  	[smem:$0x3FB0] =	sst s2  }
0xb: {  	[smem:$0x3FB1] =	sst s3  }
0xc: {  	[smem:$0x3FB2] =	sst s4  }
0xd: {  	[smem:$0x3FB3] =	sst s5  }
0xe: {  	[smem:$0x3FB4] =	sst s6  }
0xf: {  	[smem:$0x3FB5] =	sst s7  }
0x10: {  	[smem:$0x3FB6] =	sst s8  }
0x11: {  	[smem:$0x3FB7] =	sst s9;
	s0 =	simm.s32 @!p0 $0x0  }
0x12: {  	s1 =	sld [smem:$0x3F9D];
	s0 =	simm.s32 @p0 $0x1  }
0x13: {  	[smem:$0x3FB8] =	sst s0;
	s0 =	simm.s32 @!p1 $0x0  }
0x14: {  	s2 =	sld [smem:$0x3F9C];
	s0 =	simm.s32 @p1 $0x1  }
0x15: {  	[smem:$0x3FB9] =	sst s0;
	s0 =	simm.s32 @!p2 $0x0  }
0x16: {  	s3 =	sld [smem:$0x3FDB];
	s0 =	simm.s32 @p2 $0x1  }
0x17: {  	s4 =	simm.s32 $0x1BF5;
	[smem:$0x3FBB] =	sst s0  }
0x18: {  	s0 =	sld [smem:$0x3F9E];
	_ =	swait.ge [sflag:s4], $0x0  }
0x19: {  	s7 =	sld [smem:$0x3F9F]  }
0x1a: {  	s8 =	sadd.s32 $0xFFFFE003, lr  }
0x1b: {  	s9 =	sadd.s32 $0xFFFFFEF7, lr;
	s5 =	simm.s32 $0xFFFFFFFF;
	p2 =	slt.u32 s8, $0xFFFFF086  }
0x1c: {  	p1 =	slt.u32 s9, $0xF7A;
	s5 =	simm.s32 @!p2 $0x0  }
0x1d: {  	s5 =	simm.s32 @p1 $0x1;
	p0 =	seq.s32 s7, s2  }
0x1e: {  	s7 =	smul.u32 @!p0 $0xF7A, s2;
	p2 =	seq.s32 @!p0 s5, $0x0  }
0x1f: {  	s9 =	smul.u32 $0xF7A, s1;
	s8 =	simm.s32 @!p0 $0x1BF5;
	p2 =	por !p2, p0  }
0x20: {  	[sflag:s8] =	ssyncset.s32 @!p0 $0xFFFFF086;
	s6 =	sadd.s32 @!p0 s3, s7;
	s7 =	simm.s32 @!p0 $0x108  }
0x21: {  	s3 =	sadd.s32 s3, s9;
	s6 =	sadd.s32 @!p0 $0x88, s6;
	s7 =	simm.s32 @p2 $0x1082  }
0x22: {  	[simem:s7], [sflag:s8] =	dma.local @!p0 [hbm:s6], $0xF7A  }
0x23: {  	s9 =	sor.u32 $0xD0000000, s2;
	s6 =	simm.s32 $0x108;
	_ =	swait.ge @!p0 [sflag:s8], $0x0  }
0x24: {  	s3 =	sadd.s32 $0x88, s3;
	s6 =	simm.s32 @!p1 $0x1082;
	[sflag:s4] =	ssyncset.s32 $0xFFFFF086  }
0x25: {  	[simem:s6], [sflag:s4] =	dma.local [hbm:s3], $0xF7A  }
0x26: {  	[smem:$0x3F9F] =	sst s1;
	(tag) =	ssettag s2;
	_ =	strace s9  }
0x27: {  	s1 =	sld [smem:$0x3FAF]  }
0x28: {  	s2 =	sld [smem:$0x3FB0]  }
0x29: {  	s4 =	sld [smem:$0x3FB2]  }
0x2a: {  	p0 =	seq.s32 s5, $0x0;
	s5 =	sld [smem:$0x3FB3]  }
0x2b: {  	s6 =	sld [smem:$0x3FB4]  }
0x2c: {  	s7 =	sld [smem:$0x3FB5]  }
0x2d: {  	s3 =	simm.s32 $0x108;
	s8 =	sld [smem:$0x3FB6]  }
0x2e: {  	s3 =	simm.s32 @!p0 $0x1082;
	s9 =	sld [smem:$0x3FB7]  }
0x2f: {  	lr =	sadd.s32 s0, s3;
	s0 =	sld [smem:$0x3FAE]  }
0x30: {  	s3 =	sld [smem:$0x3FB1]  }
0x31: {  	[smem:$0x3FBA] =	sst s10  }
0x32: {  	s10 =	sld [smem:$0x3FB8];
	_ =	sdelay $0x3  }
0x33: {  	p0 =	seq.s32 s10, $0x1;
	s10 =	sld [smem:$0x3FBA];
	_ =	sdelay $0x3  }
0x34: {  	[smem:$0x3FBA] =	sst s10  }
0x35: {  	s10 =	sld [smem:$0x3FB9];
	_ =	sdelay $0x3  }
0x36: {  	p1 =	seq.s32 s10, $0x1;
	s10 =	sld [smem:$0x3FBA];
	_ =	sdelay $0x3  }
0x37: {  	[smem:$0x3FBA] =	sst s10  }
0x38: {  	s10 =	sld [smem:$0x3FBB]  }
0x39: {  	_ = 	snop;
	(pc) =	sbr.ind lr, $3  }
0x3a: {  	_ = 	snop  }
0x3b: {  	_ = 	snop  }
0x3c: {  	p2 =	seq.s32 s10, $0x1;
	s10 =	sld [smem:$0x3FBA]  }
0x3d: {  	_ =	shalt  }
0x3e: {  	_ =	shalt  }
0x3f: {  	_ =	shalt  }
0x40: {  	_ =	shalt  }
0x41: {  	_ =	shalt  }
0x42: {  	_ =	shalt  }
0x43: {  	_ =	shalt  }
0x44: {  	_ =	shalt  }
0x45: {  	_ =	shalt  }
0x46: {  	_ =	shalt  }
0x47: {  	_ =	shalt  }
0x48: {  	_ =	shalt  }
0x49: {  	_ =	shalt  }
0x4a: {  	_ =	shalt  }
0x4b: {  	_ =	shalt  }
0x4c: {  	_ =	shalt  }
0x4d: {  	_ =	shalt  }
0x4e: {  	_ =	shalt  }
0x4f: {  	_ =	shalt  }
0x50: {  	_ =	shalt  }
0x51: {  	_ =	shalt  }
0x52: {  	_ =	shalt  }
0x53: {  	_ =	shalt  }
0x54: {  	_ =	shalt  }
0x55: {  	_ =	shalt  }
0x56: {  	_ =	shalt  }
0x57: {  	_ =	shalt  }
0x58: {  	_ =	shalt  }
0x59: {  	_ =	shalt  }
0x5a: {  	_ =	shalt  }
0x5b: {  	_ =	shalt  }
0x5c: {  	_ =	shalt  }
0x5d: {  	_ =	shalt  }
0x5e: {  	_ =	shalt  }
0x5f: {  	_ =	shalt  }
0x60: {  	_ =	shalt  }
0x61: {  	_ =	shalt  }
0x62: {  	_ =	shalt  }
0x63: {  	_ =	shalt  }
0x64: {  	_ =	shalt  }
0x65: {  	_ =	shalt  }
0x66: {  	_ =	shalt  }
0x67: {  	_ =	shalt  }
0x68: {  	_ =	shalt  }
0x69: {  	_ =	shalt  }
0x6a: {  	_ =	shalt  }
0x6b: {  	_ =	shalt  }
0x6c: {  	_ =	shalt  }
0x6d: {  	_ =	shalt  }
0x6e: {  	_ =	shalt  }
0x6f: {  	_ =	shalt  }
0x70: {  	_ =	shalt  }
0x71: {  	_ =	shalt  }
0x72: {  	_ =	shalt  }
0x73: {  	_ =	shalt  }
0x74: {  	_ =	shalt  }
0x75: {  	_ =	shalt  }
0x76: {  	_ =	shalt  }
0x77: {  	_ =	shalt  }
0x78: {  	_ =	shalt  }
0x79: {  	_ =	shalt  }
0x7a: {  	_ =	shalt  }
0x7b: {  	_ =	shalt  }
0x7c: {  	_ =	shalt  }
0x7d: {  	_ =	shalt  }
0x7e: {  	_ =	shalt  }
0x7f: {  	_ =	shalt  }
0x80: {  	_ =	shalt  }
0x81: {  	_ =	shalt  }
0x82: {  	_ =	shalt  }
0x83: {  	_ =	shalt  }
0x84: {  	_ =	shalt  }
0x85: {  	_ =	shalt  }
0x86: {  	_ =	shalt  }
0x87: {  	_ =	shalt  }
.Lfunc_end0:
.L_simem_size_0:
called_computation_lowered:
.L_overlay_start_0:
0x88: {  	s2 =	sld [smem:$0x3FD9]  }
0x89: {  	s3 =	sld [smem:$0x3FFE];
	_ =	sdelay $0x1  }
0x8a: {  	s1 =	srdreg.scid  }
0x8b: {  	s0 =	sand.u32 $0x1, s1  }
0x8c: {  	s17 =	sshll.u32 s0, $0xA;
	s2 =	sadd.s32 s3, s2  }
0x8d: {  	s2 =	sadd.s32 s2, s17  }
0x8e: {  	[smem:$0x3FC6] =	sst s2  }
0x8f: {  	_ = 	snop  }
0x90: {  	s2 =	sld [smem:$0x3FC9]  }
0x91: {  	s18 =	sld [smem:$0x3FC8]  }
0x92: {  	s4 =	sld [smem:$0x3FD0];
	(tm) =	ssettm $0x1  }
0x93: {  	s5 =	sld [smem:$0x3FFB];
	_ =	sdelay $0x3  }
0x94: {  	_ =	strace s5  }
0x95: {  	s5 =	sld [smem:$0x3FFC];
	_ =	sdelay $0x3  }
0x96: {  	_ =	strace s5  }
0x97: {  	s5 =	sld [smem:$0x3FFD];
	_ =	sdelay $0x3  }
0x98: {  	_ =	strace s5  }
0x99: {  	_ =	strace $0x8FFFFFFF  }
0x9a: {  	s19 =	sld [smem:$0x3FDB];
	_ =	sdelay $0x1  }
0x9b: {  	s6 =	simm.s32 $_scs_section_size  }
0x9c: {  	s7 =	simm.s32 $_size__tile_overlayer_lowered;
	s8 =	simm.s32 $_tile_overlayer_lowered  }
0x9d: {  	s22 =	simm.s32 $0x1BFF;
	s21 =	sshll.u32 s8, $0x1;
	s5 =	sadd.s32 s6, s19  }
0x9e: {  	s9 =	simm.s32 $0x0;
	s20 =	sshll.u32 s7, $0x1;
	s7 =	sadd.s32 s21, s5  }
0x9f: {  	[timem:s9], [sflag:s22] =	dma.local [hbm:s7], s20  }
0xa0: {  	_ =	swait.ge [sflag:s22], s20  }
0xa1: {  	s6 =	ssub.s32 $0x0, s20;
	[sflag:s22] =	ssyncset.done $0x0  }
0xa2: {  	[sflag:s22] =	ssyncadd.s32 s6;
	_ =	sdelay $0x1  }
0xa3: {  	s23 =	simm.s32 $0x1B8B  }
0xa4: {  	_ =	swait.ge [sflag:s23], $0x1  }
0xa5: {  	[sflag:s23] =	ssyncset.done $0x0  }
0xa6: {  	s25 =	simm.s32 $0x1B8E;
	s24 =	sld [smem:$0x3FFE];
	[sflag:s23] =	ssyncadd.s32 $0xFFFFFFFF  }
0xa7: {  	s26 =	simm.s32 $execute0_lowered;
	[smem:$0x3FD2] =	sst s25  }
0xa8: {  	s7 =	sshll.u32 s26, $0x1;
	_ =	strace $0x80000046;
	[dreg:$0x1] =	wrdreg $0xFFFFFFFF  }
0xa9: {  	s28 =	simm.s32 $_size_execute0_lowered;
	s5 =	sadd.s32 s5, s7;
	[dreg:$0x0] =	wrdreg $0x0  }
0xaa: {  	s7 =	sshll.u32 s28, $0x1;
	[dreg:$0x2] =	wrdreg s5  }
0xab: {  	[dreg:$0x3] =	wrdreg s7  }
0xac: {  	[dreg:$0x4] =	wrdreg $0xC0  }
0xad: {  	_ =	task [dreg:s9], $0x5FFFF  }
0xae: {  	[dreg:$0x1] =	wrdreg $0xFFFFFFFF  }
0xaf: {  	[dreg:$0x0] =	wrdreg $0x60  }
0xb0: {  	[dreg:$0x2] =	wrdreg s2  }
0xb1: {  	[dreg:$0x3] =	wrdreg s18  }
0xb2: {  	[dreg:$0x4] =	wrdreg s4  }
0xb3: {  	[dreg:$0x5] =	wrdreg s24  }
0xb4: {  	[dreg:$0x6] =	wrdreg $0x1A8800  }
0xb5: {  	[dreg:$0x7] =	wrdreg $0x9  }
0xb6: {  	_ =	task.clear_ibuf [dreg:s9], $0x8FFFF;
	_ =	strace $0x90000046  }
0xb7: {  	s29 =	simm.s32 $0x9;
	_ =	strace $0x80000048  }
0xb8: {  	_ =	swait.ge [sflag:s29], $0x1  }
0xb9: {  	[sflag:s29] =	ssyncadd.s32 $0xFFFFFFFF  }
0xba: {  	_ =	strace $0x90000048  }
0xbb: {  	_ =	sfence  }
0xbc: {  	s30 =	sld [smem:$0x0];
	_ =	sdelay $0x2  }
0xbd: {  	s31 =	sshll.u32 s1, $0xD;
	s1 =	sshrl.u32 s1, $0x2  }
0xbe: {  	s3 =	sand.u32 $0x4000, s31;
	s1 =	sadd.s32 s1, s30  }
0xbf: {  	s0 =	sor.u32 s3, s0;
	s1 =	sshll.u32 s1, $0x11  }
0xc0: {  	s0 =	sor.u32 s1, s0  }
0xc1: {  	s0 =	sadd.s32 $0x8F2B, s0  }
0xc2: {  	[sflag:s0] =	ssyncadd.remote.s32 $0x1  }
0xc3: {  	_ =	sfence.sel $0xFFFF  }
0xc4: {  	[dreg:$0x0] =	wrdreg $0xFFFFFFFF;
	(pc) =	sbr.abs _section_cstart, $3  }
0xc5: {  	[dreg:$0x1] =	wrdreg $0xFFFFFFFF  }
0xc6: {  	_ =	task.clear_ibuf [dreg:s9], $0x2FFFF;
	_ =	strace $0x9FFFFFFF  }
0xc7: {  	(tm) =	ssettm $0x7FFFFFFF  }
tec
execute0_lowered:
.L_overlay_start_1:
0x0: {  	(tag) =	ssettag $0x1  }
0x1: {  	s1 =	rddreg [dreg:$0x0]  }
0x2: {  	s0 =	rddreg [dreg:$0x1]  }
0x3: {  	s2 =	rddreg [dreg:$0x3]  }
0x4: {  	s3 =	rddreg [dreg:$0x4];
	s5 =	simm.s32 $0x0;
	s4 =	srdreg.scid  }
0x5: {  	s11 =	stileid.u32;
	s17 =	simm.s32 $0x6;
	s19 =	simm.s32 $0xA880  }
0x6: {  	s20 =	simm.s32 $0xE880;
	s21 =	simm.s32 $0x12880;
	s22 =	simm.s32 $0x16880  }
0x7: {  	s23 =	simm.s32 $0x1;
	s24 =	simm.s32 $0x2;
	s25 =	simm.s32 $0x3  }
0x8: {  	s28 =	simm.s32 $0x7;
	s29 =	simm.s32 $0x4;
	[smem:$0x7FF] =	sst s5  }
0x9: {  	s4 =	sand.u32 $0x1, s4;
	s6 =	sshll.u32 s11, $0x1;
	s8 =	sshll.u32 s11, $0xB  }
0xa: {  	p0 =	sgt.u32 s11, $0xD;
	s11 =	simm.s32 $0x2780;
	_ =	strace $0x80000047  }
0xb: {  	s7 =	sshll.u32 s4, $0xF;
	s6 =	sor.u32 s4, s6;
	s4 =	ssub.s32 $0x2, s4  }
0xc: {  	s7 =	sor.u32 s8, s7;
	s9 =	smul.u32 $0x4E, s6;
	s10 =	sshrl.u32 s4, $0x1  }
0xd: {  	s6 =	smax.u32 s6, $0x1C;
	s8 =	sadd.s32 s8, s3;
	s7 =	sshrl.u32 s7, $0x3  }
0xe: {  	s4 =	ssub.s32 s4, s10;
	s2 =	sadd.s32 s7, s2;
	s6 =	sadd.s32 s9, s6  }
0xf: {  	s7 =	simm.s32 $0x4F;
	s15 =	smax.u32 s4, $0x1;
	s9 =	simm.s32 $0x2880  }
.Ltmp0:
0x10: {  	s6 =	sadd.s32 $0xFFFFFFE4, s6;
	s7 =	simm.s32 @!p0 $0x4E;
	(pc) =	sbr.rel .LBB2_1-.Ltmp0, $4  }
0x11: {  	s14 =	sadd.s32 $0x600, s2;
	s26 =	sshll.u32 s6, $0x4;
	s30 =	sshll.u32 s6, $0xB  }
0x12: {  	s0 =	sadd.s32 s0, s26;
	s10 =	sadd.s32 s1, s30;
	s26 =	simm.s32 $0x80  }
0x13: {  	[dreg:$0x6] =	wrdreg s0;
	s31 =	sadd.s32 $0x800, s10;
	s12 =	sadd.s32 $0x1000, s10  }
0x14: {  	v0 =	vimm.f32 $0.0e+00;
	s13 =	sadd.s32 $0x1800, s10;
	s0 =	simm.s32 $0x5;
	[dreg:$0x7] =	wrdreg s31  }
.LBB2_27:
0x15: {  	s9 =	simm.s32 $0x2880;
	s11 =	simm.s32 $0x2780  }
0x16: {  	[spmem:s3] =	stream.indirect.scatter.add.f32 [tilespmem:s9], [sflag:$0x5], $0x80, s11, s26, $0xb8;
	[tilespmem:$0x1B080] =	vst v63  }
0x17: {  	s2 =	simm.s32 $0x2800;
	s4 =	simm.s32 $0x6880  }
0x18: {  	[spmem:s3] =	stream.indirect.scatter.add.f32 [tilespmem:s4], [sflag:$0x5], $0x80, s2, s26, $0xb8;
	[tilespmem:$0x1B080] =	vst v63  }
0x19: {  	_ =	swait.ge [sflag:s0], $0x4000  }
0x1a: {  	[sflag:s0] =	ssyncset.done $0x0  }
0x1b: {  	[sflag:s0] =	ssyncadd.s32 $0xFFFFC000  }
0x1c: {  	s30 =	stileid.u32;
	_ =	swait.ge [sflag:s0], $0x4000  }
0x1d: {  	s31 =	sshrl.u32 s8, $0x3;
	s5 =	sadd.s32 $0x1, s5;
	[sflag:s0] =	ssyncset.done $0x0  }
0x1e: {  	p0 =	sne.s32 s5, s15;
	s2 =	sshll.u32 s30, $0x6;
	[sflag:s0] =	ssyncadd.s32 $0xFFFFC000  }
.Ltmp1:
0x1f: {  	s2 =	sor.u32 $0x1C06, s2;
	[bflag:$0x0] =	sbarrier.arrive $0xFFFF;
	(pc) =	sbr.rel @!p0 .LBB2_28-.Ltmp1, $4  }
0x20: {  	[hbm:s14], [sflag:s2] =	dma.local [spmem:s31], $0x100  }
0x21: {  	_ =	swait.ge [sflag:s17], $0x100  }
0x22: {  	[sflag:s17] =	ssyncset.done $0x0  }
0x23: {  	v0 =	vimm.f32 $0.0e+00;
	[sflag:s17] =	ssyncadd.s32 $0xFFFFFF00  }
.LBB2_1:
0x24: {  	s2 =	simm.s32 $0x0;
	s4 =	simm.s32 $0x200  }
.LBB2_2:
0x25: {  	p0 =	sne.s32 s4, $0x1FE00;
	[tilespmem:s2+$0x28F0] =	vst v0  }
0x26: {  	[tilespmem:s2+$0x2880] =	vst v0  }
0x27: {  	[tilespmem:s2+$0x2890] =	vst v0  }
.Ltmp2:
0x28: {  	[tilespmem:s2+$0x28A0] =	vst v0;
	(pc) =	sbr.rel @p0 .LBB2_2-.Ltmp2, $4  }
0x29: {  	[tilespmem:s2+$0x28B0] =	vst v0  }
0x2a: {  	[tilespmem:s2+$0x28C0] =	vst v0  }
0x2b: {  	[tilespmem:s2+$0x28D0] =	vst v0  }
0x2c: {  	[tilespmem:s2+$0x28E0] =	vst v0;
	s2 =	sshra.s32 s4, $0x2;
	s4 =	sadd.s32 $0x200, s4  }
0x2d: {  	[tilespmem:s2+$0x28F0] =	vst v0  }
0x2e: {  	[tilespmem:s2+$0x2880] =	vst v0  }
0x2f: {  	[tilespmem:s2+$0x2890] =	vst v0  }
0x30: {  	[tilespmem:s2+$0x28A0] =	vst v0  }
0x31: {  	[tilespmem:s2+$0x28B0] =	vst v0  }
0x32: {  	[tilespmem:s2+$0x28C0] =	vst v0  }
0x33: {  	[tilespmem:s2+$0x28D0] =	vst v0  }
0x34: {  	[tilespmem:s2+$0x28E0] =	vst v0  }
0x35: {  	[spmem:s8] =	stream.linear.scatter [tilespmem:s9], [sflag:$0x6], $0x800, $0x38;
	[tilespmem:$0x1B080] =	vst v63  }
0x36: {  	_ =	swait.ge [sflag:s17], $0x800  }
0x37: {  	[sflag:s17] =	ssyncset.done $0x0  }
0x38: {  	s2 =	simm.s32 $0x0;
	s4 =	rddreg [dreg:$0x6];
	[sflag:s17] =	ssyncadd.s32 $0xFFFFF800  }
0x39: {  	[tilespmem:s2], [sflag:$0x6] =	stream.linear.gather [hbm4b:s4+s2], $0x2780, $0x38;
	[tilespmem:$0x1B080] =	vst v63  }
0x3a: {  	_ =	swait.ge [sflag:s17], $0x2780  }
0x3b: {  	[sflag:s17] =	ssyncset.done $0x0  }
0x3c: {  	[sflag:s17] =	ssyncadd.s32 $0xFFFFD880  }
0x3d: {  	s18 =	rddreg [dreg:$0x2]  }
0x3e: {  	[tilespmem:s11], [sflag:$0x6] =	stream.linear.gather [hbm4b:s18+s2], $0x100, $0x38;
	[tilespmem:$0x1B080] =	vst v63  }
0x3f: {  	_ =	swait.ge [sflag:s17], $0x100  }
0x40: {  	[sflag:s17] =	ssyncset.done $0x0  }
0x41: {  	[sflag:s17] =	ssyncadd.s32 $0xFFFFFF00  }
0x42: {  	[tilespmem:s19], [sflag:$0x1] =	stream.linear.gather [hbm4b:s10+s2], $0x4000, $0x38;
	[tilespmem:$0x1B080] =	vst v63  }
0x43: {  	s31 =	rddreg [dreg:$0x7]  }
0x44: {  	[tilespmem:s20], [sflag:$0x2] =	stream.linear.gather [hbm4b:s31+s2], $0x4000, $0x38;
	[tilespmem:$0x1B080] =	vst v63  }
0x45: {  	_ = 	snop  }
0x46: {  	[tilespmem:s21], [sflag:$0x3] =	stream.linear.gather [hbm4b:s12+s2], $0x4000, $0x38;
	[tilespmem:$0x1B080] =	vst v63  }
.Ltmp3:
0x47: {  	_ = 	snop;
	(pc) =	sbr.rel .LBB2_4-.Ltmp3, $4  }
0x48: {  	_ = 	snop  }
0x49: {  	[tilespmem:s22], [sflag:$0x4] =	stream.linear.gather [hbm4b:s13+s2], $0x4000, $0x38;
	[tilespmem:$0x1B080] =	vst v63  }
0x4a: {  	[bflag:$0x0] =	sbarrier.arrive $0xFFFF  }
0x4b: {  	s30 =	simm.s32 $0x0  }
.LBB2_25:
0x4c: {  	[spmem:s3] =	stream.indirect.scatter.add.f32 [tilespmem:s22], [sflag:$0x6], $0x80, s9, s26, $0xb8;
	[tilespmem:$0x1B080] =	vst v63  }
0x4d: {  	_ =	swait.ge [sflag:s17], $0x4000  }
0x4e: {  	[sflag:s17] =	ssyncset.done $0x0  }
0x4f: {  	[sflag:s17] =	ssyncadd.s32 $0xFFFFC000  }
.LBB2_26:
0x50: {  	s30 =	sadd.s32 $0x1, s30  }
0x51: {  	p0 =	sne.s32 s30, $0x14  }
.Ltmp4:
0x52: {  	_ = 	snop;
	(pc) =	sbr.rel @!p0 .LBB2_27-.Ltmp4, $1  }
0x53: {  	_ =	sdelay $0x3  }
.LBB2_4:
0x54: {  	s31 =	sshllo.u32 s30, $0x2;
	p0 =	seq.s32 s30, $0x0  }
0x55: {  	p1 =	sge.u32 @!p0 s31, s7  }
0x56: {  	p0 =	por p1, p0  }
0x57: {  	_ =	swait.ge [sflag:s23], $0x4000;
	s4 =	sadd.s32 @!p0 s6, s31  }
0x58: {  	[sflag:s23] =	ssyncset.done $0x0;
	s4 =	sshll.u32 @!p0 s4, $0xB  }
0x59: {  	[sflag:s23] =	ssyncadd.s32 $0xFFFFC000;
	s4 =	sand.u32 @!p0 $0x1FFFF800, s4  }
0x5a: {  	s9 =	simm.s32 @!p0 $0x0;
	s16 =	simm.s32 @!p0 $0x16880;
	s4 =	sadd.s32 @!p0 s1, s4  }
0x5b: {  	[tilespmem:s16], [sflag:$0x4] =	stream.linear.gather @!p0 [hbm4b:s4+s9], $0x4000, $0x38;
	[tilespmem:$0x1B080] =	vst v63  }
0x5c: {  	s16 =	sshll.u32 s30, $0x9  }
0x5d: {  	s16 =	sand.u32 $0x3FFFFE00, s16  }
0x5e: {  	v1 =	vld [tilespmem:s16+$0x0]  }
0x5f: {  	v2 =	vld [tilespmem:s16+$0x70];
	_ =	sdelay $0x3  }
0x60: {  	v1 =	vxor.u32 $0x80000000, v1  }
0x61: {  	v61 =	vxor.u32 $0x80000000, v2;
	(xrf0) =	vmin.scan.msk.u32 $0xffff, v1  }
0x62: {  	(xrf0) =	vmax.scan.msk.u32 $0xffff, v61;
	_ =	sdelay $0x4  }
0x63: {  	v62, _, _ =	vpop (xrf0)  }
0x64: {  	(v2sf) =	vpush v62, $0xF;
	v63, _, _ =	vpop (xrf0)  }
0x65: {  	(v2sf) =	vpush v63, $0xF;
	_ =	sdelay $0xd  }
0x66: {  	s4 =	spop (v2sf)  }
0x67: {  	s18 =	spop (v2sf)  }
0x68: {  	p0 =	sne.s32 s18, s4  }
.Ltmp5:
0x69: {  	_ = 	snop;
	(pc) =	sbr.rel @p0 .LBB2_8-.Ltmp5, $2  }
0x6a: {  	_ =	sdelay $0x2  }
0x6b: {  	v15 =	vimm.f32 $0.0e+00  }
0x6c: {  	s18 =	sshra.s32 s2, $0x2  }
0x6d: {  	v16 =	vld [tilespmem:s18+$0xB000]  }
0x6e: {  	v17 =	vld [tilespmem:s18+$0xB010]  }
0x6f: {  	v18 =	vld [tilespmem:s18+$0xB020]  }
0x70: {  	v19 =	vld [tilespmem:s18+$0xB030]  }
0x71: {  	v0 =	vld [tilespmem:s18+$0xB040]  }
0x72: {  	v53 =	vld [tilespmem:s18+$0xB050]  }
0x73: {  	v22 =	vld [tilespmem:s18+$0xAF80]  }
0x74: {  	v24 =	vld [tilespmem:s18+$0xAF90]  }
0x75: {  	v21 =	vld [tilespmem:s18+$0xAFA0]  }
0x76: {  	v23 =	vld [tilespmem:s18+$0xAFB0]  }
0x77: {  	v54 =	vld [tilespmem:s18+$0xAFC0]  }
0x78: {  	v55 =	vld [tilespmem:s18+$0xAFD0]  }
0x79: {  	v3 =	vld [tilespmem:s18+$0xAF00]  }
0x7a: {  	v4 =	vld [tilespmem:s18+$0xAF10]  }
0x7b: {  	v1 =	vld [tilespmem:s18+$0xAF20]  }
0x7c: {  	v2 =	vld [tilespmem:s18+$0xAF30]  }
0x7d: {  	v56 =	vld [tilespmem:s18+$0xAF40]  }
0x7e: {  	v57 =	vld [tilespmem:s18+$0xAF50]  }
0x7f: {  	v8 =	vld [tilespmem:s18+$0xAE80]  }
0x80: {  	v7 =	vld [tilespmem:s18+$0xAE90]  }
0x81: {  	v5 =	vld [tilespmem:s18+$0xAEA0]  }
0x82: {  	v6 =	vld [tilespmem:s18+$0xAEB0]  }
0x83: {  	v58 =	vld [tilespmem:s18+$0xAEC0]  }
0x84: {  	v59 =	vld [tilespmem:s18+$0xAED0]  }
0x85: {  	v37 =	vld [tilespmem:s18+$0xAE00]  }
0x86: {  	v38 =	vld [tilespmem:s18+$0xAE10]  }
0x87: {  	v39 =	vld [tilespmem:s18+$0xAE20]  }
0x88: {  	v41 =	vld [tilespmem:s18+$0xAE30]  }
0x89: {  	v60 =	vld [tilespmem:s18+$0xAE40]  }
0x8a: {  	v61 =	vld [tilespmem:s18+$0xAE50]  }
0x8b: {  	v42 =	vld [tilespmem:s18+$0xAD80]  }
0x8c: {  	v43 =	vld [tilespmem:s18+$0xAD90]  }
0x8d: {  	v44 =	vld [tilespmem:s18+$0xADA0]  }
0x8e: {  	v47 =	vld [tilespmem:s18+$0xADB0]  }
0x8f: {  	v62 =	vld [tilespmem:s18+$0xADC0]  }
0x90: {  	v63 =	vld [tilespmem:s18+$0xADD0]  }
0x91: {  	v48 =	vld [tilespmem:s18+$0xAD00]  }
0x92: {  	v49 =	vld [tilespmem:s18+$0xAD10]  }
0x93: {  	v50 =	vld [tilespmem:s18+$0xAD20]  }
0x94: {  	v52 =	vld [tilespmem:s18+$0xAD30]  }
0x95: {  	v9 =	vld [tilespmem:s18+$0xAD40]  }
0x96: {  	v14 =	vld [tilespmem:s18+$0xAD50]  }
0x97: {  	v45 =	vld [tilespmem:s18+$0xAC80]  }
0x98: {  	v46 =	vld [tilespmem:s18+$0xAC90]  }
0x99: {  	v51 =	vld [tilespmem:s18+$0xACA0]  }
0x9a: {  	v20 =	vld [tilespmem:s18+$0xACC0]  }
0x9b: {  	v36 =	vld [tilespmem:s18+$0xAC00]  }
0x9c: {  	v40 =	vld [tilespmem:s18+$0xAC10]  }
0x9d: {  	v35 =	vld [tilespmem:s18+$0xAB80]  }
0x9e: {  	v34 =	vld [tilespmem:s18+$0xAB90]  }
0x9f: {  	v33 =	vld [tilespmem:s18+$0xAB00]  }
0xa0: {  	v25 =	vld [tilespmem:s18+$0xA890]  }
0xa1: {  	v26 =	vld [tilespmem:s18+$0xA8A0]  }
0xa2: {  	v27 =	vld [tilespmem:s18+$0xA8B0]  }
0xa3: {  	v28 =	vld [tilespmem:s18+$0xA920]  }
0xa4: {  	v29 =	vld [tilespmem:s18+$0xA930]  }
0xa5: {  	v31 =	vld [tilespmem:s18+$0xA9A0]  }
0xa6: {  	v30 =	vld [tilespmem:s18+$0xA9B0]  }
0xa7: {  	v32 =	vld [tilespmem:s18+$0xAA20]  }
0xa8: {  	v10 =	vld [tilespmem:s18+$0xAA30]  }
0xa9: {  	v11 =	vld [tilespmem:s18+$0xAAB0]  }
0xaa: {  	[tilespmem:$0x1FF50] =	vst v54;
	v54 =	vld [tilespmem:s18+$0xAB10]  }
0xab: {  	[tilespmem:$0x1FF60] =	vst v55;
	v55 =	vld [tilespmem:s18+$0xAA80]  }
0xac: {  	[tilespmem:$0x1FF70] =	vst v56;
	v56 =	vld [tilespmem:s18+$0xAA90]  }
0xad: {  	[tilespmem:$0x1FF80] =	vst v57;
	v57 =	vld [tilespmem:s18+$0xAA00]  }
0xae: {  	[tilespmem:$0x1FFE0] =	vst v63;
	v63 =	vld [tilespmem:s18+$0xA880]  }
0xaf: {  	[tilespmem:$0x1FFC0] =	vst v61;
	v61 =	vld [tilespmem:s18+$0xA900]  }
0xb0: {  	[tilespmem:$0x1FFD0] =	vst v62;
	v62 =	vld [tilespmem:s18+$0xA910];
	v26 =	vadd.f32 v26, v15;
	v27 =	vadd.f32 v27, v15  }
0xb1: {  	[tilespmem:$0x1FFA0] =	vst v59;
	v59 =	vld [tilespmem:s18+$0xA980]  }
0xb2: {  	[tilespmem:$0x1FFB0] =	vst v60;
	v60 =	vld [tilespmem:s18+$0xA990];
	v26 =	vadd.f32 v28, v26;
	v27 =	vadd.f32 v29, v27  }
0xb3: {  	v25 =	vadd.f32 v25, v15;
	v28 =	vld [tilespmem:s18+$0xAAA0];
	v63 =	vadd.f32 v63, v15  }
0xb4: {  	[tilespmem:$0x1FF90] =	vst v58;
	v58 =	vld [tilespmem:s18+$0xAA10];
	v26 =	vadd.f32 v31, v26;
	v27 =	vadd.f32 v30, v27  }
0xb5: {  	v30 =	vld [tilespmem:s18+$0xAB20];
	v25 =	vadd.f32 v62, v25;
	v61 =	vadd.f32 v61, v63  }
0xb6: {  	v31 =	vld [tilespmem:s18+$0xAB30];
	v26 =	vadd.f32 v32, v26  }
0xb7: {  	v25 =	vadd.f32 v60, v25;
	v60 =	vld [tilespmem:s18+$0xABA0];
	v29 =	vadd.f32 v59, v61  }
0xb8: {  	v27 =	vadd.f32 v10, v27;
	v26 =	vadd.f32 v28, v26;
	v28 =	vld [tilespmem:s18+$0xAC20]  }
0xb9: {  	v25 =	vadd.f32 v58, v25;
	v61 =	vld [tilespmem:s18+$0xABB0];
	v29 =	vadd.f32 v57, v29  }
0xba: {  	[tilespmem:$0x1FF40] =	vst v53;
	v53 =	vld [tilespmem:s18+$0xACB0];
	v27 =	vadd.f32 v11, v27;
	v26 =	vadd.f32 v30, v26  }
0xbb: {  	v63 =	vld [tilespmem:s18+$0xAC30];
	v25 =	vadd.f32 v56, v25;
	v29 =	vadd.f32 v55, v29  }
0xbc: {  	v58 =	vld [tilespmem:s18+$0xAA50];
	v27 =	vadd.f32 v31, v27;
	v26 =	vadd.f32 v60, v26  }
0xbd: {  	v57 =	vld [tilespmem:s18+$0xAA40];
	v62 =	vadd.f32 v54, v25;
	v29 =	vadd.f32 v33, v29  }
0xbe: {  	v25 =	vld [tilespmem:s18+$0xACD0];
	v27 =	vadd.f32 v61, v27;
	v26 =	vadd.f32 v28, v26  }
0xbf: {  	v54 =	vld [tilespmem:s18+$0xA9D0];
	v30 =	vadd.f32 v34, v62;
	v29 =	vadd.f32 v35, v29  }
0xc0: {  	v33 =	vld [tilespmem:s18+$0xAC40];
	v27 =	vadd.f32 v63, v27;
	v26 =	vadd.f32 v51, v26  }
0xc1: {  	v34 =	vld [tilespmem:s18+$0xAC50];
	v30 =	vadd.f32 v40, v30;
	v29 =	vadd.f32 v36, v29  }
0xc2: {  	v51 =	vld [tilespmem:s18+$0xAAC0];
	v27 =	vadd.f32 v53, v27;
	v26 =	vadd.f32 v50, v26  }
0xc3: {  	v35 =	vld [tilespmem:s18+$0xABC0];
	v28 =	vadd.f32 v45, v29;
	v29 =	vadd.f32 v46, v30  }
0xc4: {  	v40 =	vld [tilespmem:s18+$0xABD0];
	v27 =	vadd.f32 v52, v27;
	v26 =	vadd.f32 v44, v26  }
0xc5: {  	v53 =	vld [tilespmem:s18+$0xA9C0];
	v28 =	vadd.f32 v48, v28;
	v29 =	vadd.f32 v49, v29  }
0xc6: {  	v36 =	vld [tilespmem:s18+$0xA8E0];
	v27 =	vadd.f32 v47, v27;
	v26 =	vadd.f32 v39, v26  }
0xc7: {  	v52 =	vld [tilespmem:s18+$0xAAD0];
	v28 =	vadd.f32 v42, v28;
	v29 =	vadd.f32 v43, v29  }
0xc8: {  	v45 =	vld [tilespmem:s18+$0xAB40];
	v27 =	vadd.f32 v41, v27;
	v26 =	vadd.f32 v5, v26  }
0xc9: {  	v46 =	vld [tilespmem:s18+$0xAB50];
	v28 =	vadd.f32 v37, v28;
	v29 =	vadd.f32 v38, v29  }
0xca: {  	v47 =	vld [tilespmem:s18+$0xA940];
	v27 =	vadd.f32 v6, v27;
	v31 =	vadd.f32 v1, v26  }
0xcb: {  	v48 =	vld [tilespmem:s18+$0xA950];
	v28 =	vadd.f32 v8, v28;
	v29 =	vadd.f32 v7, v29  }
0xcc: {  	[tilespmem:$0x1FF30] =	vst v0;
	v41 =	vld [tilespmem:s18+$0xA8C0];
	v26 =	vimm.f32 $0.0e+00;
	v32 =	vadd.f32 v2, v27;
	v27 =	vimm.f32 $0.0e+00  }
0xcd: {  	s9 =	sadd.s32 $0x2000, s2;
	[tilespmem:$0x1FFF0] =	vst v9;
	v42 =	vld [tilespmem:s18+$0xA8D0];
	v30 =	vadd.f32 v3, v28;
	v29 =	vadd.f32 v4, v29;
	v28 =	vimm.f32 $0.0e+00  }
.LBB2_6:
0xce: {  	v37 =	vld [tilespmem:s18+$0xA8F0]  }
0xcf: {  	v38 =	vld [tilespmem:s18+$0xA960]  }
0xd0: {  	v39 =	vld [tilespmem:s18+$0xA970]  }
0xd1: {  	v0 =	vld [tilespmem:$0x1FFF0]  }
0xd2: {  	v43 =	vld [tilespmem:s18+$0xAF70]  }
0xd3: {  	v44 =	vld [tilespmem:$0x1FF90]  }
0xd4: {  	v49 =	vld [tilespmem:$0x1FF80]  }
0xd5: {  	v50 =	vld [tilespmem:s18+$0xB070];
	v22 =	vadd.f32 v22, v30  }
0xd6: {  	v21 =	vadd.f32 v21, v31;
	v15 =	vadd.f32 v41, v15;
	v41 =	vld [tilespmem:$0x1FFB0]  }
0xd7: {  	v24 =	vadd.f32 v24, v29;
	v29 =	vadd.f32 v16, v22;
	v16 =	vld [tilespmem:s18+$0xA9E0]  }
0xd8: {  	v23 =	vadd.f32 v23, v32;
	v31 =	vadd.f32 v18, v21;
	v18 =	vld [tilespmem:s18+$0xA9F0]  }
0xd9: {  	v22 =	vld [tilespmem:s18+$0xAA60]  }
0xda: {  	v32 =	vadd.f32 v19, v23;
	v23 =	vld [tilespmem:s18+$0xAA70]  }
0xdb: {  	v30 =	vadd.f32 v17, v24;
	v24 =	vld [tilespmem:s18+$0xAAE0]  }
0xdc: {  	v21 =	vadd.f32 v37, v26;
	v26 =	vld [tilespmem:s18+$0xAAF0]  }
0xdd: {  	v17 =	vadd.f32 v42, v28;
	v42 =	vld [tilespmem:$0x1FFC0]  }
0xde: {  	v15 =	vadd.f32 v47, v15;
	v21 =	vadd.f32 v39, v21;
	v39 =	vld [tilespmem:$0x1FFD0]  }
0xdf: {  	v19 =	vadd.f32 v36, v27;
	v17 =	vadd.f32 v48, v17;
	v48 =	vld [tilespmem:$0x1FF70]  }
0xe0: {  	v15 =	vadd.f32 v53, v15;
	v53 =	vld [tilespmem:$0x1FF50]  }
0xe1: {  	v19 =	vadd.f32 v38, v19;
	v17 =	vadd.f32 v54, v17;
	v54 =	vld [tilespmem:$0x1FF60]  }
0xe2: {  	v15 =	vadd.f32 v57, v15;
	v57 =	vld [tilespmem:$0x1FF30]  }
0xe3: {  	v16 =	vadd.f32 v16, v19;
	v19 =	vld [tilespmem:s18+$0xAB60]  }
0xe4: {  	v18 =	vadd.f32 v18, v21;
	v21 =	vld [tilespmem:s18+$0xAB70]  }
0xe5: {  	v17 =	vadd.f32 v58, v17;
	v58 =	vld [tilespmem:$0x1FF40]  }
0xe6: {  	v15 =	vadd.f32 v51, v15;
	v16 =	vadd.f32 v22, v16;
	v22 =	vld [tilespmem:s18+$0xABE0]  }
0xe7: {  	v18 =	vadd.f32 v23, v18;
	v23 =	vld [tilespmem:s18+$0xABF0];
	v17 =	vadd.f32 v52, v17  }
0xe8: {  	v15 =	vadd.f32 v45, v15;
	v16 =	vadd.f32 v24, v16;
	v24 =	vld [tilespmem:s18+$0xAC60]  }
0xe9: {  	v18 =	vadd.f32 v26, v18;
	v26 =	vld [tilespmem:s18+$0xAC70];
	v17 =	vadd.f32 v46, v17  }
0xea: {  	v15 =	vadd.f32 v35, v15;
	v16 =	vadd.f32 v19, v16;
	v19 =	vld [tilespmem:s18+$0xACE0]  }
0xeb: {  	v18 =	vadd.f32 v21, v18;
	v21 =	vld [tilespmem:s18+$0xACF0]  }
0xec: {  	v17 =	vadd.f32 v40, v17;
	v15 =	vadd.f32 v33, v15;
	v40 =	vld [tilespmem:$0x1FFE0]  }
0xed: {  	v16 =	vadd.f32 v22, v16;
	v18 =	vadd.f32 v23, v18;
	v22 =	vld [tilespmem:s18+$0xAD60]  }
0xee: {  	v23 =	vld [tilespmem:s18+$0xAD70];
	v17 =	vadd.f32 v34, v17;
	v15 =	vadd.f32 v20, v15  }
0xef: {  	v20 =	vld [tilespmem:s18+$0xADF0];
	v16 =	vadd.f32 v24, v16;
	v18 =	vadd.f32 v26, v18  }
0xf0: {  	v24 =	vld [tilespmem:s18+$0xADE0];
	v17 =	vadd.f32 v25, v17;
	v13 =	vadd.f32 v0, v15  }
0xf1: {  	v15 =	vld [tilespmem:s18+$0xAE70];
	v16 =	vadd.f32 v19, v16;
	v18 =	vadd.f32 v21, v18  }
0xf2: {  	v19 =	vld [tilespmem:s18+$0xAE60];
	v14 =	vadd.f32 v14, v17;
	v11 =	vadd.f32 v39, v13  }
0xf3: {  	v13 =	vld [tilespmem:s18+$0xAEF0];
	v16 =	vadd.f32 v22, v16;
	v17 =	vadd.f32 v23, v18  }
0xf4: {  	v18 =	vld [tilespmem:s18+$0xAEE0];
	v12 =	vadd.f32 v40, v14  }
0xf5: {  	v45 =	vld [tilespmem:$0x1FFA0];
	v14 =	vadd.f32 v24, v16;
	v16 =	vadd.f32 v20, v17  }
0xf6: {  	v46 =	vld [tilespmem:s18+$0xAFF0];
	v10 =	vadd.f32 v42, v12  }
0xf7: {  	v17 =	vld [tilespmem:s18+$0xAF60];
	v12 =	vadd.f32 v19, v14;
	v14 =	vadd.f32 v15, v16  }
0xf8: {  	v15 =	vld [tilespmem:s18+$0xAFE0]  }
0xf9: {  	v47 =	vadd.f32 v18, v12;
	v12 =	vadd.f32 v13, v14;
	v13 =	vld [tilespmem:s18+$0xB060];
	s18 =	sshra.s32 s9, $0x2  }
0xfa: {  	v16 =	vld [tilespmem:s18+$0xB000]  }
0xfb: {  	v18 =	vld [tilespmem:s18+$0xB020]  }
0xfc: {  	v19 =	vld [tilespmem:s18+$0xB030]  }
0xfd: {  	v59 =	vld [tilespmem:s18+$0xB040]  }
0xfe: {  	v60 =	vld [tilespmem:s18+$0xB050]  }
0xff: {  	v22 =	vld [tilespmem:s18+$0xAF80]  }
0x100: {  	v24 =	vld [tilespmem:s18+$0xAF90]  }
0x101: {  	v21 =	vld [tilespmem:s18+$0xAFA0]  }
0x102: {  	v23 =	vld [tilespmem:s18+$0xAFB0]  }
0x103: {  	v61 =	vld [tilespmem:s18+$0xAFC0]  }
0x104: {  	v62 =	vld [tilespmem:s18+$0xAFD0]  }
0x105: {  	v36 =	vld [tilespmem:s18+$0xAF00]  }
0x106: {  	v38 =	vld [tilespmem:s18+$0xAF10]  }
0x107: {  	v9 =	vadd.f32 v41, v11;
	v37 =	vld [tilespmem:s18+$0xAF20]  }
0x108: {  	v39 =	vld [tilespmem:s18+$0xAF30]  }
0x109: {  	v7 =	vadd.f32 v44, v9;
	v63 =	vld [tilespmem:s18+$0xAF40]  }
0x10a: {  	v41 =	vld [tilespmem:s18+$0xAE80]  }
0x10b: {  	v6 =	vadd.f32 v48, v7;
	v42 =	vld [tilespmem:s18+$0xAEA0]  }
0x10c: {  	v8 =	vadd.f32 v45, v10;
	v44 =	vld [tilespmem:s18+$0xAEB0]  }
0x10d: {  	v4 =	vadd.f32 v53, v6;
	v6 =	vld [tilespmem:s18+$0xAED0]  }
0x10e: {  	v5 =	vadd.f32 v49, v8;
	v49 =	vld [tilespmem:s18+$0xAE10]  }
0x10f: {  	v48 =	vld [tilespmem:s18+$0xAE20]  }
0x110: {  	v7 =	vld [tilespmem:s18+$0xAE40]  }
0x111: {  	v8 =	vld [tilespmem:s18+$0xAE50]  }
0x112: {  	v53 =	vld [tilespmem:s18+$0xAD80]  }
0x113: {  	v9 =	vld [tilespmem:s18+$0xADC0]  }
0x114: {  	v10 =	vld [tilespmem:s18+$0xADD0]  }
0x115: {  	v11 =	vld [tilespmem:s18+$0xAD40]  }
0x116: {  	v14 =	vld [tilespmem:s18+$0xAD50]  }
0x117: {  	v20 =	vld [tilespmem:s18+$0xACC0]  }
0x118: {  	v25 =	vld [tilespmem:s18+$0xACD0]  }
0x119: {  	v45 =	vld [tilespmem:s18+$0xAC00]  }
0x11a: {  	v34 =	vld [tilespmem:s18+$0xAB80]  }
0x11b: {  	v35 =	vld [tilespmem:s18+$0xAB90]  }
0x11c: {  	v33 =	vld [tilespmem:s18+$0xAB00]  }
0x11d: {  	v40 =	vld [tilespmem:s18+$0xAB10]  }
0x11e: {  	v0 =	vld [tilespmem:s18+$0xAA90]  }
0x11f: {  	v1 =	vld [tilespmem:s18+$0xAA00]  }
0x120: {  	v2 =	vld [tilespmem:s18+$0xAA10]  }
0x121: {  	v51 =	vadd.f32 v17, v47;
	v17 =	vld [tilespmem:s18+$0xB010]  }
0x122: {  	v52 =	vadd.f32 v43, v12;
	v43 =	vld [tilespmem:s18+$0xAE90]  }
0x123: {  	v47 =	vld [tilespmem:s18+$0xAE00]  }
0x124: {  	v12 =	vld [tilespmem:s18+$0xA930]  }
0x125: {  	v3 =	vadd.f32 v54, v5;
	v5 =	vld [tilespmem:s18+$0xAEC0]  }
0x126: {  	v54 =	vld [tilespmem:s18+$0xADA0]  }
0x127: {  	v55 =	vadd.f32 v15, v51;
	v15 =	vadd.f32 v57, v4;
	v4 =	vld [tilespmem:s18+$0xAF50]  }
0x128: {  	v57 =	vld [tilespmem:s18+$0xAD00]  }
0x129: {  	v51 =	vld [tilespmem:s18+$0xAC80]  }
0x12a: {  	v56 =	vadd.f32 v46, v52;
	v52 =	vld [tilespmem:s18+$0xAC90]  }
0x12b: {  	v46 =	vld [tilespmem:s18+$0xAC10]  }
0x12c: {  	v28 =	vadd.f32 v58, v3;
	v58 =	vld [tilespmem:s18+$0xAD20]  }
0x12d: {  	v3 =	vld [tilespmem:s18+$0xA980]  }
0x12e: {  	v26 =	vadd.f32 v50, v56;
	v50 =	vld [tilespmem:s18+$0xAE30]  }
0x12f: {  	v27 =	vadd.f32 v13, v55;
	v55 =	vld [tilespmem:s18+$0xAD90]  }
0x130: {  	v56 =	vld [tilespmem:s18+$0xADB0]  }
0x131: {  	[tilespmem:$0x1FF30] =	vst v59;
	v59 =	vld [tilespmem:s18+$0xAD10]  }
0x132: {  	[tilespmem:$0x1FF40] =	vst v60;
	v60 =	vld [tilespmem:s18+$0xAD30]  }
0x133: {  	[tilespmem:$0x1FF50] =	vst v61;
	v61 =	vld [tilespmem:s18+$0xACA0]  }
0x134: {  	[tilespmem:$0x1FF60] =	vst v62;
	v62 =	vld [tilespmem:s18+$0xACB0]  }
0x135: {  	[tilespmem:$0x1FF70] =	vst v63;
	v63 =	vld [tilespmem:s18+$0xAA80]  }
0x136: {  	[tilespmem:$0x1FFA0] =	vst v6;
	v6 =	vld [tilespmem:s18+$0xA910]  }
0x137: {  	[tilespmem:$0x1FFB0] =	vst v7;
	v7 =	vld [tilespmem:s18+$0xA880]  }
0x138: {  	[tilespmem:$0x1FFC0] =	vst v8;
	v8 =	vld [tilespmem:s18+$0xA890]  }
0x139: {  	[tilespmem:$0x1FFD0] =	vst v9;
	v9 =	vld [tilespmem:s18+$0xA8A0]  }
0x13a: {  	[tilespmem:$0x1FFE0] =	vst v10;
	v10 =	vld [tilespmem:s18+$0xA8B0]  }
0x13b: {  	[tilespmem:$0x1FFF0] =	vst v11;
	v11 =	vld [tilespmem:s18+$0xA920]  }
0x13c: {  	[tilespmem:$0x1FF90] =	vst v5;
	v5 =	vld [tilespmem:s18+$0xA900]  }
0x13d: {  	v13 =	vld [tilespmem:s18+$0xA9A0]  }
0x13e: {  	[tilespmem:$0x1FF80] =	vst v4;
	v4 =	vld [tilespmem:s18+$0xA990]  }
0x13f: {  	v7 =	vadd.f32 v7, v29;
	v8 =	vadd.f32 v8, v30;
	v29 =	vld [tilespmem:s18+$0xA9B0]  }
0x140: {  	v9 =	vadd.f32 v9, v31;
	v10 =	vadd.f32 v10, v32;
	v30 =	vld [tilespmem:s18+$0xAA20]  }
0x141: {  	v5 =	vadd.f32 v5, v7;
	v6 =	vadd.f32 v6, v8;
	v7 =	vld [tilespmem:s18+$0xAA30]  }
0x142: {  	v8 =	vadd.f32 v11, v9;
	v32 =	vadd.f32 v12, v10;
	v10 =	vld [tilespmem:s18+$0xAAA0]  }
0x143: {  	v3 =	vadd.f32 v3, v5;
	v4 =	vadd.f32 v4, v6;
	v5 =	vld [tilespmem:s18+$0xAAB0]  }
0x144: {  	v9 =	vld [tilespmem:s18+$0xAB20];
	v6 =	vadd.f32 v13, v8;
	v32 =	vadd.f32 v29, v32  }
0x145: {  	v1 =	vadd.f32 v1, v3;
	v2 =	vadd.f32 v2, v4;
	v3 =	vld [tilespmem:s18+$0xAB30]  }
0x146: {  	v11 =	vadd.f32 v30, v6;
	v32 =	vadd.f32 v7, v32;
	v7 =	vld [tilespmem:s18+$0xABA0]  }
0x147: {  	v1 =	vadd.f32 v63, v1;
	v0 =	vadd.f32 v0, v2;
	v2 =	vld [tilespmem:s18+$0xABB0]  }
0x148: {  	v8 =	vld [tilespmem:s18+$0xAC30];
	v4 =	vadd.f32 v10, v11;
	v5 =	vadd.f32 v5, v32  }
0x149: {  	v63 =	vld [tilespmem:s18+$0xAC20];
	v1 =	vadd.f32 v33, v1;
	v0 =	vadd.f32 v40, v0  }
0x14a: {  	v4 =	vadd.f32 v9, v4;
	v33 =	vld [tilespmem:s18+$0xAC40];
	v3 =	vadd.f32 v3, v5  }
0x14b: {  	v40 =	vld [tilespmem:s18+$0xABD0];
	v1 =	vadd.f32 v34, v1;
	v0 =	vadd.f32 v35, v0  }
0x14c: {  	v34 =	vld [tilespmem:s18+$0xAC50];
	v4 =	vadd.f32 v7, v4;
	v2 =	vadd.f32 v2, v3  }
0x14d: {  	v35 =	vld [tilespmem:s18+$0xABC0];
	v1 =	vadd.f32 v45, v1;
	v0 =	vadd.f32 v46, v0  }
0x14e: {  	v45 =	vld [tilespmem:s18+$0xAB40];
	v63 =	vadd.f32 v63, v4;
	v2 =	vadd.f32 v8, v2  }
0x14f: {  	v46 =	vld [tilespmem:s18+$0xAB50];
	v1 =	vadd.f32 v51, v1;
	v0 =	vadd.f32 v52, v0  }
0x150: {  	v51 =	vld [tilespmem:s18+$0xAAC0];
	v3 =	vadd.f32 v61, v63;
	v2 =	vadd.f32 v62, v2  }
0x151: {  	v52 =	vld [tilespmem:s18+$0xAAD0];
	v1 =	vadd.f32 v57, v1;
	v0 =	vadd.f32 v59, v0  }
0x152: {  	v57 =	vld [tilespmem:s18+$0xAA40];
	v3 =	vadd.f32 v58, v3;
	v2 =	vadd.f32 v60, v2  }
0x153: {  	v58 =	vld [tilespmem:s18+$0xAA50];
	v1 =	vadd.f32 v53, v1;
	v0 =	vadd.f32 v55, v0  }
0x154: {  	v53 =	vld [tilespmem:s18+$0xA9C0];
	v3 =	vadd.f32 v54, v3;
	v2 =	vadd.f32 v56, v2  }
0x155: {  	p0 =	sne.s32 s9, $0xE000;
	v54 =	vld [tilespmem:s18+$0xA9D0];
	v1 =	vadd.f32 v47, v1;
	v0 =	vadd.f32 v49, v0  }
.Ltmp6:
0x156: {  	v47 =	vld [tilespmem:s18+$0xA940];
	v3 =	vadd.f32 v48, v3;
	v2 =	vadd.f32 v50, v2;
	(pc) =	sbr.rel @p0 .LBB2_6-.Ltmp6, $4  }
0x157: {  	v48 =	vld [tilespmem:s18+$0xA950];
	v1 =	vadd.f32 v41, v1;
	v0 =	vadd.f32 v43, v0  }
0x158: {  	v41 =	vld [tilespmem:s18+$0xA8C0];
	v3 =	vadd.f32 v42, v3;
	v2 =	vadd.f32 v44, v2  }
0x159: {  	v42 =	vld [tilespmem:s18+$0xA8D0];
	v30 =	vadd.f32 v36, v1;
	v29 =	vadd.f32 v38, v0  }
0x15a: {  	s9 =	sadd.s32 $0x2000, s9;
	v36 =	vld [tilespmem:s18+$0xA8E0];
	v31 =	vadd.f32 v37, v3;
	v32 =	vadd.f32 v39, v2  }
0x15b: {  	v0 =	vld [tilespmem:s18+$0xA8F0]  }
0x15c: {  	v3 =	vld [tilespmem:s18+$0xA960]  }
0x15d: {  	v6 =	vld [tilespmem:s18+$0xA970]  }
0x15e: {  	v7 =	vld [tilespmem:s18+$0xA9E0]  }
0x15f: {  	v10 =	vld [tilespmem:s18+$0xA9F0]  }
0x160: {  	v12 =	vld [tilespmem:s18+$0xAA60]  }
0x161: {  	v13 =	vld [tilespmem:s18+$0xAA70]  }
0x162: {  	v1 =	vadd.f32 v22, v30;
	v22 =	vld [tilespmem:s18+$0xAAE0]  }
0x163: {  	v2 =	vadd.f32 v24, v29;
	v24 =	vld [tilespmem:s18+$0xAAF0]  }
0x164: {  	v29 =	vld [tilespmem:s18+$0xABF0]  }
0x165: {  	v30 =	vld [tilespmem:s18+$0xAC60]  }
0x166: {  	v37 =	vld [tilespmem:s18+$0xAD70]  }
0x167: {  	v38 =	vld [tilespmem:s18+$0xADE0]  }
0x168: {  	v39 =	vld [tilespmem:s18+$0xADF0]  }
0x169: {  	v43 =	vld [tilespmem:s18+$0xAEE0];
	v4 =	vadd.f32 v21, v31;
	v5 =	vadd.f32 v23, v32  }
0x16a: {  	v44 =	vld [tilespmem:$0x1FFD0];
	v1 =	vadd.f32 v16, v1;
	v2 =	vadd.f32 v17, v2  }
0x16b: {  	v49 =	vld [tilespmem:$0x1FFC0];
	v8 =	vadd.f32 v41, v15;
	v4 =	vadd.f32 v18, v4  }
0x16c: {  	v50 =	vld [tilespmem:s18+$0xAF70];
	v5 =	vadd.f32 v19, v5;
	v9 =	vadd.f32 v42, v28  }
0x16d: {  	v55 =	vld [tilespmem:s18+$0xB060];
	v11 =	vadd.f32 v36, v27;
	v8 =	vadd.f32 v47, v8  }
0x16e: {  	v56 =	vld [tilespmem:$0x1FF70];
	v0 =	vadd.f32 v0, v26;
	v9 =	vadd.f32 v48, v9  }
0x16f: {  	v59 =	vld [tilespmem:$0x1FF50];
	v3 =	vadd.f32 v3, v11;
	v8 =	vadd.f32 v53, v8  }
0x170: {  	v60 =	vld [tilespmem:$0x1FF60];
	v0 =	vadd.f32 v6, v0;
	v23 =	vadd.f32 v54, v9  }
0x171: {  	v62 =	vld [tilespmem:$0x1FF30];
	v3 =	vadd.f32 v7, v3;
	v8 =	vadd.f32 v57, v8  }
0x172: {  	v26 =	vld [tilespmem:s18+$0xAB60];
	v0 =	vadd.f32 v10, v0;
	v6 =	vadd.f32 v58, v23  }
0x173: {  	v27 =	vld [tilespmem:s18+$0xAB70];
	v3 =	vadd.f32 v12, v3;
	v8 =	vadd.f32 v51, v8  }
0x174: {  	v28 =	vld [tilespmem:s18+$0xABE0];
	v0 =	vadd.f32 v13, v0;
	v6 =	vadd.f32 v52, v6  }
0x175: {  	v31 =	vld [tilespmem:s18+$0xAC70];
	v3 =	vadd.f32 v22, v3;
	v8 =	vadd.f32 v45, v8  }
0x176: {  	v32 =	vld [tilespmem:s18+$0xACE0];
	v0 =	vadd.f32 v24, v0;
	v6 =	vadd.f32 v46, v6  }
0x177: {  	v41 =	vld [tilespmem:$0x1FFF0];
	v3 =	vadd.f32 v26, v3;
	v8 =	vadd.f32 v35, v8  }
0x178: {  	v42 =	vld [tilespmem:s18+$0xAE70];
	v0 =	vadd.f32 v27, v0;
	v6 =	vadd.f32 v40, v6  }
0x179: {  	v35 =	vld [tilespmem:s18+$0xACF0];
	v3 =	vadd.f32 v28, v3;
	v8 =	vadd.f32 v33, v8  }
0x17a: {  	v36 =	vld [tilespmem:s18+$0xAD60];
	v0 =	vadd.f32 v29, v0;
	v6 =	vadd.f32 v34, v6  }
0x17b: {  	v45 =	vld [tilespmem:$0x1FFE0];
	v3 =	vadd.f32 v30, v3;
	v8 =	vadd.f32 v20, v8  }
0x17c: {  	v48 =	vld [tilespmem:$0x1FFB0];
	v0 =	vadd.f32 v31, v0;
	v6 =	vadd.f32 v25, v6  }
0x17d: {  	v52 =	vld [tilespmem:$0x1FF90];
	v3 =	vadd.f32 v32, v3;
	v8 =	vadd.f32 v41, v8  }
0x17e: {  	v40 =	vld [tilespmem:s18+$0xAE60];
	v0 =	vadd.f32 v35, v0;
	v6 =	vadd.f32 v14, v6  }
0x17f: {  	v53 =	vld [tilespmem:$0x1FFA0];
	v3 =	vadd.f32 v36, v3;
	v8 =	vadd.f32 v44, v8  }
0x180: {  	v57 =	vld [tilespmem:$0x1FF80];
	v0 =	vadd.f32 v37, v0;
	v6 =	vadd.f32 v45, v6  }
0x181: {  	v46 =	vld [tilespmem:s18+$0xAEF0];
	v3 =	vadd.f32 v38, v3;
	v8 =	vadd.f32 v48, v8  }
0x182: {  	v47 =	vld [tilespmem:s18+$0xAF60];
	v0 =	vadd.f32 v39, v0;
	v6 =	vadd.f32 v49, v6  }
0x183: {  	v63 =	vld [tilespmem:$0x1FF40];
	v3 =	vadd.f32 v40, v3;
	v8 =	vadd.f32 v52, v8  }
0x184: {  	v51 =	vld [tilespmem:s18+$0xAFE0];
	v0 =	vadd.f32 v42, v0;
	v6 =	vadd.f32 v53, v6  }
0x185: {  	s4 =	sshll.u32 s4, $0x9;
	v54 =	vld [tilespmem:s18+$0xAFF0];
	v3 =	vadd.f32 v43, v3;
	v8 =	vadd.f32 v56, v8  }
0x186: {  	s4 =	sshra.s32 s4, $0x2;
	v58 =	vld [tilespmem:s18+$0xB070];
	v0 =	vadd.f32 v46, v0;
	v6 =	vadd.f32 v57, v6  }
0x187: {  	[tilespmem:s4+$0x2880] =	vst.add.f32.msk $0xffff, v1;
	v3 =	vadd.f32 v47, v3;
	v8 =	vadd.f32 v59, v8  }
0x188: {  	[tilespmem:s4+$0x2890] =	vst.add.f32.msk $0xffff, v2;
	v0 =	vadd.f32 v50, v0;
	v1 =	vadd.f32 v60, v6  }
0x189: {  	[tilespmem:s4+$0x28A0] =	vst.add.f32.msk $0xffff, v4;
	v61 =	vadd.f32 v51, v3;
	v3 =	vadd.f32 v62, v8  }
.Ltmp7:
0x18a: {  	[tilespmem:s4+$0x28B0] =	vst.add.f32.msk $0xffff, v5;
	v0 =	vadd.f32 v54, v0;
	v1 =	vadd.f32 v63, v1;
	(pc) =	sbr.rel .LBB2_9-.Ltmp7, $4  }
0x18b: {  	v2 =	vadd.f32 v55, v61;
	[tilespmem:s4+$0x28C0] =	vst.add.f32.msk $0xffff, v3  }
0x18c: {  	v0 =	vadd.f32 v58, v0;
	[tilespmem:s4+$0x28D0] =	vst.add.f32.msk $0xffff, v1  }
0x18d: {  	[tilespmem:s4+$0x28E0] =	vst.add.f32.msk $0xffff, v2  }
0x18e: {  	[tilespmem:s4+$0x28F0] =	vst.add.f32.msk $0xffff, v0  }
.LBB2_8:
0x18f: {  	[spmem:s3] =	stream.indirect.scatter.add.f32 [tilespmem:s19], [sflag:$0x7], $0x80, s16, s26, $0xb8;
	[tilespmem:$0x1B080] =	vst v63  }
0x190: {  	_ =	swait.ge [sflag:s28], $0x4000  }
0x191: {  	[sflag:s28] =	ssyncset.done $0x0  }
0x192: {  	[sflag:s28] =	ssyncadd.s32 $0xFFFFC000  }
.LBB2_9:
0x193: {  	s4 =	sshll.u32 s30, $0x2  }
0x194: {  	s9 =	sadd.s32 $0x4, s4  }
0x195: {  	p0 =	sge.u32 s9, s7  }
0x196: {  	_ =	swait.ge [sflag:s24], $0x4000;
	s9 =	sadd.s32 @!p0 s6, s9  }
0x197: {  	[sflag:s24] =	ssyncset.done $0x0;
	s9 =	sshll.u32 @!p0 s9, $0xB  }
0x198: {  	[sflag:s24] =	ssyncadd.s32 $0xFFFFC000;
	s9 =	sand.u32 @!p0 $0x1FFFF800, s9  }
0x199: {  	s18 =	simm.s32 @!p0 $0x0;
	s11 =	simm.s32 @!p0 $0xA880;
	s9 =	sadd.s32 @!p0 s1, s9  }
0x19a: {  	[tilespmem:s11], [sflag:$0x1] =	stream.linear.gather @!p0 [hbm4b:s9+s18], $0x4000, $0x38;
	[tilespmem:$0x1B080] =	vst v63  }
0x19b: {  	v0 =	vld [tilespmem:s16+$0x80]  }
0x19c: {  	v1 =	vld [tilespmem:s16+$0xF0];
	_ =	sdelay $0x3  }
0x19d: {  	v0 =	vxor.u32 $0x80000000, v0  }
0x19e: {  	v61 =	vxor.u32 $0x80000000, v1;
	(xrf0) =	vmin.scan.msk.u32 $0xffff, v0  }
0x19f: {  	(xrf0) =	vmax.scan.msk.u32 $0xffff, v61;
	_ =	sdelay $0x4  }
0x1a0: {  	v62, _, _ =	vpop (xrf0)  }
0x1a1: {  	(v2sf) =	vpush v62, $0xF;
	v63, _, _ =	vpop (xrf0)  }
0x1a2: {  	(v2sf) =	vpush v63, $0xF;
	_ =	sdelay $0xd  }
0x1a3: {  	s18 =	spop (v2sf)  }
0x1a4: {  	s11 =	spop (v2sf)  }
0x1a5: {  	p0 =	sne.s32 s11, s18  }
.Ltmp8:
0x1a6: {  	_ = 	snop;
	(pc) =	sbr.rel @p0 .LBB2_13-.Ltmp8, $1  }
0x1a7: {  	_ =	sdelay $0x3  }
0x1a8: {  	s16 =	simm.s32 $0x0  }
0x1a9: {  	v15 =	vld [tilespmem:s16+$0xF000]  }
0x1aa: {  	v16 =	vld [tilespmem:s16+$0xF010]  }
0x1ab: {  	v17 =	vld [tilespmem:s16+$0xF020]  }
0x1ac: {  	v18 =	vld [tilespmem:s16+$0xF030]  }
0x1ad: {  	v0 =	vld [tilespmem:s16+$0xF040]  }
0x1ae: {  	v53 =	vld [tilespmem:s16+$0xF050]  }
0x1af: {  	v21 =	vld [tilespmem:s16+$0xEF80]  }
0x1b0: {  	v23 =	vld [tilespmem:s16+$0xEF90]  }
0x1b1: {  	v20 =	vld [tilespmem:s16+$0xEFA0]  }
0x1b2: {  	v22 =	vld [tilespmem:s16+$0xEFB0]  }
0x1b3: {  	v54 =	vld [tilespmem:s16+$0xEFC0]  }
0x1b4: {  	v55 =	vld [tilespmem:s16+$0xEFD0]  }
0x1b5: {  	v4 =	vld [tilespmem:s16+$0xEF00]  }
0x1b6: {  	v5 =	vld [tilespmem:s16+$0xEF10]  }
0x1b7: {  	v2 =	vld [tilespmem:s16+$0xEF20]  }
0x1b8: {  	v3 =	vld [tilespmem:s16+$0xEF30]  }
0x1b9: {  	v56 =	vld [tilespmem:s16+$0xEF40]  }
0x1ba: {  	v57 =	vld [tilespmem:s16+$0xEF50]  }
0x1bb: {  	v32 =	vld [tilespmem:s16+$0xEE80]  }
0x1bc: {  	v8 =	vld [tilespmem:s16+$0xEE90]  }
0x1bd: {  	v6 =	vld [tilespmem:s16+$0xEEA0]  }
0x1be: {  	v7 =	vld [tilespmem:s16+$0xEEB0]  }
0x1bf: {  	v58 =	vld [tilespmem:s16+$0xEEC0]  }
0x1c0: {  	v59 =	vld [tilespmem:s16+$0xEED0]  }
0x1c1: {  	v36 =	vld [tilespmem:s16+$0xEE00]  }
0x1c2: {  	v37 =	vld [tilespmem:s16+$0xEE10]  }
0x1c3: {  	v38 =	vld [tilespmem:s16+$0xEE20]  }
0x1c4: {  	v1 =	vld [tilespmem:s16+$0xEE30]  }
0x1c5: {  	v60 =	vld [tilespmem:s16+$0xEE40]  }
0x1c6: {  	v61 =	vld [tilespmem:s16+$0xEE50]  }
0x1c7: {  	v41 =	vld [tilespmem:s16+$0xED80]  }
0x1c8: {  	v42 =	vld [tilespmem:s16+$0xED90]  }
0x1c9: {  	v43 =	vld [tilespmem:s16+$0xEDA0]  }
0x1ca: {  	v44 =	vld [tilespmem:s16+$0xEDB0]  }
0x1cb: {  	v62 =	vld [tilespmem:s16+$0xEDC0]  }
0x1cc: {  	v63 =	vld [tilespmem:s16+$0xEDD0]  }
0x1cd: {  	v47 =	vld [tilespmem:s16+$0xED00]  }
0x1ce: {  	v48 =	vld [tilespmem:s16+$0xED10]  }
0x1cf: {  	v49 =	vld [tilespmem:s16+$0xED20]  }
0x1d0: {  	v50 =	vld [tilespmem:s16+$0xED30]  }
0x1d1: {  	v39 =	vld [tilespmem:s16+$0xED40]  }
0x1d2: {  	v14 =	vld [tilespmem:s16+$0xED50]  }
0x1d3: {  	v45 =	vld [tilespmem:s16+$0xEC80]  }
0x1d4: {  	v46 =	vld [tilespmem:s16+$0xEC90]  }
0x1d5: {  	v51 =	vld [tilespmem:s16+$0xECA0]  }
0x1d6: {  	v52 =	vld [tilespmem:s16+$0xECB0]  }
0x1d7: {  	v19 =	vld [tilespmem:s16+$0xECC0]  }
0x1d8: {  	v35 =	vld [tilespmem:s16+$0xEC00]  }
0x1d9: {  	v40 =	vld [tilespmem:s16+$0xEC10]  }
0x1da: {  	v33 =	vld [tilespmem:s16+$0xEB80]  }
0x1db: {  	v34 =	vld [tilespmem:s16+$0xEB90]  }
0x1dc: {  	v31 =	vld [tilespmem:s16+$0xEB00]  }
0x1dd: {  	v9 =	vld [tilespmem:s16+$0xE8A0]  }
0x1de: {  	v25 =	vld [tilespmem:s16+$0xE8B0]  }
0x1df: {  	v26 =	vld [tilespmem:s16+$0xE920]  }
0x1e0: {  	v27 =	vld [tilespmem:s16+$0xE930]  }
0x1e1: {  	v29 =	vld [tilespmem:s16+$0xE9A0]  }
0x1e2: {  	v28 =	vld [tilespmem:s16+$0xE9B0]  }
0x1e3: {  	v30 =	vld [tilespmem:s16+$0xEA20]  }
0x1e4: {  	v10 =	vld [tilespmem:s16+$0xEA30];
	[tilespmem:$0x1FE70] =	vst v0  }
0x1e5: {  	[tilespmem:$0x1FE80] =	vst v53;
	v53 =	vld [tilespmem:s16+$0xEB10]  }
0x1e6: {  	[tilespmem:$0x1FE90] =	vst v54;
	v54 =	vld [tilespmem:s16+$0xEA80]  }
0x1e7: {  	[tilespmem:$0x1FEA0] =	vst v55;
	v55 =	vld [tilespmem:s16+$0xEA90]  }
0x1e8: {  	[tilespmem:$0x1FF10] =	vst v62;
	v62 =	vld [tilespmem:s16+$0xE880]  }
0x1e9: {  	[tilespmem:$0x1FF20] =	vst v63;
	v63 =	vld [tilespmem:s16+$0xE890]  }
0x1ea: {  	[tilespmem:$0x1FEF0] =	vst v60;
	v60 =	vld [tilespmem:s16+$0xE900]  }
0x1eb: {  	[tilespmem:$0x1FF00] =	vst v61;
	v61 =	vld [tilespmem:s16+$0xE910]  }
0x1ec: {  	v24 =	vimm.f32 $0.0e+00;
	[tilespmem:$0x1FED0] =	vst v58;
	v58 =	vld [tilespmem:s16+$0xE980]  }
0x1ed: {  	[tilespmem:$0x1FEE0] =	vst v59;
	v59 =	vld [tilespmem:s16+$0xE990];
	v0 =	vadd.f32 v9, v24;
	v25 =	vadd.f32 v25, v24  }
0x1ee: {  	[tilespmem:$0x1FEB0] =	vst v56;
	v56 =	vld [tilespmem:s16+$0xEA00];
	v62 =	vadd.f32 v62, v24;
	v63 =	vadd.f32 v63, v24  }
0x1ef: {  	[tilespmem:$0x1FEC0] =	vst v57;
	v57 =	vld [tilespmem:s16+$0xEA10];
	v0 =	vadd.f32 v26, v0;
	v25 =	vadd.f32 v27, v25  }
0x1f0: {  	v26 =	vld [tilespmem:s16+$0xEAA0];
	v60 =	vadd.f32 v60, v62;
	v61 =	vadd.f32 v61, v63  }
0x1f1: {  	v0 =	vadd.f32 v29, v0;
	v25 =	vadd.f32 v28, v25;
	v28 =	vld [tilespmem:s16+$0xEB20]  }
0x1f2: {  	v27 =	vadd.f32 v58, v60;
	v11 =	vadd.f32 v59, v61;
	v60 =	vld [tilespmem:s16+$0xEAB0]  }
0x1f3: {  	v0 =	vadd.f32 v30, v0;
	v30 =	vld [tilespmem:s16+$0xEBA0]  }
0x1f4: {  	v61 =	vld [tilespmem:s16+$0xEB30];
	v27 =	vadd.f32 v56, v27;
	v29 =	vadd.f32 v57, v11  }
0x1f5: {  	v25 =	vadd.f32 v10, v25;
	v63 =	vld [tilespmem:s16+$0xEBB0];
	v0 =	vadd.f32 v26, v0  }
0x1f6: {  	v26 =	vld [tilespmem:s16+$0xEC20];
	v27 =	vadd.f32 v54, v27;
	v29 =	vadd.f32 v55, v29  }
0x1f7: {  	v58 =	vld [tilespmem:s16+$0xEA50];
	v0 =	vadd.f32 v28, v0;
	v25 =	vadd.f32 v60, v25  }
0x1f8: {  	v27 =	vadd.f32 v31, v27;
	v29 =	vadd.f32 v53, v29;
	v31 =	vld [tilespmem:s16+$0xEC30]  }
0x1f9: {  	v57 =	vld [tilespmem:s16+$0xEA40];
	v0 =	vadd.f32 v30, v0;
	v28 =	vadd.f32 v61, v25  }
0x1fa: {  	v54 =	vld [tilespmem:s16+$0xE9D0];
	v27 =	vadd.f32 v33, v27;
	v29 =	vadd.f32 v34, v29  }
0x1fb: {  	v0 =	vadd.f32 v26, v0;
	v53 =	vld [tilespmem:s16+$0xE9C0];
	v28 =	vadd.f32 v63, v28  }
0x1fc: {  	v25 =	vld [tilespmem:s16+$0xECD0];
	v27 =	vadd.f32 v35, v27;
	v29 =	vadd.f32 v40, v29  }
0x1fd: {  	v0 =	vadd.f32 v51, v0;
	v51 =	vld [tilespmem:s16+$0xEAC0];
	v26 =	vadd.f32 v31, v28  }
0x1fe: {  	v33 =	vld [tilespmem:s16+$0xEC40];
	v27 =	vadd.f32 v45, v27;
	v28 =	vadd.f32 v46, v29  }
0x1ff: {  	v34 =	vld [tilespmem:s16+$0xEC50];
	v0 =	vadd.f32 v49, v0;
	v26 =	vadd.f32 v52, v26  }
0x200: {  	v35 =	vld [tilespmem:s16+$0xEBC0];
	v27 =	vadd.f32 v47, v27;
	v28 =	vadd.f32 v48, v28  }
0x201: {  	v40 =	vld [tilespmem:s16+$0xEBD0];
	v0 =	vadd.f32 v43, v0;
	v26 =	vadd.f32 v50, v26  }
0x202: {  	v45 =	vld [tilespmem:s16+$0xEB40];
	v27 =	vadd.f32 v41, v27;
	v28 =	vadd.f32 v42, v28  }
0x203: {  	v46 =	vld [tilespmem:s16+$0xEB50];
	v0 =	vadd.f32 v38, v0;
	v26 =	vadd.f32 v44, v26  }
0x204: {  	v52 =	vld [tilespmem:s16+$0xEAD0];
	v27 =	vadd.f32 v36, v27;
	v28 =	vadd.f32 v37, v28  }
0x205: {  	v47 =	vld [tilespmem:s16+$0xE940];
	v0 =	vadd.f32 v6, v0;
	v26 =	vadd.f32 v1, v26  }
0x206: {  	v48 =	vld [tilespmem:s16+$0xE950];
	v27 =	vadd.f32 v32, v27;
	v28 =	vadd.f32 v8, v28  }
0x207: {  	v41 =	vld [tilespmem:s16+$0xE8C0];
	v31 =	vadd.f32 v2, v0;
	v26 =	vadd.f32 v7, v26  }
0x208: {  	v42 =	vld [tilespmem:s16+$0xE8D0];
	v30 =	vadd.f32 v4, v27;
	v29 =	vadd.f32 v5, v28;
	v28 =	vimm.f32 $0.0e+00  }
0x209: {  	s9 =	simm.s32 $0x2000;
	v36 =	vld [tilespmem:s16+$0xE8E0];
	v27 =	vimm.f32 $0.0e+00;
	v32 =	vadd.f32 v3, v26;
	v26 =	vimm.f32 $0.0e+00  }
.LBB2_11:
0x20a: {  	v0 =	vld [tilespmem:s16+$0xE8F0]  }
0x20b: {  	v37 =	vld [tilespmem:s16+$0xE960]  }
0x20c: {  	v38 =	vld [tilespmem:s16+$0xE970]  }
0x20d: {  	v43 =	vld [tilespmem:s16+$0xF070]  }
0x20e: {  	v49 =	vld [tilespmem:$0x1FE80];
	v21 =	vadd.f32 v21, v30  }
0x20f: {  	v22 =	vadd.f32 v22, v32;
	v32 =	vld [tilespmem:$0x1FF10]  }
0x210: {  	v23 =	vadd.f32 v23, v29;
	v29 =	vadd.f32 v15, v21;
	v15 =	vld [tilespmem:s16+$0xE9E0]  }
0x211: {  	v1 =	vadd.f32 v18, v22;
	v18 =	vld [tilespmem:s16+$0xE9F0]  }
0x212: {  	v21 =	vld [tilespmem:s16+$0xEA60]  }
0x213: {  	v22 =	vld [tilespmem:s16+$0xEA70]  }
0x214: {  	v20 =	vadd.f32 v20, v31;
	v30 =	vadd.f32 v16, v23;
	v23 =	vld [tilespmem:s16+$0xEAE0]  }
0x215: {  	v16 =	vadd.f32 v41, v24;
	v24 =	vld [tilespmem:s16+$0xEAF0]  }
0x216: {  	v31 =	vadd.f32 v17, v20;
	v20 =	vadd.f32 v36, v27;
	v36 =	vld [tilespmem:s16+$0xEF70]  }
0x217: {  	v0 =	vadd.f32 v0, v26;
	v41 =	vld [tilespmem:$0x1FEB0]  }
0x218: {  	v17 =	vadd.f32 v42, v28;
	v42 =	vld [tilespmem:$0x1FEC0]  }
0x219: {  	v0 =	vadd.f32 v38, v0;
	v38 =	vld [tilespmem:$0x1FEE0];
	v16 =	vadd.f32 v47, v16  }
0x21a: {  	v20 =	vadd.f32 v37, v20;
	v37 =	vld [tilespmem:$0x1FED0]  }
0x21b: {  	v17 =	vadd.f32 v48, v17;
	v48 =	vld [tilespmem:$0x1FE70];
	v16 =	vadd.f32 v53, v16  }
0x21c: {  	v15 =	vadd.f32 v15, v20;
	v0 =	vadd.f32 v18, v0;
	v18 =	vld [tilespmem:s16+$0xEB60]  }
0x21d: {  	v17 =	vadd.f32 v54, v17;
	v20 =	vld [tilespmem:s16+$0xEB70]  }
0x21e: {  	v16 =	vadd.f32 v57, v16;
	v15 =	vadd.f32 v21, v15;
	v21 =	vld [tilespmem:s16+$0xEBE0]  }
0x21f: {  	v17 =	vadd.f32 v58, v17;
	v0 =	vadd.f32 v22, v0;
	v22 =	vld [tilespmem:s16+$0xEBF0]  }
0x220: {  	v16 =	vadd.f32 v51, v16;
	v15 =	vadd.f32 v23, v15;
	v23 =	vld [tilespmem:s16+$0xEC60]  }
0x221: {  	v17 =	vadd.f32 v52, v17;
	v0 =	vadd.f32 v24, v0;
	v24 =	vld [tilespmem:s16+$0xEC70]  }
0x222: {  	v16 =	vadd.f32 v45, v16;
	v45 =	vld [tilespmem:$0x1FE90]  }
0x223: {  	v17 =	vadd.f32 v46, v17;
	v46 =	vld [tilespmem:$0x1FEA0]  }
0x224: {  	v15 =	vadd.f32 v18, v15;
	v18 =	vld [tilespmem:s16+$0xECE0]  }
0x225: {  	v0 =	vadd.f32 v20, v0;
	v20 =	vld [tilespmem:s16+$0xECF0]  }
0x226: {  	v16 =	vadd.f32 v35, v16;
	v35 =	vld [tilespmem:$0x1FF00]  }
0x227: {  	v15 =	vadd.f32 v21, v15;
	v21 =	vld [tilespmem:s16+$0xED60]  }
0x228: {  	v17 =	vadd.f32 v40, v17;
	v0 =	vadd.f32 v22, v0;
	v22 =	vld [tilespmem:s16+$0xED70]  }
0x229: {  	v16 =	vadd.f32 v33, v16;
	v33 =	vld [tilespmem:$0x1FF20]  }
0x22a: {  	v17 =	vadd.f32 v34, v17;
	v34 =	vld [tilespmem:$0x1FEF0];
	v15 =	vadd.f32 v23, v15  }
0x22b: {  	v0 =	vadd.f32 v24, v0;
	v23 =	vld [tilespmem:s16+$0xEDE0];
	v16 =	vadd.f32 v19, v16  }
0x22c: {  	v17 =	vadd.f32 v25, v17;
	v19 =	vld [tilespmem:s16+$0xEDF0];
	v15 =	vadd.f32 v18, v15  }
0x22d: {  	v0 =	vadd.f32 v20, v0;
	v18 =	vld [tilespmem:s16+$0xEE60];
	v13 =	vadd.f32 v39, v16  }
0x22e: {  	v14 =	vadd.f32 v14, v17;
	v16 =	vld [tilespmem:s16+$0xEE70];
	v15 =	vadd.f32 v21, v15  }
0x22f: {  	v17 =	vld [tilespmem:s16+$0xEEE0];
	v0 =	vadd.f32 v22, v0  }
0x230: {  	v39 =	vld [tilespmem:s16+$0xEFF0];
	v12 =	vadd.f32 v33, v14;
	v14 =	vadd.f32 v23, v15  }
0x231: {  	v11 =	vadd.f32 v32, v13;
	v13 =	vld [tilespmem:s16+$0xEEF0];
	v0 =	vadd.f32 v19, v0  }
0x232: {  	v19 =	vld [tilespmem:s16+$0xEF60];
	v10 =	vadd.f32 v35, v12;
	v12 =	vadd.f32 v18, v14  }
0x233: {  	v14 =	vld [tilespmem:s16+$0xEFE0]  }
0x234: {  	v40 =	vadd.f32 v17, v12;
	v12 =	vld [tilespmem:s16+$0xF060];
	s16 =	sshra.s32 s9, $0x2  }
0x235: {  	v15 =	vld [tilespmem:s16+$0xF000]  }
0x236: {  	v0 =	vadd.f32 v16, v0;
	v16 =	vld [tilespmem:s16+$0xF010]  }
0x237: {  	v17 =	vld [tilespmem:s16+$0xF020]  }
0x238: {  	v18 =	vld [tilespmem:s16+$0xF030]  }
0x239: {  	v50 =	vld [tilespmem:s16+$0xF040]  }
0x23a: {  	v51 =	vld [tilespmem:s16+$0xF050]  }
0x23b: {  	v21 =	vld [tilespmem:s16+$0xEF80]  }
0x23c: {  	v23 =	vld [tilespmem:s16+$0xEF90]  }
0x23d: {  	v20 =	vld [tilespmem:s16+$0xEFA0]  }
0x23e: {  	v22 =	vld [tilespmem:s16+$0xEFB0]  }
0x23f: {  	v52 =	vld [tilespmem:s16+$0xEFC0]  }
0x240: {  	v9 =	vadd.f32 v34, v11;
	v53 =	vld [tilespmem:s16+$0xEFD0]  }
0x241: {  	v8 =	vadd.f32 v38, v10;
	v38 =	vld [tilespmem:s16+$0xEF10]  }
0x242: {  	v7 =	vadd.f32 v37, v9;
	v37 =	vld [tilespmem:s16+$0xEF20]  }
0x243: {  	v32 =	vld [tilespmem:s16+$0xEF30]  }
0x244: {  	v54 =	vld [tilespmem:s16+$0xEF40]  }
0x245: {  	v55 =	vld [tilespmem:s16+$0xEF50]  }
0x246: {  	v6 =	vadd.f32 v41, v7;
	v41 =	vld [tilespmem:s16+$0xEE80]  }
0x247: {  	v5 =	vadd.f32 v42, v8;
	v42 =	vld [tilespmem:s16+$0xEEA0]  }
0x248: {  	v56 =	vld [tilespmem:s16+$0xEEC0]  }
0x249: {  	v57 =	vld [tilespmem:s16+$0xEED0]  }
0x24a: {  	v58 =	vld [tilespmem:s16+$0xEE40]  }
0x24b: {  	v59 =	vld [tilespmem:s16+$0xEE50]  }
0x24c: {  	v60 =	vld [tilespmem:s16+$0xEDC0]  }
0x24d: {  	v61 =	vld [tilespmem:s16+$0xEDD0]  }
0x24e: {  	v25 =	vld [tilespmem:s16+$0xECD0]  }
0x24f: {  	v34 =	vld [tilespmem:s16+$0xEB80]  }
0x250: {  	v35 =	vld [tilespmem:s16+$0xEB90]  }
0x251: {  	v33 =	vld [tilespmem:s16+$0xEB00]  }
0x252: {  	v62 =	vld [tilespmem:s16+$0xEA80]  }
0x253: {  	v63 =	vld [tilespmem:s16+$0xEA90]  }
0x254: {  	[tilespmem:$0x1FE60] =	vst v1;
	v1 =	vld [tilespmem:s16+$0xEA00]  }
0x255: {  	v2 =	vld [tilespmem:s16+$0xEA10]  }
0x256: {  	v7 =	vld [tilespmem:s16+$0xE880]  }
0x257: {  	v8 =	vld [tilespmem:s16+$0xE890]  }
0x258: {  	v9 =	vld [tilespmem:s16+$0xE8A0]  }
0x259: {  	v10 =	vld [tilespmem:s16+$0xE8B0]  }
0x25a: {  	v0 =	vadd.f32 v13, v0;
	v11 =	vld [tilespmem:s16+$0xE920]  }
0x25b: {  	v13 =	vld [tilespmem:s16+$0xE9A0]  }
0x25c: {  	v0 =	vadd.f32 v36, v0;
	v36 =	vld [tilespmem:s16+$0xEF00]  }
0x25d: {  	v44 =	vadd.f32 v19, v40;
	v19 =	vld [tilespmem:s16+$0xECC0]  }
0x25e: {  	v40 =	vld [tilespmem:s16+$0xEB10]  }
0x25f: {  	v4 =	vadd.f32 v45, v6;
	v45 =	vld [tilespmem:s16+$0xEC00]  }
0x260: {  	v3 =	vadd.f32 v46, v5;
	v46 =	vld [tilespmem:s16+$0xEC10]  }
0x261: {  	v5 =	vld [tilespmem:s16+$0xE900]  }
0x262: {  	v6 =	vld [tilespmem:s16+$0xE910]  }
0x263: {  	v47 =	vadd.f32 v14, v44;
	v44 =	vld [tilespmem:s16+$0xEEB0]  }
0x264: {  	v0 =	vadd.f32 v39, v0;
	v39 =	vld [tilespmem:s16+$0xED40]  }
0x265: {  	v14 =	vld [tilespmem:s16+$0xED50]  }
0x266: {  	v28 =	vadd.f32 v49, v3;
	v49 =	vld [tilespmem:s16+$0xEE10]  }
0x267: {  	v24 =	vadd.f32 v48, v4;
	v48 =	vld [tilespmem:s16+$0xEE20]  }
0x268: {  	v3 =	vld [tilespmem:s16+$0xE980]  }
0x269: {  	v4 =	vld [tilespmem:s16+$0xE990]  }
0x26a: {  	v26 =	vadd.f32 v43, v0;
	v43 =	vld [tilespmem:s16+$0xEE90]  }
0x26b: {  	v27 =	vadd.f32 v12, v47;
	v47 =	vld [tilespmem:s16+$0xEE00]  }
0x26c: {  	[tilespmem:$0x1FE70] =	vst v50;
	v50 =	vld [tilespmem:s16+$0xEE30]  }
0x26d: {  	[tilespmem:$0x1FEA0] =	vst v53;
	v53 =	vld [tilespmem:s16+$0xED80]  }
0x26e: {  	[tilespmem:$0x1FEC0] =	vst v55;
	v55 =	vld [tilespmem:s16+$0xED90]  }
0x26f: {  	[tilespmem:$0x1FEB0] =	vst v54;
	v54 =	vld [tilespmem:s16+$0xEDA0]  }
0x270: {  	[tilespmem:$0x1FED0] =	vst v56;
	v56 =	vld [tilespmem:s16+$0xEDB0]  }
0x271: {  	[tilespmem:$0x1FEE0] =	vst v57;
	v57 =	vld [tilespmem:s16+$0xED00]  }
0x272: {  	[tilespmem:$0x1FF00] =	vst v59;
	v59 =	vld [tilespmem:s16+$0xED10]  }
0x273: {  	[tilespmem:$0x1FEF0] =	vst v58;
	v58 =	vld [tilespmem:s16+$0xED20]  }
0x274: {  	[tilespmem:$0x1FF10] =	vst v60;
	v60 =	vld [tilespmem:s16+$0xED30]  }
0x275: {  	v0 =	vld [tilespmem:s16+$0xEC80]  }
0x276: {  	[tilespmem:$0x1FE80] =	vst v51;
	v51 =	vld [tilespmem:s16+$0xEC90]  }
0x277: {  	v8 =	vadd.f32 v8, v30;
	v30 =	vld [tilespmem:$0x1FE60]  }
0x278: {  	[tilespmem:$0x1FE90] =	vst v52;
	v52 =	vld [tilespmem:s16+$0xECA0]  }
0x279: {  	v12 =	vld [tilespmem:s16+$0xE930]  }
0x27a: {  	[tilespmem:$0x1FF20] =	vst v61;
	v61 =	vld [tilespmem:s16+$0xECB0];
	v7 =	vadd.f32 v7, v29  }
0x27b: {  	v29 =	vld [tilespmem:s16+$0xE9B0];
	v9 =	vadd.f32 v9, v31  }
0x27c: {  	v5 =	vadd.f32 v5, v7;
	v7 =	vld [tilespmem:s16+$0xEA30];
	v10 =	vadd.f32 v10, v30  }
0x27d: {  	v6 =	vadd.f32 v6, v8;
	v8 =	vadd.f32 v11, v9;
	v30 =	vld [tilespmem:s16+$0xEA20]  }
0x27e: {  	v3 =	vadd.f32 v3, v5;
	v5 =	vld [tilespmem:s16+$0xEAB0];
	v9 =	vadd.f32 v12, v10  }
0x27f: {  	v4 =	vadd.f32 v4, v6;
	v6 =	vadd.f32 v13, v8;
	v10 =	vld [tilespmem:s16+$0xEAA0]  }
0x280: {  	v1 =	vadd.f32 v1, v3;
	v3 =	vld [tilespmem:s16+$0xEB30];
	v8 =	vadd.f32 v29, v9  }
0x281: {  	v2 =	vadd.f32 v2, v4;
	v9 =	vld [tilespmem:s16+$0xEB20]  }
0x282: {  	v4 =	vadd.f32 v30, v6;
	v6 =	vadd.f32 v7, v8;
	v7 =	vld [tilespmem:s16+$0xEBA0]  }
0x283: {  	v1 =	vadd.f32 v62, v1;
	v2 =	vadd.f32 v63, v2;
	v8 =	vld [tilespmem:s16+$0xEBB0]  }
0x284: {  	v62 =	vld [tilespmem:s16+$0xEC20];
	v4 =	vadd.f32 v10, v4;
	v5 =	vadd.f32 v5, v6  }
0x285: {  	v63 =	vld [tilespmem:s16+$0xEC30];
	v1 =	vadd.f32 v33, v1;
	v2 =	vadd.f32 v40, v2  }
0x286: {  	v33 =	vld [tilespmem:s16+$0xEC40];
	v4 =	vadd.f32 v9, v4;
	v3 =	vadd.f32 v3, v5  }
0x287: {  	v40 =	vld [tilespmem:s16+$0xEBD0];
	v1 =	vadd.f32 v34, v1;
	v2 =	vadd.f32 v35, v2  }
0x288: {  	v34 =	vld [tilespmem:s16+$0xEC50];
	v4 =	vadd.f32 v7, v4;
	v3 =	vadd.f32 v8, v3  }
0x289: {  	v35 =	vld [tilespmem:s16+$0xEBC0];
	v1 =	vadd.f32 v45, v1;
	v2 =	vadd.f32 v46, v2  }
0x28a: {  	v45 =	vld [tilespmem:s16+$0xEB40];
	v4 =	vadd.f32 v62, v4;
	v3 =	vadd.f32 v63, v3  }
0x28b: {  	v46 =	vld [tilespmem:s16+$0xEB50];
	v0 =	vadd.f32 v0, v1;
	v62 =	vadd.f32 v51, v2  }
0x28c: {  	v51 =	vld [tilespmem:s16+$0xEAC0];
	v63 =	vadd.f32 v52, v4;
	v3 =	vadd.f32 v61, v3  }
0x28d: {  	v0 =	vadd.f32 v57, v0;
	v57 =	vld [tilespmem:s16+$0xEA40];
	v1 =	vadd.f32 v59, v62  }
0x28e: {  	v52 =	vld [tilespmem:s16+$0xEAD0];
	v2 =	vadd.f32 v58, v63;
	v3 =	vadd.f32 v60, v3  }
0x28f: {  	v0 =	vadd.f32 v53, v0;
	v53 =	vld [tilespmem:s16+$0xE9C0];
	v1 =	vadd.f32 v55, v1  }
0x290: {  	v58 =	vld [tilespmem:s16+$0xEA50];
	v2 =	vadd.f32 v54, v2;
	v3 =	vadd.f32 v56, v3  }
0x291: {  	p0 =	sne.s32 s9, $0xE000;
	v0 =	vadd.f32 v47, v0;
	v47 =	vld [tilespmem:s16+$0xE940];
	v1 =	vadd.f32 v49, v1  }
.Ltmp9:
0x292: {  	v54 =	vld [tilespmem:s16+$0xE9D0];
	v2 =	vadd.f32 v48, v2;
	v3 =	vadd.f32 v50, v3;
	(pc) =	sbr.rel @p0 .LBB2_11-.Ltmp9, $4  }
0x293: {  	v0 =	vadd.f32 v41, v0;
	v41 =	vld [tilespmem:s16+$0xE8C0];
	v1 =	vadd.f32 v43, v1  }
0x294: {  	v48 =	vld [tilespmem:s16+$0xE950];
	v2 =	vadd.f32 v42, v2;
	v3 =	vadd.f32 v44, v3  }
0x295: {  	v30 =	vadd.f32 v36, v0;
	v36 =	vld [tilespmem:s16+$0xE8E0];
	v29 =	vadd.f32 v38, v1  }
0x296: {  	s9 =	sadd.s32 $0x2000, s9;
	v42 =	vld [tilespmem:s16+$0xE8D0];
	v31 =	vadd.f32 v37, v2;
	v32 =	vadd.f32 v32, v3  }
0x297: {  	v0 =	vld [tilespmem:s16+$0xE8F0]  }
0x298: {  	v3 =	vld [tilespmem:s16+$0xE960]  }
0x299: {  	v6 =	vld [tilespmem:s16+$0xE970]  }
0x29a: {  	v7 =	vld [tilespmem:s16+$0xE9E0]  }
0x29b: {  	v10 =	vld [tilespmem:s16+$0xE9F0]  }
0x29c: {  	v12 =	vld [tilespmem:s16+$0xEA60]  }
0x29d: {  	v13 =	vld [tilespmem:s16+$0xEA70]  }
0x29e: {  	v2 =	vadd.f32 v23, v29;
	v29 =	vld [tilespmem:s16+$0xEBF0]  }
0x29f: {  	v1 =	vadd.f32 v21, v30;
	v30 =	vld [tilespmem:s16+$0xEC60]  }
0x2a0: {  	v37 =	vld [tilespmem:s16+$0xED70]  }
0x2a1: {  	v38 =	vld [tilespmem:s16+$0xEDE0]  }
0x2a2: {  	v43 =	vld [tilespmem:s16+$0xEEE0]  }
0x2a3: {  	v44 =	vld [tilespmem:$0x1FF10]  }
0x2a4: {  	v49 =	vld [tilespmem:$0x1FF00];
	v4 =	vadd.f32 v20, v31;
	v5 =	vadd.f32 v22, v32  }
0x2a5: {  	v50 =	vld [tilespmem:s16+$0xEF70];
	v8 =	vadd.f32 v41, v24;
	v1 =	vadd.f32 v15, v1  }
0x2a6: {  	v55 =	vld [tilespmem:s16+$0xF060];
	v2 =	vadd.f32 v16, v2;
	v4 =	vadd.f32 v17, v4  }
0x2a7: {  	v56 =	vld [tilespmem:$0x1FEB0];
	v5 =	vadd.f32 v18, v5;
	v11 =	vadd.f32 v36, v27  }
0x2a8: {  	v59 =	vld [tilespmem:$0x1FE90];
	v8 =	vadd.f32 v47, v8;
	v9 =	vadd.f32 v42, v28  }
0x2a9: {  	v60 =	vld [tilespmem:$0x1FEA0];
	v0 =	vadd.f32 v0, v26;
	v3 =	vadd.f32 v3, v11  }
0x2aa: {  	v22 =	vld [tilespmem:s16+$0xEAE0];
	v8 =	vadd.f32 v53, v8;
	v9 =	vadd.f32 v48, v9  }
0x2ab: {  	v24 =	vld [tilespmem:s16+$0xEAF0];
	v0 =	vadd.f32 v6, v0;
	v3 =	vadd.f32 v7, v3  }
0x2ac: {  	v26 =	vld [tilespmem:s16+$0xEB60];
	v8 =	vadd.f32 v57, v8;
	v23 =	vadd.f32 v54, v9  }
0x2ad: {  	v27 =	vld [tilespmem:s16+$0xEB70];
	v0 =	vadd.f32 v10, v0;
	v3 =	vadd.f32 v12, v3  }
0x2ae: {  	v28 =	vld [tilespmem:s16+$0xEBE0];
	v8 =	vadd.f32 v51, v8;
	v6 =	vadd.f32 v58, v23  }
0x2af: {  	v62 =	vld [tilespmem:$0x1FE70];
	v0 =	vadd.f32 v13, v0;
	v3 =	vadd.f32 v22, v3  }
0x2b0: {  	v31 =	vld [tilespmem:s16+$0xEC70];
	v8 =	vadd.f32 v45, v8;
	v6 =	vadd.f32 v52, v6  }
0x2b1: {  	v32 =	vld [tilespmem:s16+$0xECE0];
	v0 =	vadd.f32 v24, v0;
	v3 =	vadd.f32 v26, v3  }
0x2b2: {  	v41 =	vld [tilespmem:s16+$0xEE60];
	v8 =	vadd.f32 v35, v8;
	v6 =	vadd.f32 v46, v6  }
0x2b3: {  	v36 =	vld [tilespmem:s16+$0xED60];
	v0 =	vadd.f32 v27, v0;
	v3 =	vadd.f32 v28, v3  }
0x2b4: {  	v35 =	vld [tilespmem:s16+$0xECF0];
	v8 =	vadd.f32 v33, v8;
	v6 =	vadd.f32 v40, v6  }
0x2b5: {  	v47 =	vld [tilespmem:s16+$0xEF60];
	v0 =	vadd.f32 v29, v0;
	v3 =	vadd.f32 v30, v3  }
0x2b6: {  	v48 =	vld [tilespmem:$0x1FEF0];
	v8 =	vadd.f32 v19, v8;
	v6 =	vadd.f32 v34, v6  }
0x2b7: {  	v45 =	vld [tilespmem:$0x1FF20];
	v0 =	vadd.f32 v31, v0;
	v3 =	vadd.f32 v32, v3  }
0x2b8: {  	v40 =	vld [tilespmem:s16+$0xEDF0];
	v8 =	vadd.f32 v39, v8;
	v6 =	vadd.f32 v25, v6  }
0x2b9: {  	v52 =	vld [tilespmem:$0x1FED0];
	v0 =	vadd.f32 v35, v0;
	v3 =	vadd.f32 v36, v3  }
0x2ba: {  	v42 =	vld [tilespmem:s16+$0xEE70];
	v8 =	vadd.f32 v44, v8;
	v6 =	vadd.f32 v14, v6  }
0x2bb: {  	v53 =	vld [tilespmem:$0x1FEE0];
	v0 =	vadd.f32 v37, v0;
	v3 =	vadd.f32 v38, v3  }
0x2bc: {  	v46 =	vld [tilespmem:s16+$0xEEF0];
	v8 =	vadd.f32 v48, v8;
	v6 =	vadd.f32 v45, v6  }
0x2bd: {  	v57 =	vld [tilespmem:$0x1FEC0];
	v0 =	vadd.f32 v40, v0;
	v3 =	vadd.f32 v41, v3  }
0x2be: {  	v51 =	vld [tilespmem:s16+$0xEFE0];
	v8 =	vadd.f32 v52, v8;
	v6 =	vadd.f32 v49, v6  }
0x2bf: {  	v63 =	vld [tilespmem:$0x1FE80];
	v0 =	vadd.f32 v42, v0;
	v3 =	vadd.f32 v43, v3  }
0x2c0: {  	s9 =	sshll.u32 s18, $0x9;
	v54 =	vld [tilespmem:s16+$0xEFF0];
	v8 =	vadd.f32 v56, v8;
	v6 =	vadd.f32 v53, v6  }
0x2c1: {  	s9 =	sshra.s32 s9, $0x2;
	v58 =	vld [tilespmem:s16+$0xF070];
	v0 =	vadd.f32 v46, v0;
	v3 =	vadd.f32 v47, v3  }
0x2c2: {  	[tilespmem:s9+$0x2880] =	vst.add.f32.msk $0xffff, v1;
	v8 =	vadd.f32 v59, v8;
	v6 =	vadd.f32 v57, v6  }
0x2c3: {  	[tilespmem:s9+$0x2890] =	vst.add.f32.msk $0xffff, v2;
	v0 =	vadd.f32 v50, v0;
	v61 =	vadd.f32 v51, v3  }
0x2c4: {  	[tilespmem:s9+$0x28A0] =	vst.add.f32.msk $0xffff, v4;
	v3 =	vadd.f32 v62, v8;
	v1 =	vadd.f32 v60, v6  }
.Ltmp10:
0x2c5: {  	[tilespmem:s9+$0x28B0] =	vst.add.f32.msk $0xffff, v5;
	v0 =	vadd.f32 v54, v0;
	v2 =	vadd.f32 v55, v61;
	(pc) =	sbr.rel .LBB2_14-.Ltmp10, $4  }
0x2c6: {  	[tilespmem:s9+$0x28C0] =	vst.add.f32.msk $0xffff, v3;
	v1 =	vadd.f32 v63, v1  }
0x2c7: {  	v0 =	vadd.f32 v58, v0;
	[tilespmem:s9+$0x28E0] =	vst.add.f32.msk $0xffff, v2  }
0x2c8: {  	[tilespmem:s9+$0x28D0] =	vst.add.f32.msk $0xffff, v1  }
0x2c9: {  	[tilespmem:s9+$0x28F0] =	vst.add.f32.msk $0xffff, v0  }
.LBB2_13:
0x2ca: {  	s9 =	sadd.s32 $0x80, s16  }
0x2cb: {  	[spmem:s3] =	stream.indirect.scatter.add.f32 [tilespmem:s20], [sflag:$0x7], $0x80, s9, s26, $0xb8;
	[tilespmem:$0x1B080] =	vst v63  }
0x2cc: {  	_ =	swait.ge [sflag:s28], $0x4000  }
0x2cd: {  	[sflag:s28] =	ssyncset.done $0x0  }
0x2ce: {  	[sflag:s28] =	ssyncadd.s32 $0xFFFFC000  }
.LBB2_14:
0x2cf: {  	s9 =	sor.u32 $0x2, s4  }
0x2d0: {  	p0 =	sge.u32 s9, s7  }
.Ltmp11:
0x2d1: {  	_ = 	snop;
	(pc) =	sbr.rel @p0 .LBB2_20-.Ltmp11, $1  }
0x2d2: {  	_ =	sdelay $0x3  }
0x2d3: {  	s11 =	sadd.s32 $0x5, s4  }
0x2d4: {  	p0 =	sge.u32 s11, s7  }
0x2d5: {  	_ =	swait.ge [sflag:s25], $0x4000;
	s9 =	sshll.u32 s9, $0x7;
	s11 =	sadd.s32 @!p0 s6, s11  }
0x2d6: {  	[sflag:s25] =	ssyncset.done $0x0;
	s9 =	sand.u32 $0x3FFFFF80, s9;
	s11 =	sshll.u32 @!p0 s11, $0xB  }
0x2d7: {  	[sflag:s25] =	ssyncadd.s32 $0xFFFFC000;
	s11 =	sand.u32 @!p0 $0x1FFFF800, s11  }
0x2d8: {  	s16 =	simm.s32 @!p0 $0x0;
	s18 =	simm.s32 @!p0 $0xE880;
	s11 =	sadd.s32 @!p0 s1, s11  }
0x2d9: {  	[tilespmem:s18], [sflag:$0x2] =	stream.linear.gather @!p0 [hbm4b:s11+s16], $0x4000, $0x38;
	[tilespmem:$0x1B080] =	vst v63  }
0x2da: {  	v0 =	vld [tilespmem:s9+$0x0]  }
0x2db: {  	v1 =	vld [tilespmem:s9+$0x70];
	_ =	sdelay $0x3  }
0x2dc: {  	v0 =	vxor.u32 $0x80000000, v0  }
0x2dd: {  	v61 =	vxor.u32 $0x80000000, v1;
	(xrf0) =	vmin.scan.msk.u32 $0xffff, v0  }
0x2de: {  	(xrf0) =	vmax.scan.msk.u32 $0xffff, v61;
	_ =	sdelay $0x4  }
0x2df: {  	v62, _, _ =	vpop (xrf0)  }
0x2e0: {  	(v2sf) =	vpush v62, $0xF;
	v63, _, _ =	vpop (xrf0)  }
0x2e1: {  	(v2sf) =	vpush v63, $0xF;
	_ =	sdelay $0xd  }
0x2e2: {  	s16 =	spop (v2sf)  }
0x2e3: {  	s18 =	spop (v2sf)  }
0x2e4: {  	p0 =	sne.s32 s18, s16  }
.Ltmp12:
0x2e5: {  	_ = 	snop;
	(pc) =	sbr.rel @p0 .LBB2_19-.Ltmp12, $1  }
0x2e6: {  	_ =	sdelay $0x3  }
0x2e7: {  	s18 =	simm.s32 $0x0  }
0x2e8: {  	v15 =	vld [tilespmem:s18+$0x13000]  }
0x2e9: {  	v16 =	vld [tilespmem:s18+$0x13010]  }
0x2ea: {  	v17 =	vld [tilespmem:s18+$0x13020]  }
0x2eb: {  	v18 =	vld [tilespmem:s18+$0x13030]  }
0x2ec: {  	v0 =	vld [tilespmem:s18+$0x13040]  }
0x2ed: {  	v53 =	vld [tilespmem:s18+$0x13050]  }
0x2ee: {  	v21 =	vld [tilespmem:s18+$0x12F80]  }
0x2ef: {  	v23 =	vld [tilespmem:s18+$0x12F90]  }
0x2f0: {  	v20 =	vld [tilespmem:s18+$0x12FA0]  }
0x2f1: {  	v22 =	vld [tilespmem:s18+$0x12FB0]  }
0x2f2: {  	v54 =	vld [tilespmem:s18+$0x12FC0]  }
0x2f3: {  	v55 =	vld [tilespmem:s18+$0x12FD0]  }
0x2f4: {  	v4 =	vld [tilespmem:s18+$0x12F00]  }
0x2f5: {  	v5 =	vld [tilespmem:s18+$0x12F10]  }
0x2f6: {  	v2 =	vld [tilespmem:s18+$0x12F20]  }
0x2f7: {  	v3 =	vld [tilespmem:s18+$0x12F30]  }
0x2f8: {  	v56 =	vld [tilespmem:s18+$0x12F40]  }
0x2f9: {  	v57 =	vld [tilespmem:s18+$0x12F50]  }
0x2fa: {  	v32 =	vld [tilespmem:s18+$0x12E80]  }
0x2fb: {  	v8 =	vld [tilespmem:s18+$0x12E90]  }
0x2fc: {  	v6 =	vld [tilespmem:s18+$0x12EA0]  }
0x2fd: {  	v7 =	vld [tilespmem:s18+$0x12EB0]  }
0x2fe: {  	v58 =	vld [tilespmem:s18+$0x12EC0]  }
0x2ff: {  	v59 =	vld [tilespmem:s18+$0x12ED0]  }
0x300: {  	v36 =	vld [tilespmem:s18+$0x12E00]  }
0x301: {  	v37 =	vld [tilespmem:s18+$0x12E10]  }
0x302: {  	v38 =	vld [tilespmem:s18+$0x12E20]  }
0x303: {  	v1 =	vld [tilespmem:s18+$0x12E30]  }
0x304: {  	v60 =	vld [tilespmem:s18+$0x12E40]  }
0x305: {  	v61 =	vld [tilespmem:s18+$0x12E50]  }
0x306: {  	v41 =	vld [tilespmem:s18+$0x12D80]  }
0x307: {  	v42 =	vld [tilespmem:s18+$0x12D90]  }
0x308: {  	v43 =	vld [tilespmem:s18+$0x12DA0]  }
0x309: {  	v44 =	vld [tilespmem:s18+$0x12DB0]  }
0x30a: {  	v62 =	vld [tilespmem:s18+$0x12DC0]  }
0x30b: {  	v63 =	vld [tilespmem:s18+$0x12DD0]  }
0x30c: {  	v47 =	vld [tilespmem:s18+$0x12D00]  }
0x30d: {  	v48 =	vld [tilespmem:s18+$0x12D10]  }
0x30e: {  	v49 =	vld [tilespmem:s18+$0x12D20]  }
0x30f: {  	v50 =	vld [tilespmem:s18+$0x12D30]  }
0x310: {  	v39 =	vld [tilespmem:s18+$0x12D40]  }
0x311: {  	v14 =	vld [tilespmem:s18+$0x12D50]  }
0x312: {  	v45 =	vld [tilespmem:s18+$0x12C80]  }
0x313: {  	v46 =	vld [tilespmem:s18+$0x12C90]  }
0x314: {  	v51 =	vld [tilespmem:s18+$0x12CA0]  }
0x315: {  	v52 =	vld [tilespmem:s18+$0x12CB0]  }
0x316: {  	v19 =	vld [tilespmem:s18+$0x12CC0]  }
0x317: {  	v35 =	vld [tilespmem:s18+$0x12C00]  }
0x318: {  	v40 =	vld [tilespmem:s18+$0x12C10]  }
0x319: {  	v33 =	vld [tilespmem:s18+$0x12B80]  }
0x31a: {  	v34 =	vld [tilespmem:s18+$0x12B90]  }
0x31b: {  	v31 =	vld [tilespmem:s18+$0x12B00]  }
0x31c: {  	v9 =	vld [tilespmem:s18+$0x128A0]  }
0x31d: {  	v25 =	vld [tilespmem:s18+$0x128B0]  }
0x31e: {  	v26 =	vld [tilespmem:s18+$0x12920]  }
0x31f: {  	v27 =	vld [tilespmem:s18+$0x12930]  }
0x320: {  	v29 =	vld [tilespmem:s18+$0x129A0]  }
0x321: {  	v28 =	vld [tilespmem:s18+$0x129B0]  }
0x322: {  	v30 =	vld [tilespmem:s18+$0x12A20]  }
0x323: {  	v10 =	vld [tilespmem:s18+$0x12A30];
	[tilespmem:$0x1FDA0] =	vst v0  }
0x324: {  	[tilespmem:$0x1FDB0] =	vst v53;
	v53 =	vld [tilespmem:s18+$0x12B10]  }
0x325: {  	[tilespmem:$0x1FDC0] =	vst v54;
	v54 =	vld [tilespmem:s18+$0x12A80]  }
0x326: {  	[tilespmem:$0x1FDD0] =	vst v55;
	v55 =	vld [tilespmem:s18+$0x12A90]  }
0x327: {  	[tilespmem:$0x1FE40] =	vst v62;
	v62 =	vld [tilespmem:s18+$0x12880]  }
0x328: {  	[tilespmem:$0x1FE50] =	vst v63;
	v63 =	vld [tilespmem:s18+$0x12890]  }
0x329: {  	[tilespmem:$0x1FE20] =	vst v60;
	v60 =	vld [tilespmem:s18+$0x12900]  }
0x32a: {  	[tilespmem:$0x1FE30] =	vst v61;
	v61 =	vld [tilespmem:s18+$0x12910]  }
0x32b: {  	v24 =	vimm.f32 $0.0e+00;
	[tilespmem:$0x1FE00] =	vst v58;
	v58 =	vld [tilespmem:s18+$0x12980]  }
0x32c: {  	[tilespmem:$0x1FE10] =	vst v59;
	v59 =	vld [tilespmem:s18+$0x12990];
	v0 =	vadd.f32 v9, v24;
	v25 =	vadd.f32 v25, v24  }
0x32d: {  	[tilespmem:$0x1FDE0] =	vst v56;
	v56 =	vld [tilespmem:s18+$0x12A00];
	v62 =	vadd.f32 v62, v24;
	v63 =	vadd.f32 v63, v24  }
0x32e: {  	[tilespmem:$0x1FDF0] =	vst v57;
	v57 =	vld [tilespmem:s18+$0x12A10];
	v0 =	vadd.f32 v26, v0;
	v25 =	vadd.f32 v27, v25  }
0x32f: {  	v26 =	vld [tilespmem:s18+$0x12AA0];
	v60 =	vadd.f32 v60, v62;
	v61 =	vadd.f32 v61, v63  }
0x330: {  	v0 =	vadd.f32 v29, v0;
	v25 =	vadd.f32 v28, v25;
	v28 =	vld [tilespmem:s18+$0x12B20]  }
0x331: {  	v27 =	vadd.f32 v58, v60;
	v11 =	vadd.f32 v59, v61;
	v60 =	vld [tilespmem:s18+$0x12AB0]  }
0x332: {  	v0 =	vadd.f32 v30, v0;
	v30 =	vld [tilespmem:s18+$0x12BA0]  }
0x333: {  	v61 =	vld [tilespmem:s18+$0x12B30];
	v27 =	vadd.f32 v56, v27;
	v29 =	vadd.f32 v57, v11  }
0x334: {  	v25 =	vadd.f32 v10, v25;
	v63 =	vld [tilespmem:s18+$0x12BB0];
	v0 =	vadd.f32 v26, v0  }
0x335: {  	v26 =	vld [tilespmem:s18+$0x12C20];
	v27 =	vadd.f32 v54, v27;
	v29 =	vadd.f32 v55, v29  }
0x336: {  	v58 =	vld [tilespmem:s18+$0x12A50];
	v0 =	vadd.f32 v28, v0;
	v25 =	vadd.f32 v60, v25  }
0x337: {  	v27 =	vadd.f32 v31, v27;
	v29 =	vadd.f32 v53, v29;
	v31 =	vld [tilespmem:s18+$0x12C30]  }
0x338: {  	v57 =	vld [tilespmem:s18+$0x12A40];
	v0 =	vadd.f32 v30, v0;
	v28 =	vadd.f32 v61, v25  }
0x339: {  	v54 =	vld [tilespmem:s18+$0x129D0];
	v27 =	vadd.f32 v33, v27;
	v29 =	vadd.f32 v34, v29  }
0x33a: {  	v0 =	vadd.f32 v26, v0;
	v53 =	vld [tilespmem:s18+$0x129C0];
	v28 =	vadd.f32 v63, v28  }
0x33b: {  	v25 =	vld [tilespmem:s18+$0x12CD0];
	v27 =	vadd.f32 v35, v27;
	v29 =	vadd.f32 v40, v29  }
0x33c: {  	v0 =	vadd.f32 v51, v0;
	v51 =	vld [tilespmem:s18+$0x12AC0];
	v26 =	vadd.f32 v31, v28  }
0x33d: {  	v33 =	vld [tilespmem:s18+$0x12C40];
	v27 =	vadd.f32 v45, v27;
	v28 =	vadd.f32 v46, v29  }
0x33e: {  	v34 =	vld [tilespmem:s18+$0x12C50];
	v0 =	vadd.f32 v49, v0;
	v26 =	vadd.f32 v52, v26  }
0x33f: {  	v35 =	vld [tilespmem:s18+$0x12BC0];
	v27 =	vadd.f32 v47, v27;
	v28 =	vadd.f32 v48, v28  }
0x340: {  	v40 =	vld [tilespmem:s18+$0x12BD0];
	v0 =	vadd.f32 v43, v0;
	v26 =	vadd.f32 v50, v26  }
0x341: {  	v45 =	vld [tilespmem:s18+$0x12B40];
	v27 =	vadd.f32 v41, v27;
	v28 =	vadd.f32 v42, v28  }
0x342: {  	v46 =	vld [tilespmem:s18+$0x12B50];
	v0 =	vadd.f32 v38, v0;
	v26 =	vadd.f32 v44, v26  }
0x343: {  	v52 =	vld [tilespmem:s18+$0x12AD0];
	v27 =	vadd.f32 v36, v27;
	v28 =	vadd.f32 v37, v28  }
0x344: {  	v47 =	vld [tilespmem:s18+$0x12940];
	v0 =	vadd.f32 v6, v0;
	v26 =	vadd.f32 v1, v26  }
0x345: {  	v48 =	vld [tilespmem:s18+$0x12950];
	v27 =	vadd.f32 v32, v27;
	v28 =	vadd.f32 v8, v28  }
0x346: {  	v41 =	vld [tilespmem:s18+$0x128C0];
	v31 =	vadd.f32 v2, v0;
	v26 =	vadd.f32 v7, v26  }
0x347: {  	v42 =	vld [tilespmem:s18+$0x128D0];
	v30 =	vadd.f32 v4, v27;
	v29 =	vadd.f32 v5, v28;
	v28 =	vimm.f32 $0.0e+00  }
0x348: {  	s9 =	simm.s32 $0x2000;
	v36 =	vld [tilespmem:s18+$0x128E0];
	v27 =	vimm.f32 $0.0e+00;
	v32 =	vadd.f32 v3, v26;
	v26 =	vimm.f32 $0.0e+00  }
.LBB2_17:
0x349: {  	v0 =	vld [tilespmem:s18+$0x128F0]  }
0x34a: {  	v37 =	vld [tilespmem:s18+$0x12960]  }
0x34b: {  	v38 =	vld [tilespmem:s18+$0x12970]  }
0x34c: {  	v43 =	vld [tilespmem:s18+$0x13070]  }
0x34d: {  	v49 =	vld [tilespmem:$0x1FDB0];
	v21 =	vadd.f32 v21, v30  }
0x34e: {  	v22 =	vadd.f32 v22, v32;
	v32 =	vld [tilespmem:$0x1FE40]  }
0x34f: {  	v23 =	vadd.f32 v23, v29;
	v29 =	vadd.f32 v15, v21;
	v15 =	vld [tilespmem:s18+$0x129E0]  }
0x350: {  	v1 =	vadd.f32 v18, v22;
	v18 =	vld [tilespmem:s18+$0x129F0]  }
0x351: {  	v21 =	vld [tilespmem:s18+$0x12A60]  }
0x352: {  	v22 =	vld [tilespmem:s18+$0x12A70]  }
0x353: {  	v20 =	vadd.f32 v20, v31;
	v30 =	vadd.f32 v16, v23;
	v23 =	vld [tilespmem:s18+$0x12AE0]  }
0x354: {  	v16 =	vadd.f32 v41, v24;
	v24 =	vld [tilespmem:s18+$0x12AF0]  }
0x355: {  	v31 =	vadd.f32 v17, v20;
	v20 =	vadd.f32 v36, v27;
	v36 =	vld [tilespmem:s18+$0x12F70]  }
0x356: {  	v0 =	vadd.f32 v0, v26;
	v41 =	vld [tilespmem:$0x1FDE0]  }
0x357: {  	v17 =	vadd.f32 v42, v28;
	v42 =	vld [tilespmem:$0x1FDF0]  }
0x358: {  	v0 =	vadd.f32 v38, v0;
	v38 =	vld [tilespmem:$0x1FE10];
	v16 =	vadd.f32 v47, v16  }
0x359: {  	v20 =	vadd.f32 v37, v20;
	v37 =	vld [tilespmem:$0x1FE00]  }
0x35a: {  	v17 =	vadd.f32 v48, v17;
	v48 =	vld [tilespmem:$0x1FDA0];
	v16 =	vadd.f32 v53, v16  }
0x35b: {  	v15 =	vadd.f32 v15, v20;
	v0 =	vadd.f32 v18, v0;
	v18 =	vld [tilespmem:s18+$0x12B60]  }
0x35c: {  	v17 =	vadd.f32 v54, v17;
	v20 =	vld [tilespmem:s18+$0x12B70]  }
0x35d: {  	v16 =	vadd.f32 v57, v16;
	v15 =	vadd.f32 v21, v15;
	v21 =	vld [tilespmem:s18+$0x12BE0]  }
0x35e: {  	v17 =	vadd.f32 v58, v17;
	v0 =	vadd.f32 v22, v0;
	v22 =	vld [tilespmem:s18+$0x12BF0]  }
0x35f: {  	v16 =	vadd.f32 v51, v16;
	v15 =	vadd.f32 v23, v15;
	v23 =	vld [tilespmem:s18+$0x12C60]  }
0x360: {  	v17 =	vadd.f32 v52, v17;
	v0 =	vadd.f32 v24, v0;
	v24 =	vld [tilespmem:s18+$0x12C70]  }
0x361: {  	v16 =	vadd.f32 v45, v16;
	v45 =	vld [tilespmem:$0x1FDC0]  }
0x362: {  	v17 =	vadd.f32 v46, v17;
	v46 =	vld [tilespmem:$0x1FDD0]  }
0x363: {  	v15 =	vadd.f32 v18, v15;
	v18 =	vld [tilespmem:s18+$0x12CE0]  }
0x364: {  	v0 =	vadd.f32 v20, v0;
	v20 =	vld [tilespmem:s18+$0x12CF0]  }
0x365: {  	v16 =	vadd.f32 v35, v16;
	v35 =	vld [tilespmem:$0x1FE30]  }
0x366: {  	v15 =	vadd.f32 v21, v15;
	v21 =	vld [tilespmem:s18+$0x12D60]  }
0x367: {  	v17 =	vadd.f32 v40, v17;
	v0 =	vadd.f32 v22, v0;
	v22 =	vld [tilespmem:s18+$0x12D70]  }
0x368: {  	v16 =	vadd.f32 v33, v16;
	v33 =	vld [tilespmem:$0x1FE50]  }
0x369: {  	v17 =	vadd.f32 v34, v17;
	v34 =	vld [tilespmem:$0x1FE20];
	v15 =	vadd.f32 v23, v15  }
0x36a: {  	v0 =	vadd.f32 v24, v0;
	v23 =	vld [tilespmem:s18+$0x12DE0];
	v16 =	vadd.f32 v19, v16  }
0x36b: {  	v17 =	vadd.f32 v25, v17;
	v19 =	vld [tilespmem:s18+$0x12DF0];
	v15 =	vadd.f32 v18, v15  }
0x36c: {  	v0 =	vadd.f32 v20, v0;
	v18 =	vld [tilespmem:s18+$0x12E60];
	v13 =	vadd.f32 v39, v16  }
0x36d: {  	v14 =	vadd.f32 v14, v17;
	v16 =	vld [tilespmem:s18+$0x12E70];
	v15 =	vadd.f32 v21, v15  }
0x36e: {  	v17 =	vld [tilespmem:s18+$0x12EE0];
	v0 =	vadd.f32 v22, v0  }
0x36f: {  	v39 =	vld [tilespmem:s18+$0x12FF0];
	v12 =	vadd.f32 v33, v14;
	v14 =	vadd.f32 v23, v15  }
0x370: {  	v11 =	vadd.f32 v32, v13;
	v13 =	vld [tilespmem:s18+$0x12EF0];
	v0 =	vadd.f32 v19, v0  }
0x371: {  	v19 =	vld [tilespmem:s18+$0x12F60];
	v10 =	vadd.f32 v35, v12;
	v12 =	vadd.f32 v18, v14  }
0x372: {  	v14 =	vld [tilespmem:s18+$0x12FE0]  }
0x373: {  	v40 =	vadd.f32 v17, v12;
	v12 =	vld [tilespmem:s18+$0x13060];
	s18 =	sshra.s32 s9, $0x2  }
0x374: {  	v15 =	vld [tilespmem:s18+$0x13000]  }
0x375: {  	v0 =	vadd.f32 v16, v0;
	v16 =	vld [tilespmem:s18+$0x13010]  }
0x376: {  	v17 =	vld [tilespmem:s18+$0x13020]  }
0x377: {  	v18 =	vld [tilespmem:s18+$0x13030]  }
0x378: {  	v50 =	vld [tilespmem:s18+$0x13040]  }
0x379: {  	v51 =	vld [tilespmem:s18+$0x13050]  }
0x37a: {  	v21 =	vld [tilespmem:s18+$0x12F80]  }
0x37b: {  	v23 =	vld [tilespmem:s18+$0x12F90]  }
0x37c: {  	v20 =	vld [tilespmem:s18+$0x12FA0]  }
0x37d: {  	v22 =	vld [tilespmem:s18+$0x12FB0]  }
0x37e: {  	v52 =	vld [tilespmem:s18+$0x12FC0]  }
0x37f: {  	v9 =	vadd.f32 v34, v11;
	v53 =	vld [tilespmem:s18+$0x12FD0]  }
0x380: {  	v8 =	vadd.f32 v38, v10;
	v38 =	vld [tilespmem:s18+$0x12F10]  }
0x381: {  	v7 =	vadd.f32 v37, v9;
	v37 =	vld [tilespmem:s18+$0x12F20]  }
0x382: {  	v32 =	vld [tilespmem:s18+$0x12F30]  }
0x383: {  	v54 =	vld [tilespmem:s18+$0x12F40]  }
0x384: {  	v55 =	vld [tilespmem:s18+$0x12F50]  }
0x385: {  	v6 =	vadd.f32 v41, v7;
	v41 =	vld [tilespmem:s18+$0x12E80]  }
0x386: {  	v5 =	vadd.f32 v42, v8;
	v42 =	vld [tilespmem:s18+$0x12EA0]  }
0x387: {  	v56 =	vld [tilespmem:s18+$0x12EC0]  }
0x388: {  	v57 =	vld [tilespmem:s18+$0x12ED0]  }
0x389: {  	v58 =	vld [tilespmem:s18+$0x12E40]  }
0x38a: {  	v59 =	vld [tilespmem:s18+$0x12E50]  }
0x38b: {  	v60 =	vld [tilespmem:s18+$0x12DC0]  }
0x38c: {  	v61 =	vld [tilespmem:s18+$0x12DD0]  }
0x38d: {  	v25 =	vld [tilespmem:s18+$0x12CD0]  }
0x38e: {  	v34 =	vld [tilespmem:s18+$0x12B80]  }
0x38f: {  	v35 =	vld [tilespmem:s18+$0x12B90]  }
0x390: {  	v33 =	vld [tilespmem:s18+$0x12B00]  }
0x391: {  	v62 =	vld [tilespmem:s18+$0x12A80]  }
0x392: {  	v63 =	vld [tilespmem:s18+$0x12A90]  }
0x393: {  	[tilespmem:$0x1FD90] =	vst v1;
	v1 =	vld [tilespmem:s18+$0x12A00]  }
0x394: {  	v2 =	vld [tilespmem:s18+$0x12A10]  }
0x395: {  	v7 =	vld [tilespmem:s18+$0x12880]  }
0x396: {  	v8 =	vld [tilespmem:s18+$0x12890]  }
0x397: {  	v9 =	vld [tilespmem:s18+$0x128A0]  }
0x398: {  	v10 =	vld [tilespmem:s18+$0x128B0]  }
0x399: {  	v0 =	vadd.f32 v13, v0;
	v11 =	vld [tilespmem:s18+$0x12920]  }
0x39a: {  	v13 =	vld [tilespmem:s18+$0x129A0]  }
0x39b: {  	v0 =	vadd.f32 v36, v0;
	v36 =	vld [tilespmem:s18+$0x12F00]  }
0x39c: {  	v44 =	vadd.f32 v19, v40;
	v19 =	vld [tilespmem:s18+$0x12CC0]  }
0x39d: {  	v40 =	vld [tilespmem:s18+$0x12B10]  }
0x39e: {  	v4 =	vadd.f32 v45, v6;
	v45 =	vld [tilespmem:s18+$0x12C00]  }
0x39f: {  	v3 =	vadd.f32 v46, v5;
	v46 =	vld [tilespmem:s18+$0x12C10]  }
0x3a0: {  	v5 =	vld [tilespmem:s18+$0x12900]  }
0x3a1: {  	v6 =	vld [tilespmem:s18+$0x12910]  }
0x3a2: {  	v47 =	vadd.f32 v14, v44;
	v44 =	vld [tilespmem:s18+$0x12EB0]  }
0x3a3: {  	v0 =	vadd.f32 v39, v0;
	v39 =	vld [tilespmem:s18+$0x12D40]  }
0x3a4: {  	v14 =	vld [tilespmem:s18+$0x12D50]  }
0x3a5: {  	v28 =	vadd.f32 v49, v3;
	v49 =	vld [tilespmem:s18+$0x12E10]  }
0x3a6: {  	v24 =	vadd.f32 v48, v4;
	v48 =	vld [tilespmem:s18+$0x12E20]  }
0x3a7: {  	v3 =	vld [tilespmem:s18+$0x12980]  }
0x3a8: {  	v4 =	vld [tilespmem:s18+$0x12990]  }
0x3a9: {  	v26 =	vadd.f32 v43, v0;
	v43 =	vld [tilespmem:s18+$0x12E90]  }
0x3aa: {  	v27 =	vadd.f32 v12, v47;
	v47 =	vld [tilespmem:s18+$0x12E00]  }
0x3ab: {  	[tilespmem:$0x1FDA0] =	vst v50;
	v50 =	vld [tilespmem:s18+$0x12E30]  }
0x3ac: {  	[tilespmem:$0x1FDD0] =	vst v53;
	v53 =	vld [tilespmem:s18+$0x12D80]  }
0x3ad: {  	[tilespmem:$0x1FDF0] =	vst v55;
	v55 =	vld [tilespmem:s18+$0x12D90]  }
0x3ae: {  	[tilespmem:$0x1FDE0] =	vst v54;
	v54 =	vld [tilespmem:s18+$0x12DA0]  }
0x3af: {  	[tilespmem:$0x1FE00] =	vst v56;
	v56 =	vld [tilespmem:s18+$0x12DB0]  }
0x3b0: {  	[tilespmem:$0x1FE10] =	vst v57;
	v57 =	vld [tilespmem:s18+$0x12D00]  }
0x3b1: {  	[tilespmem:$0x1FE30] =	vst v59;
	v59 =	vld [tilespmem:s18+$0x12D10]  }
0x3b2: {  	[tilespmem:$0x1FE20] =	vst v58;
	v58 =	vld [tilespmem:s18+$0x12D20]  }
0x3b3: {  	[tilespmem:$0x1FE40] =	vst v60;
	v60 =	vld [tilespmem:s18+$0x12D30]  }
0x3b4: {  	v0 =	vld [tilespmem:s18+$0x12C80]  }
0x3b5: {  	[tilespmem:$0x1FDB0] =	vst v51;
	v51 =	vld [tilespmem:s18+$0x12C90]  }
0x3b6: {  	v8 =	vadd.f32 v8, v30;
	v30 =	vld [tilespmem:$0x1FD90]  }
0x3b7: {  	[tilespmem:$0x1FDC0] =	vst v52;
	v52 =	vld [tilespmem:s18+$0x12CA0]  }
0x3b8: {  	v12 =	vld [tilespmem:s18+$0x12930]  }
0x3b9: {  	[tilespmem:$0x1FE50] =	vst v61;
	v61 =	vld [tilespmem:s18+$0x12CB0];
	v7 =	vadd.f32 v7, v29  }
0x3ba: {  	v29 =	vld [tilespmem:s18+$0x129B0];
	v9 =	vadd.f32 v9, v31  }
0x3bb: {  	v5 =	vadd.f32 v5, v7;
	v7 =	vld [tilespmem:s18+$0x12A30];
	v10 =	vadd.f32 v10, v30  }
0x3bc: {  	v6 =	vadd.f32 v6, v8;
	v8 =	vadd.f32 v11, v9;
	v30 =	vld [tilespmem:s18+$0x12A20]  }
0x3bd: {  	v3 =	vadd.f32 v3, v5;
	v5 =	vld [tilespmem:s18+$0x12AB0];
	v9 =	vadd.f32 v12, v10  }
0x3be: {  	v4 =	vadd.f32 v4, v6;
	v6 =	vadd.f32 v13, v8;
	v10 =	vld [tilespmem:s18+$0x12AA0]  }
0x3bf: {  	v1 =	vadd.f32 v1, v3;
	v3 =	vld [tilespmem:s18+$0x12B30];
	v8 =	vadd.f32 v29, v9  }
0x3c0: {  	v2 =	vadd.f32 v2, v4;
	v9 =	vld [tilespmem:s18+$0x12B20]  }
0x3c1: {  	v4 =	vadd.f32 v30, v6;
	v6 =	vadd.f32 v7, v8;
	v7 =	vld [tilespmem:s18+$0x12BA0]  }
0x3c2: {  	v1 =	vadd.f32 v62, v1;
	v2 =	vadd.f32 v63, v2;
	v8 =	vld [tilespmem:s18+$0x12BB0]  }
0x3c3: {  	v62 =	vld [tilespmem:s18+$0x12C20];
	v4 =	vadd.f32 v10, v4;
	v5 =	vadd.f32 v5, v6  }
0x3c4: {  	v63 =	vld [tilespmem:s18+$0x12C30];
	v1 =	vadd.f32 v33, v1;
	v2 =	vadd.f32 v40, v2  }
0x3c5: {  	v33 =	vld [tilespmem:s18+$0x12C40];
	v4 =	vadd.f32 v9, v4;
	v3 =	vadd.f32 v3, v5  }
0x3c6: {  	v40 =	vld [tilespmem:s18+$0x12BD0];
	v1 =	vadd.f32 v34, v1;
	v2 =	vadd.f32 v35, v2  }
0x3c7: {  	v34 =	vld [tilespmem:s18+$0x12C50];
	v4 =	vadd.f32 v7, v4;
	v3 =	vadd.f32 v8, v3  }
0x3c8: {  	v35 =	vld [tilespmem:s18+$0x12BC0];
	v1 =	vadd.f32 v45, v1;
	v2 =	vadd.f32 v46, v2  }
0x3c9: {  	v45 =	vld [tilespmem:s18+$0x12B40];
	v4 =	vadd.f32 v62, v4;
	v3 =	vadd.f32 v63, v3  }
0x3ca: {  	v46 =	vld [tilespmem:s18+$0x12B50];
	v0 =	vadd.f32 v0, v1;
	v62 =	vadd.f32 v51, v2  }
0x3cb: {  	v51 =	vld [tilespmem:s18+$0x12AC0];
	v63 =	vadd.f32 v52, v4;
	v3 =	vadd.f32 v61, v3  }
0x3cc: {  	v0 =	vadd.f32 v57, v0;
	v57 =	vld [tilespmem:s18+$0x12A40];
	v1 =	vadd.f32 v59, v62  }
0x3cd: {  	v52 =	vld [tilespmem:s18+$0x12AD0];
	v2 =	vadd.f32 v58, v63;
	v3 =	vadd.f32 v60, v3  }
0x3ce: {  	v0 =	vadd.f32 v53, v0;
	v53 =	vld [tilespmem:s18+$0x129C0];
	v1 =	vadd.f32 v55, v1  }
0x3cf: {  	v58 =	vld [tilespmem:s18+$0x12A50];
	v2 =	vadd.f32 v54, v2;
	v3 =	vadd.f32 v56, v3  }
0x3d0: {  	p0 =	sne.s32 s9, $0xE000;
	v0 =	vadd.f32 v47, v0;
	v47 =	vld [tilespmem:s18+$0x12940];
	v1 =	vadd.f32 v49, v1  }
.Ltmp13:
0x3d1: {  	v54 =	vld [tilespmem:s18+$0x129D0];
	v2 =	vadd.f32 v48, v2;
	v3 =	vadd.f32 v50, v3;
	(pc) =	sbr.rel @p0 .LBB2_17-.Ltmp13, $4  }
0x3d2: {  	v0 =	vadd.f32 v41, v0;
	v41 =	vld [tilespmem:s18+$0x128C0];
	v1 =	vadd.f32 v43, v1  }
0x3d3: {  	v48 =	vld [tilespmem:s18+$0x12950];
	v2 =	vadd.f32 v42, v2;
	v3 =	vadd.f32 v44, v3  }
0x3d4: {  	v30 =	vadd.f32 v36, v0;
	v36 =	vld [tilespmem:s18+$0x128E0];
	v29 =	vadd.f32 v38, v1  }
0x3d5: {  	s9 =	sadd.s32 $0x2000, s9;
	v42 =	vld [tilespmem:s18+$0x128D0];
	v31 =	vadd.f32 v37, v2;
	v32 =	vadd.f32 v32, v3  }
0x3d6: {  	v0 =	vld [tilespmem:s18+$0x128F0]  }
0x3d7: {  	v3 =	vld [tilespmem:s18+$0x12960]  }
0x3d8: {  	v6 =	vld [tilespmem:s18+$0x12970]  }
0x3d9: {  	v7 =	vld [tilespmem:s18+$0x129E0]  }
0x3da: {  	v10 =	vld [tilespmem:s18+$0x129F0]  }
0x3db: {  	v12 =	vld [tilespmem:s18+$0x12A60]  }
0x3dc: {  	v13 =	vld [tilespmem:s18+$0x12A70]  }
0x3dd: {  	v2 =	vadd.f32 v23, v29;
	v29 =	vld [tilespmem:s18+$0x12BF0]  }
0x3de: {  	v1 =	vadd.f32 v21, v30;
	v30 =	vld [tilespmem:s18+$0x12C60]  }
0x3df: {  	v37 =	vld [tilespmem:s18+$0x12D70]  }
0x3e0: {  	v38 =	vld [tilespmem:s18+$0x12DE0]  }
0x3e1: {  	v43 =	vld [tilespmem:s18+$0x12EE0]  }
0x3e2: {  	v44 =	vld [tilespmem:$0x1FE40]  }
0x3e3: {  	v49 =	vld [tilespmem:$0x1FE30];
	v4 =	vadd.f32 v20, v31;
	v5 =	vadd.f32 v22, v32  }
0x3e4: {  	v50 =	vld [tilespmem:s18+$0x12F70];
	v8 =	vadd.f32 v41, v24;
	v1 =	vadd.f32 v15, v1  }
0x3e5: {  	v55 =	vld [tilespmem:s18+$0x13060];
	v2 =	vadd.f32 v16, v2;
	v4 =	vadd.f32 v17, v4  }
0x3e6: {  	v56 =	vld [tilespmem:$0x1FDE0];
	v5 =	vadd.f32 v18, v5;
	v11 =	vadd.f32 v36, v27  }
0x3e7: {  	v59 =	vld [tilespmem:$0x1FDC0];
	v8 =	vadd.f32 v47, v8;
	v9 =	vadd.f32 v42, v28  }
0x3e8: {  	v60 =	vld [tilespmem:$0x1FDD0];
	v0 =	vadd.f32 v0, v26;
	v3 =	vadd.f32 v3, v11  }
0x3e9: {  	v22 =	vld [tilespmem:s18+$0x12AE0];
	v8 =	vadd.f32 v53, v8;
	v9 =	vadd.f32 v48, v9  }
0x3ea: {  	v24 =	vld [tilespmem:s18+$0x12AF0];
	v0 =	vadd.f32 v6, v0;
	v3 =	vadd.f32 v7, v3  }
0x3eb: {  	v26 =	vld [tilespmem:s18+$0x12B60];
	v8 =	vadd.f32 v57, v8;
	v23 =	vadd.f32 v54, v9  }
0x3ec: {  	v27 =	vld [tilespmem:s18+$0x12B70];
	v0 =	vadd.f32 v10, v0;
	v3 =	vadd.f32 v12, v3  }
0x3ed: {  	v28 =	vld [tilespmem:s18+$0x12BE0];
	v8 =	vadd.f32 v51, v8;
	v6 =	vadd.f32 v58, v23  }
0x3ee: {  	v62 =	vld [tilespmem:$0x1FDA0];
	v0 =	vadd.f32 v13, v0;
	v3 =	vadd.f32 v22, v3  }
0x3ef: {  	v31 =	vld [tilespmem:s18+$0x12C70];
	v8 =	vadd.f32 v45, v8;
	v6 =	vadd.f32 v52, v6  }
0x3f0: {  	v32 =	vld [tilespmem:s18+$0x12CE0];
	v0 =	vadd.f32 v24, v0;
	v3 =	vadd.f32 v26, v3  }
0x3f1: {  	v41 =	vld [tilespmem:s18+$0x12E60];
	v8 =	vadd.f32 v35, v8;
	v6 =	vadd.f32 v46, v6  }
0x3f2: {  	v36 =	vld [tilespmem:s18+$0x12D60];
	v0 =	vadd.f32 v27, v0;
	v3 =	vadd.f32 v28, v3  }
0x3f3: {  	v35 =	vld [tilespmem:s18+$0x12CF0];
	v8 =	vadd.f32 v33, v8;
	v6 =	vadd.f32 v40, v6  }
0x3f4: {  	v47 =	vld [tilespmem:s18+$0x12F60];
	v0 =	vadd.f32 v29, v0;
	v3 =	vadd.f32 v30, v3  }
0x3f5: {  	v48 =	vld [tilespmem:$0x1FE20];
	v8 =	vadd.f32 v19, v8;
	v6 =	vadd.f32 v34, v6  }
0x3f6: {  	v45 =	vld [tilespmem:$0x1FE50];
	v0 =	vadd.f32 v31, v0;
	v3 =	vadd.f32 v32, v3  }
0x3f7: {  	v40 =	vld [tilespmem:s18+$0x12DF0];
	v8 =	vadd.f32 v39, v8;
	v6 =	vadd.f32 v25, v6  }
0x3f8: {  	v52 =	vld [tilespmem:$0x1FE00];
	v0 =	vadd.f32 v35, v0;
	v3 =	vadd.f32 v36, v3  }
0x3f9: {  	v42 =	vld [tilespmem:s18+$0x12E70];
	v8 =	vadd.f32 v44, v8;
	v6 =	vadd.f32 v14, v6  }
0x3fa: {  	v53 =	vld [tilespmem:$0x1FE10];
	v0 =	vadd.f32 v37, v0;
	v3 =	vadd.f32 v38, v3  }
0x3fb: {  	v46 =	vld [tilespmem:s18+$0x12EF0];
	v8 =	vadd.f32 v48, v8;
	v6 =	vadd.f32 v45, v6  }
0x3fc: {  	v57 =	vld [tilespmem:$0x1FDF0];
	v0 =	vadd.f32 v40, v0;
	v3 =	vadd.f32 v41, v3  }
0x3fd: {  	v51 =	vld [tilespmem:s18+$0x12FE0];
	v8 =	vadd.f32 v52, v8;
	v6 =	vadd.f32 v49, v6  }
0x3fe: {  	v63 =	vld [tilespmem:$0x1FDB0];
	v0 =	vadd.f32 v42, v0;
	v3 =	vadd.f32 v43, v3  }
0x3ff: {  	s9 =	sshll.u32 s16, $0x9;
	v54 =	vld [tilespmem:s18+$0x12FF0];
	v8 =	vadd.f32 v56, v8;
	v6 =	vadd.f32 v53, v6  }
0x400: {  	s9 =	sshra.s32 s9, $0x2;
	v58 =	vld [tilespmem:s18+$0x13070];
	v0 =	vadd.f32 v46, v0;
	v3 =	vadd.f32 v47, v3  }
0x401: {  	[tilespmem:s9+$0x2880] =	vst.add.f32.msk $0xffff, v1;
	v8 =	vadd.f32 v59, v8;
	v6 =	vadd.f32 v57, v6  }
0x402: {  	[tilespmem:s9+$0x2890] =	vst.add.f32.msk $0xffff, v2;
	v0 =	vadd.f32 v50, v0;
	v61 =	vadd.f32 v51, v3  }
0x403: {  	[tilespmem:s9+$0x28A0] =	vst.add.f32.msk $0xffff, v4;
	v3 =	vadd.f32 v62, v8;
	v1 =	vadd.f32 v60, v6  }
.Ltmp14:
0x404: {  	[tilespmem:s9+$0x28B0] =	vst.add.f32.msk $0xffff, v5;
	v0 =	vadd.f32 v54, v0;
	v2 =	vadd.f32 v55, v61;
	(pc) =	sbr.rel .LBB2_20-.Ltmp14, $4  }
0x405: {  	[tilespmem:s9+$0x28C0] =	vst.add.f32.msk $0xffff, v3;
	v1 =	vadd.f32 v63, v1  }
0x406: {  	v0 =	vadd.f32 v58, v0;
	[tilespmem:s9+$0x28E0] =	vst.add.f32.msk $0xffff, v2  }
0x407: {  	[tilespmem:s9+$0x28D0] =	vst.add.f32.msk $0xffff, v1  }
0x408: {  	[tilespmem:s9+$0x28F0] =	vst.add.f32.msk $0xffff, v0  }
.LBB2_19:
0x409: {  	[spmem:s3] =	stream.indirect.scatter.add.f32 [tilespmem:s21], [sflag:$0x7], $0x80, s9, s26, $0xb8;
	[tilespmem:$0x1B080] =	vst v63  }
0x40a: {  	_ =	swait.ge [sflag:s28], $0x4000  }
0x40b: {  	[sflag:s28] =	ssyncset.done $0x0  }
0x40c: {  	[sflag:s28] =	ssyncadd.s32 $0xFFFFC000  }
.LBB2_20:
0x40d: {  	p0 =	sge.u32 s31, s7  }
.Ltmp15:
0x40e: {  	_ = 	snop;
	(pc) =	sbr.rel @p0 .LBB2_26-.Ltmp15, $1  }
0x40f: {  	_ =	sdelay $0x3  }
0x410: {  	s4 =	sadd.s32 $0x6, s4  }
0x411: {  	p0 =	sge.u32 s4, s7  }
0x412: {  	_ =	swait.ge [sflag:s29], $0x4000;
	s4 =	sadd.s32 @!p0 s6, s4  }
0x413: {  	[sflag:s29] =	ssyncset.done $0x0;
	s4 =	sshll.u32 @!p0 s4, $0xB  }
0x414: {  	s18 =	sshll.u32 s31, $0x7;
	[sflag:s29] =	ssyncadd.s32 $0xFFFFC000;
	s4 =	sand.u32 @!p0 $0x1FFFF800, s4  }
0x415: {  	s9 =	simm.s32 @!p0 $0x0;
	s11 =	simm.s32 @!p0 $0x12880;
	s4 =	sadd.s32 @!p0 s1, s4  }
0x416: {  	[tilespmem:s11], [sflag:$0x3] =	stream.linear.gather @!p0 [hbm4b:s4+s9], $0x4000, $0x38;
	[tilespmem:$0x1B080] =	vst v63  }
0x417: {  	s9 =	sand.u32 $0x3FFFFF80, s18  }
0x418: {  	v0 =	vld [tilespmem:s9+$0x0]  }
0x419: {  	v1 =	vld [tilespmem:s9+$0x70];
	_ =	sdelay $0x3  }
0x41a: {  	v0 =	vxor.u32 $0x80000000, v0  }
0x41b: {  	v61 =	vxor.u32 $0x80000000, v1;
	(xrf0) =	vmin.scan.msk.u32 $0xffff, v0  }
0x41c: {  	(xrf0) =	vmax.scan.msk.u32 $0xffff, v61;
	_ =	sdelay $0x4  }
0x41d: {  	v62, _, _ =	vpop (xrf0)  }
0x41e: {  	(v2sf) =	vpush v62, $0xF;
	v63, _, _ =	vpop (xrf0)  }
0x41f: {  	(v2sf) =	vpush v63, $0xF;
	_ =	sdelay $0xd  }
0x420: {  	s4 =	spop (v2sf)  }
0x421: {  	s31 =	spop (v2sf)  }
0x422: {  	p0 =	sne.s32 s31, s4  }
.Ltmp16:
0x423: {  	_ = 	snop;
	(pc) =	sbr.rel @p0 .LBB2_25-.Ltmp16, $1  }
0x424: {  	_ =	sdelay $0x3  }
0x425: {  	s16 =	simm.s32 $0x0  }
0x426: {  	v15 =	vld [tilespmem:s16+$0x17000]  }
0x427: {  	v16 =	vld [tilespmem:s16+$0x17010]  }
0x428: {  	v17 =	vld [tilespmem:s16+$0x17020]  }
0x429: {  	v18 =	vld [tilespmem:s16+$0x17030]  }
0x42a: {  	v0 =	vld [tilespmem:s16+$0x17040]  }
0x42b: {  	v53 =	vld [tilespmem:s16+$0x17050]  }
0x42c: {  	v21 =	vld [tilespmem:s16+$0x16F80]  }
0x42d: {  	v23 =	vld [tilespmem:s16+$0x16F90]  }
0x42e: {  	v20 =	vld [tilespmem:s16+$0x16FA0]  }
0x42f: {  	v22 =	vld [tilespmem:s16+$0x16FB0]  }
0x430: {  	v54 =	vld [tilespmem:s16+$0x16FC0]  }
0x431: {  	v55 =	vld [tilespmem:s16+$0x16FD0]  }
0x432: {  	v4 =	vld [tilespmem:s16+$0x16F00]  }
0x433: {  	v5 =	vld [tilespmem:s16+$0x16F10]  }
0x434: {  	v2 =	vld [tilespmem:s16+$0x16F20]  }
0x435: {  	v3 =	vld [tilespmem:s16+$0x16F30]  }
0x436: {  	v56 =	vld [tilespmem:s16+$0x16F40]  }
0x437: {  	v57 =	vld [tilespmem:s16+$0x16F50]  }
0x438: {  	v32 =	vld [tilespmem:s16+$0x16E80]  }
0x439: {  	v8 =	vld [tilespmem:s16+$0x16E90]  }
0x43a: {  	v6 =	vld [tilespmem:s16+$0x16EA0]  }
0x43b: {  	v7 =	vld [tilespmem:s16+$0x16EB0]  }
0x43c: {  	v58 =	vld [tilespmem:s16+$0x16EC0]  }
0x43d: {  	v59 =	vld [tilespmem:s16+$0x16ED0]  }
0x43e: {  	v36 =	vld [tilespmem:s16+$0x16E00]  }
0x43f: {  	v37 =	vld [tilespmem:s16+$0x16E10]  }
0x440: {  	v38 =	vld [tilespmem:s16+$0x16E20]  }
0x441: {  	v1 =	vld [tilespmem:s16+$0x16E30]  }
0x442: {  	v60 =	vld [tilespmem:s16+$0x16E40]  }
0x443: {  	v61 =	vld [tilespmem:s16+$0x16E50]  }
0x444: {  	v41 =	vld [tilespmem:s16+$0x16D80]  }
0x445: {  	v42 =	vld [tilespmem:s16+$0x16D90]  }
0x446: {  	v43 =	vld [tilespmem:s16+$0x16DA0]  }
0x447: {  	v44 =	vld [tilespmem:s16+$0x16DB0]  }
0x448: {  	v62 =	vld [tilespmem:s16+$0x16DC0]  }
0x449: {  	v63 =	vld [tilespmem:s16+$0x16DD0]  }
0x44a: {  	v47 =	vld [tilespmem:s16+$0x16D00]  }
0x44b: {  	v48 =	vld [tilespmem:s16+$0x16D10]  }
0x44c: {  	v49 =	vld [tilespmem:s16+$0x16D20]  }
0x44d: {  	v50 =	vld [tilespmem:s16+$0x16D30]  }
0x44e: {  	v39 =	vld [tilespmem:s16+$0x16D40]  }
0x44f: {  	v14 =	vld [tilespmem:s16+$0x16D50]  }
0x450: {  	v45 =	vld [tilespmem:s16+$0x16C80]  }
0x451: {  	v46 =	vld [tilespmem:s16+$0x16C90]  }
0x452: {  	v51 =	vld [tilespmem:s16+$0x16CA0]  }
0x453: {  	v52 =	vld [tilespmem:s16+$0x16CB0]  }
0x454: {  	v19 =	vld [tilespmem:s16+$0x16CC0]  }
0x455: {  	v35 =	vld [tilespmem:s16+$0x16C00]  }
0x456: {  	v40 =	vld [tilespmem:s16+$0x16C10]  }
0x457: {  	v33 =	vld [tilespmem:s16+$0x16B80]  }
0x458: {  	v34 =	vld [tilespmem:s16+$0x16B90]  }
0x459: {  	v31 =	vld [tilespmem:s16+$0x16B00]  }
0x45a: {  	v9 =	vld [tilespmem:s16+$0x168A0]  }
0x45b: {  	v25 =	vld [tilespmem:s16+$0x168B0]  }
0x45c: {  	v26 =	vld [tilespmem:s16+$0x16920]  }
0x45d: {  	v27 =	vld [tilespmem:s16+$0x16930]  }
0x45e: {  	v29 =	vld [tilespmem:s16+$0x169A0]  }
0x45f: {  	v28 =	vld [tilespmem:s16+$0x169B0]  }
0x460: {  	v30 =	vld [tilespmem:s16+$0x16A20]  }
0x461: {  	v10 =	vld [tilespmem:s16+$0x16A30];
	[tilespmem:$0x1FCD0] =	vst v0  }
0x462: {  	[tilespmem:$0x1FCE0] =	vst v53;
	v53 =	vld [tilespmem:s16+$0x16B10]  }
0x463: {  	[tilespmem:$0x1FCF0] =	vst v54;
	v54 =	vld [tilespmem:s16+$0x16A80]  }
0x464: {  	[tilespmem:$0x1FD00] =	vst v55;
	v55 =	vld [tilespmem:s16+$0x16A90]  }
0x465: {  	[tilespmem:$0x1FD70] =	vst v62;
	v62 =	vld [tilespmem:s16+$0x16880]  }
0x466: {  	[tilespmem:$0x1FD80] =	vst v63;
	v63 =	vld [tilespmem:s16+$0x16890]  }
0x467: {  	[tilespmem:$0x1FD50] =	vst v60;
	v60 =	vld [tilespmem:s16+$0x16900]  }
0x468: {  	[tilespmem:$0x1FD60] =	vst v61;
	v61 =	vld [tilespmem:s16+$0x16910]  }
0x469: {  	v24 =	vimm.f32 $0.0e+00;
	[tilespmem:$0x1FD30] =	vst v58;
	v58 =	vld [tilespmem:s16+$0x16980]  }
0x46a: {  	[tilespmem:$0x1FD40] =	vst v59;
	v59 =	vld [tilespmem:s16+$0x16990];
	v0 =	vadd.f32 v9, v24;
	v25 =	vadd.f32 v25, v24  }
0x46b: {  	[tilespmem:$0x1FD10] =	vst v56;
	v56 =	vld [tilespmem:s16+$0x16A00];
	v62 =	vadd.f32 v62, v24;
	v63 =	vadd.f32 v63, v24  }
0x46c: {  	[tilespmem:$0x1FD20] =	vst v57;
	v57 =	vld [tilespmem:s16+$0x16A10];
	v0 =	vadd.f32 v26, v0;
	v25 =	vadd.f32 v27, v25  }
0x46d: {  	v26 =	vld [tilespmem:s16+$0x16AA0];
	v60 =	vadd.f32 v60, v62;
	v61 =	vadd.f32 v61, v63  }
0x46e: {  	v0 =	vadd.f32 v29, v0;
	v25 =	vadd.f32 v28, v25;
	v28 =	vld [tilespmem:s16+$0x16B20]  }
0x46f: {  	v27 =	vadd.f32 v58, v60;
	v11 =	vadd.f32 v59, v61;
	v60 =	vld [tilespmem:s16+$0x16AB0]  }
0x470: {  	v0 =	vadd.f32 v30, v0;
	v30 =	vld [tilespmem:s16+$0x16BA0]  }
0x471: {  	v61 =	vld [tilespmem:s16+$0x16B30];
	v27 =	vadd.f32 v56, v27;
	v29 =	vadd.f32 v57, v11  }
0x472: {  	v25 =	vadd.f32 v10, v25;
	v63 =	vld [tilespmem:s16+$0x16BB0];
	v0 =	vadd.f32 v26, v0  }
0x473: {  	v26 =	vld [tilespmem:s16+$0x16C20];
	v27 =	vadd.f32 v54, v27;
	v29 =	vadd.f32 v55, v29  }
0x474: {  	v58 =	vld [tilespmem:s16+$0x16A50];
	v0 =	vadd.f32 v28, v0;
	v25 =	vadd.f32 v60, v25  }
0x475: {  	v27 =	vadd.f32 v31, v27;
	v29 =	vadd.f32 v53, v29;
	v31 =	vld [tilespmem:s16+$0x16C30]  }
0x476: {  	v57 =	vld [tilespmem:s16+$0x16A40];
	v0 =	vadd.f32 v30, v0;
	v28 =	vadd.f32 v61, v25  }
0x477: {  	v54 =	vld [tilespmem:s16+$0x169D0];
	v27 =	vadd.f32 v33, v27;
	v29 =	vadd.f32 v34, v29  }
0x478: {  	v0 =	vadd.f32 v26, v0;
	v53 =	vld [tilespmem:s16+$0x169C0];
	v28 =	vadd.f32 v63, v28  }
0x479: {  	v25 =	vld [tilespmem:s16+$0x16CD0];
	v27 =	vadd.f32 v35, v27;
	v29 =	vadd.f32 v40, v29  }
0x47a: {  	v0 =	vadd.f32 v51, v0;
	v51 =	vld [tilespmem:s16+$0x16AC0];
	v26 =	vadd.f32 v31, v28  }
0x47b: {  	v33 =	vld [tilespmem:s16+$0x16C40];
	v27 =	vadd.f32 v45, v27;
	v28 =	vadd.f32 v46, v29  }
0x47c: {  	v34 =	vld [tilespmem:s16+$0x16C50];
	v0 =	vadd.f32 v49, v0;
	v26 =	vadd.f32 v52, v26  }
0x47d: {  	v35 =	vld [tilespmem:s16+$0x16BC0];
	v27 =	vadd.f32 v47, v27;
	v28 =	vadd.f32 v48, v28  }
0x47e: {  	v40 =	vld [tilespmem:s16+$0x16BD0];
	v0 =	vadd.f32 v43, v0;
	v26 =	vadd.f32 v50, v26  }
0x47f: {  	v45 =	vld [tilespmem:s16+$0x16B40];
	v27 =	vadd.f32 v41, v27;
	v28 =	vadd.f32 v42, v28  }
0x480: {  	v46 =	vld [tilespmem:s16+$0x16B50];
	v0 =	vadd.f32 v38, v0;
	v26 =	vadd.f32 v44, v26  }
0x481: {  	v52 =	vld [tilespmem:s16+$0x16AD0];
	v27 =	vadd.f32 v36, v27;
	v28 =	vadd.f32 v37, v28  }
0x482: {  	v47 =	vld [tilespmem:s16+$0x16940];
	v0 =	vadd.f32 v6, v0;
	v26 =	vadd.f32 v1, v26  }
0x483: {  	v48 =	vld [tilespmem:s16+$0x16950];
	v27 =	vadd.f32 v32, v27;
	v28 =	vadd.f32 v8, v28  }
0x484: {  	v41 =	vld [tilespmem:s16+$0x168C0];
	v31 =	vadd.f32 v2, v0;
	v26 =	vadd.f32 v7, v26  }
0x485: {  	v42 =	vld [tilespmem:s16+$0x168D0];
	v30 =	vadd.f32 v4, v27;
	v29 =	vadd.f32 v5, v28;
	v28 =	vimm.f32 $0.0e+00  }
0x486: {  	s9 =	simm.s32 $0x2000;
	v36 =	vld [tilespmem:s16+$0x168E0];
	v27 =	vimm.f32 $0.0e+00;
	v32 =	vadd.f32 v3, v26;
	v26 =	vimm.f32 $0.0e+00  }
.LBB2_23:
0x487: {  	v0 =	vld [tilespmem:s16+$0x168F0]  }
0x488: {  	v37 =	vld [tilespmem:s16+$0x16960]  }
0x489: {  	v38 =	vld [tilespmem:s16+$0x16970]  }
0x48a: {  	v43 =	vld [tilespmem:s16+$0x17070]  }
0x48b: {  	v49 =	vld [tilespmem:$0x1FCE0];
	v21 =	vadd.f32 v21, v30  }
0x48c: {  	v22 =	vadd.f32 v22, v32;
	v32 =	vld [tilespmem:$0x1FD70]  }
0x48d: {  	v23 =	vadd.f32 v23, v29;
	v29 =	vadd.f32 v15, v21;
	v15 =	vld [tilespmem:s16+$0x169E0]  }
0x48e: {  	v1 =	vadd.f32 v18, v22;
	v18 =	vld [tilespmem:s16+$0x169F0]  }
0x48f: {  	v21 =	vld [tilespmem:s16+$0x16A60]  }
0x490: {  	v22 =	vld [tilespmem:s16+$0x16A70]  }
0x491: {  	v20 =	vadd.f32 v20, v31;
	v30 =	vadd.f32 v16, v23;
	v23 =	vld [tilespmem:s16+$0x16AE0]  }
0x492: {  	v16 =	vadd.f32 v41, v24;
	v24 =	vld [tilespmem:s16+$0x16AF0]  }
0x493: {  	v31 =	vadd.f32 v17, v20;
	v20 =	vadd.f32 v36, v27;
	v36 =	vld [tilespmem:s16+$0x16F70]  }
0x494: {  	v0 =	vadd.f32 v0, v26;
	v41 =	vld [tilespmem:$0x1FD10]  }
0x495: {  	v17 =	vadd.f32 v42, v28;
	v42 =	vld [tilespmem:$0x1FD20]  }
0x496: {  	v0 =	vadd.f32 v38, v0;
	v38 =	vld [tilespmem:$0x1FD40];
	v16 =	vadd.f32 v47, v16  }
0x497: {  	v20 =	vadd.f32 v37, v20;
	v37 =	vld [tilespmem:$0x1FD30]  }
0x498: {  	v17 =	vadd.f32 v48, v17;
	v48 =	vld [tilespmem:$0x1FCD0];
	v16 =	vadd.f32 v53, v16  }
0x499: {  	v15 =	vadd.f32 v15, v20;
	v0 =	vadd.f32 v18, v0;
	v18 =	vld [tilespmem:s16+$0x16B60]  }
0x49a: {  	v17 =	vadd.f32 v54, v17;
	v20 =	vld [tilespmem:s16+$0x16B70]  }
0x49b: {  	v16 =	vadd.f32 v57, v16;
	v15 =	vadd.f32 v21, v15;
	v21 =	vld [tilespmem:s16+$0x16BE0]  }
0x49c: {  	v17 =	vadd.f32 v58, v17;
	v0 =	vadd.f32 v22, v0;
	v22 =	vld [tilespmem:s16+$0x16BF0]  }
0x49d: {  	v16 =	vadd.f32 v51, v16;
	v15 =	vadd.f32 v23, v15;
	v23 =	vld [tilespmem:s16+$0x16C60]  }
0x49e: {  	v17 =	vadd.f32 v52, v17;
	v0 =	vadd.f32 v24, v0;
	v24 =	vld [tilespmem:s16+$0x16C70]  }
0x49f: {  	v16 =	vadd.f32 v45, v16;
	v45 =	vld [tilespmem:$0x1FCF0]  }
0x4a0: {  	v17 =	vadd.f32 v46, v17;
	v46 =	vld [tilespmem:$0x1FD00]  }
0x4a1: {  	v15 =	vadd.f32 v18, v15;
	v18 =	vld [tilespmem:s16+$0x16CE0]  }
0x4a2: {  	v0 =	vadd.f32 v20, v0;
	v20 =	vld [tilespmem:s16+$0x16CF0]  }
0x4a3: {  	v16 =	vadd.f32 v35, v16;
	v35 =	vld [tilespmem:$0x1FD60]  }
0x4a4: {  	v15 =	vadd.f32 v21, v15;
	v21 =	vld [tilespmem:s16+$0x16D60]  }
0x4a5: {  	v17 =	vadd.f32 v40, v17;
	v0 =	vadd.f32 v22, v0;
	v22 =	vld [tilespmem:s16+$0x16D70]  }
0x4a6: {  	v16 =	vadd.f32 v33, v16;
	v33 =	vld [tilespmem:$0x1FD80]  }
0x4a7: {  	v17 =	vadd.f32 v34, v17;
	v34 =	vld [tilespmem:$0x1FD50];
	v15 =	vadd.f32 v23, v15  }
0x4a8: {  	v0 =	vadd.f32 v24, v0;
	v23 =	vld [tilespmem:s16+$0x16DE0];
	v16 =	vadd.f32 v19, v16  }
0x4a9: {  	v17 =	vadd.f32 v25, v17;
	v19 =	vld [tilespmem:s16+$0x16DF0];
	v15 =	vadd.f32 v18, v15  }
0x4aa: {  	v0 =	vadd.f32 v20, v0;
	v18 =	vld [tilespmem:s16+$0x16E60];
	v13 =	vadd.f32 v39, v16  }
0x4ab: {  	v14 =	vadd.f32 v14, v17;
	v16 =	vld [tilespmem:s16+$0x16E70];
	v15 =	vadd.f32 v21, v15  }
0x4ac: {  	v17 =	vld [tilespmem:s16+$0x16EE0];
	v0 =	vadd.f32 v22, v0  }
0x4ad: {  	v39 =	vld [tilespmem:s16+$0x16FF0];
	v12 =	vadd.f32 v33, v14;
	v14 =	vadd.f32 v23, v15  }
0x4ae: {  	v11 =	vadd.f32 v32, v13;
	v13 =	vld [tilespmem:s16+$0x16EF0];
	v0 =	vadd.f32 v19, v0  }
0x4af: {  	v19 =	vld [tilespmem:s16+$0x16F60];
	v10 =	vadd.f32 v35, v12;
	v12 =	vadd.f32 v18, v14  }
0x4b0: {  	v14 =	vld [tilespmem:s16+$0x16FE0]  }
0x4b1: {  	v40 =	vadd.f32 v17, v12;
	v12 =	vld [tilespmem:s16+$0x17060];
	s16 =	sshra.s32 s9, $0x2  }
0x4b2: {  	v15 =	vld [tilespmem:s16+$0x17000]  }
0x4b3: {  	v0 =	vadd.f32 v16, v0;
	v16 =	vld [tilespmem:s16+$0x17010]  }
0x4b4: {  	v17 =	vld [tilespmem:s16+$0x17020]  }
0x4b5: {  	v18 =	vld [tilespmem:s16+$0x17030]  }
0x4b6: {  	v50 =	vld [tilespmem:s16+$0x17040]  }
0x4b7: {  	v51 =	vld [tilespmem:s16+$0x17050]  }
0x4b8: {  	v21 =	vld [tilespmem:s16+$0x16F80]  }
0x4b9: {  	v23 =	vld [tilespmem:s16+$0x16F90]  }
0x4ba: {  	v20 =	vld [tilespmem:s16+$0x16FA0]  }
0x4bb: {  	v22 =	vld [tilespmem:s16+$0x16FB0]  }
0x4bc: {  	v52 =	vld [tilespmem:s16+$0x16FC0]  }
0x4bd: {  	v9 =	vadd.f32 v34, v11;
	v53 =	vld [tilespmem:s16+$0x16FD0]  }
0x4be: {  	v8 =	vadd.f32 v38, v10;
	v38 =	vld [tilespmem:s16+$0x16F10]  }
0x4bf: {  	v7 =	vadd.f32 v37, v9;
	v37 =	vld [tilespmem:s16+$0x16F20]  }
0x4c0: {  	v32 =	vld [tilespmem:s16+$0x16F30]  }
0x4c1: {  	v54 =	vld [tilespmem:s16+$0x16F40]  }
0x4c2: {  	v55 =	vld [tilespmem:s16+$0x16F50]  }
0x4c3: {  	v6 =	vadd.f32 v41, v7;
	v41 =	vld [tilespmem:s16+$0x16E80]  }
0x4c4: {  	v5 =	vadd.f32 v42, v8;
	v42 =	vld [tilespmem:s16+$0x16EA0]  }
0x4c5: {  	v56 =	vld [tilespmem:s16+$0x16EC0]  }
0x4c6: {  	v57 =	vld [tilespmem:s16+$0x16ED0]  }
0x4c7: {  	v58 =	vld [tilespmem:s16+$0x16E40]  }
0x4c8: {  	v59 =	vld [tilespmem:s16+$0x16E50]  }
0x4c9: {  	v60 =	vld [tilespmem:s16+$0x16DC0]  }
0x4ca: {  	v61 =	vld [tilespmem:s16+$0x16DD0]  }
0x4cb: {  	v25 =	vld [tilespmem:s16+$0x16CD0]  }
0x4cc: {  	v34 =	vld [tilespmem:s16+$0x16B80]  }
0x4cd: {  	v35 =	vld [tilespmem:s16+$0x16B90]  }
0x4ce: {  	v33 =	vld [tilespmem:s16+$0x16B00]  }
0x4cf: {  	v62 =	vld [tilespmem:s16+$0x16A80]  }
0x4d0: {  	v63 =	vld [tilespmem:s16+$0x16A90]  }
0x4d1: {  	[tilespmem:$0x1FCC0] =	vst v1;
	v1 =	vld [tilespmem:s16+$0x16A00]  }
0x4d2: {  	v2 =	vld [tilespmem:s16+$0x16A10]  }
0x4d3: {  	v7 =	vld [tilespmem:s16+$0x16880]  }
0x4d4: {  	v8 =	vld [tilespmem:s16+$0x16890]  }
0x4d5: {  	v9 =	vld [tilespmem:s16+$0x168A0]  }
0x4d6: {  	v10 =	vld [tilespmem:s16+$0x168B0]  }
0x4d7: {  	v0 =	vadd.f32 v13, v0;
	v11 =	vld [tilespmem:s16+$0x16920]  }
0x4d8: {  	v13 =	vld [tilespmem:s16+$0x169A0]  }
0x4d9: {  	v0 =	vadd.f32 v36, v0;
	v36 =	vld [tilespmem:s16+$0x16F00]  }
0x4da: {  	v44 =	vadd.f32 v19, v40;
	v19 =	vld [tilespmem:s16+$0x16CC0]  }
0x4db: {  	v40 =	vld [tilespmem:s16+$0x16B10]  }
0x4dc: {  	v4 =	vadd.f32 v45, v6;
	v45 =	vld [tilespmem:s16+$0x16C00]  }
0x4dd: {  	v3 =	vadd.f32 v46, v5;
	v46 =	vld [tilespmem:s16+$0x16C10]  }
0x4de: {  	v5 =	vld [tilespmem:s16+$0x16900]  }
0x4df: {  	v6 =	vld [tilespmem:s16+$0x16910]  }
0x4e0: {  	v47 =	vadd.f32 v14, v44;
	v44 =	vld [tilespmem:s16+$0x16EB0]  }
0x4e1: {  	v0 =	vadd.f32 v39, v0;
	v39 =	vld [tilespmem:s16+$0x16D40]  }
0x4e2: {  	v14 =	vld [tilespmem:s16+$0x16D50]  }
0x4e3: {  	v28 =	vadd.f32 v49, v3;
	v49 =	vld [tilespmem:s16+$0x16E10]  }
0x4e4: {  	v24 =	vadd.f32 v48, v4;
	v48 =	vld [tilespmem:s16+$0x16E20]  }
0x4e5: {  	v3 =	vld [tilespmem:s16+$0x16980]  }
0x4e6: {  	v4 =	vld [tilespmem:s16+$0x16990]  }
0x4e7: {  	v26 =	vadd.f32 v43, v0;
	v43 =	vld [tilespmem:s16+$0x16E90]  }
0x4e8: {  	v27 =	vadd.f32 v12, v47;
	v47 =	vld [tilespmem:s16+$0x16E00]  }
0x4e9: {  	[tilespmem:$0x1FCD0] =	vst v50;
	v50 =	vld [tilespmem:s16+$0x16E30]  }
0x4ea: {  	[tilespmem:$0x1FD00] =	vst v53;
	v53 =	vld [tilespmem:s16+$0x16D80]  }
0x4eb: {  	[tilespmem:$0x1FD20] =	vst v55;
	v55 =	vld [tilespmem:s16+$0x16D90]  }
0x4ec: {  	[tilespmem:$0x1FD10] =	vst v54;
	v54 =	vld [tilespmem:s16+$0x16DA0]  }
0x4ed: {  	[tilespmem:$0x1FD30] =	vst v56;
	v56 =	vld [tilespmem:s16+$0x16DB0]  }
0x4ee: {  	[tilespmem:$0x1FD40] =	vst v57;
	v57 =	vld [tilespmem:s16+$0x16D00]  }
0x4ef: {  	[tilespmem:$0x1FD60] =	vst v59;
	v59 =	vld [tilespmem:s16+$0x16D10]  }
0x4f0: {  	[tilespmem:$0x1FD50] =	vst v58;
	v58 =	vld [tilespmem:s16+$0x16D20]  }
0x4f1: {  	[tilespmem:$0x1FD70] =	vst v60;
	v60 =	vld [tilespmem:s16+$0x16D30]  }
0x4f2: {  	v0 =	vld [tilespmem:s16+$0x16C80]  }
0x4f3: {  	[tilespmem:$0x1FCE0] =	vst v51;
	v51 =	vld [tilespmem:s16+$0x16C90]  }
0x4f4: {  	v8 =	vadd.f32 v8, v30;
	v30 =	vld [tilespmem:$0x1FCC0]  }
0x4f5: {  	[tilespmem:$0x1FCF0] =	vst v52;
	v52 =	vld [tilespmem:s16+$0x16CA0]  }
0x4f6: {  	v12 =	vld [tilespmem:s16+$0x16930]  }
0x4f7: {  	[tilespmem:$0x1FD80] =	vst v61;
	v61 =	vld [tilespmem:s16+$0x16CB0];
	v7 =	vadd.f32 v7, v29  }
0x4f8: {  	v29 =	vld [tilespmem:s16+$0x169B0];
	v9 =	vadd.f32 v9, v31  }
0x4f9: {  	v5 =	vadd.f32 v5, v7;
	v7 =	vld [tilespmem:s16+$0x16A30];
	v10 =	vadd.f32 v10, v30  }
0x4fa: {  	v6 =	vadd.f32 v6, v8;
	v8 =	vadd.f32 v11, v9;
	v30 =	vld [tilespmem:s16+$0x16A20]  }
0x4fb: {  	v3 =	vadd.f32 v3, v5;
	v5 =	vld [tilespmem:s16+$0x16AB0];
	v9 =	vadd.f32 v12, v10  }
0x4fc: {  	v4 =	vadd.f32 v4, v6;
	v6 =	vadd.f32 v13, v8;
	v10 =	vld [tilespmem:s16+$0x16AA0]  }
0x4fd: {  	v1 =	vadd.f32 v1, v3;
	v3 =	vld [tilespmem:s16+$0x16B30];
	v8 =	vadd.f32 v29, v9  }
0x4fe: {  	v2 =	vadd.f32 v2, v4;
	v9 =	vld [tilespmem:s16+$0x16B20]  }
0x4ff: {  	v4 =	vadd.f32 v30, v6;
	v6 =	vadd.f32 v7, v8;
	v7 =	vld [tilespmem:s16+$0x16BA0]  }
0x500: {  	v1 =	vadd.f32 v62, v1;
	v2 =	vadd.f32 v63, v2;
	v8 =	vld [tilespmem:s16+$0x16BB0]  }
0x501: {  	v62 =	vld [tilespmem:s16+$0x16C20];
	v4 =	vadd.f32 v10, v4;
	v5 =	vadd.f32 v5, v6  }
0x502: {  	v63 =	vld [tilespmem:s16+$0x16C30];
	v1 =	vadd.f32 v33, v1;
	v2 =	vadd.f32 v40, v2  }
0x503: {  	v33 =	vld [tilespmem:s16+$0x16C40];
	v4 =	vadd.f32 v9, v4;
	v3 =	vadd.f32 v3, v5  }
0x504: {  	v40 =	vld [tilespmem:s16+$0x16BD0];
	v1 =	vadd.f32 v34, v1;
	v2 =	vadd.f32 v35, v2  }
0x505: {  	v34 =	vld [tilespmem:s16+$0x16C50];
	v4 =	vadd.f32 v7, v4;
	v3 =	vadd.f32 v8, v3  }
0x506: {  	v35 =	vld [tilespmem:s16+$0x16BC0];
	v1 =	vadd.f32 v45, v1;
	v2 =	vadd.f32 v46, v2  }
0x507: {  	v45 =	vld [tilespmem:s16+$0x16B40];
	v4 =	vadd.f32 v62, v4;
	v3 =	vadd.f32 v63, v3  }
0x508: {  	v46 =	vld [tilespmem:s16+$0x16B50];
	v0 =	vadd.f32 v0, v1;
	v62 =	vadd.f32 v51, v2  }
0x509: {  	v51 =	vld [tilespmem:s16+$0x16AC0];
	v63 =	vadd.f32 v52, v4;
	v3 =	vadd.f32 v61, v3  }
0x50a: {  	v0 =	vadd.f32 v57, v0;
	v57 =	vld [tilespmem:s16+$0x16A40];
	v1 =	vadd.f32 v59, v62  }
0x50b: {  	v52 =	vld [tilespmem:s16+$0x16AD0];
	v2 =	vadd.f32 v58, v63;
	v3 =	vadd.f32 v60, v3  }
0x50c: {  	v0 =	vadd.f32 v53, v0;
	v53 =	vld [tilespmem:s16+$0x169C0];
	v1 =	vadd.f32 v55, v1  }
0x50d: {  	v58 =	vld [tilespmem:s16+$0x16A50];
	v2 =	vadd.f32 v54, v2;
	v3 =	vadd.f32 v56, v3  }
0x50e: {  	p0 =	sne.s32 s9, $0xE000;
	v0 =	vadd.f32 v47, v0;
	v47 =	vld [tilespmem:s16+$0x16940];
	v1 =	vadd.f32 v49, v1  }
.Ltmp17:
0x50f: {  	v54 =	vld [tilespmem:s16+$0x169D0];
	v2 =	vadd.f32 v48, v2;
	v3 =	vadd.f32 v50, v3;
	(pc) =	sbr.rel @p0 .LBB2_23-.Ltmp17, $4  }
0x510: {  	v0 =	vadd.f32 v41, v0;
	v41 =	vld [tilespmem:s16+$0x168C0];
	v1 =	vadd.f32 v43, v1  }
0x511: {  	v48 =	vld [tilespmem:s16+$0x16950];
	v2 =	vadd.f32 v42, v2;
	v3 =	vadd.f32 v44, v3  }
0x512: {  	v30 =	vadd.f32 v36, v0;
	v36 =	vld [tilespmem:s16+$0x168E0];
	v29 =	vadd.f32 v38, v1  }
0x513: {  	s9 =	sadd.s32 $0x2000, s9;
	v42 =	vld [tilespmem:s16+$0x168D0];
	v31 =	vadd.f32 v37, v2;
	v32 =	vadd.f32 v32, v3  }
0x514: {  	v0 =	vld [tilespmem:s16+$0x168F0]  }
0x515: {  	v3 =	vld [tilespmem:s16+$0x16960]  }
0x516: {  	v6 =	vld [tilespmem:s16+$0x16970]  }
0x517: {  	v7 =	vld [tilespmem:s16+$0x169E0]  }
0x518: {  	v10 =	vld [tilespmem:s16+$0x169F0]  }
0x519: {  	v12 =	vld [tilespmem:s16+$0x16A60]  }
0x51a: {  	v13 =	vld [tilespmem:s16+$0x16A70]  }
0x51b: {  	v2 =	vadd.f32 v23, v29;
	v29 =	vld [tilespmem:s16+$0x16BF0]  }
0x51c: {  	v1 =	vadd.f32 v21, v30;
	v30 =	vld [tilespmem:s16+$0x16C60]  }
0x51d: {  	v37 =	vld [tilespmem:s16+$0x16D70]  }
0x51e: {  	v38 =	vld [tilespmem:s16+$0x16DE0]  }
0x51f: {  	v43 =	vld [tilespmem:s16+$0x16EE0]  }
0x520: {  	v44 =	vld [tilespmem:$0x1FD70]  }
0x521: {  	v49 =	vld [tilespmem:$0x1FD60];
	v4 =	vadd.f32 v20, v31;
	v5 =	vadd.f32 v22, v32  }
0x522: {  	v50 =	vld [tilespmem:s16+$0x16F70];
	v8 =	vadd.f32 v41, v24;
	v1 =	vadd.f32 v15, v1  }
0x523: {  	v55 =	vld [tilespmem:s16+$0x17060];
	v2 =	vadd.f32 v16, v2;
	v4 =	vadd.f32 v17, v4  }
0x524: {  	v56 =	vld [tilespmem:$0x1FD10];
	v5 =	vadd.f32 v18, v5;
	v11 =	vadd.f32 v36, v27  }
0x525: {  	v59 =	vld [tilespmem:$0x1FCF0];
	v8 =	vadd.f32 v47, v8;
	v9 =	vadd.f32 v42, v28  }
0x526: {  	v60 =	vld [tilespmem:$0x1FD00];
	v0 =	vadd.f32 v0, v26;
	v3 =	vadd.f32 v3, v11  }
0x527: {  	v22 =	vld [tilespmem:s16+$0x16AE0];
	v8 =	vadd.f32 v53, v8;
	v9 =	vadd.f32 v48, v9  }
0x528: {  	v24 =	vld [tilespmem:s16+$0x16AF0];
	v0 =	vadd.f32 v6, v0;
	v3 =	vadd.f32 v7, v3  }
0x529: {  	v26 =	vld [tilespmem:s16+$0x16B60];
	v8 =	vadd.f32 v57, v8;
	v23 =	vadd.f32 v54, v9  }
0x52a: {  	v27 =	vld [tilespmem:s16+$0x16B70];
	v0 =	vadd.f32 v10, v0;
	v3 =	vadd.f32 v12, v3  }
0x52b: {  	v28 =	vld [tilespmem:s16+$0x16BE0];
	v8 =	vadd.f32 v51, v8;
	v6 =	vadd.f32 v58, v23  }
0x52c: {  	v62 =	vld [tilespmem:$0x1FCD0];
	v0 =	vadd.f32 v13, v0;
	v3 =	vadd.f32 v22, v3  }
0x52d: {  	v31 =	vld [tilespmem:s16+$0x16C70];
	v8 =	vadd.f32 v45, v8;
	v6 =	vadd.f32 v52, v6  }
0x52e: {  	v32 =	vld [tilespmem:s16+$0x16CE0];
	v0 =	vadd.f32 v24, v0;
	v3 =	vadd.f32 v26, v3  }
0x52f: {  	v41 =	vld [tilespmem:s16+$0x16E60];
	v8 =	vadd.f32 v35, v8;
	v6 =	vadd.f32 v46, v6  }
0x530: {  	v36 =	vld [tilespmem:s16+$0x16D60];
	v0 =	vadd.f32 v27, v0;
	v3 =	vadd.f32 v28, v3  }
0x531: {  	v35 =	vld [tilespmem:s16+$0x16CF0];
	v8 =	vadd.f32 v33, v8;
	v6 =	vadd.f32 v40, v6  }
0x532: {  	v47 =	vld [tilespmem:s16+$0x16F60];
	v0 =	vadd.f32 v29, v0;
	v3 =	vadd.f32 v30, v3  }
0x533: {  	v48 =	vld [tilespmem:$0x1FD50];
	v8 =	vadd.f32 v19, v8;
	v6 =	vadd.f32 v34, v6  }
0x534: {  	v45 =	vld [tilespmem:$0x1FD80];
	v0 =	vadd.f32 v31, v0;
	v3 =	vadd.f32 v32, v3  }
0x535: {  	v40 =	vld [tilespmem:s16+$0x16DF0];
	v8 =	vadd.f32 v39, v8;
	v6 =	vadd.f32 v25, v6  }
0x536: {  	v52 =	vld [tilespmem:$0x1FD30];
	v0 =	vadd.f32 v35, v0;
	v3 =	vadd.f32 v36, v3  }
0x537: {  	v42 =	vld [tilespmem:s16+$0x16E70];
	v8 =	vadd.f32 v44, v8;
	v6 =	vadd.f32 v14, v6  }
0x538: {  	v53 =	vld [tilespmem:$0x1FD40];
	v0 =	vadd.f32 v37, v0;
	v3 =	vadd.f32 v38, v3  }
0x539: {  	v46 =	vld [tilespmem:s16+$0x16EF0];
	v8 =	vadd.f32 v48, v8;
	v6 =	vadd.f32 v45, v6  }
0x53a: {  	v57 =	vld [tilespmem:$0x1FD20];
	v0 =	vadd.f32 v40, v0;
	v3 =	vadd.f32 v41, v3  }
0x53b: {  	v51 =	vld [tilespmem:s16+$0x16FE0];
	v8 =	vadd.f32 v52, v8;
	v6 =	vadd.f32 v49, v6  }
0x53c: {  	v63 =	vld [tilespmem:$0x1FCE0];
	v0 =	vadd.f32 v42, v0;
	v3 =	vadd.f32 v43, v3  }
0x53d: {  	s4 =	sshll.u32 s4, $0x9;
	v54 =	vld [tilespmem:s16+$0x16FF0];
	v8 =	vadd.f32 v56, v8;
	v6 =	vadd.f32 v53, v6  }
0x53e: {  	s4 =	sshra.s32 s4, $0x2;
	v58 =	vld [tilespmem:s16+$0x17070];
	v0 =	vadd.f32 v46, v0;
	v3 =	vadd.f32 v47, v3  }
0x53f: {  	[tilespmem:s4+$0x2880] =	vst.add.f32.msk $0xffff, v1;
	v8 =	vadd.f32 v59, v8;
	v6 =	vadd.f32 v57, v6  }
0x540: {  	[tilespmem:s4+$0x2890] =	vst.add.f32.msk $0xffff, v2;
	v0 =	vadd.f32 v50, v0;
	v61 =	vadd.f32 v51, v3  }
0x541: {  	[tilespmem:s4+$0x28A0] =	vst.add.f32.msk $0xffff, v4;
	v3 =	vadd.f32 v62, v8;
	v1 =	vadd.f32 v60, v6  }
.Ltmp18:
0x542: {  	[tilespmem:s4+$0x28B0] =	vst.add.f32.msk $0xffff, v5;
	v0 =	vadd.f32 v54, v0;
	v2 =	vadd.f32 v55, v61;
	(pc) =	sbr.rel .LBB2_26-.Ltmp18, $4  }
0x543: {  	[tilespmem:s4+$0x28C0] =	vst.add.f32.msk $0xffff, v3;
	v1 =	vadd.f32 v63, v1  }
0x544: {  	v0 =	vadd.f32 v58, v0;
	[tilespmem:s4+$0x28E0] =	vst.add.f32.msk $0xffff, v2  }
0x545: {  	[tilespmem:s4+$0x28D0] =	vst.add.f32.msk $0xffff, v1  }
0x546: {  	[tilespmem:s4+$0x28F0] =	vst.add.f32.msk $0xffff, v0  }
.LBB2_28:
0x547: {  	_ =	sfence.sel $0x180000  }
0x548: {  	[bflag:$0x0] =	sbarrier.arrive $0xFFFF  }
0x549: {  	_ =	strace $0x90000047  }
0x54a: {  	s0 =	stileid.u32;
	[bflag:$0x2] =	sbarrier.arrive $0xFFFF  }
0x54b: {  	p0 =	sne.s32 s0, $0x0;
	s0 =	rddreg [dreg:$0x5]  }
0x54c: {  	s0 =	sadd.s32 @!p0 $0x100000, s0  }
0x54d: {  	[sflag:s0] =	ssyncadd.tile.s32 @!p0 $0x1;
	_ =	shalt  }
.Lfunc_end2:
_tile_overlayer_lowered:
.L_overlay_start_2:
0x54e: {  	(tag) =	ssettag $0x2  }
0x54f: {  	s0 =	rddreg [dreg:$0x0];
	s2 =	stileid.u32  }
0x550: {  	s1 =	rddreg [dreg:$0x1];
	p0 =	sne.s32 s2, $0x0  }
0x551: {  	s3 =	rddreg [dreg:$0x2];
	[bflag:$0x3] =	sbarrier.arrive $0xFFFF;
	s2 =	simm.s32 @!p0 $0x1C06  }
0x552: {  	[timem:s3], [sflag:s2] =	dma.local @!p0 [hbm:s0], s1  }
0x553: {  	s0 =	simm.s32 @!p0 $0x6  }
0x554: {  	_ =	swait.ge @!p0 [sflag:s0], s1  }
0x555: {  	s1 =	ssub.s32 @!p0 $0x0, s1;
	[sflag:s0] =	ssyncset.done @!p0 $0x0  }
0x556: {  	[sflag:s0] =	ssyncadd.s32 @!p0 s1  }
0x557: {  	[bflag:$0x3] =	sbarrier.arrive $0xFFFF  }
0x558: {  	_ =	shalt  }

</sc_bundles>
